<compile_context>
chip_gen: v7x
topology: tpu7x:2x2x1
jax: 0.10.2.dev20260603
libtpu: 0.0.44.dev20260713+nightly
codegen_flags: <defaults>
</compile_context>

<pallas_src>
import functools

import jax
import jax.numpy as jnp
from jax import lax
from jax.experimental import pallas as pl
from jax.experimental.pallas import tpu as pltpu
from jax.experimental.pallas import tpu_sc as plsc

N, C, H, W = 4, 96, 384, 384
P = N * H * W
NWORK = 32
PPW = P // NWORK
K = 128
NCHUNK = PPW // K
HW = H * W
L = 16
WB = W // K
OROWS = N * C * H * WB


def _sc_grid_sample(table, gx, gy):
    mesh = plsc.VectorSubcoreMesh(core_axis_name="c", subcore_axis_name="s")

    @functools.partial(
        pl.kernel,
        mesh=mesh,
        out_type=jax.ShapeDtypeStruct((N, H, W, 128), jnp.float32),
        compiler_params=pltpu.CompilerParams(
            needs_layout_passes=False, use_tc_tiling_on_sc=False),
        scratch_types=[
            pltpu.VMEM((K,), jnp.float32),
            pltpu.VMEM((K,), jnp.float32),
        ] + [
            pltpu.VMEM((K,), jnp.int32)
            for _ in range(8)
        ] + [
            pltpu.VMEM((K,), jnp.float32)
            for _ in range(8)
        ] + [
            pltpu.VMEM((K, C), jnp.bfloat16)
            for _ in range(8)
        ] + [
            pltpu.VMEM((K, 128), jnp.float32)
            for _ in range(2)
        ] + [
            pltpu.SemaphoreType.DMA,
            pltpu.SemaphoreType.DMA,
            pltpu.SemaphoreType.DMA,
            pltpu.SemaphoreType.DMA,
        ],
    )
    def k(table_hbm, gx_hbm, gy_hbm, out_hbm, gx_v, gy_v, *sc):
        idx = (sc[0:4], sc[4:8])
        wts = (sc[8:12], sc[12:16])
        rws = (sc[16:20], sc[20:24])
        out_v = sc[24:26]
        gsem = sc[26:28]
        osem = sc[28:30]

        wid = lax.axis_index("s") * 2 + lax.axis_index("c")
        nbase = (wid // 8) * HW

        def stage(t, b):
            base = wid * PPW + t * K
            pltpu.sync_copy(gx_hbm.at[pl.ds(base, K)], gx_v)
            pltpu.sync_copy(gy_hbm.at[pl.ds(base, K)], gy_v)
            i00, i01, i10, i11 = idx[b]
            w00, w01, w10, w11 = wts[b]
            for j in range(K // L):
                sl = pl.ds(j * L, L)
                x = gx_v[sl]
                y = gy_v[sl]
                ix = ((x + 1.0) * jnp.float32(W) - 1.0) * 0.5
                iy = ((y + 1.0) * jnp.float32(H) - 1.0) * 0.5
                x0t = ix.astype(jnp.int32).astype(jnp.float32)
                x0f = jnp.where(x0t > ix, x0t - 1.0, x0t)
                y0t = iy.astype(jnp.int32).astype(jnp.float32)
                y0f = jnp.where(y0t > iy, y0t - 1.0, y0t)
                fx = ix - x0f
                fy = iy - y0f
                x0 = x0f.astype(jnp.int32)
                y0 = y0f.astype(jnp.int32)
                x1 = x0 + 1
                y1 = y0 + 1
                zero = jnp.zeros((L,), jnp.float32)
                vx0 = jnp.where((x0 >= 0) & (x0 <= W - 1), 1.0 - fx, zero)
                vx1 = jnp.where((x1 >= 0) & (x1 <= W - 1), fx, zero)
                vy0 = jnp.where((y0 >= 0) & (y0 <= H - 1), 1.0 - fy, zero)
                vy1 = jnp.where((y1 >= 0) & (y1 <= H - 1), fy, zero)
                x0c = jnp.minimum(jnp.maximum(x0, 0), W - 1)
                x1c = jnp.minimum(jnp.maximum(x1, 0), W - 1)
                y0c = jnp.minimum(jnp.maximum(y0, 0), H - 1)
                y1c = jnp.minimum(jnp.maximum(y1, 0), H - 1)
                r0 = nbase + y0c * W
                r1 = nbase + y1c * W
                i00[sl] = r0 + x0c
                i01[sl] = r0 + x1c
                i10[sl] = r1 + x0c
                i11[sl] = r1 + x1c
                w00[sl] = vy0 * vx0
                w01[sl] = vy0 * vx1
                w10[sl] = vy1 * vx0
                w11[sl] = vy1 * vx1
            r00, r01, r10, r11 = rws[b]
            return (pltpu.async_copy(table_hbm.at[i00], r00, gsem[b]),
                    pltpu.async_copy(table_hbm.at[i01], r01, gsem[b]),
                    pltpu.async_copy(table_hbm.at[i10], r10, gsem[b]),
                    pltpu.async_copy(table_hbm.at[i11], r11, gsem[b]))

        def blend(t, b):
            w00, w01, w10, w11 = wts[b]
            r00, r01, r10, r11 = rws[b]
            ov = out_v[b]
            pltpu.make_async_copy(table_hbm.at[idx[b][0]], r00, gsem[b]).wait()
            pltpu.make_async_copy(table_hbm.at[idx[b][1]], r01, gsem[b]).wait()
            pltpu.make_async_copy(table_hbm.at[idx[b][2]], r10, gsem[b]).wait()
            pltpu.make_async_copy(table_hbm.at[idx[b][3]], r11, gsem[b]).wait()

            img = (wid % 8) * PPW + t * K
            ho = img // W
            wo = img - ho * W
            n2 = wid // 8
            dst = out_hbm.at[n2, ho, pl.ds(wo, K)]

            @pl.when(t >= 2)
            def _():
                pltpu.make_async_copy(ov, dst, osem[b]).wait()

            lanes = lax.iota(jnp.int32, L)

            @plsc.parallel_loop(0, K, unroll=2)
            def pix_body(kk):
                bidx = jnp.full((L,), kk, jnp.int32)
                a00 = plsc.load_gather(w00, [bidx])
                a01 = plsc.load_gather(w01, [bidx])
                a10 = plsc.load_gather(w10, [bidx])
                a11 = plsc.load_gather(w11, [bidx])
                b00 = plsc.pack(a00, a00, format=plsc.PackFormat.INTERLEAVED)
                b01 = plsc.pack(a01, a01, format=plsc.PackFormat.INTERLEAVED)
                b10 = plsc.pack(a10, a10, format=plsc.PackFormat.INTERLEAVED)
                b11 = plsc.pack(a11, a11, format=plsc.PackFormat.INTERLEAVED)
                for j in range(C // (2 * L)):
                    sl = pl.ds(j * 2 * L, 2 * L)
                    acc = (r00[kk, sl] * b00 + r01[kk, sl] * b01
                           + r10[kk, sl] * b10 + r11[kk, sl] * b11)
                    ae, ao = plsc.unpack(acc, format=plsc.PackFormat.INTERLEAVED)
                    ce = jnp.int32(j * 2 * L) + 2 * lanes
                    plsc.store_scatter(ov, [bidx, ce], ae)
                    plsc.store_scatter(ov, [bidx, ce + 1], ao)

            pltpu.async_copy(ov, dst, osem[b])

        stage(0, 0)

        def chunk_pair(g, carry):
            t = g * 2
            stage(t + 1, 1)
            blend(t, 0)
            stage(t + 2, 0)
            blend(t + 1, 1)
            return carry

        lax.fori_loop(0, NCHUNK // 2, chunk_pair, 0)
        for q in range(4):
            pltpu.make_async_copy(
                table_hbm.at[idx[0][q]], rws[0][q], gsem[0]).wait()
        for b in range(2):
            pltpu.make_async_copy(
                out_v[b], out_hbm.at[0, 0, pl.ds(0, K)], osem[b]).wait()

    return k(table, gx, gy)


_HB = 8


def _nchw_to_table(x):
    def body(in_ref, out_ref):
        x2 = in_ref[0].reshape(C, _HB * W).astype(jnp.bfloat16)
        out_ref[...] = jnp.transpose(x2, (1, 0))

    return pl.pallas_call(
        body,
        grid=(N, H // _HB),
        in_specs=[pl.BlockSpec((1, C, _HB, W), lambda n, h: (n, 0, h, 0))],
        out_specs=pl.BlockSpec((_HB * W, C), lambda n, h: (n * (H // _HB) + h, 0)),
        out_shape=jax.ShapeDtypeStruct((P, C), jnp.bfloat16),
    )(x)


def _nhwc_to_nchw(x):
    def body(in_ref, out_ref):
        x2 = in_ref[0].reshape(_HB * W, 128)[:, :C]
        out_ref[0] = jnp.transpose(x2, (1, 0)).reshape(C, _HB, W)

    return pl.pallas_call(
        body,
        grid=(N, H // _HB),
        in_specs=[pl.BlockSpec((1, _HB, W, 128), lambda n, h: (n, h, 0, 0))],
        out_specs=pl.BlockSpec((1, C, _HB, W), lambda n, h: (n, 0, h, 0)),
        out_shape=jax.ShapeDtypeStruct((N, C, H, W), jnp.float32),
    )(x)


def kernel(input, grid):
    table = _nchw_to_table(input)
    pad = jnp.zeros((K,), jnp.float32)
    gx = jnp.concatenate([grid[..., 0].reshape(P), pad])
    gy = jnp.concatenate([grid[..., 1].reshape(P), pad])
    out_nhwc = _sc_grid_sample(table, gx, gy)
    return _nhwc_to_nchw(out_nhwc)

# --- scband reference (transcript-rebuilt; emitter-appended) ---
"""Pipeline reference for scband-test-model-32469952758107 (READ-ONLY COPY).

The authoritative reference and input builder live on the scoring server;
editing this copy changes nothing except your own understanding.
"""

import jax, jax.numpy as jnp
import numpy as np


def _grid_sample_bilinear_zeros(input, grid):
    # Faithful port of F.grid_sample(mode='bilinear', padding_mode='zeros', align_corners=False)
    N, C, H, W = input.shape
    x = grid[..., 0]
    y = grid[..., 1]
    # unnormalize with align_corners=False
    ix = ((x + 1.0) * W - 1.0) / 2.0
    iy = ((y + 1.0) * H - 1.0) / 2.0
    ix0 = jnp.floor(ix)
    iy0 = jnp.floor(iy)
    ix1 = ix0 + 1.0
    iy1 = iy0 + 1.0

    def gather(iyq, ixq):
        valid = (ixq >= 0) & (ixq <= W - 1) & (iyq >= 0) & (iyq <= H - 1)
        ixc = jnp.clip(ixq, 0, W - 1).astype(jnp.int32)
        iyc = jnp.clip(iyq, 0, H - 1).astype(jnp.int32)

        def per_batch(img, yy, xx, vv):
            v = img[:, yy, xx]  # [C, Hout, Wout] gather
            return v * vv.astype(img.dtype)[None]

        return jax.vmap(per_batch)(input, iyc, ixc, valid)

    v00 = gather(iy0, ix0)
    v01 = gather(iy0, ix1)
    v10 = gather(iy1, ix0)
    v11 = gather(iy1, ix1)
    w00 = ((ix1 - ix) * (iy1 - iy))[:, None]
    w01 = ((ix - ix0) * (iy1 - iy))[:, None]
    w10 = ((ix1 - ix) * (iy - iy0))[:, None]
    w11 = ((ix - ix0) * (iy - iy0))[:, None]
    return v00 * w00 + v01 * w01 + v10 * w10 + v11 * w11


def setup_inputs(seed: int = 0) -> dict:
    key = jax.random.key(seed)
    k1, k2 = jax.random.split(key)
    inp = jax.random.normal(k1, (4, 96, 384, 384), dtype=jnp.float32)
    grid = jax.random.uniform(k2, (4, 384, 384, 2), dtype=jnp.float32)
    return {"input": inp, "grid": grid}


def reference(input, grid):
    return _grid_sample_bilinear_zeros(input, grid)

if __name__ == "__main__":
    import jax
    _d = setup_inputs()
    print(jax.jit(kernel)(*tuple(_d.values())))

</pallas_src>

<mosaic_0001>
#map = affine_map<(d0, d1) -> (0, 0)>
#map1 = affine_map<(d0, d1) -> (0)>
#map2 = affine_map<(d0, d1) -> (0, 0, 0, 0)>
module attributes {stable_mosaic.version = 14 : i64} {
  func.func @k(%arg0: i32, %arg1: i32, %arg2: memref<589824x96xbf16, #tpu.memory_space<hbm>>, %arg3: memref<589952xf32, #tpu.memory_space<hbm>>, %arg4: memref<589952xf32, #tpu.memory_space<hbm>>, %arg5: memref<4x384x384x128xf32, #tpu.memory_space<hbm>>, %arg6: memref<128xf32, #tpu.memory_space<vmem>>, %arg7: memref<128xf32, #tpu.memory_space<vmem>>, %arg8: memref<128xi32, #tpu.memory_space<vmem>>, %arg9: memref<128xi32, #tpu.memory_space<vmem>>, %arg10: memref<128xi32, #tpu.memory_space<vmem>>, %arg11: memref<128xi32, #tpu.memory_space<vmem>>, %arg12: memref<128xi32, #tpu.memory_space<vmem>>, %arg13: memref<128xi32, #tpu.memory_space<vmem>>, %arg14: memref<128xi32, #tpu.memory_space<vmem>>, %arg15: memref<128xi32, #tpu.memory_space<vmem>>, %arg16: memref<128xf32, #tpu.memory_space<vmem>>, %arg17: memref<128xf32, #tpu.memory_space<vmem>>, %arg18: memref<128xf32, #tpu.memory_space<vmem>>, %arg19: memref<128xf32, #tpu.memory_space<vmem>>, %arg20: memref<128xf32, #tpu.memory_space<vmem>>, %arg21: memref<128xf32, #tpu.memory_space<vmem>>, %arg22: memref<128xf32, #tpu.memory_space<vmem>>, %arg23: memref<128xf32, #tpu.memory_space<vmem>>, %arg24: memref<128x96xbf16, #tpu.memory_space<vmem>>, %arg25: memref<128x96xbf16, #tpu.memory_space<vmem>>, %arg26: memref<128x96xbf16, #tpu.memory_space<vmem>>, %arg27: memref<128x96xbf16, #tpu.memory_space<vmem>>, %arg28: memref<128x96xbf16, #tpu.memory_space<vmem>>, %arg29: memref<128x96xbf16, #tpu.memory_space<vmem>>, %arg30: memref<128x96xbf16, #tpu.memory_space<vmem>>, %arg31: memref<128x96xbf16, #tpu.memory_space<vmem>>, %arg32: memref<128x128xf32, #tpu.memory_space<vmem>>, %arg33: memref<128x128xf32, #tpu.memory_space<vmem>>, %arg34: memref<!tpu.dma_semaphore, #tpu.memory_space<semaphore_mem>>, %arg35: memref<!tpu.dma_semaphore, #tpu.memory_space<semaphore_mem>>, %arg36: memref<!tpu.dma_semaphore, #tpu.memory_space<semaphore_mem>>, %arg37: memref<!tpu.dma_semaphore, #tpu.memory_space<semaphore_mem>>) attributes {dimension_semantics = [#tpu.dimension_semantics<core_parallel>, #tpu.dimension_semantics<subcore_parallel>], iteration_bounds = array<i64: 2, 16>, scalar_prefetch = 0 : i64, scratch_operands = 32 : i64, tpu.core_type = #tpu.core_type<sc_vector_subcore>, window_params = [{transform_indices = #map}, {transform_indices = #map1}, {transform_indices = #map1}, {transform_indices = #map2}]} {
    %mul3A = arith.constant 2 : i32
    %mul3A_0 = arith.muli %arg1, %mul3A : i32
    %add3A = arith.addi %mul3A_0, %arg0 : i32
    %jit3A = arith.constant 8 : i32
    %div3A = arith.divsi %add3A, %jit3A : i32
    %sign3A = arith.constant 0 : i32
    %sign3A_1 = arith.cmpi sgt, %add3A, %sign3A : i32
    %sign3A_2 = arith.extui %sign3A_1 : i1 to i32
    %sign3A_3 = arith.constant 0 : i32
    %sign3A_4 = arith.cmpi slt, %add3A, %sign3A_3 : i32
    %sign3A_5 = arith.extui %sign3A_4 : i1 to i32
    %sign3A_6 = arith.subi %sign3A_2, %sign3A_5 : i32
    %sign3A_7 = arith.constant 0 : i32
    %sign3A_8 = arith.cmpi sgt, %jit3A, %sign3A_7 : i32
    %sign3A_9 = arith.extui %sign3A_8 : i1 to i32
    %sign3A_10 = arith.constant 0 : i32
    %sign3A_11 = arith.cmpi slt, %jit3A, %sign3A_10 : i32
    %sign3A_12 = arith.extui %sign3A_11 : i1 to i32
    %sign3A_13 = arith.subi %sign3A_9, %sign3A_12 : i32
    %ne3A = arith.cmpi ne, %sign3A_6, %sign3A_13 : i32
    %rem3A = arith.remsi %add3A, %jit3A : i32
    %ne3A_14 = arith.constant 0 : i32
    %ne3A_15 = arith.cmpi ne, %rem3A, %ne3A_14 : i32
    %and3A = arith.andi %ne3A, %ne3A_15 : i1
    %sub3A = arith.constant 1 : i32
    %sub3A_16 = arith.subi %div3A, %sub3A : i32
    %select_n3A = arith.select %and3A, %sub3A_16, %div3A : i32
    %mul3A_17 = arith.constant 147456 : i32
    %mul3A_18 = arith.muli %select_n3A, %mul3A_17 : i32
    %mul3A_19 = arith.constant 18432 : i32
    %mul3A_20 = arith.muli %add3A, %mul3A_19 : i32
    %add3A_21 = arith.constant 0 : i32
    %add3A_22 = arith.addi %mul3A_20, %add3A_21 : i32
    "tpu.region"() ({
      %run_scoped3A = tpu.sem_alloc : memref<!tpu.dma_semaphore, #tpu.memory_space<semaphore_mem>>
      %dma_start3A_1261 = tpu.memref_slice %arg3[%add3A_22] : memref<589952xf32, #tpu.memory_space<hbm>> -> memref<128xf32, #tpu.memory_space<hbm>>
      %dma_start3A_1262 = tpu.memref_slice %arg3[%add3A_22] : memref<589952xf32, #tpu.memory_space<hbm>> -> memref<128xf32, #tpu.memory_space<hbm>>
      tpu.enqueue_dma source(%dma_start3A_1262 : memref<128xf32, #tpu.memory_space<hbm>>) target(%arg6 : memref<128xf32, #tpu.memory_space<vmem>>) target_semaphore(%run_scoped3A : memref<!tpu.dma_semaphore, #tpu.memory_space<semaphore_mem>>)
      %dma_wait3A_1263 = tpu.memref_slice %arg3[%add3A_22] : memref<589952xf32, #tpu.memory_space<hbm>> -> memref<128xf32, #tpu.memory_space<hbm>>
      %dma_wait3A_1264 = tpu.memref_slice %arg3[%add3A_22] : memref<589952xf32, #tpu.memory_space<hbm>> -> memref<128xf32, #tpu.memory_space<hbm>>
      tpu.wait_dma2 semaphore(%run_scoped3A : memref<!tpu.dma_semaphore, #tpu.memory_space<semaphore_mem>>) src(%dma_wait3A_1264 : memref<128xf32, #tpu.memory_space<hbm>>) dst(%arg6 : memref<128xf32, #tpu.memory_space<vmem>>)
      tpu.yield
    }) : () -> ()
    "tpu.region"() ({
      %run_scoped3A = tpu.sem_alloc : memref<!tpu.dma_semaphore, #tpu.memory_space<semaphore_mem>>
      %dma_start3A_1261 = tpu.memref_slice %arg4[%add3A_22] : memref<589952xf32, #tpu.memory_space<hbm>> -> memref<128xf32, #tpu.memory_space<hbm>>
      %dma_start3A_1262 = tpu.memref_slice %arg4[%add3A_22] : memref<589952xf32, #tpu.memory_space<hbm>> -> memref<128xf32, #tpu.memory_space<hbm>>
      tpu.enqueue_dma source(%dma_start3A_1262 : memref<128xf32, #tpu.memory_space<hbm>>) target(%arg7 : memref<128xf32, #tpu.memory_space<vmem>>) target_semaphore(%run_scoped3A : memref<!tpu.dma_semaphore, #tpu.memory_space<semaphore_mem>>)
      %dma_wait3A_1263 = tpu.memref_slice %arg4[%add3A_22] : memref<589952xf32, #tpu.memory_space<hbm>> -> memref<128xf32, #tpu.memory_space<hbm>>
      %dma_wait3A_1264 = tpu.memref_slice %arg4[%add3A_22] : memref<589952xf32, #tpu.memory_space<hbm>> -> memref<128xf32, #tpu.memory_space<hbm>>
      tpu.wait_dma2 semaphore(%run_scoped3A : memref<!tpu.dma_semaphore, #tpu.memory_space<semaphore_mem>>) src(%dma_wait3A_1264 : memref<128xf32, #tpu.memory_space<hbm>>) dst(%arg7 : memref<128xf32, #tpu.memory_space<vmem>>)
      tpu.yield
    }) : () -> ()
    %get3A = arith.constant 0 : index
    %get3A_23 = tpu.vector_load %arg6[%get3A] {strides = array<i32>} : memref<128xf32, #tpu.memory_space<vmem>>, vector<16xf32>,
    %get3A_24 = arith.constant 0 : index
    %get3A_25 = tpu.vector_load %arg7[%get3A_24] {strides = array<i32>} : memref<128xf32, #tpu.memory_space<vmem>>, vector<16xf32>,
    %add3A_26 = arith.constant 1.000000e+00 : f32
    %add3A_27 = vector.broadcast %add3A_26 : f32 to vector<16xf32>
    %add3A_28 = arith.addf %get3A_23, %add3A_27 : vector<16xf32>
    %mul3A_29 = arith.constant 3.840000e+02 : f32
    %mul3A_30 = vector.broadcast %mul3A_29 : f32 to vector<16xf32>
    %mul3A_31 = arith.mulf %add3A_28, %mul3A_30 : vector<16xf32>
    %sub3A_32 = arith.constant 1.000000e+00 : f32
    %sub3A_33 = vector.broadcast %sub3A_32 : f32 to vector<16xf32>
    %sub3A_34 = arith.subf %mul3A_31, %sub3A_33 : vector<16xf32>
    %mul3A_35 = arith.constant 5.000000e-01 : f32
    %mul3A_36 = vector.broadcast %mul3A_35 : f32 to vector<16xf32>
    %mul3A_37 = arith.mulf %sub3A_34, %mul3A_36 : vector<16xf32>
    %add3A_38 = arith.constant 1.000000e+00 : f32
    %add3A_39 = vector.broadcast %add3A_38 : f32 to vector<16xf32>
    %add3A_40 = arith.addf %get3A_25, %add3A_39 : vector<16xf32>
    %mul3A_41 = arith.constant 3.840000e+02 : f32
    %mul3A_42 = vector.broadcast %mul3A_41 : f32 to vector<16xf32>
    %mul3A_43 = arith.mulf %add3A_40, %mul3A_42 : vector<16xf32>
    %sub3A_44 = arith.constant 1.000000e+00 : f32
    %sub3A_45 = vector.broadcast %sub3A_44 : f32 to vector<16xf32>
    %sub3A_46 = arith.subf %mul3A_43, %sub3A_45 : vector<16xf32>
    %mul3A_47 = arith.constant 5.000000e-01 : f32
    %mul3A_48 = vector.broadcast %mul3A_47 : f32 to vector<16xf32>
    %mul3A_49 = arith.mulf %sub3A_46, %mul3A_48 : vector<16xf32>
    %convert_element_type3A = arith.fptosi %mul3A_37 : vector<16xf32> to vector<16xi32>
    %convert_element_type3A_50 = arith.sitofp %convert_element_type3A : vector<16xi32> to vector<16xf32>
    %gt3A = arith.cmpf ogt, %convert_element_type3A_50, %mul3A_37 : vector<16xf32>
    %sub3A_51 = arith.constant 1.000000e+00 : f32
    %sub3A_52 = vector.broadcast %sub3A_51 : f32 to vector<16xf32>
    %sub3A_53 = arith.subf %convert_element_type3A_50, %sub3A_52 : vector<16xf32>
    %select_n3A_54 = arith.select %gt3A, %sub3A_53, %convert_element_type3A_50 : vector<16xi1>, vector<16xf32>
    %convert_element_type3A_55 = arith.fptosi %mul3A_49 : vector<16xf32> to vector<16xi32>
    %convert_element_type3A_56 = arith.sitofp %convert_element_type3A_55 : vector<16xi32> to vector<16xf32>
    %gt3A_57 = arith.cmpf ogt, %convert_element_type3A_56, %mul3A_49 : vector<16xf32>
    %sub3A_58 = arith.constant 1.000000e+00 : f32
    %sub3A_59 = vector.broadcast %sub3A_58 : f32 to vector<16xf32>
    %sub3A_60 = arith.subf %convert_element_type3A_56, %sub3A_59 : vector<16xf32>
    %select_n3A_61 = arith.select %gt3A_57, %sub3A_60, %convert_element_type3A_56 : vector<16xi1>, vector<16xf32>
    %sub3A_62 = arith.subf %mul3A_37, %select_n3A_54 : vector<16xf32>
    %sub3A_63 = arith.subf %mul3A_49, %select_n3A_61 : vector<16xf32>
    %convert_element_type3A_64 = arith.fptosi %select_n3A_54 : vector<16xf32> to vector<16xi32>
    %convert_element_type3A_65 = arith.fptosi %select_n3A_61 : vector<16xf32> to vector<16xi32>
    %add3A_66 = arith.constant 1 : i32
    %add3A_67 = vector.broadcast %add3A_66 : i32 to vector<16xi32>
    %add3A_68 = arith.addi %convert_element_type3A_64, %add3A_67 : vector<16xi32>
    %add3A_69 = arith.constant 1 : i32
    %add3A_70 = vector.broadcast %add3A_69 : i32 to vector<16xi32>
    %add3A_71 = arith.addi %convert_element_type3A_65, %add3A_70 : vector<16xi32>
    %broadcast_in_dim3A = arith.constant 0.000000e+00 : f32
    %broadcast_in_dim3A_72 = vector.broadcast %broadcast_in_dim3A : f32 to vector<16xf32>
    %ge3A = arith.constant 0 : i32
    %ge3A_73 = vector.broadcast %ge3A : i32 to vector<16xi32>
    %ge3A_74 = arith.cmpi sge, %convert_element_type3A_64, %ge3A_73 : vector<16xi32>
    %le3A = arith.constant 383 : i32
    %le3A_75 = vector.broadcast %le3A : i32 to vector<16xi32>
    %le3A_76 = arith.cmpi sle, %convert_element_type3A_64, %le3A_75 : vector<16xi32>
    %and3A_77 = arith.andi %ge3A_74, %le3A_76 : vector<16xi1>
    %sub3A_78 = arith.constant 1.000000e+00 : f32
    %sub3A_79 = vector.broadcast %sub3A_78 : f32 to vector<16xf32>
    %sub3A_80 = arith.subf %sub3A_79, %sub3A_62 : vector<16xf32>
    %select_n3A_81 = arith.select %and3A_77, %sub3A_80, %broadcast_in_dim3A_72 : vector<16xi1>, vector<16xf32>
    %ge3A_82 = arith.constant 0 : i32
    %ge3A_83 = vector.broadcast %ge3A_82 : i32 to vector<16xi32>
    %ge3A_84 = arith.cmpi sge, %add3A_68, %ge3A_83 : vector<16xi32>
    %le3A_85 = arith.constant 383 : i32
    %le3A_86 = vector.broadcast %le3A_85 : i32 to vector<16xi32>
    %le3A_87 = arith.cmpi sle, %add3A_68, %le3A_86 : vector<16xi32>
    %and3A_88 = arith.andi %ge3A_84, %le3A_87 : vector<16xi1>
    %select_n3A_89 = arith.select %and3A_88, %sub3A_62, %broadcast_in_dim3A_72 : vector<16xi1>, vector<16xf32>
    %ge3A_90 = arith.constant 0 : i32
    %ge3A_91 = vector.broadcast %ge3A_90 : i32 to vector<16xi32>
    %ge3A_92 = arith.cmpi sge, %convert_element_type3A_65, %ge3A_91 : vector<16xi32>
    %le3A_93 = arith.constant 383 : i32
    %le3A_94 = vector.broadcast %le3A_93 : i32 to vector<16xi32>
    %le3A_95 = arith.cmpi sle, %convert_element_type3A_65, %le3A_94 : vector<16xi32>
    %and3A_96 = arith.andi %ge3A_92, %le3A_95 : vector<16xi1>
    %sub3A_97 = arith.constant 1.000000e+00 : f32
    %sub3A_98 = vector.broadcast %sub3A_97 : f32 to vector<16xf32>
    %sub3A_99 = arith.subf %sub3A_98, %sub3A_63 : vector<16xf32>
    %select_n3A_100 = arith.select %and3A_96, %sub3A_99, %broadcast_in_dim3A_72 : vector<16xi1>, vector<16xf32>
    %ge3A_101 = arith.constant 0 : i32
    %ge3A_102 = vector.broadcast %ge3A_101 : i32 to vector<16xi32>
    %ge3A_103 = arith.cmpi sge, %add3A_71, %ge3A_102 : vector<16xi32>
    %le3A_104 = arith.constant 383 : i32
    %le3A_105 = vector.broadcast %le3A_104 : i32 to vector<16xi32>
    %le3A_106 = arith.cmpi sle, %add3A_71, %le3A_105 : vector<16xi32>
    %and3A_107 = arith.andi %ge3A_103, %le3A_106 : vector<16xi1>
    %select_n3A_108 = arith.select %and3A_107, %sub3A_63, %broadcast_in_dim3A_72 : vector<16xi1>, vector<16xf32>
    %max3A = arith.constant 0 : i32
    %max3A_109 = vector.broadcast %max3A : i32 to vector<16xi32>
    %max3A_110 = arith.maxsi %convert_element_type3A_64, %max3A_109 : vector<16xi32>
    %min3A = arith.constant 383 : i32
    %min3A_111 = vector.broadcast %min3A : i32 to vector<16xi32>
    %min3A_112 = arith.minsi %max3A_110, %min3A_111 : vector<16xi32>
    %max3A_113 = arith.constant 0 : i32
    %max3A_114 = vector.broadcast %max3A_113 : i32 to vector<16xi32>
    %max3A_115 = arith.maxsi %add3A_68, %max3A_114 : vector<16xi32>
    %min3A_116 = arith.constant 383 : i32
    %min3A_117 = vector.broadcast %min3A_116 : i32 to vector<16xi32>
    %min3A_118 = arith.minsi %max3A_115, %min3A_117 : vector<16xi32>
    %max3A_119 = arith.constant 0 : i32
    %max3A_120 = vector.broadcast %max3A_119 : i32 to vector<16xi32>
    %max3A_121 = arith.maxsi %convert_element_type3A_65, %max3A_120 : vector<16xi32>
    %min3A_122 = arith.constant 383 : i32
    %min3A_123 = vector.broadcast %min3A_122 : i32 to vector<16xi32>
    %min3A_124 = arith.minsi %max3A_121, %min3A_123 : vector<16xi32>
    %max3A_125 = arith.constant 0 : i32
    %max3A_126 = vector.broadcast %max3A_125 : i32 to vector<16xi32>
    %max3A_127 = arith.maxsi %add3A_71, %max3A_126 : vector<16xi32>
    %min3A_128 = arith.constant 383 : i32
    %min3A_129 = vector.broadcast %min3A_128 : i32 to vector<16xi32>
    %min3A_130 = arith.minsi %max3A_127, %min3A_129 : vector<16xi32>
    %mul3A_131 = arith.constant 384 : i32
    %mul3A_132 = vector.broadcast %mul3A_131 : i32 to vector<16xi32>
    %mul3A_133 = arith.muli %min3A_124, %mul3A_132 : vector<16xi32>
    %add3A_134 = vector.broadcast %mul3A_18 : i32 to vector<16xi32>
    %add3A_135 = arith.addi %add3A_134, %mul3A_133 : vector<16xi32>
    %mul3A_136 = arith.constant 384 : i32
    %mul3A_137 = vector.broadcast %mul3A_136 : i32 to vector<16xi32>
    %mul3A_138 = arith.muli %min3A_130, %mul3A_137 : vector<16xi32>
    %add3A_139 = vector.broadcast %mul3A_18 : i32 to vector<16xi32>
    %add3A_140 = arith.addi %add3A_139, %mul3A_138 : vector<16xi32>
    %add3A_141 = arith.addi %add3A_135, %min3A_112 : vector<16xi32>
    %swap3A = arith.constant 0 : index
    %swap3A_142 = tpu.vector_load %arg8[%swap3A] {strides = array<i32>} : memref<128xi32, #tpu.memory_space<vmem>>, vector<16xi32>,
    tpu.vector_store %arg8[%swap3A], %add3A_141 {strides = array<i32>} : memref<128xi32, #tpu.memory_space<vmem>>, vector<16xi32>,
    %add3A_143 = arith.addi %add3A_135, %min3A_118 : vector<16xi32>
    %swap3A_144 = arith.constant 0 : index
    %swap3A_145 = tpu.vector_load %arg9[%swap3A_144] {strides = array<i32>} : memref<128xi32, #tpu.memory_space<vmem>>, vector<16xi32>,
    tpu.vector_store %arg9[%swap3A_144], %add3A_143 {strides = array<i32>} : memref<128xi32, #tpu.memory_space<vmem>>, vector<16xi32>,
    %add3A_146 = arith.addi %add3A_140, %min3A_112 : vector<16xi32>
    %swap3A_147 = arith.constant 0 : index
    %swap3A_148 = tpu.vector_load %arg10[%swap3A_147] {strides = array<i32>} : memref<128xi32, #tpu.memory_space<vmem>>, vector<16xi32>,
    tpu.vector_store %arg10[%swap3A_147], %add3A_146 {strides = array<i32>} : memref<128xi32, #tpu.memory_space<vmem>>, vector<16xi32>,
    %add3A_149 = arith.addi %add3A_140, %min3A_118 : vector<16xi32>
    %swap3A_150 = arith.constant 0 : index
    %swap3A_151 = tpu.vector_load %arg11[%swap3A_150] {strides = array<i32>} : memref<128xi32, #tpu.memory_space<vmem>>, vector<16xi32>,
    tpu.vector_store %arg11[%swap3A_150], %add3A_149 {strides = array<i32>} : memref<128xi32, #tpu.memory_space<vmem>>, vector<16xi32>,
    %mul3A_152 = arith.mulf %select_n3A_100, %select_n3A_81 : vector<16xf32>
    %swap3A_153 = arith.constant 0 : index
    %swap3A_154 = tpu.vector_load %arg16[%swap3A_153] {strides = array<i32>} : memref<128xf32, #tpu.memory_space<vmem>>, vector<16xf32>,
    tpu.vector_store %arg16[%swap3A_153], %mul3A_152 {strides = array<i32>} : memref<128xf32, #tpu.memory_space<vmem>>, vector<16xf32>,
    %mul3A_155 = arith.mulf %select_n3A_100, %select_n3A_89 : vector<16xf32>
    %swap3A_156 = arith.constant 0 : index
    %swap3A_157 = tpu.vector_load %arg17[%swap3A_156] {strides = array<i32>} : memref<128xf32, #tpu.memory_space<vmem>>, vector<16xf32>,
    tpu.vector_store %arg17[%swap3A_156], %mul3A_155 {strides = array<i32>} : memref<128xf32, #tpu.memory_space<vmem>>, vector<16xf32>,
    %mul3A_158 = arith.mulf %select_n3A_108, %select_n3A_81 : vector<16xf32>
    %swap3A_159 = arith.constant 0 : index
    %swap3A_160 = tpu.vector_load %arg18[%swap3A_159] {strides = array<i32>} : memref<128xf32, #tpu.memory_space<vmem>>, vector<16xf32>,
    tpu.vector_store %arg18[%swap3A_159], %mul3A_158 {strides = array<i32>} : memref<128xf32, #tpu.memory_space<vmem>>, vector<16xf32>,
    %mul3A_161 = arith.mulf %select_n3A_108, %select_n3A_89 : vector<16xf32>
    %swap3A_162 = arith.constant 0 : index
    %swap3A_163 = tpu.vector_load %arg19[%swap3A_162] {strides = array<i32>} : memref<128xf32, #tpu.memory_space<vmem>>, vector<16xf32>,
    tpu.vector_store %arg19[%swap3A_162], %mul3A_161 {strides = array<i32>} : memref<128xf32, #tpu.memory_space<vmem>>, vector<16xf32>,
    %get3A_164 = arith.constant 16 : index
    %get3A_165 = tpu.vector_load %arg6[%get3A_164] {strides = array<i32>} : memref<128xf32, #tpu.memory_space<vmem>>, vector<16xf32>,
    %get3A_166 = arith.constant 16 : index
    %get3A_167 = tpu.vector_load %arg7[%get3A_166] {strides = array<i32>} : memref<128xf32, #tpu.memory_space<vmem>>, vector<16xf32>,
    %add3A_168 = arith.constant 1.000000e+00 : f32
    %add3A_169 = vector.broadcast %add3A_168 : f32 to vector<16xf32>
    %add3A_170 = arith.addf %get3A_165, %add3A_169 : vector<16xf32>
    %mul3A_171 = arith.constant 3.840000e+02 : f32
    %mul3A_172 = vector.broadcast %mul3A_171 : f32 to vector<16xf32>
    %mul3A_173 = arith.mulf %add3A_170, %mul3A_172 : vector<16xf32>
    %sub3A_174 = arith.constant 1.000000e+00 : f32
    %sub3A_175 = vector.broadcast %sub3A_174 : f32 to vector<16xf32>
    %sub3A_176 = arith.subf %mul3A_173, %sub3A_175 : vector<16xf32>
    %mul3A_177 = arith.constant 5.000000e-01 : f32
    %mul3A_178 = vector.broadcast %mul3A_177 : f32 to vector<16xf32>
    %mul3A_179 = arith.mulf %sub3A_176, %mul3A_178 : vector<16xf32>
    %add3A_180 = arith.constant 1.000000e+00 : f32
    %add3A_181 = vector.broadcast %add3A_180 : f32 to vector<16xf32>
    %add3A_182 = arith.addf %get3A_167, %add3A_181 : vector<16xf32>
    %mul3A_183 = arith.constant 3.840000e+02 : f32
    %mul3A_184 = vector.broadcast %mul3A_183 : f32 to vector<16xf32>
    %mul3A_185 = arith.mulf %add3A_182, %mul3A_184 : vector<16xf32>
    %sub3A_186 = arith.constant 1.000000e+00 : f32
    %sub3A_187 = vector.broadcast %sub3A_186 : f32 to vector<16xf32>
    %sub3A_188 = arith.subf %mul3A_185, %sub3A_187 : vector<16xf32>
    %mul3A_189 = arith.constant 5.000000e-01 : f32
    %mul3A_190 = vector.broadcast %mul3A_189 : f32 to vector<16xf32>
    %mul3A_191 = arith.mulf %sub3A_188, %mul3A_190 : vector<16xf32>
    %convert_element_type3A_192 = arith.fptosi %mul3A_179 : vector<16xf32> to vector<16xi32>
    %convert_element_type3A_193 = arith.sitofp %convert_element_type3A_192 : vector<16xi32> to vector<16xf32>
    %gt3A_194 = arith.cmpf ogt, %convert_element_type3A_193, %mul3A_179 : vector<16xf32>
    %sub3A_195 = arith.constant 1.000000e+00 : f32
    %sub3A_196 = vector.broadcast %sub3A_195 : f32 to vector<16xf32>
    %sub3A_197 = arith.subf %convert_element_type3A_193, %sub3A_196 : vector<16xf32>
    %select_n3A_198 = arith.select %gt3A_194, %sub3A_197, %convert_element_type3A_193 : vector<16xi1>, vector<16xf32>
    %convert_element_type3A_199 = arith.fptosi %mul3A_191 : vector<16xf32> to vector<16xi32>
    %convert_element_type3A_200 = arith.sitofp %convert_element_type3A_199 : vector<16xi32> to vector<16xf32>
    %gt3A_201 = arith.cmpf ogt, %convert_element_type3A_200, %mul3A_191 : vector<16xf32>
    %sub3A_202 = arith.constant 1.000000e+00 : f32
    %sub3A_203 = vector.broadcast %sub3A_202 : f32 to vector<16xf32>
    %sub3A_204 = arith.subf %convert_element_type3A_200, %sub3A_203 : vector<16xf32>
    %select_n3A_205 = arith.select %gt3A_201, %sub3A_204, %convert_element_type3A_200 : vector<16xi1>, vector<16xf32>
    %sub3A_206 = arith.subf %mul3A_179, %select_n3A_198 : vector<16xf32>
    %sub3A_207 = arith.subf %mul3A_191, %select_n3A_205 : vector<16xf32>
    %convert_element_type3A_208 = arith.fptosi %select_n3A_198 : vector<16xf32> to vector<16xi32>
    %convert_element_type3A_209 = arith.fptosi %select_n3A_205 : vector<16xf32> to vector<16xi32>
    %add3A_210 = arith.constant 1 : i32
    %add3A_211 = vector.broadcast %add3A_210 : i32 to vector<16xi32>
    %add3A_212 = arith.addi %convert_element_type3A_208, %add3A_211 : vector<16xi32>
    %add3A_213 = arith.constant 1 : i32
    %add3A_214 = vector.broadcast %add3A_213 : i32 to vector<16xi32>
    %add3A_215 = arith.addi %convert_element_type3A_209, %add3A_214 : vector<16xi32>
    %broadcast_in_dim3A_216 = arith.constant 0.000000e+00 : f32
    %broadcast_in_dim3A_217 = vector.broadcast %broadcast_in_dim3A_216 : f32 to vector<16xf32>
    %ge3A_218 = arith.constant 0 : i32
    %ge3A_219 = vector.broadcast %ge3A_218 : i32 to vector<16xi32>
    %ge3A_220 = arith.cmpi sge, %convert_element_type3A_208, %ge3A_219 : vector<16xi32>
    %le3A_221 = arith.constant 383 : i32
    %le3A_222 = vector.broadcast %le3A_221 : i32 to vector<16xi32>
    %le3A_223 = arith.cmpi sle, %convert_element_type3A_208, %le3A_222 : vector<16xi32>
    %and3A_224 = arith.andi %ge3A_220, %le3A_223 : vector<16xi1>
    %sub3A_225 = arith.constant 1.000000e+00 : f32
    %sub3A_226 = vector.broadcast %sub3A_225 : f32 to vector<16xf32>
    %sub3A_227 = arith.subf %sub3A_226, %sub3A_206 : vector<16xf32>
    %select_n3A_228 = arith.select %and3A_224, %sub3A_227, %broadcast_in_dim3A_217 : vector<16xi1>, vector<16xf32>
    %ge3A_229 = arith.constant 0 : i32
    %ge3A_230 = vector.broadcast %ge3A_229 : i32 to vector<16xi32>
    %ge3A_231 = arith.cmpi sge, %add3A_212, %ge3A_230 : vector<16xi32>
    %le3A_232 = arith.constant 383 : i32
    %le3A_233 = vector.broadcast %le3A_232 : i32 to vector<16xi32>
    %le3A_234 = arith.cmpi sle, %add3A_212, %le3A_233 : vector<16xi32>
    %and3A_235 = arith.andi %ge3A_231, %le3A_234 : vector<16xi1>
    %select_n3A_236 = arith.select %and3A_235, %sub3A_206, %broadcast_in_dim3A_217 : vector<16xi1>, vector<16xf32>
    %ge3A_237 = arith.constant 0 : i32
    %ge3A_238 = vector.broadcast %ge3A_237 : i32 to vector<16xi32>
    %ge3A_239 = arith.cmpi sge, %convert_element_type3A_209, %ge3A_238 : vector<16xi32>
    %le3A_240 = arith.constant 383 : i32
    %le3A_241 = vector.broadcast %le3A_240 : i32 to vector<16xi32>
    %le3A_242 = arith.cmpi sle, %convert_element_type3A_209, %le3A_241 : vector<16xi32>
    %and3A_243 = arith.andi %ge3A_239, %le3A_242 : vector<16xi1>
    %sub3A_244 = arith.constant 1.000000e+00 : f32
    %sub3A_245 = vector.broadcast %sub3A_244 : f32 to vector<16xf32>
    %sub3A_246 = arith.subf %sub3A_245, %sub3A_207 : vector<16xf32>
    %select_n3A_247 = arith.select %and3A_243, %sub3A_246, %broadcast_in_dim3A_217 : vector<16xi1>, vector<16xf32>
    %ge3A_248 = arith.constant 0 : i32
    %ge3A_249 = vector.broadcast %ge3A_248 : i32 to vector<16xi32>
    %ge3A_250 = arith.cmpi sge, %add3A_215, %ge3A_249 : vector<16xi32>
    %le3A_251 = arith.constant 383 : i32
    %le3A_252 = vector.broadcast %le3A_251 : i32 to vector<16xi32>
    %le3A_253 = arith.cmpi sle, %add3A_215, %le3A_252 : vector<16xi32>
    %and3A_254 = arith.andi %ge3A_250, %le3A_253 : vector<16xi1>
    %select_n3A_255 = arith.select %and3A_254, %sub3A_207, %broadcast_in_dim3A_217 : vector<16xi1>, vector<16xf32>
    %max3A_256 = arith.constant 0 : i32
    %max3A_257 = vector.broadcast %max3A_256 : i32 to vector<16xi32>
    %max3A_258 = arith.maxsi %convert_element_type3A_208, %max3A_257 : vector<16xi32>
    %min3A_259 = arith.constant 383 : i32
    %min3A_260 = vector.broadcast %min3A_259 : i32 to vector<16xi32>
    %min3A_261 = arith.minsi %max3A_258, %min3A_260 : vector<16xi32>
    %max3A_262 = arith.constant 0 : i32
    %max3A_263 = vector.broadcast %max3A_262 : i32 to vector<16xi32>
    %max3A_264 = arith.maxsi %add3A_212, %max3A_263 : vector<16xi32>
    %min3A_265 = arith.constant 383 : i32
    %min3A_266 = vector.broadcast %min3A_265 : i32 to vector<16xi32>
    %min3A_267 = arith.minsi %max3A_264, %min3A_266 : vector<16xi32>
    %max3A_268 = arith.constant 0 : i32
    %max3A_269 = vector.broadcast %max3A_268 : i32 to vector<16xi32>
    %max3A_270 = arith.maxsi %convert_element_type3A_209, %max3A_269 : vector<16xi32>
    %min3A_271 = arith.constant 383 : i32
    %min3A_272 = vector.broadcast %min3A_271 : i32 to vector<16xi32>
    %min3A_273 = arith.minsi %max3A_270, %min3A_272 : vector<16xi32>
    %max3A_274 = arith.constant 0 : i32
    %max3A_275 = vector.broadcast %max3A_274 : i32 to vector<16xi32>
    %max3A_276 = arith.maxsi %add3A_215, %max3A_275 : vector<16xi32>
    %min3A_277 = arith.constant 383 : i32
    %min3A_278 = vector.broadcast %min3A_277 : i32 to vector<16xi32>
    %min3A_279 = arith.minsi %max3A_276, %min3A_278 : vector<16xi32>
    %mul3A_280 = arith.constant 384 : i32
    %mul3A_281 = vector.broadcast %mul3A_280 : i32 to vector<16xi32>
    %mul3A_282 = arith.muli %min3A_273, %mul3A_281 : vector<16xi32>
    %add3A_283 = vector.broadcast %mul3A_18 : i32 to vector<16xi32>
    %add3A_284 = arith.addi %add3A_283, %mul3A_282 : vector<16xi32>
    %mul3A_285 = arith.constant 384 : i32
    %mul3A_286 = vector.broadcast %mul3A_285 : i32 to vector<16xi32>
    %mul3A_287 = arith.muli %min3A_279, %mul3A_286 : vector<16xi32>
    %add3A_288 = vector.broadcast %mul3A_18 : i32 to vector<16xi32>
    %add3A_289 = arith.addi %add3A_288, %mul3A_287 : vector<16xi32>
    %add3A_290 = arith.addi %add3A_284, %min3A_261 : vector<16xi32>
    %swap3A_291 = arith.constant 16 : index
    %swap3A_292 = tpu.vector_load %arg8[%swap3A_291] {strides = array<i32>} : memref<128xi32, #tpu.memory_space<vmem>>, vector<16xi32>,
    tpu.vector_store %arg8[%swap3A_291], %add3A_290 {strides = array<i32>} : memref<128xi32, #tpu.memory_space<vmem>>, vector<16xi32>,
    %add3A_293 = arith.addi %add3A_284, %min3A_267 : vector<16xi32>
    %swap3A_294 = arith.constant 16 : index
    %swap3A_295 = tpu.vector_load %arg9[%swap3A_294] {strides = array<i32>} : memref<128xi32, #tpu.memory_space<vmem>>, vector<16xi32>,
    tpu.vector_store %arg9[%swap3A_294], %add3A_293 {strides = array<i32>} : memref<128xi32, #tpu.memory_space<vmem>>, vector<16xi32>,
    %add3A_296 = arith.addi %add3A_289, %min3A_261 : vector<16xi32>
    %swap3A_297 = arith.constant 16 : index
    %swap3A_298 = tpu.vector_load %arg10[%swap3A_297] {strides = array<i32>} : memref<128xi32, #tpu.memory_space<vmem>>, vector<16xi32>,
    tpu.vector_store %arg10[%swap3A_297], %add3A_296 {strides = array<i32>} : memref<128xi32, #tpu.memory_space<vmem>>, vector<16xi32>,
    %add3A_299 = arith.addi %add3A_289, %min3A_267 : vector<16xi32>
    %swap3A_300 = arith.constant 16 : index
    %swap3A_301 = tpu.vector_load %arg11[%swap3A_300] {strides = array<i32>} : memref<128xi32, #tpu.memory_space<vmem>>, vector<16xi32>,
    tpu.vector_store %arg11[%swap3A_300], %add3A_299 {strides = array<i32>} : memref<128xi32, #tpu.memory_space<vmem>>, vector<16xi32>,
    %mul3A_302 = arith.mulf %select_n3A_247, %select_n3A_228 : vector<16xf32>
    %swap3A_303 = arith.constant 16 : index
    %swap3A_304 = tpu.vector_load %arg16[%swap3A_303] {strides = array<i32>} : memref<128xf32, #tpu.memory_space<vmem>>, vector<16xf32>,
    tpu.vector_store %arg16[%swap3A_303], %mul3A_302 {strides = array<i32>} : memref<128xf32, #tpu.memory_space<vmem>>, vector<16xf32>,
    %mul3A_305 = arith.mulf %select_n3A_247, %select_n3A_236 : vector<16xf32>
    %swap3A_306 = arith.constant 16 : index
    %swap3A_307 = tpu.vector_load %arg17[%swap3A_306] {strides = array<i32>} : memref<128xf32, #tpu.memory_space<vmem>>, vector<16xf32>,
    tpu.vector_store %arg17[%swap3A_306], %mul3A_305 {strides = array<i32>} : memref<128xf32, #tpu.memory_space<vmem>>, vector<16xf32>,
    %mul3A_308 = arith.mulf %select_n3A_255, %select_n3A_228 : vector<16xf32>
    %swap3A_309 = arith.constant 16 : index
    %swap3A_310 = tpu.vector_load %arg18[%swap3A_309] {strides = array<i32>} : memref<128xf32, #tpu.memory_space<vmem>>, vector<16xf32>,
    tpu.vector_store %arg18[%swap3A_309], %mul3A_308 {strides = array<i32>} : memref<128xf32, #tpu.memory_space<vmem>>, vector<16xf32>,
    %mul3A_311 = arith.mulf %select_n3A_255, %select_n3A_236 : vector<16xf32>
    %swap3A_312 = arith.constant 16 : index
    %swap3A_313 = tpu.vector_load %arg19[%swap3A_312] {strides = array<i32>} : memref<128xf32, #tpu.memory_space<vmem>>, vector<16xf32>,
    tpu.vector_store %arg19[%swap3A_312], %mul3A_311 {strides = array<i32>} : memref<128xf32, #tpu.memory_space<vmem>>, vector<16xf32>,
    %get3A_314 = arith.constant 32 : index
    %get3A_315 = tpu.vector_load %arg6[%get3A_314] {strides = array<i32>} : memref<128xf32, #tpu.memory_space<vmem>>, vector<16xf32>,
    %get3A_316 = arith.constant 32 : index
    %get3A_317 = tpu.vector_load %arg7[%get3A_316] {strides = array<i32>} : memref<128xf32, #tpu.memory_space<vmem>>, vector<16xf32>,
    %add3A_318 = arith.constant 1.000000e+00 : f32
    %add3A_319 = vector.broadcast %add3A_318 : f32 to vector<16xf32>
    %add3A_320 = arith.addf %get3A_315, %add3A_319 : vector<16xf32>
    %mul3A_321 = arith.constant 3.840000e+02 : f32
    %mul3A_322 = vector.broadcast %mul3A_321 : f32 to vector<16xf32>
    %mul3A_323 = arith.mulf %add3A_320, %mul3A_322 : vector<16xf32>
    %sub3A_324 = arith.constant 1.000000e+00 : f32
    %sub3A_325 = vector.broadcast %sub3A_324 : f32 to vector<16xf32>
    %sub3A_326 = arith.subf %mul3A_323, %sub3A_325 : vector<16xf32>
    %mul3A_327 = arith.constant 5.000000e-01 : f32
    %mul3A_328 = vector.broadcast %mul3A_327 : f32 to vector<16xf32>
    %mul3A_329 = arith.mulf %sub3A_326, %mul3A_328 : vector<16xf32>
    %add3A_330 = arith.constant 1.000000e+00 : f32
    %add3A_331 = vector.broadcast %add3A_330 : f32 to vector<16xf32>
    %add3A_332 = arith.addf %get3A_317, %add3A_331 : vector<16xf32>
    %mul3A_333 = arith.constant 3.840000e+02 : f32
    %mul3A_334 = vector.broadcast %mul3A_333 : f32 to vector<16xf32>
    %mul3A_335 = arith.mulf %add3A_332, %mul3A_334 : vector<16xf32>
    %sub3A_336 = arith.constant 1.000000e+00 : f32
    %sub3A_337 = vector.broadcast %sub3A_336 : f32 to vector<16xf32>
    %sub3A_338 = arith.subf %mul3A_335, %sub3A_337 : vector<16xf32>
    %mul3A_339 = arith.constant 5.000000e-01 : f32
    %mul3A_340 = vector.broadcast %mul3A_339 : f32 to vector<16xf32>
    %mul3A_341 = arith.mulf %sub3A_338, %mul3A_340 : vector<16xf32>
    %convert_element_type3A_342 = arith.fptosi %mul3A_329 : vector<16xf32> to vector<16xi32>
    %convert_element_type3A_343 = arith.sitofp %convert_element_type3A_342 : vector<16xi32> to vector<16xf32>
    %gt3A_344 = arith.cmpf ogt, %convert_element_type3A_343, %mul3A_329 : vector<16xf32>
    %sub3A_345 = arith.constant 1.000000e+00 : f32
    %sub3A_346 = vector.broadcast %sub3A_345 : f32 to vector<16xf32>
    %sub3A_347 = arith.subf %convert_element_type3A_343, %sub3A_346 : vector<16xf32>
    %select_n3A_348 = arith.select %gt3A_344, %sub3A_347, %convert_element_type3A_343 : vector<16xi1>, vector<16xf32>
    %convert_element_type3A_349 = arith.fptosi %mul3A_341 : vector<16xf32> to vector<16xi32>
    %convert_element_type3A_350 = arith.sitofp %convert_element_type3A_349 : vector<16xi32> to vector<16xf32>
    %gt3A_351 = arith.cmpf ogt, %convert_element_type3A_350, %mul3A_341 : vector<16xf32>
    %sub3A_352 = arith.constant 1.000000e+00 : f32
    %sub3A_353 = vector.broadcast %sub3A_352 : f32 to vector<16xf32>
    %sub3A_354 = arith.subf %convert_element_type3A_350, %sub3A_353 : vector<16xf32>
    %select_n3A_355 = arith.select %gt3A_351, %sub3A_354, %convert_element_type3A_350 : vector<16xi1>, vector<16xf32>
    %sub3A_356 = arith.subf %mul3A_329, %select_n3A_348 : vector<16xf32>
    %sub3A_357 = arith.subf %mul3A_341, %select_n3A_355 : vector<16xf32>
    %convert_element_type3A_358 = arith.fptosi %select_n3A_348 : vector<16xf32> to vector<16xi32>
    %convert_element_type3A_359 = arith.fptosi %select_n3A_355 : vector<16xf32> to vector<16xi32>
    %add3A_360 = arith.constant 1 : i32
    %add3A_361 = vector.broadcast %add3A_360 : i32 to vector<16xi32>
    %add3A_362 = arith.addi %convert_element_type3A_358, %add3A_361 : vector<16xi32>
    %add3A_363 = arith.constant 1 : i32
    %add3A_364 = vector.broadcast %add3A_363 : i32 to vector<16xi32>
    %add3A_365 = arith.addi %convert_element_type3A_359, %add3A_364 : vector<16xi32>
    %broadcast_in_dim3A_366 = arith.constant 0.000000e+00 : f32
    %broadcast_in_dim3A_367 = vector.broadcast %broadcast_in_dim3A_366 : f32 to vector<16xf32>
    %ge3A_368 = arith.constant 0 : i32
    %ge3A_369 = vector.broadcast %ge3A_368 : i32 to vector<16xi32>
    %ge3A_370 = arith.cmpi sge, %convert_element_type3A_358, %ge3A_369 : vector<16xi32>
    %le3A_371 = arith.constant 383 : i32
    %le3A_372 = vector.broadcast %le3A_371 : i32 to vector<16xi32>
    %le3A_373 = arith.cmpi sle, %convert_element_type3A_358, %le3A_372 : vector<16xi32>
    %and3A_374 = arith.andi %ge3A_370, %le3A_373 : vector<16xi1>
    %sub3A_375 = arith.constant 1.000000e+00 : f32
    %sub3A_376 = vector.broadcast %sub3A_375 : f32 to vector<16xf32>
    %sub3A_377 = arith.subf %sub3A_376, %sub3A_356 : vector<16xf32>
    %select_n3A_378 = arith.select %and3A_374, %sub3A_377, %broadcast_in_dim3A_367 : vector<16xi1>, vector<16xf32>
    %ge3A_379 = arith.constant 0 : i32
    %ge3A_380 = vector.broadcast %ge3A_379 : i32 to vector<16xi32>
    %ge3A_381 = arith.cmpi sge, %add3A_362, %ge3A_380 : vector<16xi32>
    %le3A_382 = arith.constant 383 : i32
    %le3A_383 = vector.broadcast %le3A_382 : i32 to vector<16xi32>
    %le3A_384 = arith.cmpi sle, %add3A_362, %le3A_383 : vector<16xi32>
    %and3A_385 = arith.andi %ge3A_381, %le3A_384 : vector<16xi1>
    %select_n3A_386 = arith.select %and3A_385, %sub3A_356, %broadcast_in_dim3A_367 : vector<16xi1>, vector<16xf32>
    %ge3A_387 = arith.constant 0 : i32
    %ge3A_388 = vector.broadcast %ge3A_387 : i32 to vector<16xi32>
    %ge3A_389 = arith.cmpi sge, %convert_element_type3A_359, %ge3A_388 : vector<16xi32>
    %le3A_390 = arith.constant 383 : i32
    %le3A_391 = vector.broadcast %le3A_390 : i32 to vector<16xi32>
    %le3A_392 = arith.cmpi sle, %convert_element_type3A_359, %le3A_391 : vector<16xi32>
    %and3A_393 = arith.andi %ge3A_389, %le3A_392 : vector<16xi1>
    %sub3A_394 = arith.constant 1.000000e+00 : f32
    %sub3A_395 = vector.broadcast %sub3A_394 : f32 to vector<16xf32>
    %sub3A_396 = arith.subf %sub3A_395, %sub3A_357 : vector<16xf32>
    %select_n3A_397 = arith.select %and3A_393, %sub3A_396, %broadcast_in_dim3A_367 : vector<16xi1>, vector<16xf32>
    %ge3A_398 = arith.constant 0 : i32
    %ge3A_399 = vector.broadcast %ge3A_398 : i32 to vector<16xi32>
    %ge3A_400 = arith.cmpi sge, %add3A_365, %ge3A_399 : vector<16xi32>
    %le3A_401 = arith.constant 383 : i32
    %le3A_402 = vector.broadcast %le3A_401 : i32 to vector<16xi32>
    %le3A_403 = arith.cmpi sle, %add3A_365, %le3A_402 : vector<16xi32>
    %and3A_404 = arith.andi %ge3A_400, %le3A_403 : vector<16xi1>
    %select_n3A_405 = arith.select %and3A_404, %sub3A_357, %broadcast_in_dim3A_367 : vector<16xi1>, vector<16xf32>
    %max3A_406 = arith.constant 0 : i32
    %max3A_407 = vector.broadcast %max3A_406 : i32 to vector<16xi32>
    %max3A_408 = arith.maxsi %convert_element_type3A_358, %max3A_407 : vector<16xi32>
    %min3A_409 = arith.constant 383 : i32
    %min3A_410 = vector.broadcast %min3A_409 : i32 to vector<16xi32>
    %min3A_411 = arith.minsi %max3A_408, %min3A_410 : vector<16xi32>
    %max3A_412 = arith.constant 0 : i32
    %max3A_413 = vector.broadcast %max3A_412 : i32 to vector<16xi32>
    %max3A_414 = arith.maxsi %add3A_362, %max3A_413 : vector<16xi32>
    %min3A_415 = arith.constant 383 : i32
    %min3A_416 = vector.broadcast %min3A_415 : i32 to vector<16xi32>
    %min3A_417 = arith.minsi %max3A_414, %min3A_416 : vector<16xi32>
    %max3A_418 = arith.constant 0 : i32
    %max3A_419 = vector.broadcast %max3A_418 : i32 to vector<16xi32>
    %max3A_420 = arith.maxsi %convert_element_type3A_359, %max3A_419 : vector<16xi32>
    %min3A_421 = arith.constant 383 : i32
    %min3A_422 = vector.broadcast %min3A_421 : i32 to vector<16xi32>
    %min3A_423 = arith.minsi %max3A_420, %min3A_422 : vector<16xi32>
    %max3A_424 = arith.constant 0 : i32
    %max3A_425 = vector.broadcast %max3A_424 : i32 to vector<16xi32>
    %max3A_426 = arith.maxsi %add3A_365, %max3A_425 : vector<16xi32>
    %min3A_427 = arith.constant 383 : i32
    %min3A_428 = vector.broadcast %min3A_427 : i32 to vector<16xi32>
    %min3A_429 = arith.minsi %max3A_426, %min3A_428 : vector<16xi32>
    %mul3A_430 = arith.constant 384 : i32
    %mul3A_431 = vector.broadcast %mul3A_430 : i32 to vector<16xi32>
    %mul3A_432 = arith.muli %min3A_423, %mul3A_431 : vector<16xi32>
    %add3A_433 = vector.broadcast %mul3A_18 : i32 to vector<16xi32>
    %add3A_434 = arith.addi %add3A_433, %mul3A_432 : vector<16xi32>
    %mul3A_435 = arith.constant 384 : i32
    %mul3A_436 = vector.broadcast %mul3A_435 : i32 to vector<16xi32>
    %mul3A_437 = arith.muli %min3A_429, %mul3A_436 : vector<16xi32>
    %add3A_438 = vector.broadcast %mul3A_18 : i32 to vector<16xi32>
    %add3A_439 = arith.addi %add3A_438, %mul3A_437 : vector<16xi32>
    %add3A_440 = arith.addi %add3A_434, %min3A_411 : vector<16xi32>
    %swap3A_441 = arith.constant 32 : index
    %swap3A_442 = tpu.vector_load %arg8[%swap3A_441] {strides = array<i32>} : memref<128xi32, #tpu.memory_space<vmem>>, vector<16xi32>,
    tpu.vector_store %arg8[%swap3A_441], %add3A_440 {strides = array<i32>} : memref<128xi32, #tpu.memory_space<vmem>>, vector<16xi32>,
    %add3A_443 = arith.addi %add3A_434, %min3A_417 : vector<16xi32>
    %swap3A_444 = arith.constant 32 : index
    %swap3A_445 = tpu.vector_load %arg9[%swap3A_444] {strides = array<i32>} : memref<128xi32, #tpu.memory_space<vmem>>, vector<16xi32>,
    tpu.vector_store %arg9[%swap3A_444], %add3A_443 {strides = array<i32>} : memref<128xi32, #tpu.memory_space<vmem>>, vector<16xi32>,
    %add3A_446 = arith.addi %add3A_439, %min3A_411 : vector<16xi32>
    %swap3A_447 = arith.constant 32 : index
    %swap3A_448 = tpu.vector_load %arg10[%swap3A_447] {strides = array<i32>} : memref<128xi32, #tpu.memory_space<vmem>>, vector<16xi32>,
    tpu.vector_store %arg10[%swap3A_447], %add3A_446 {strides = array<i32>} : memref<128xi32, #tpu.memory_space<vmem>>, vector<16xi32>,
    %add3A_449 = arith.addi %add3A_439, %min3A_417 : vector<16xi32>
    %swap3A_450 = arith.constant 32 : index
    %swap3A_451 = tpu.vector_load %arg11[%swap3A_450] {strides = array<i32>} : memref<128xi32, #tpu.memory_space<vmem>>, vector<16xi32>,
    tpu.vector_store %arg11[%swap3A_450], %add3A_449 {strides = array<i32>} : memref<128xi32, #tpu.memory_space<vmem>>, vector<16xi32>,
    %mul3A_452 = arith.mulf %select_n3A_397, %select_n3A_378 : vector<16xf32>
    %swap3A_453 = arith.constant 32 : index
    %swap3A_454 = tpu.vector_load %arg16[%swap3A_453] {strides = array<i32>} : memref<128xf32, #tpu.memory_space<vmem>>, vector<16xf32>,
    tpu.vector_store %arg16[%swap3A_453], %mul3A_452 {strides = array<i32>} : memref<128xf32, #tpu.memory_space<vmem>>, vector<16xf32>,
    %mul3A_455 = arith.mulf %select_n3A_397, %select_n3A_386 : vector<16xf32>
    %swap3A_456 = arith.constant 32 : index
    %swap3A_457 = tpu.vector_load %arg17[%swap3A_456] {strides = array<i32>} : memref<128xf32, #tpu.memory_space<vmem>>, vector<16xf32>,
    tpu.vector_store %arg17[%swap3A_456], %mul3A_455 {strides = array<i32>} : memref<128xf32, #tpu.memory_space<vmem>>, vector<16xf32>,
    %mul3A_458 = arith.mulf %select_n3A_405, %select_n3A_378 : vector<16xf32>
    %swap3A_459 = arith.constant 32 : index
    %swap3A_460 = tpu.vector_load %arg18[%swap3A_459] {strides = array<i32>} : memref<128xf32, #tpu.memory_space<vmem>>, vector<16xf32>,
    tpu.vector_store %arg18[%swap3A_459], %mul3A_458 {strides = array<i32>} : memref<128xf32, #tpu.memory_space<vmem>>, vector<16xf32>,
    %mul3A_461 = arith.mulf %select_n3A_405, %select_n3A_386 : vector<16xf32>
    %swap3A_462 = arith.constant 32 : index
    %swap3A_463 = tpu.vector_load %arg19[%swap3A_462] {strides = array<i32>} : memref<128xf32, #tpu.memory_space<vmem>>, vector<16xf32>,
    tpu.vector_store %arg19[%swap3A_462], %mul3A_461 {strides = array<i32>} : memref<128xf32, #tpu.memory_space<vmem>>, vector<16xf32>,
    %get3A_464 = arith.constant 48 : index
    %get3A_465 = tpu.vector_load %arg6[%get3A_464] {strides = array<i32>} : memref<128xf32, #tpu.memory_space<vmem>>, vector<16xf32>,
    %get3A_466 = arith.constant 48 : index
    %get3A_467 = tpu.vector_load %arg7[%get3A_466] {strides = array<i32>} : memref<128xf32, #tpu.memory_space<vmem>>, vector<16xf32>,
    %add3A_468 = arith.constant 1.000000e+00 : f32
    %add3A_469 = vector.broadcast %add3A_468 : f32 to vector<16xf32>
    %add3A_470 = arith.addf %get3A_465, %add3A_469 : vector<16xf32>
    %mul3A_471 = arith.constant 3.840000e+02 : f32
    %mul3A_472 = vector.broadcast %mul3A_471 : f32 to vector<16xf32>
    %mul3A_473 = arith.mulf %add3A_470, %mul3A_472 : vector<16xf32>
    %sub3A_474 = arith.constant 1.000000e+00 : f32
    %sub3A_475 = vector.broadcast %sub3A_474 : f32 to vector<16xf32>
    %sub3A_476 = arith.subf %mul3A_473, %sub3A_475 : vector<16xf32>
    %mul3A_477 = arith.constant 5.000000e-01 : f32
    %mul3A_478 = vector.broadcast %mul3A_477 : f32 to vector<16xf32>
    %mul3A_479 = arith.mulf %sub3A_476, %mul3A_478 : vector<16xf32>
    %add3A_480 = arith.constant 1.000000e+00 : f32
    %add3A_481 = vector.broadcast %add3A_480 : f32 to vector<16xf32>
    %add3A_482 = arith.addf %get3A_467, %add3A_481 : vector<16xf32>
    %mul3A_483 = arith.constant 3.840000e+02 : f32
    %mul3A_484 = vector.broadcast %mul3A_483 : f32 to vector<16xf32>
    %mul3A_485 = arith.mulf %add3A_482, %mul3A_484 : vector<16xf32>
    %sub3A_486 = arith.constant 1.000000e+00 : f32
    %sub3A_487 = vector.broadcast %sub3A_486 : f32 to vector<16xf32>
    %sub3A_488 = arith.subf %mul3A_485, %sub3A_487 : vector<16xf32>
    %mul3A_489 = arith.constant 5.000000e-01 : f32
    %mul3A_490 = vector.broadcast %mul3A_489 : f32 to vector<16xf32>
    %mul3A_491 = arith.mulf %sub3A_488, %mul3A_490 : vector<16xf32>
    %convert_element_type3A_492 = arith.fptosi %mul3A_479 : vector<16xf32> to vector<16xi32>
    %convert_element_type3A_493 = arith.sitofp %convert_element_type3A_492 : vector<16xi32> to vector<16xf32>
    %gt3A_494 = arith.cmpf ogt, %convert_element_type3A_493, %mul3A_479 : vector<16xf32>
    %sub3A_495 = arith.constant 1.000000e+00 : f32
    %sub3A_496 = vector.broadcast %sub3A_495 : f32 to vector<16xf32>
    %sub3A_497 = arith.subf %convert_element_type3A_493, %sub3A_496 : vector<16xf32>
    %select_n3A_498 = arith.select %gt3A_494, %sub3A_497, %convert_element_type3A_493 : vector<16xi1>, vector<16xf32>
    %convert_element_type3A_499 = arith.fptosi %mul3A_491 : vector<16xf32> to vector<16xi32>
    %convert_element_type3A_500 = arith.sitofp %convert_element_type3A_499 : vector<16xi32> to vector<16xf32>
    %gt3A_501 = arith.cmpf ogt, %convert_element_type3A_500, %mul3A_491 : vector<16xf32>
    %sub3A_502 = arith.constant 1.000000e+00 : f32
    %sub3A_503 = vector.broadcast %sub3A_502 : f32 to vector<16xf32>
    %sub3A_504 = arith.subf %convert_element_type3A_500, %sub3A_503 : vector<16xf32>
    %select_n3A_505 = arith.select %gt3A_501, %sub3A_504, %convert_element_type3A_500 : vector<16xi1>, vector<16xf32>
    %sub3A_506 = arith.subf %mul3A_479, %select_n3A_498 : vector<16xf32>
    %sub3A_507 = arith.subf %mul3A_491, %select_n3A_505 : vector<16xf32>
    %convert_element_type3A_508 = arith.fptosi %select_n3A_498 : vector<16xf32> to vector<16xi32>
    %convert_element_type3A_509 = arith.fptosi %select_n3A_505 : vector<16xf32> to vector<16xi32>
    %add3A_510 = arith.constant 1 : i32
    %add3A_511 = vector.broadcast %add3A_510 : i32 to vector<16xi32>
    %add3A_512 = arith.addi %convert_element_type3A_508, %add3A_511 : vector<16xi32>
    %add3A_513 = arith.constant 1 : i32
    %add3A_514 = vector.broadcast %add3A_513 : i32 to vector<16xi32>
    %add3A_515 = arith.addi %convert_element_type3A_509, %add3A_514 : vector<16xi32>
    %broadcast_in_dim3A_516 = arith.constant 0.000000e+00 : f32
    %broadcast_in_dim3A_517 = vector.broadcast %broadcast_in_dim3A_516 : f32 to vector<16xf32>
    %ge3A_518 = arith.constant 0 : i32
    %ge3A_519 = vector.broadcast %ge3A_518 : i32 to vector<16xi32>
    %ge3A_520 = arith.cmpi sge, %convert_element_type3A_508, %ge3A_519 : vector<16xi32>
    %le3A_521 = arith.constant 383 : i32
    %le3A_522 = vector.broadcast %le3A_521 : i32 to vector<16xi32>
    %le3A_523 = arith.cmpi sle, %convert_element_type3A_508, %le3A_522 : vector<16xi32>
    %and3A_524 = arith.andi %ge3A_520, %le3A_523 : vector<16xi1>
    %sub3A_525 = arith.constant 1.000000e+00 : f32
    %sub3A_526 = vector.broadcast %sub3A_525 : f32 to vector<16xf32>
    %sub3A_527 = arith.subf %sub3A_526, %sub3A_506 : vector<16xf32>
    %select_n3A_528 = arith.select %and3A_524, %sub3A_527, %broadcast_in_dim3A_517 : vector<16xi1>, vector<16xf32>
    %ge3A_529 = arith.constant 0 : i32
    %ge3A_530 = vector.broadcast %ge3A_529 : i32 to vector<16xi32>
    %ge3A_531 = arith.cmpi sge, %add3A_512, %ge3A_530 : vector<16xi32>
    %le3A_532 = arith.constant 383 : i32
    %le3A_533 = vector.broadcast %le3A_532 : i32 to vector<16xi32>
    %le3A_534 = arith.cmpi sle, %add3A_512, %le3A_533 : vector<16xi32>
    %and3A_535 = arith.andi %ge3A_531, %le3A_534 : vector<16xi1>
    %select_n3A_536 = arith.select %and3A_535, %sub3A_506, %broadcast_in_dim3A_517 : vector<16xi1>, vector<16xf32>
    %ge3A_537 = arith.constant 0 : i32
    %ge3A_538 = vector.broadcast %ge3A_537 : i32 to vector<16xi32>
    %ge3A_539 = arith.cmpi sge, %convert_element_type3A_509, %ge3A_538 : vector<16xi32>
    %le3A_540 = arith.constant 383 : i32
    %le3A_541 = vector.broadcast %le3A_540 : i32 to vector<16xi32>
    %le3A_542 = arith.cmpi sle, %convert_element_type3A_509, %le3A_541 : vector<16xi32>
    %and3A_543 = arith.andi %ge3A_539, %le3A_542 : vector<16xi1>
    %sub3A_544 = arith.constant 1.000000e+00 : f32
    %sub3A_545 = vector.broadcast %sub3A_544 : f32 to vector<16xf32>
    %sub3A_546 = arith.subf %sub3A_545, %sub3A_507 : vector<16xf32>
    %select_n3A_547 = arith.select %and3A_543, %sub3A_546, %broadcast_in_dim3A_517 : vector<16xi1>, vector<16xf32>
    %ge3A_548 = arith.constant 0 : i32
    %ge3A_549 = vector.broadcast %ge3A_548 : i32 to vector<16xi32>
    %ge3A_550 = arith.cmpi sge, %add3A_515, %ge3A_549 : vector<16xi32>
    %le3A_551 = arith.constant 383 : i32
    %le3A_552 = vector.broadcast %le3A_551 : i32 to vector<16xi32>
    %le3A_553 = arith.cmpi sle, %add3A_515, %le3A_552 : vector<16xi32>
    %and3A_554 = arith.andi %ge3A_550, %le3A_553 : vector<16xi1>
    %select_n3A_555 = arith.select %and3A_554, %sub3A_507, %broadcast_in_dim3A_517 : vector<16xi1>, vector<16xf32>
    %max3A_556 = arith.constant 0 : i32
    %max3A_557 = vector.broadcast %max3A_556 : i32 to vector<16xi32>
    %max3A_558 = arith.maxsi %convert_element_type3A_508, %max3A_557 : vector<16xi32>
    %min3A_559 = arith.constant 383 : i32
    %min3A_560 = vector.broadcast %min3A_559 : i32 to vector<16xi32>
    %min3A_561 = arith.minsi %max3A_558, %min3A_560 : vector<16xi32>
    %max3A_562 = arith.constant 0 : i32
    %max3A_563 = vector.broadcast %max3A_562 : i32 to vector<16xi32>
    %max3A_564 = arith.maxsi %add3A_512, %max3A_563 : vector<16xi32>
    %min3A_565 = arith.constant 383 : i32
    %min3A_566 = vector.broadcast %min3A_565 : i32 to vector<16xi32>
    %min3A_567 = arith.minsi %max3A_564, %min3A_566 : vector<16xi32>
    %max3A_568 = arith.constant 0 : i32
    %max3A_569 = vector.broadcast %max3A_568 : i32 to vector<16xi32>
    %max3A_570 = arith.maxsi %convert_element_type3A_509, %max3A_569 : vector<16xi32>
    %min3A_571 = arith.constant 383 : i32
    %min3A_572 = vector.broadcast %min3A_571 : i32 to vector<16xi32>
    %min3A_573 = arith.minsi %max3A_570, %min3A_572 : vector<16xi32>
    %max3A_574 = arith.constant 0 : i32
    %max3A_575 = vector.broadcast %max3A_574 : i32 to vector<16xi32>
    %max3A_576 = arith.maxsi %add3A_515, %max3A_575 : vector<16xi32>
    %min3A_577 = arith.constant 383 : i32
    %min3A_578 = vector.broadcast %min3A_577 : i32 to vector<16xi32>
    %min3A_579 = arith.minsi %max3A_576, %min3A_578 : vector<16xi32>
    %mul3A_580 = arith.constant 384 : i32
    %mul3A_581 = vector.broadcast %mul3A_580 : i32 to vector<16xi32>
    %mul3A_582 = arith.muli %min3A_573, %mul3A_581 : vector<16xi32>
    %add3A_583 = vector.broadcast %mul3A_18 : i32 to vector<16xi32>
    %add3A_584 = arith.addi %add3A_583, %mul3A_582 : vector<16xi32>
    %mul3A_585 = arith.constant 384 : i32
    %mul3A_586 = vector.broadcast %mul3A_585 : i32 to vector<16xi32>
    %mul3A_587 = arith.muli %min3A_579, %mul3A_586 : vector<16xi32>
    %add3A_588 = vector.broadcast %mul3A_18 : i32 to vector<16xi32>
    %add3A_589 = arith.addi %add3A_588, %mul3A_587 : vector<16xi32>
    %add3A_590 = arith.addi %add3A_584, %min3A_561 : vector<16xi32>
    %swap3A_591 = arith.constant 48 : index
    %swap3A_592 = tpu.vector_load %arg8[%swap3A_591] {strides = array<i32>} : memref<128xi32, #tpu.memory_space<vmem>>, vector<16xi32>,
    tpu.vector_store %arg8[%swap3A_591], %add3A_590 {strides = array<i32>} : memref<128xi32, #tpu.memory_space<vmem>>, vector<16xi32>,
    %add3A_593 = arith.addi %add3A_584, %min3A_567 : vector<16xi32>
    %swap3A_594 = arith.constant 48 : index
    %swap3A_595 = tpu.vector_load %arg9[%swap3A_594] {strides = array<i32>} : memref<128xi32, #tpu.memory_space<vmem>>, vector<16xi32>,
    tpu.vector_store %arg9[%swap3A_594], %add3A_593 {strides = array<i32>} : memref<128xi32, #tpu.memory_space<vmem>>, vector<16xi32>,
    %add3A_596 = arith.addi %add3A_589, %min3A_561 : vector<16xi32>
    %swap3A_597 = arith.constant 48 : index
    %swap3A_598 = tpu.vector_load %arg10[%swap3A_597] {strides = array<i32>} : memref<128xi32, #tpu.memory_space<vmem>>, vector<16xi32>,
    tpu.vector_store %arg10[%swap3A_597], %add3A_596 {strides = array<i32>} : memref<128xi32, #tpu.memory_space<vmem>>, vector<16xi32>,
    %add3A_599 = arith.addi %add3A_589, %min3A_567 : vector<16xi32>
    %swap3A_600 = arith.constant 48 : index
    %swap3A_601 = tpu.vector_load %arg11[%swap3A_600] {strides = array<i32>} : memref<128xi32, #tpu.memory_space<vmem>>, vector<16xi32>,
    tpu.vector_store %arg11[%swap3A_600], %add3A_599 {strides = array<i32>} : memref<128xi32, #tpu.memory_space<vmem>>, vector<16xi32>,
    %mul3A_602 = arith.mulf %select_n3A_547, %select_n3A_528 : vector<16xf32>
    %swap3A_603 = arith.constant 48 : index
    %swap3A_604 = tpu.vector_load %arg16[%swap3A_603] {strides = array<i32>} : memref<128xf32, #tpu.memory_space<vmem>>, vector<16xf32>,
    tpu.vector_store %arg16[%swap3A_603], %mul3A_602 {strides = array<i32>} : memref<128xf32, #tpu.memory_space<vmem>>, vector<16xf32>,
    %mul3A_605 = arith.mulf %select_n3A_547, %select_n3A_536 : vector<16xf32>
    %swap3A_606 = arith.constant 48 : index
    %swap3A_607 = tpu.vector_load %arg17[%swap3A_606] {strides = array<i32>} : memref<128xf32, #tpu.memory_space<vmem>>, vector<16xf32>,
    tpu.vector_store %arg17[%swap3A_606], %mul3A_605 {strides = array<i32>} : memref<128xf32, #tpu.memory_space<vmem>>, vector<16xf32>,
    %mul3A_608 = arith.mulf %select_n3A_555, %select_n3A_528 : vector<16xf32>
    %swap3A_609 = arith.constant 48 : index
    %swap3A_610 = tpu.vector_load %arg18[%swap3A_609] {strides = array<i32>} : memref<128xf32, #tpu.memory_space<vmem>>, vector<16xf32>,
    tpu.vector_store %arg18[%swap3A_609], %mul3A_608 {strides = array<i32>} : memref<128xf32, #tpu.memory_space<vmem>>, vector<16xf32>,
    %mul3A_611 = arith.mulf %select_n3A_555, %select_n3A_536 : vector<16xf32>
    %swap3A_612 = arith.constant 48 : index
    %swap3A_613 = tpu.vector_load %arg19[%swap3A_612] {strides = array<i32>} : memref<128xf32, #tpu.memory_space<vmem>>, vector<16xf32>,
    tpu.vector_store %arg19[%swap3A_612], %mul3A_611 {strides = array<i32>} : memref<128xf32, #tpu.memory_space<vmem>>, vector<16xf32>,
    %get3A_614 = arith.constant 64 : index
    %get3A_615 = tpu.vector_load %arg6[%get3A_614] {strides = array<i32>} : memref<128xf32, #tpu.memory_space<vmem>>, vector<16xf32>,
    %get3A_616 = arith.constant 64 : index
    %get3A_617 = tpu.vector_load %arg7[%get3A_616] {strides = array<i32>} : memref<128xf32, #tpu.memory_space<vmem>>, vector<16xf32>,
    %add3A_618 = arith.constant 1.000000e+00 : f32
    %add3A_619 = vector.broadcast %add3A_618 : f32 to vector<16xf32>
    %add3A_620 = arith.addf %get3A_615, %add3A_619 : vector<16xf32>
    %mul3A_621 = arith.constant 3.840000e+02 : f32
    %mul3A_622 = vector.broadcast %mul3A_621 : f32 to vector<16xf32>
    %mul3A_623 = arith.mulf %add3A_620, %mul3A_622 : vector<16xf32>
    %sub3A_624 = arith.constant 1.000000e+00 : f32
    %sub3A_625 = vector.broadcast %sub3A_624 : f32 to vector<16xf32>
    %sub3A_626 = arith.subf %mul3A_623, %sub3A_625 : vector<16xf32>
    %mul3A_627 = arith.constant 5.000000e-01 : f32
    %mul3A_628 = vector.broadcast %mul3A_627 : f32 to vector<16xf32>
    %mul3A_629 = arith.mulf %sub3A_626, %mul3A_628 : vector<16xf32>
    %add3A_630 = arith.constant 1.000000e+00 : f32
    %add3A_631 = vector.broadcast %add3A_630 : f32 to vector<16xf32>
    %add3A_632 = arith.addf %get3A_617, %add3A_631 : vector<16xf32>
    %mul3A_633 = arith.constant 3.840000e+02 : f32
    %mul3A_634 = vector.broadcast %mul3A_633 : f32 to vector<16xf32>
    %mul3A_635 = arith.mulf %add3A_632, %mul3A_634 : vector<16xf32>
    %sub3A_636 = arith.constant 1.000000e+00 : f32
    %sub3A_637 = vector.broadcast %sub3A_636 : f32 to vector<16xf32>
    %sub3A_638 = arith.subf %mul3A_635, %sub3A_637 : vector<16xf32>
    %mul3A_639 = arith.constant 5.000000e-01 : f32
    %mul3A_640 = vector.broadcast %mul3A_639 : f32 to vector<16xf32>
    %mul3A_641 = arith.mulf %sub3A_638, %mul3A_640 : vector<16xf32>
    %convert_element_type3A_642 = arith.fptosi %mul3A_629 : vector<16xf32> to vector<16xi32>
    %convert_element_type3A_643 = arith.sitofp %convert_element_type3A_642 : vector<16xi32> to vector<16xf32>
    %gt3A_644 = arith.cmpf ogt, %convert_element_type3A_643, %mul3A_629 : vector<16xf32>
    %sub3A_645 = arith.constant 1.000000e+00 : f32
    %sub3A_646 = vector.broadcast %sub3A_645 : f32 to vector<16xf32>
    %sub3A_647 = arith.subf %convert_element_type3A_643, %sub3A_646 : vector<16xf32>
    %select_n3A_648 = arith.select %gt3A_644, %sub3A_647, %convert_element_type3A_643 : vector<16xi1>, vector<16xf32>
    %convert_element_type3A_649 = arith.fptosi %mul3A_641 : vector<16xf32> to vector<16xi32>
    %convert_element_type3A_650 = arith.sitofp %convert_element_type3A_649 : vector<16xi32> to vector<16xf32>
    %gt3A_651 = arith.cmpf ogt, %convert_element_type3A_650, %mul3A_641 : vector<16xf32>
    %sub3A_652 = arith.constant 1.000000e+00 : f32
    %sub3A_653 = vector.broadcast %sub3A_652 : f32 to vector<16xf32>
    %sub3A_654 = arith.subf %convert_element_type3A_650, %sub3A_653 : vector<16xf32>
    %select_n3A_655 = arith.select %gt3A_651, %sub3A_654, %convert_element_type3A_650 : vector<16xi1>, vector<16xf32>
    %sub3A_656 = arith.subf %mul3A_629, %select_n3A_648 : vector<16xf32>
    %sub3A_657 = arith.subf %mul3A_641, %select_n3A_655 : vector<16xf32>
    %convert_element_type3A_658 = arith.fptosi %select_n3A_648 : vector<16xf32> to vector<16xi32>
    %convert_element_type3A_659 = arith.fptosi %select_n3A_655 : vector<16xf32> to vector<16xi32>
    %add3A_660 = arith.constant 1 : i32
    %add3A_661 = vector.broadcast %add3A_660 : i32 to vector<16xi32>
    %add3A_662 = arith.addi %convert_element_type3A_658, %add3A_661 : vector<16xi32>
    %add3A_663 = arith.constant 1 : i32
    %add3A_664 = vector.broadcast %add3A_663 : i32 to vector<16xi32>
    %add3A_665 = arith.addi %convert_element_type3A_659, %add3A_664 : vector<16xi32>
    %broadcast_in_dim3A_666 = arith.constant 0.000000e+00 : f32
    %broadcast_in_dim3A_667 = vector.broadcast %broadcast_in_dim3A_666 : f32 to vector<16xf32>
    %ge3A_668 = arith.constant 0 : i32
    %ge3A_669 = vector.broadcast %ge3A_668 : i32 to vector<16xi32>
    %ge3A_670 = arith.cmpi sge, %convert_element_type3A_658, %ge3A_669 : vector<16xi32>
    %le3A_671 = arith.constant 383 : i32
    %le3A_672 = vector.broadcast %le3A_671 : i32 to vector<16xi32>
    %le3A_673 = arith.cmpi sle, %convert_element_type3A_658, %le3A_672 : vector<16xi32>
    %and3A_674 = arith.andi %ge3A_670, %le3A_673 : vector<16xi1>
    %sub3A_675 = arith.constant 1.000000e+00 : f32
    %sub3A_676 = vector.broadcast %sub3A_675 : f32 to vector<16xf32>
    %sub3A_677 = arith.subf %sub3A_676, %sub3A_656 : vector<16xf32>
    %select_n3A_678 = arith.select %and3A_674, %sub3A_677, %broadcast_in_dim3A_667 : vector<16xi1>, vector<16xf32>
    %ge3A_679 = arith.constant 0 : i32
    %ge3A_680 = vector.broadcast %ge3A_679 : i32 to vector<16xi32>
    %ge3A_681 = arith.cmpi sge, %add3A_662, %ge3A_680 : vector<16xi32>
    %le3A_682 = arith.constant 383 : i32
    %le3A_683 = vector.broadcast %le3A_682 : i32 to vector<16xi32>
    %le3A_684 = arith.cmpi sle, %add3A_662, %le3A_683 : vector<16xi32>
    %and3A_685 = arith.andi %ge3A_681, %le3A_684 : vector<16xi1>
    %select_n3A_686 = arith.select %and3A_685, %sub3A_656, %broadcast_in_dim3A_667 : vector<16xi1>, vector<16xf32>
    %ge3A_687 = arith.constant 0 : i32
    %ge3A_688 = vector.broadcast %ge3A_687 : i32 to vector<16xi32>
    %ge3A_689 = arith.cmpi sge, %convert_element_type3A_659, %ge3A_688 : vector<16xi32>
    %le3A_690 = arith.constant 383 : i32
    %le3A_691 = vector.broadcast %le3A_690 : i32 to vector<16xi32>
    %le3A_692 = arith.cmpi sle, %convert_element_type3A_659, %le3A_691 : vector<16xi32>
    %and3A_693 = arith.andi %ge3A_689, %le3A_692 : vector<16xi1>
    %sub3A_694 = arith.constant 1.000000e+00 : f32
    %sub3A_695 = vector.broadcast %sub3A_694 : f32 to vector<16xf32>
    %sub3A_696 = arith.subf %sub3A_695, %sub3A_657 : vector<16xf32>
    %select_n3A_697 = arith.select %and3A_693, %sub3A_696, %broadcast_in_dim3A_667 : vector<16xi1>, vector<16xf32>
    %ge3A_698 = arith.constant 0 : i32
    %ge3A_699 = vector.broadcast %ge3A_698 : i32 to vector<16xi32>
    %ge3A_700 = arith.cmpi sge, %add3A_665, %ge3A_699 : vector<16xi32>
    %le3A_701 = arith.constant 383 : i32
    %le3A_702 = vector.broadcast %le3A_701 : i32 to vector<16xi32>
    %le3A_703 = arith.cmpi sle, %add3A_665, %le3A_702 : vector<16xi32>
    %and3A_704 = arith.andi %ge3A_700, %le3A_703 : vector<16xi1>
    %select_n3A_705 = arith.select %and3A_704, %sub3A_657, %broadcast_in_dim3A_667 : vector<16xi1>, vector<16xf32>
    %max3A_706 = arith.constant 0 : i32
    %max3A_707 = vector.broadcast %max3A_706 : i32 to vector<16xi32>
    %max3A_708 = arith.maxsi %convert_element_type3A_658, %max3A_707 : vector<16xi32>
    %min3A_709 = arith.constant 383 : i32
    %min3A_710 = vector.broadcast %min3A_709 : i32 to vector<16xi32>
    %min3A_711 = arith.minsi %max3A_708, %min3A_710 : vector<16xi32>
    %max3A_712 = arith.constant 0 : i32
    %max3A_713 = vector.broadcast %max3A_712 : i32 to vector<16xi32>
    %max3A_714 = arith.maxsi %add3A_662, %max3A_713 : vector<16xi32>
    %min3A_715 = arith.constant 383 : i32
    %min3A_716 = vector.broadcast %min3A_715 : i32 to vector<16xi32>
    %min3A_717 = arith.minsi %max3A_714, %min3A_716 : vector<16xi32>
    %max3A_718 = arith.constant 0 : i32
    %max3A_719 = vector.broadcast %max3A_718 : i32 to vector<16xi32>
    %max3A_720 = arith.maxsi %convert_element_type3A_659, %max3A_719 : vector<16xi32>
    %min3A_721 = arith.constant 383 : i32
    %min3A_722 = vector.broadcast %min3A_721 : i32 to vector<16xi32>
    %min3A_723 = arith.minsi %max3A_720, %min3A_722 : vector<16xi32>
    %max3A_724 = arith.constant 0 : i32
    %max3A_725 = vector.broadcast %max3A_724 : i32 to vector<16xi32>
    %max3A_726 = arith.maxsi %add3A_665, %max3A_725 : vector<16xi32>
    %min3A_727 = arith.constant 383 : i32
    %min3A_728 = vector.broadcast %min3A_727 : i32 to vector<16xi32>
    %min3A_729 = arith.minsi %max3A_726, %min3A_728 : vector<16xi32>
    %mul3A_730 = arith.constant 384 : i32
    %mul3A_731 = vector.broadcast %mul3A_730 : i32 to vector<16xi32>
    %mul3A_732 = arith.muli %min3A_723, %mul3A_731 : vector<16xi32>
    %add3A_733 = vector.broadcast %mul3A_18 : i32 to vector<16xi32>
    %add3A_734 = arith.addi %add3A_733, %mul3A_732 : vector<16xi32>
    %mul3A_735 = arith.constant 384 : i32
    %mul3A_736 = vector.broadcast %mul3A_735 : i32 to vector<16xi32>
    %mul3A_737 = arith.muli %min3A_729, %mul3A_736 : vector<16xi32>
    %add3A_738 = vector.broadcast %mul3A_18 : i32 to vector<16xi32>
    %add3A_739 = arith.addi %add3A_738, %mul3A_737 : vector<16xi32>
    %add3A_740 = arith.addi %add3A_734, %min3A_711 : vector<16xi32>
    %swap3A_741 = arith.constant 64 : index
    %swap3A_742 = tpu.vector_load %arg8[%swap3A_741] {strides = array<i32>} : memref<128xi32, #tpu.memory_space<vmem>>, vector<16xi32>,
    tpu.vector_store %arg8[%swap3A_741], %add3A_740 {strides = array<i32>} : memref<128xi32, #tpu.memory_space<vmem>>, vector<16xi32>,
    %add3A_743 = arith.addi %add3A_734, %min3A_717 : vector<16xi32>
    %swap3A_744 = arith.constant 64 : index
    %swap3A_745 = tpu.vector_load %arg9[%swap3A_744] {strides = array<i32>} : memref<128xi32, #tpu.memory_space<vmem>>, vector<16xi32>,
    tpu.vector_store %arg9[%swap3A_744], %add3A_743 {strides = array<i32>} : memref<128xi32, #tpu.memory_space<vmem>>, vector<16xi32>,
    %add3A_746 = arith.addi %add3A_739, %min3A_711 : vector<16xi32>
    %swap3A_747 = arith.constant 64 : index
    %swap3A_748 = tpu.vector_load %arg10[%swap3A_747] {strides = array<i32>} : memref<128xi32, #tpu.memory_space<vmem>>, vector<16xi32>,
    tpu.vector_store %arg10[%swap3A_747], %add3A_746 {strides = array<i32>} : memref<128xi32, #tpu.memory_space<vmem>>, vector<16xi32>,
    %add3A_749 = arith.addi %add3A_739, %min3A_717 : vector<16xi32>
    %swap3A_750 = arith.constant 64 : index
    %swap3A_751 = tpu.vector_load %arg11[%swap3A_750] {strides = array<i32>} : memref<128xi32, #tpu.memory_space<vmem>>, vector<16xi32>,
    tpu.vector_store %arg11[%swap3A_750], %add3A_749 {strides = array<i32>} : memref<128xi32, #tpu.memory_space<vmem>>, vector<16xi32>,
    %mul3A_752 = arith.mulf %select_n3A_697, %select_n3A_678 : vector<16xf32>
    %swap3A_753 = arith.constant 64 : index
    %swap3A_754 = tpu.vector_load %arg16[%swap3A_753] {strides = array<i32>} : memref<128xf32, #tpu.memory_space<vmem>>, vector<16xf32>,
    tpu.vector_store %arg16[%swap3A_753], %mul3A_752 {strides = array<i32>} : memref<128xf32, #tpu.memory_space<vmem>>, vector<16xf32>,
    %mul3A_755 = arith.mulf %select_n3A_697, %select_n3A_686 : vector<16xf32>
    %swap3A_756 = arith.constant 64 : index
    %swap3A_757 = tpu.vector_load %arg17[%swap3A_756] {strides = array<i32>} : memref<128xf32, #tpu.memory_space<vmem>>, vector<16xf32>,
    tpu.vector_store %arg17[%swap3A_756], %mul3A_755 {strides = array<i32>} : memref<128xf32, #tpu.memory_space<vmem>>, vector<16xf32>,
    %mul3A_758 = arith.mulf %select_n3A_705, %select_n3A_678 : vector<16xf32>
    %swap3A_759 = arith.constant 64 : index
    %swap3A_760 = tpu.vector_load %arg18[%swap3A_759] {strides = array<i32>} : memref<128xf32, #tpu.memory_space<vmem>>, vector<16xf32>,
    tpu.vector_store %arg18[%swap3A_759], %mul3A_758 {strides = array<i32>} : memref<128xf32, #tpu.memory_space<vmem>>, vector<16xf32>,
    %mul3A_761 = arith.mulf %select_n3A_705, %select_n3A_686 : vector<16xf32>
    %swap3A_762 = arith.constant 64 : index
    %swap3A_763 = tpu.vector_load %arg19[%swap3A_762] {strides = array<i32>} : memref<128xf32, #tpu.memory_space<vmem>>, vector<16xf32>,
    tpu.vector_store %arg19[%swap3A_762], %mul3A_761 {strides = array<i32>} : memref<128xf32, #tpu.memory_space<vmem>>, vector<16xf32>,
    %get3A_764 = arith.constant 80 : index
    %get3A_765 = tpu.vector_load %arg6[%get3A_764] {strides = array<i32>} : memref<128xf32, #tpu.memory_space<vmem>>, vector<16xf32>,
    %get3A_766 = arith.constant 80 : index
    %get3A_767 = tpu.vector_load %arg7[%get3A_766] {strides = array<i32>} : memref<128xf32, #tpu.memory_space<vmem>>, vector<16xf32>,
    %add3A_768 = arith.constant 1.000000e+00 : f32
    %add3A_769 = vector.broadcast %add3A_768 : f32 to vector<16xf32>
    %add3A_770 = arith.addf %get3A_765, %add3A_769 : vector<16xf32>
    %mul3A_771 = arith.constant 3.840000e+02 : f32
    %mul3A_772 = vector.broadcast %mul3A_771 : f32 to vector<16xf32>
    %mul3A_773 = arith.mulf %add3A_770, %mul3A_772 : vector<16xf32>
    %sub3A_774 = arith.constant 1.000000e+00 : f32
    %sub3A_775 = vector.broadcast %sub3A_774 : f32 to vector<16xf32>
    %sub3A_776 = arith.subf %mul3A_773, %sub3A_775 : vector<16xf32>
    %mul3A_777 = arith.constant 5.000000e-01 : f32
    %mul3A_778 = vector.broadcast %mul3A_777 : f32 to vector<16xf32>
    %mul3A_779 = arith.mulf %sub3A_776, %mul3A_778 : vector<16xf32>
    %add3A_780 = arith.constant 1.000000e+00 : f32
    %add3A_781 = vector.broadcast %add3A_780 : f32 to vector<16xf32>
    %add3A_782 = arith.addf %get3A_767, %add3A_781 : vector<16xf32>
    %mul3A_783 = arith.constant 3.840000e+02 : f32
    %mul3A_784 = vector.broadcast %mul3A_783 : f32 to vector<16xf32>
    %mul3A_785 = arith.mulf %add3A_782, %mul3A_784 : vector<16xf32>
    %sub3A_786 = arith.constant 1.000000e+00 : f32
    %sub3A_787 = vector.broadcast %sub3A_786 : f32 to vector<16xf32>
    %sub3A_788 = arith.subf %mul3A_785, %sub3A_787 : vector<16xf32>
    %mul3A_789 = arith.constant 5.000000e-01 : f32
    %mul3A_790 = vector.broadcast %mul3A_789 : f32 to vector<16xf32>
    %mul3A_791 = arith.mulf %sub3A_788, %mul3A_790 : vector<16xf32>
    %convert_element_type3A_792 = arith.fptosi %mul3A_779 : vector<16xf32> to vector<16xi32>
    %convert_element_type3A_793 = arith.sitofp %convert_element_type3A_792 : vector<16xi32> to vector<16xf32>
    %gt3A_794 = arith.cmpf ogt, %convert_element_type3A_793, %mul3A_779 : vector<16xf32>
    %sub3A_795 = arith.constant 1.000000e+00 : f32
    %sub3A_796 = vector.broadcast %sub3A_795 : f32 to vector<16xf32>
    %sub3A_797 = arith.subf %convert_element_type3A_793, %sub3A_796 : vector<16xf32>
    %select_n3A_798 = arith.select %gt3A_794, %sub3A_797, %convert_element_type3A_793 : vector<16xi1>, vector<16xf32>
    %convert_element_type3A_799 = arith.fptosi %mul3A_791 : vector<16xf32> to vector<16xi32>
    %convert_element_type3A_800 = arith.sitofp %convert_element_type3A_799 : vector<16xi32> to vector<16xf32>
    %gt3A_801 = arith.cmpf ogt, %convert_element_type3A_800, %mul3A_791 : vector<16xf32>
    %sub3A_802 = arith.constant 1.000000e+00 : f32
    %sub3A_803 = vector.broadcast %sub3A_802 : f32 to vector<16xf32>
    %sub3A_804 = arith.subf %convert_element_type3A_800, %sub3A_803 : vector<16xf32>
    %select_n3A_805 = arith.select %gt3A_801, %sub3A_804, %convert_element_type3A_800 : vector<16xi1>, vector<16xf32>
    %sub3A_806 = arith.subf %mul3A_779, %select_n3A_798 : vector<16xf32>
    %sub3A_807 = arith.subf %mul3A_791, %select_n3A_805 : vector<16xf32>
    %convert_element_type3A_808 = arith.fptosi %select_n3A_798 : vector<16xf32> to vector<16xi32>
    %convert_element_type3A_809 = arith.fptosi %select_n3A_805 : vector<16xf32> to vector<16xi32>
    %add3A_810 = arith.constant 1 : i32
    %add3A_811 = vector.broadcast %add3A_810 : i32 to vector<16xi32>
    %add3A_812 = arith.addi %convert_element_type3A_808, %add3A_811 : vector<16xi32>
    %add3A_813 = arith.constant 1 : i32
    %add3A_814 = vector.broadcast %add3A_813 : i32 to vector<16xi32>
    %add3A_815 = arith.addi %convert_element_type3A_809, %add3A_814 : vector<16xi32>
    %broadcast_in_dim3A_816 = arith.constant 0.000000e+00 : f32
    %broadcast_in_dim3A_817 = vector.broadcast %broadcast_in_dim3A_816 : f32 to vector<16xf32>
    %ge3A_818 = arith.constant 0 : i32
    %ge3A_819 = vector.broadcast %ge3A_818 : i32 to vector<16xi32>
    %ge3A_820 = arith.cmpi sge, %convert_element_type3A_808, %ge3A_819 : vector<16xi32>
    %le3A_821 = arith.constant 383 : i32
    %le3A_822 = vector.broadcast %le3A_821 : i32 to vector<16xi32>
    %le3A_823 = arith.cmpi sle, %convert_element_type3A_808, %le3A_822 : vector<16xi32>
    %and3A_824 = arith.andi %ge3A_820, %le3A_823 : vector<16xi1>
    %sub3A_825 = arith.constant 1.000000e+00 : f32
    %sub3A_826 = vector.broadcast %sub3A_825 : f32 to vector<16xf32>
    %sub3A_827 = arith.subf %sub3A_826, %sub3A_806 : vector<16xf32>
    %select_n3A_828 = arith.select %and3A_824, %sub3A_827, %broadcast_in_dim3A_817 : vector<16xi1>, vector<16xf32>
    %ge3A_829 = arith.constant 0 : i32
    %ge3A_830 = vector.broadcast %ge3A_829 : i32 to vector<16xi32>
    %ge3A_831 = arith.cmpi sge, %add3A_812, %ge3A_830 : vector<16xi32>
    %le3A_832 = arith.constant 383 : i32
    %le3A_833 = vector.broadcast %le3A_832 : i32 to vector<16xi32>
    %le3A_834 = arith.cmpi sle, %add3A_812, %le3A_833 : vector<16xi32>
    %and3A_835 = arith.andi %ge3A_831, %le3A_834 : vector<16xi1>
    %select_n3A_836 = arith.select %and3A_835, %sub3A_806, %broadcast_in_dim3A_817 : vector<16xi1>, vector<16xf32>
    %ge3A_837 = arith.constant 0 : i32
    %ge3A_838 = vector.broadcast %ge3A_837 : i32 to vector<16xi32>
    %ge3A_839 = arith.cmpi sge, %convert_element_type3A_809, %ge3A_838 : vector<16xi32>
    %le3A_840 = arith.constant 383 : i32
    %le3A_841 = vector.broadcast %le3A_840 : i32 to vector<16xi32>
    %le3A_842 = arith.cmpi sle, %convert_element_type3A_809, %le3A_841 : vector<16xi32>
    %and3A_843 = arith.andi %ge3A_839, %le3A_842 : vector<16xi1>
    %sub3A_844 = arith.constant 1.000000e+00 : f32
    %sub3A_845 = vector.broadcast %sub3A_844 : f32 to vector<16xf32>
    %sub3A_846 = arith.subf %sub3A_845, %sub3A_807 : vector<16xf32>
    %select_n3A_847 = arith.select %and3A_843, %sub3A_846, %broadcast_in_dim3A_817 : vector<16xi1>, vector<16xf32>
    %ge3A_848 = arith.constant 0 : i32
    %ge3A_849 = vector.broadcast %ge3A_848 : i32 to vector<16xi32>
    %ge3A_850 = arith.cmpi sge, %add3A_815, %ge3A_849 : vector<16xi32>
    %le3A_851 = arith.constant 383 : i32
    %le3A_852 = vector.broadcast %le3A_851 : i32 to vector<16xi32>
    %le3A_853 = arith.cmpi sle, %add3A_815, %le3A_852 : vector<16xi32>
    %and3A_854 = arith.andi %ge3A_850, %le3A_853 : vector<16xi1>
    %select_n3A_855 = arith.select %and3A_854, %sub3A_807, %broadcast_in_dim3A_817 : vector<16xi1>, vector<16xf32>
    %max3A_856 = arith.constant 0 : i32
    %max3A_857 = vector.broadcast %max3A_856 : i32 to vector<16xi32>
    %max3A_858 = arith.maxsi %convert_element_type3A_808, %max3A_857 : vector<16xi32>
    %min3A_859 = arith.constant 383 : i32
    %min3A_860 = vector.broadcast %min3A_859 : i32 to vector<16xi32>
    %min3A_861 = arith.minsi %max3A_858, %min3A_860 : vector<16xi32>
    %max3A_862 = arith.constant 0 : i32
    %max3A_863 = vector.broadcast %max3A_862 : i32 to vector<16xi32>
    %max3A_864 = arith.maxsi %add3A_812, %max3A_863 : vector<16xi32>
    %min3A_865 = arith.constant 383 : i32
    %min3A_866 = vector.broadcast %min3A_865 : i32 to vector<16xi32>
    %min3A_867 = arith.minsi %max3A_864, %min3A_866 : vector<16xi32>
    %max3A_868 = arith.constant 0 : i32
    %max3A_869 = vector.broadcast %max3A_868 : i32 to vector<16xi32>
    %max3A_870 = arith.maxsi %convert_element_type3A_809, %max3A_869 : vector<16xi32>
    %min3A_871 = arith.constant 383 : i32
    %min3A_872 = vector.broadcast %min3A_871 : i32 to vector<16xi32>
    %min3A_873 = arith.minsi %max3A_870, %min3A_872 : vector<16xi32>
    %max3A_874 = arith.constant 0 : i32
    %max3A_875 = vector.broadcast %max3A_874 : i32 to vector<16xi32>
    %max3A_876 = arith.maxsi %add3A_815, %max3A_875 : vector<16xi32>
    %min3A_877 = arith.constant 383 : i32
    %min3A_878 = vector.broadcast %min3A_877 : i32 to vector<16xi32>
    %min3A_879 = arith.minsi %max3A_876, %min3A_878 : vector<16xi32>
    %mul3A_880 = arith.constant 384 : i32
    %mul3A_881 = vector.broadcast %mul3A_880 : i32 to vector<16xi32>
    %mul3A_882 = arith.muli %min3A_873, %mul3A_881 : vector<16xi32>
    %add3A_883 = vector.broadcast %mul3A_18 : i32 to vector<16xi32>
    %add3A_884 = arith.addi %add3A_883, %mul3A_882 : vector<16xi32>
    %mul3A_885 = arith.constant 384 : i32
    %mul3A_886 = vector.broadcast %mul3A_885 : i32 to vector<16xi32>
    %mul3A_887 = arith.muli %min3A_879, %mul3A_886 : vector<16xi32>
    %add3A_888 = vector.broadcast %mul3A_18 : i32 to vector<16xi32>
    %add3A_889 = arith.addi %add3A_888, %mul3A_887 : vector<16xi32>
    %add3A_890 = arith.addi %add3A_884, %min3A_861 : vector<16xi32>
    %swap3A_891 = arith.constant 80 : index
    %swap3A_892 = tpu.vector_load %arg8[%swap3A_891] {strides = array<i32>} : memref<128xi32, #tpu.memory_space<vmem>>, vector<16xi32>,
    tpu.vector_store %arg8[%swap3A_891], %add3A_890 {strides = array<i32>} : memref<128xi32, #tpu.memory_space<vmem>>, vector<16xi32>,
    %add3A_893 = arith.addi %add3A_884, %min3A_867 : vector<16xi32>
    %swap3A_894 = arith.constant 80 : index
    %swap3A_895 = tpu.vector_load %arg9[%swap3A_894] {strides = array<i32>} : memref<128xi32, #tpu.memory_space<vmem>>, vector<16xi32>,
    tpu.vector_store %arg9[%swap3A_894], %add3A_893 {strides = array<i32>} : memref<128xi32, #tpu.memory_space<vmem>>, vector<16xi32>,
    %add3A_896 = arith.addi %add3A_889, %min3A_861 : vector<16xi32>
    %swap3A_897 = arith.constant 80 : index
    %swap3A_898 = tpu.vector_load %arg10[%swap3A_897] {strides = array<i32>} : memref<128xi32, #tpu.memory_space<vmem>>, vector<16xi32>,
    tpu.vector_store %arg10[%swap3A_897], %add3A_896 {strides = array<i32>} : memref<128xi32, #tpu.memory_space<vmem>>, vector<16xi32>,
    %add3A_899 = arith.addi %add3A_889, %min3A_867 : vector<16xi32>
    %swap3A_900 = arith.constant 80 : index
    %swap3A_901 = tpu.vector_load %arg11[%swap3A_900] {strides = array<i32>} : memref<128xi32, #tpu.memory_space<vmem>>, vector<16xi32>,
    tpu.vector_store %arg11[%swap3A_900], %add3A_899 {strides = array<i32>} : memref<128xi32, #tpu.memory_space<vmem>>, vector<16xi32>,
    %mul3A_902 = arith.mulf %select_n3A_847, %select_n3A_828 : vector<16xf32>
    %swap3A_903 = arith.constant 80 : index
    %swap3A_904 = tpu.vector_load %arg16[%swap3A_903] {strides = array<i32>} : memref<128xf32, #tpu.memory_space<vmem>>, vector<16xf32>,
    tpu.vector_store %arg16[%swap3A_903], %mul3A_902 {strides = array<i32>} : memref<128xf32, #tpu.memory_space<vmem>>, vector<16xf32>,
    %mul3A_905 = arith.mulf %select_n3A_847, %select_n3A_836 : vector<16xf32>
    %swap3A_906 = arith.constant 80 : index
    %swap3A_907 = tpu.vector_load %arg17[%swap3A_906] {strides = array<i32>} : memref<128xf32, #tpu.memory_space<vmem>>, vector<16xf32>,
    tpu.vector_store %arg17[%swap3A_906], %mul3A_905 {strides = array<i32>} : memref<128xf32, #tpu.memory_space<vmem>>, vector<16xf32>,
    %mul3A_908 = arith.mulf %select_n3A_855, %select_n3A_828 : vector<16xf32>
    %swap3A_909 = arith.constant 80 : index
    %swap3A_910 = tpu.vector_load %arg18[%swap3A_909] {strides = array<i32>} : memref<128xf32, #tpu.memory_space<vmem>>, vector<16xf32>,
    tpu.vector_store %arg18[%swap3A_909], %mul3A_908 {strides = array<i32>} : memref<128xf32, #tpu.memory_space<vmem>>, vector<16xf32>,
    %mul3A_911 = arith.mulf %select_n3A_855, %select_n3A_836 : vector<16xf32>
    %swap3A_912 = arith.constant 80 : index
    %swap3A_913 = tpu.vector_load %arg19[%swap3A_912] {strides = array<i32>} : memref<128xf32, #tpu.memory_space<vmem>>, vector<16xf32>,
    tpu.vector_store %arg19[%swap3A_912], %mul3A_911 {strides = array<i32>} : memref<128xf32, #tpu.memory_space<vmem>>, vector<16xf32>,
    %get3A_914 = arith.constant 96 : index
    %get3A_915 = tpu.vector_load %arg6[%get3A_914] {strides = array<i32>} : memref<128xf32, #tpu.memory_space<vmem>>, vector<16xf32>,
    %get3A_916 = arith.constant 96 : index
    %get3A_917 = tpu.vector_load %arg7[%get3A_916] {strides = array<i32>} : memref<128xf32, #tpu.memory_space<vmem>>, vector<16xf32>,
    %add3A_918 = arith.constant 1.000000e+00 : f32
    %add3A_919 = vector.broadcast %add3A_918 : f32 to vector<16xf32>
    %add3A_920 = arith.addf %get3A_915, %add3A_919 : vector<16xf32>
    %mul3A_921 = arith.constant 3.840000e+02 : f32
    %mul3A_922 = vector.broadcast %mul3A_921 : f32 to vector<16xf32>
    %mul3A_923 = arith.mulf %add3A_920, %mul3A_922 : vector<16xf32>
    %sub3A_924 = arith.constant 1.000000e+00 : f32
    %sub3A_925 = vector.broadcast %sub3A_924 : f32 to vector<16xf32>
    %sub3A_926 = arith.subf %mul3A_923, %sub3A_925 : vector<16xf32>
    %mul3A_927 = arith.constant 5.000000e-01 : f32
    %mul3A_928 = vector.broadcast %mul3A_927 : f32 to vector<16xf32>
    %mul3A_929 = arith.mulf %sub3A_926, %mul3A_928 : vector<16xf32>
    %add3A_930 = arith.constant 1.000000e+00 : f32
    %add3A_931 = vector.broadcast %add3A_930 : f32 to vector<16xf32>
    %add3A_932 = arith.addf %get3A_917, %add3A_931 : vector<16xf32>
    %mul3A_933 = arith.constant 3.840000e+02 : f32
    %mul3A_934 = vector.broadcast %mul3A_933 : f32 to vector<16xf32>
    %mul3A_935 = arith.mulf %add3A_932, %mul3A_934 : vector<16xf32>
    %sub3A_936 = arith.constant 1.000000e+00 : f32
    %sub3A_937 = vector.broadcast %sub3A_936 : f32 to vector<16xf32>
    %sub3A_938 = arith.subf %mul3A_935, %sub3A_937 : vector<16xf32>
    %mul3A_939 = arith.constant 5.000000e-01 : f32
    %mul3A_940 = vector.broadcast %mul3A_939 : f32 to vector<16xf32>
    %mul3A_941 = arith.mulf %sub3A_938, %mul3A_940 : vector<16xf32>
    %convert_element_type3A_942 = arith.fptosi %mul3A_929 : vector<16xf32> to vector<16xi32>
    %convert_element_type3A_943 = arith.sitofp %convert_element_type3A_942 : vector<16xi32> to vector<16xf32>
    %gt3A_944 = arith.cmpf ogt, %convert_element_type3A_943, %mul3A_929 : vector<16xf32>
    %sub3A_945 = arith.constant 1.000000e+00 : f32
    %sub3A_946 = vector.broadcast %sub3A_945 : f32 to vector<16xf32>
    %sub3A_947 = arith.subf %convert_element_type3A_943, %sub3A_946 : vector<16xf32>
    %select_n3A_948 = arith.select %gt3A_944, %sub3A_947, %convert_element_type3A_943 : vector<16xi1>, vector<16xf32>
    %convert_element_type3A_949 = arith.fptosi %mul3A_941 : vector<16xf32> to vector<16xi32>
    %convert_element_type3A_950 = arith.sitofp %convert_element_type3A_949 : vector<16xi32> to vector<16xf32>
    %gt3A_951 = arith.cmpf ogt, %convert_element_type3A_950, %mul3A_941 : vector<16xf32>
    %sub3A_952 = arith.constant 1.000000e+00 : f32
    %sub3A_953 = vector.broadcast %sub3A_952 : f32 to vector<16xf32>
    %sub3A_954 = arith.subf %convert_element_type3A_950, %sub3A_953 : vector<16xf32>
    %select_n3A_955 = arith.select %gt3A_951, %sub3A_954, %convert_element_type3A_950 : vector<16xi1>, vector<16xf32>
    %sub3A_956 = arith.subf %mul3A_929, %select_n3A_948 : vector<16xf32>
    %sub3A_957 = arith.subf %mul3A_941, %select_n3A_955 : vector<16xf32>
    %convert_element_type3A_958 = arith.fptosi %select_n3A_948 : vector<16xf32> to vector<16xi32>
    %convert_element_type3A_959 = arith.fptosi %select_n3A_955 : vector<16xf32> to vector<16xi32>
    %add3A_960 = arith.constant 1 : i32
    %add3A_961 = vector.broadcast %add3A_960 : i32 to vector<16xi32>
    %add3A_962 = arith.addi %convert_element_type3A_958, %add3A_961 : vector<16xi32>
    %add3A_963 = arith.constant 1 : i32
    %add3A_964 = vector.broadcast %add3A_963 : i32 to vector<16xi32>
    %add3A_965 = arith.addi %convert_element_type3A_959, %add3A_964 : vector<16xi32>
    %broadcast_in_dim3A_966 = arith.constant 0.000000e+00 : f32
    %broadcast_in_dim3A_967 = vector.broadcast %broadcast_in_dim3A_966 : f32 to vector<16xf32>
    %ge3A_968 = arith.constant 0 : i32
    %ge3A_969 = vector.broadcast %ge3A_968 : i32 to vector<16xi32>
    %ge3A_970 = arith.cmpi sge, %convert_element_type3A_958, %ge3A_969 : vector<16xi32>
    %le3A_971 = arith.constant 383 : i32
    %le3A_972 = vector.broadcast %le3A_971 : i32 to vector<16xi32>
    %le3A_973 = arith.cmpi sle, %convert_element_type3A_958, %le3A_972 : vector<16xi32>
    %and3A_974 = arith.andi %ge3A_970, %le3A_973 : vector<16xi1>
    %sub3A_975 = arith.constant 1.000000e+00 : f32
    %sub3A_976 = vector.broadcast %sub3A_975 : f32 to vector<16xf32>
    %sub3A_977 = arith.subf %sub3A_976, %sub3A_956 : vector<16xf32>
    %select_n3A_978 = arith.select %and3A_974, %sub3A_977, %broadcast_in_dim3A_967 : vector<16xi1>, vector<16xf32>
    %ge3A_979 = arith.constant 0 : i32
    %ge3A_980 = vector.broadcast %ge3A_979 : i32 to vector<16xi32>
    %ge3A_981 = arith.cmpi sge, %add3A_962, %ge3A_980 : vector<16xi32>
    %le3A_982 = arith.constant 383 : i32
    %le3A_983 = vector.broadcast %le3A_982 : i32 to vector<16xi32>
    %le3A_984 = arith.cmpi sle, %add3A_962, %le3A_983 : vector<16xi32>
    %and3A_985 = arith.andi %ge3A_981, %le3A_984 : vector<16xi1>
    %select_n3A_986 = arith.select %and3A_985, %sub3A_956, %broadcast_in_dim3A_967 : vector<16xi1>, vector<16xf32>
    %ge3A_987 = arith.constant 0 : i32
    %ge3A_988 = vector.broadcast %ge3A_987 : i32 to vector<16xi32>
    %ge3A_989 = arith.cmpi sge, %convert_element_type3A_959, %ge3A_988 : vector<16xi32>
    %le3A_990 = arith.constant 383 : i32
    %le3A_991 = vector.broadcast %le3A_990 : i32 to vector<16xi32>
    %le3A_992 = arith.cmpi sle, %convert_element_type3A_959, %le3A_991 : vector<16xi32>
    %and3A_993 = arith.andi %ge3A_989, %le3A_992 : vector<16xi1>
    %sub3A_994 = arith.constant 1.000000e+00 : f32
    %sub3A_995 = vector.broadcast %sub3A_994 : f32 to vector<16xf32>
    %sub3A_996 = arith.subf %sub3A_995, %sub3A_957 : vector<16xf32>
    %select_n3A_997 = arith.select %and3A_993, %sub3A_996, %broadcast_in_dim3A_967 : vector<16xi1>, vector<16xf32>
    %ge3A_998 = arith.constant 0 : i32
    %ge3A_999 = vector.broadcast %ge3A_998 : i32 to vector<16xi32>
    %ge3A_1000 = arith.cmpi sge, %add3A_965, %ge3A_999 : vector<16xi32>
    %le3A_1001 = arith.constant 383 : i32
    %le3A_1002 = vector.broadcast %le3A_1001 : i32 to vector<16xi32>
    %le3A_1003 = arith.cmpi sle, %add3A_965, %le3A_1002 : vector<16xi32>
    %and3A_1004 = arith.andi %ge3A_1000, %le3A_1003 : vector<16xi1>
    %select_n3A_1005 = arith.select %and3A_1004, %sub3A_957, %broadcast_in_dim3A_967 : vector<16xi1>, vector<16xf32>
    %max3A_1006 = arith.constant 0 : i32
    %max3A_1007 = vector.broadcast %max3A_1006 : i32 to vector<16xi32>
    %max3A_1008 = arith.maxsi %convert_element_type3A_958, %max3A_1007 : vector<16xi32>
    %min3A_1009 = arith.constant 383 : i32
    %min3A_1010 = vector.broadcast %min3A_1009 : i32 to vector<16xi32>
    %min3A_1011 = arith.minsi %max3A_1008, %min3A_1010 : vector<16xi32>
    %max3A_1012 = arith.constant 0 : i32
    %max3A_1013 = vector.broadcast %max3A_1012 : i32 to vector<16xi32>
    %max3A_1014 = arith.maxsi %add3A_962, %max3A_1013 : vector<16xi32>
    %min3A_1015 = arith.constant 383 : i32
    %min3A_1016 = vector.broadcast %min3A_1015 : i32 to vector<16xi32>
    %min3A_1017 = arith.minsi %max3A_1014, %min3A_1016 : vector<16xi32>
    %max3A_1018 = arith.constant 0 : i32
    %max3A_1019 = vector.broadcast %max3A_1018 : i32 to vector<16xi32>
    %max3A_1020 = arith.maxsi %convert_element_type3A_959, %max3A_1019 : vector<16xi32>
    %min3A_1021 = arith.constant 383 : i32
    %min3A_1022 = vector.broadcast %min3A_1021 : i32 to vector<16xi32>
    %min3A_1023 = arith.minsi %max3A_1020, %min3A_1022 : vector<16xi32>
    %max3A_1024 = arith.constant 0 : i32
    %max3A_1025 = vector.broadcast %max3A_1024 : i32 to vector<16xi32>
    %max3A_1026 = arith.maxsi %add3A_965, %max3A_1025 : vector<16xi32>
    %min3A_1027 = arith.constant 383 : i32
    %min3A_1028 = vector.broadcast %min3A_1027 : i32 to vector<16xi32>
    %min3A_1029 = arith.minsi %max3A_1026, %min3A_1028 : vector<16xi32>
    %mul3A_1030 = arith.constant 384 : i32
    %mul3A_1031 = vector.broadcast %mul3A_1030 : i32 to vector<16xi32>
    %mul3A_1032 = arith.muli %min3A_1023, %mul3A_1031 : vector<16xi32>
    %add3A_1033 = vector.broadcast %mul3A_18 : i32 to vector<16xi32>
    %add3A_1034 = arith.addi %add3A_1033, %mul3A_1032 : vector<16xi32>
    %mul3A_1035 = arith.constant 384 : i32
    %mul3A_1036 = vector.broadcast %mul3A_1035 : i32 to vector<16xi32>
    %mul3A_1037 = arith.muli %min3A_1029, %mul3A_1036 : vector<16xi32>
    %add3A_1038 = vector.broadcast %mul3A_18 : i32 to vector<16xi32>
    %add3A_1039 = arith.addi %add3A_1038, %mul3A_1037 : vector<16xi32>
    %add3A_1040 = arith.addi %add3A_1034, %min3A_1011 : vector<16xi32>
    %swap3A_1041 = arith.constant 96 : index
    %swap3A_1042 = tpu.vector_load %arg8[%swap3A_1041] {strides = array<i32>} : memref<128xi32, #tpu.memory_space<vmem>>, vector<16xi32>,
    tpu.vector_store %arg8[%swap3A_1041], %add3A_1040 {strides = array<i32>} : memref<128xi32, #tpu.memory_space<vmem>>, vector<16xi32>,
    %add3A_1043 = arith.addi %add3A_1034, %min3A_1017 : vector<16xi32>
    %swap3A_1044 = arith.constant 96 : index
    %swap3A_1045 = tpu.vector_load %arg9[%swap3A_1044] {strides = array<i32>} : memref<128xi32, #tpu.memory_space<vmem>>, vector<16xi32>,
    tpu.vector_store %arg9[%swap3A_1044], %add3A_1043 {strides = array<i32>} : memref<128xi32, #tpu.memory_space<vmem>>, vector<16xi32>,
    %add3A_1046 = arith.addi %add3A_1039, %min3A_1011 : vector<16xi32>
    %swap3A_1047 = arith.constant 96 : index
    %swap3A_1048 = tpu.vector_load %arg10[%swap3A_1047] {strides = array<i32>} : memref<128xi32, #tpu.memory_space<vmem>>, vector<16xi32>,
    tpu.vector_store %arg10[%swap3A_1047], %add3A_1046 {strides = array<i32>} : memref<128xi32, #tpu.memory_space<vmem>>, vector<16xi32>,
    %add3A_1049 = arith.addi %add3A_1039, %min3A_1017 : vector<16xi32>
    %swap3A_1050 = arith.constant 96 : index
    %swap3A_1051 = tpu.vector_load %arg11[%swap3A_1050] {strides = array<i32>} : memref<128xi32, #tpu.memory_space<vmem>>, vector<16xi32>,
    tpu.vector_store %arg11[%swap3A_1050], %add3A_1049 {strides = array<i32>} : memref<128xi32, #tpu.memory_space<vmem>>, vector<16xi32>,
    %mul3A_1052 = arith.mulf %select_n3A_997, %select_n3A_978 : vector<16xf32>
    %swap3A_1053 = arith.constant 96 : index
    %swap3A_1054 = tpu.vector_load %arg16[%swap3A_1053] {strides = array<i32>} : memref<128xf32, #tpu.memory_space<vmem>>, vector<16xf32>,
    tpu.vector_store %arg16[%swap3A_1053], %mul3A_1052 {strides = array<i32>} : memref<128xf32, #tpu.memory_space<vmem>>, vector<16xf32>,
    %mul3A_1055 = arith.mulf %select_n3A_997, %select_n3A_986 : vector<16xf32>
    %swap3A_1056 = arith.constant 96 : index
    %swap3A_1057 = tpu.vector_load %arg17[%swap3A_1056] {strides = array<i32>} : memref<128xf32, #tpu.memory_space<vmem>>, vector<16xf32>,
    tpu.vector_store %arg17[%swap3A_1056], %mul3A_1055 {strides = array<i32>} : memref<128xf32, #tpu.memory_space<vmem>>, vector<16xf32>,
    %mul3A_1058 = arith.mulf %select_n3A_1005, %select_n3A_978 : vector<16xf32>
    %swap3A_1059 = arith.constant 96 : index
    %swap3A_1060 = tpu.vector_load %arg18[%swap3A_1059] {strides = array<i32>} : memref<128xf32, #tpu.memory_space<vmem>>, vector<16xf32>,
    tpu.vector_store %arg18[%swap3A_1059], %mul3A_1058 {strides = array<i32>} : memref<128xf32, #tpu.memory_space<vmem>>, vector<16xf32>,
    %mul3A_1061 = arith.mulf %select_n3A_1005, %select_n3A_986 : vector<16xf32>
    %swap3A_1062 = arith.constant 96 : index
    %swap3A_1063 = tpu.vector_load %arg19[%swap3A_1062] {strides = array<i32>} : memref<128xf32, #tpu.memory_space<vmem>>, vector<16xf32>,
    tpu.vector_store %arg19[%swap3A_1062], %mul3A_1061 {strides = array<i32>} : memref<128xf32, #tpu.memory_space<vmem>>, vector<16xf32>,
    %get3A_1064 = arith.constant 112 : index
    %get3A_1065 = tpu.vector_load %arg6[%get3A_1064] {strides = array<i32>} : memref<128xf32, #tpu.memory_space<vmem>>, vector<16xf32>,
    %get3A_1066 = arith.constant 112 : index
    %get3A_1067 = tpu.vector_load %arg7[%get3A_1066] {strides = array<i32>} : memref<128xf32, #tpu.memory_space<vmem>>, vector<16xf32>,
    %add3A_1068 = arith.constant 1.000000e+00 : f32
    %add3A_1069 = vector.broadcast %add3A_1068 : f32 to vector<16xf32>
    %add3A_1070 = arith.addf %get3A_1065, %add3A_1069 : vector<16xf32>
    %mul3A_1071 = arith.constant 3.840000e+02 : f32
    %mul3A_1072 = vector.broadcast %mul3A_1071 : f32 to vector<16xf32>
    %mul3A_1073 = arith.mulf %add3A_1070, %mul3A_1072 : vector<16xf32>
    %sub3A_1074 = arith.constant 1.000000e+00 : f32
    %sub3A_1075 = vector.broadcast %sub3A_1074 : f32 to vector<16xf32>
    %sub3A_1076 = arith.subf %mul3A_1073, %sub3A_1075 : vector<16xf32>
    %mul3A_1077 = arith.constant 5.000000e-01 : f32
    %mul3A_1078 = vector.broadcast %mul3A_1077 : f32 to vector<16xf32>
    %mul3A_1079 = arith.mulf %sub3A_1076, %mul3A_1078 : vector<16xf32>
    %add3A_1080 = arith.constant 1.000000e+00 : f32
    %add3A_1081 = vector.broadcast %add3A_1080 : f32 to vector<16xf32>
    %add3A_1082 = arith.addf %get3A_1067, %add3A_1081 : vector<16xf32>
    %mul3A_1083 = arith.constant 3.840000e+02 : f32
    %mul3A_1084 = vector.broadcast %mul3A_1083 : f32 to vector<16xf32>
    %mul3A_1085 = arith.mulf %add3A_1082, %mul3A_1084 : vector<16xf32>
    %sub3A_1086 = arith.constant 1.000000e+00 : f32
    %sub3A_1087 = vector.broadcast %sub3A_1086 : f32 to vector<16xf32>
    %sub3A_1088 = arith.subf %mul3A_1085, %sub3A_1087 : vector<16xf32>
    %mul3A_1089 = arith.constant 5.000000e-01 : f32
    %mul3A_1090 = vector.broadcast %mul3A_1089 : f32 to vector<16xf32>
    %mul3A_1091 = arith.mulf %sub3A_1088, %mul3A_1090 : vector<16xf32>
    %convert_element_type3A_1092 = arith.fptosi %mul3A_1079 : vector<16xf32> to vector<16xi32>
    %convert_element_type3A_1093 = arith.sitofp %convert_element_type3A_1092 : vector<16xi32> to vector<16xf32>
    %gt3A_1094 = arith.cmpf ogt, %convert_element_type3A_1093, %mul3A_1079 : vector<16xf32>
    %sub3A_1095 = arith.constant 1.000000e+00 : f32
    %sub3A_1096 = vector.broadcast %sub3A_1095 : f32 to vector<16xf32>
    %sub3A_1097 = arith.subf %convert_element_type3A_1093, %sub3A_1096 : vector<16xf32>
    %select_n3A_1098 = arith.select %gt3A_1094, %sub3A_1097, %convert_element_type3A_1093 : vector<16xi1>, vector<16xf32>
    %convert_element_type3A_1099 = arith.fptosi %mul3A_1091 : vector<16xf32> to vector<16xi32>
    %convert_element_type3A_1100 = arith.sitofp %convert_element_type3A_1099 : vector<16xi32> to vector<16xf32>
    %gt3A_1101 = arith.cmpf ogt, %convert_element_type3A_1100, %mul3A_1091 : vector<16xf32>
    %sub3A_1102 = arith.constant 1.000000e+00 : f32
    %sub3A_1103 = vector.broadcast %sub3A_1102 : f32 to vector<16xf32>
    %sub3A_1104 = arith.subf %convert_element_type3A_1100, %sub3A_1103 : vector<16xf32>
    %select_n3A_1105 = arith.select %gt3A_1101, %sub3A_1104, %convert_element_type3A_1100 : vector<16xi1>, vector<16xf32>
    %sub3A_1106 = arith.subf %mul3A_1079, %select_n3A_1098 : vector<16xf32>
    %sub3A_1107 = arith.subf %mul3A_1091, %select_n3A_1105 : vector<16xf32>
    %convert_element_type3A_1108 = arith.fptosi %select_n3A_1098 : vector<16xf32> to vector<16xi32>
    %convert_element_type3A_1109 = arith.fptosi %select_n3A_1105 : vector<16xf32> to vector<16xi32>
    %add3A_1110 = arith.constant 1 : i32
    %add3A_1111 = vector.broadcast %add3A_1110 : i32 to vector<16xi32>
    %add3A_1112 = arith.addi %convert_element_type3A_1108, %add3A_1111 : vector<16xi32>
    %add3A_1113 = arith.constant 1 : i32
    %add3A_1114 = vector.broadcast %add3A_1113 : i32 to vector<16xi32>
    %add3A_1115 = arith.addi %convert_element_type3A_1109, %add3A_1114 : vector<16xi32>
    %broadcast_in_dim3A_1116 = arith.constant 0.000000e+00 : f32
    %broadcast_in_dim3A_1117 = vector.broadcast %broadcast_in_dim3A_1116 : f32 to vector<16xf32>
    %ge3A_1118 = arith.constant 0 : i32
    %ge3A_1119 = vector.broadcast %ge3A_1118 : i32 to vector<16xi32>
    %ge3A_1120 = arith.cmpi sge, %convert_element_type3A_1108, %ge3A_1119 : vector<16xi32>
    %le3A_1121 = arith.constant 383 : i32
    %le3A_1122 = vector.broadcast %le3A_1121 : i32 to vector<16xi32>
    %le3A_1123 = arith.cmpi sle, %convert_element_type3A_1108, %le3A_1122 : vector<16xi32>
    %and3A_1124 = arith.andi %ge3A_1120, %le3A_1123 : vector<16xi1>
    %sub3A_1125 = arith.constant 1.000000e+00 : f32
    %sub3A_1126 = vector.broadcast %sub3A_1125 : f32 to vector<16xf32>
    %sub3A_1127 = arith.subf %sub3A_1126, %sub3A_1106 : vector<16xf32>
    %select_n3A_1128 = arith.select %and3A_1124, %sub3A_1127, %broadcast_in_dim3A_1117 : vector<16xi1>, vector<16xf32>
    %ge3A_1129 = arith.constant 0 : i32
    %ge3A_1130 = vector.broadcast %ge3A_1129 : i32 to vector<16xi32>
    %ge3A_1131 = arith.cmpi sge, %add3A_1112, %ge3A_1130 : vector<16xi32>
    %le3A_1132 = arith.constant 383 : i32
    %le3A_1133 = vector.broadcast %le3A_1132 : i32 to vector<16xi32>
    %le3A_1134 = arith.cmpi sle, %add3A_1112, %le3A_1133 : vector<16xi32>
    %and3A_1135 = arith.andi %ge3A_1131, %le3A_1134 : vector<16xi1>
    %select_n3A_1136 = arith.select %and3A_1135, %sub3A_1106, %broadcast_in_dim3A_1117 : vector<16xi1>, vector<16xf32>
    %ge3A_1137 = arith.constant 0 : i32
    %ge3A_1138 = vector.broadcast %ge3A_1137 : i32 to vector<16xi32>
    %ge3A_1139 = arith.cmpi sge, %convert_element_type3A_1109, %ge3A_1138 : vector<16xi32>
    %le3A_1140 = arith.constant 383 : i32
    %le3A_1141 = vector.broadcast %le3A_1140 : i32 to vector<16xi32>
    %le3A_1142 = arith.cmpi sle, %convert_element_type3A_1109, %le3A_1141 : vector<16xi32>
    %and3A_1143 = arith.andi %ge3A_1139, %le3A_1142 : vector<16xi1>
    %sub3A_1144 = arith.constant 1.000000e+00 : f32
    %sub3A_1145 = vector.broadcast %sub3A_1144 : f32 to vector<16xf32>
    %sub3A_1146 = arith.subf %sub3A_1145, %sub3A_1107 : vector<16xf32>
    %select_n3A_1147 = arith.select %and3A_1143, %sub3A_1146, %broadcast_in_dim3A_1117 : vector<16xi1>, vector<16xf32>
    %ge3A_1148 = arith.constant 0 : i32
    %ge3A_1149 = vector.broadcast %ge3A_1148 : i32 to vector<16xi32>
    %ge3A_1150 = arith.cmpi sge, %add3A_1115, %ge3A_1149 : vector<16xi32>
    %le3A_1151 = arith.constant 383 : i32
    %le3A_1152 = vector.broadcast %le3A_1151 : i32 to vector<16xi32>
    %le3A_1153 = arith.cmpi sle, %add3A_1115, %le3A_1152 : vector<16xi32>
    %and3A_1154 = arith.andi %ge3A_1150, %le3A_1153 : vector<16xi1>
    %select_n3A_1155 = arith.select %and3A_1154, %sub3A_1107, %broadcast_in_dim3A_1117 : vector<16xi1>, vector<16xf32>
    %max3A_1156 = arith.constant 0 : i32
    %max3A_1157 = vector.broadcast %max3A_1156 : i32 to vector<16xi32>
    %max3A_1158 = arith.maxsi %convert_element_type3A_1108, %max3A_1157 : vector<16xi32>
    %min3A_1159 = arith.constant 383 : i32
    %min3A_1160 = vector.broadcast %min3A_1159 : i32 to vector<16xi32>
    %min3A_1161 = arith.minsi %max3A_1158, %min3A_1160 : vector<16xi32>
    %max3A_1162 = arith.constant 0 : i32
    %max3A_1163 = vector.broadcast %max3A_1162 : i32 to vector<16xi32>
    %max3A_1164 = arith.maxsi %add3A_1112, %max3A_1163 : vector<16xi32>
    %min3A_1165 = arith.constant 383 : i32
    %min3A_1166 = vector.broadcast %min3A_1165 : i32 to vector<16xi32>
    %min3A_1167 = arith.minsi %max3A_1164, %min3A_1166 : vector<16xi32>
    %max3A_1168 = arith.constant 0 : i32
    %max3A_1169 = vector.broadcast %max3A_1168 : i32 to vector<16xi32>
    %max3A_1170 = arith.maxsi %convert_element_type3A_1109, %max3A_1169 : vector<16xi32>
    %min3A_1171 = arith.constant 383 : i32
    %min3A_1172 = vector.broadcast %min3A_1171 : i32 to vector<16xi32>
    %min3A_1173 = arith.minsi %max3A_1170, %min3A_1172 : vector<16xi32>
    %max3A_1174 = arith.constant 0 : i32
    %max3A_1175 = vector.broadcast %max3A_1174 : i32 to vector<16xi32>
    %max3A_1176 = arith.maxsi %add3A_1115, %max3A_1175 : vector<16xi32>
    %min3A_1177 = arith.constant 383 : i32
    %min3A_1178 = vector.broadcast %min3A_1177 : i32 to vector<16xi32>
    %min3A_1179 = arith.minsi %max3A_1176, %min3A_1178 : vector<16xi32>
    %mul3A_1180 = arith.constant 384 : i32
    %mul3A_1181 = vector.broadcast %mul3A_1180 : i32 to vector<16xi32>
    %mul3A_1182 = arith.muli %min3A_1173, %mul3A_1181 : vector<16xi32>
    %add3A_1183 = vector.broadcast %mul3A_18 : i32 to vector<16xi32>
    %add3A_1184 = arith.addi %add3A_1183, %mul3A_1182 : vector<16xi32>
    %mul3A_1185 = arith.constant 384 : i32
    %mul3A_1186 = vector.broadcast %mul3A_1185 : i32 to vector<16xi32>
    %mul3A_1187 = arith.muli %min3A_1179, %mul3A_1186 : vector<16xi32>
    %add3A_1188 = vector.broadcast %mul3A_18 : i32 to vector<16xi32>
    %add3A_1189 = arith.addi %add3A_1188, %mul3A_1187 : vector<16xi32>
    %add3A_1190 = arith.addi %add3A_1184, %min3A_1161 : vector<16xi32>
    %swap3A_1191 = arith.constant 112 : index
    %swap3A_1192 = tpu.vector_load %arg8[%swap3A_1191] {strides = array<i32>} : memref<128xi32, #tpu.memory_space<vmem>>, vector<16xi32>,
    tpu.vector_store %arg8[%swap3A_1191], %add3A_1190 {strides = array<i32>} : memref<128xi32, #tpu.memory_space<vmem>>, vector<16xi32>,
    %add3A_1193 = arith.addi %add3A_1184, %min3A_1167 : vector<16xi32>
    %swap3A_1194 = arith.constant 112 : index
    %swap3A_1195 = tpu.vector_load %arg9[%swap3A_1194] {strides = array<i32>} : memref<128xi32, #tpu.memory_space<vmem>>, vector<16xi32>,
    tpu.vector_store %arg9[%swap3A_1194], %add3A_1193 {strides = array<i32>} : memref<128xi32, #tpu.memory_space<vmem>>, vector<16xi32>,
    %add3A_1196 = arith.addi %add3A_1189, %min3A_1161 : vector<16xi32>
    %swap3A_1197 = arith.constant 112 : index
    %swap3A_1198 = tpu.vector_load %arg10[%swap3A_1197] {strides = array<i32>} : memref<128xi32, #tpu.memory_space<vmem>>, vector<16xi32>,
    tpu.vector_store %arg10[%swap3A_1197], %add3A_1196 {strides = array<i32>} : memref<128xi32, #tpu.memory_space<vmem>>, vector<16xi32>,
    %add3A_1199 = arith.addi %add3A_1189, %min3A_1167 : vector<16xi32>
    %swap3A_1200 = arith.constant 112 : index
    %swap3A_1201 = tpu.vector_load %arg11[%swap3A_1200] {strides = array<i32>} : memref<128xi32, #tpu.memory_space<vmem>>, vector<16xi32>,
    tpu.vector_store %arg11[%swap3A_1200], %add3A_1199 {strides = array<i32>} : memref<128xi32, #tpu.memory_space<vmem>>, vector<16xi32>,
    %mul3A_1202 = arith.mulf %select_n3A_1147, %select_n3A_1128 : vector<16xf32>
    %swap3A_1203 = arith.constant 112 : index
    %swap3A_1204 = tpu.vector_load %arg16[%swap3A_1203] {strides = array<i32>} : memref<128xf32, #tpu.memory_space<vmem>>, vector<16xf32>,
    tpu.vector_store %arg16[%swap3A_1203], %mul3A_1202 {strides = array<i32>} : memref<128xf32, #tpu.memory_space<vmem>>, vector<16xf32>,
    %mul3A_1205 = arith.mulf %select_n3A_1147, %select_n3A_1136 : vector<16xf32>
    %swap3A_1206 = arith.constant 112 : index
    %swap3A_1207 = tpu.vector_load %arg17[%swap3A_1206] {strides = array<i32>} : memref<128xf32, #tpu.memory_space<vmem>>, vector<16xf32>,
    tpu.vector_store %arg17[%swap3A_1206], %mul3A_1205 {strides = array<i32>} : memref<128xf32, #tpu.memory_space<vmem>>, vector<16xf32>,
    %mul3A_1208 = arith.mulf %select_n3A_1155, %select_n3A_1128 : vector<16xf32>
    %swap3A_1209 = arith.constant 112 : index
    %swap3A_1210 = tpu.vector_load %arg18[%swap3A_1209] {strides = array<i32>} : memref<128xf32, #tpu.memory_space<vmem>>, vector<16xf32>,
    tpu.vector_store %arg18[%swap3A_1209], %mul3A_1208 {strides = array<i32>} : memref<128xf32, #tpu.memory_space<vmem>>, vector<16xf32>,
    %mul3A_1211 = arith.mulf %select_n3A_1155, %select_n3A_1136 : vector<16xf32>
    %swap3A_1212 = arith.constant 112 : index
    %swap3A_1213 = tpu.vector_load %arg19[%swap3A_1212] {strides = array<i32>} : memref<128xf32, #tpu.memory_space<vmem>>, vector<16xf32>,
    tpu.vector_store %arg19[%swap3A_1212], %mul3A_1211 {strides = array<i32>} : memref<128xf32, #tpu.memory_space<vmem>>, vector<16xf32>,
    %dma_start3A = arith.constant 0 : i32
    %dma_start3A_1214 = arith.constant 0 : i32
    %dma_start3A_1215 = tpu.memref_slice %arg2[%dma_start3A, %dma_start3A_1214] : memref<589824x96xbf16, #tpu.memory_space<hbm>> -> memref<589824x96xbf16, #tpu.memory_space<hbm>>
    tpu.enqueue_indirect_dma source(%dma_start3A_1215 : memref<589824x96xbf16, #tpu.memory_space<hbm>>) target(%arg24 : memref<128x96xbf16, #tpu.memory_space<vmem>>) offsets(%arg8 : memref<128xi32, #tpu.memory_space<vmem>>) semaphore(%arg34 : memref<!tpu.dma_semaphore, #tpu.memory_space<semaphore_mem>>)
    %dma_start3A_1216 = arith.constant 0 : i32
    %dma_start3A_1217 = arith.constant 0 : i32
    %dma_start3A_1218 = tpu.memref_slice %arg2[%dma_start3A_1216, %dma_start3A_1217] : memref<589824x96xbf16, #tpu.memory_space<hbm>> -> memref<589824x96xbf16, #tpu.memory_space<hbm>>
    tpu.enqueue_indirect_dma source(%dma_start3A_1218 : memref<589824x96xbf16, #tpu.memory_space<hbm>>) target(%arg25 : memref<128x96xbf16, #tpu.memory_space<vmem>>) offsets(%arg9 : memref<128xi32, #tpu.memory_space<vmem>>) semaphore(%arg34 : memref<!tpu.dma_semaphore, #tpu.memory_space<semaphore_mem>>)
    %dma_start3A_1219 = arith.constant 0 : i32
    %dma_start3A_1220 = arith.constant 0 : i32
    %dma_start3A_1221 = tpu.memref_slice %arg2[%dma_start3A_1219, %dma_start3A_1220] : memref<589824x96xbf16, #tpu.memory_space<hbm>> -> memref<589824x96xbf16, #tpu.memory_space<hbm>>
    tpu.enqueue_indirect_dma source(%dma_start3A_1221 : memref<589824x96xbf16, #tpu.memory_space<hbm>>) target(%arg26 : memref<128x96xbf16, #tpu.memory_space<vmem>>) offsets(%arg10 : memref<128xi32, #tpu.memory_space<vmem>>) semaphore(%arg34 : memref<!tpu.dma_semaphore, #tpu.memory_space<semaphore_mem>>)
    %dma_start3A_1222 = arith.constant 0 : i32
    %dma_start3A_1223 = arith.constant 0 : i32
    %dma_start3A_1224 = tpu.memref_slice %arg2[%dma_start3A_1222, %dma_start3A_1223] : memref<589824x96xbf16, #tpu.memory_space<hbm>> -> memref<589824x96xbf16, #tpu.memory_space<hbm>>
    tpu.enqueue_indirect_dma source(%dma_start3A_1224 : memref<589824x96xbf16, #tpu.memory_space<hbm>>) target(%arg27 : memref<128x96xbf16, #tpu.memory_space<vmem>>) offsets(%arg11 : memref<128xi32, #tpu.memory_space<vmem>>) semaphore(%arg34 : memref<!tpu.dma_semaphore, #tpu.memory_space<semaphore_mem>>)
    %scan3A = arith.constant 0 : i32
    %scan3A_1225 = arith.constant 0 : i32
    %scan3A_1226 = arith.constant 72 : i32
    %scan3A_1227 = arith.addi %scan3A_1225, %scan3A_1226 : i32
    %scan3A_1228 = arith.constant 1 : i32
    scf.for %scan3A_1261 = %scan3A_1225 to %scan3A_1227 step %scan3A_1228  : i32 {
      %mul3A_1262 = arith.constant 2 : i32
      %mul3A_1263 = arith.muli %scan3A_1261, %mul3A_1262 : i32
      %add3A_1264 = arith.constant 1 : i32
      %add3A_1265 = arith.addi %mul3A_1263, %add3A_1264 : i32
      %mul3A_1266 = arith.constant 18432 : i32
      %mul3A_1267 = arith.muli %add3A, %mul3A_1266 : i32
      %mul3A_1268 = arith.constant 128 : i32
      %mul3A_1269 = arith.muli %add3A_1265, %mul3A_1268 : i32
      %add3A_1270 = arith.addi %mul3A_1267, %mul3A_1269 : i32
      "tpu.region"() ({
        %run_scoped3A = tpu.sem_alloc : memref<!tpu.dma_semaphore, #tpu.memory_space<semaphore_mem>>
        %dma_start3A_3897 = tpu.memref_slice %arg3[%add3A_1270] : memref<589952xf32, #tpu.memory_space<hbm>> -> memref<128xf32, #tpu.memory_space<hbm>>
        %dma_start3A_3898 = tpu.memref_slice %arg3[%add3A_1270] : memref<589952xf32, #tpu.memory_space<hbm>> -> memref<128xf32, #tpu.memory_space<hbm>>
        tpu.enqueue_dma source(%dma_start3A_3898 : memref<128xf32, #tpu.memory_space<hbm>>) target(%arg6 : memref<128xf32, #tpu.memory_space<vmem>>) target_semaphore(%run_scoped3A : memref<!tpu.dma_semaphore, #tpu.memory_space<semaphore_mem>>)
        %dma_wait3A_3899 = tpu.memref_slice %arg3[%add3A_1270] : memref<589952xf32, #tpu.memory_space<hbm>> -> memref<128xf32, #tpu.memory_space<hbm>>
        %dma_wait3A_3900 = tpu.memref_slice %arg3[%add3A_1270] : memref<589952xf32, #tpu.memory_space<hbm>> -> memref<128xf32, #tpu.memory_space<hbm>>
        tpu.wait_dma2 semaphore(%run_scoped3A : memref<!tpu.dma_semaphore, #tpu.memory_space<semaphore_mem>>) src(%dma_wait3A_3900 : memref<128xf32, #tpu.memory_space<hbm>>) dst(%arg6 : memref<128xf32, #tpu.memory_space<vmem>>)
        tpu.yield
      }) : () -> ()
      "tpu.region"() ({
        %run_scoped3A = tpu.sem_alloc : memref<!tpu.dma_semaphore, #tpu.memory_space<semaphore_mem>>
        %dma_start3A_3897 = tpu.memref_slice %arg4[%add3A_1270] : memref<589952xf32, #tpu.memory_space<hbm>> -> memref<128xf32, #tpu.memory_space<hbm>>
        %dma_start3A_3898 = tpu.memref_slice %arg4[%add3A_1270] : memref<589952xf32, #tpu.memory_space<hbm>> -> memref<128xf32, #tpu.memory_space<hbm>>
        tpu.enqueue_dma source(%dma_start3A_3898 : memref<128xf32, #tpu.memory_space<hbm>>) target(%arg7 : memref<128xf32, #tpu.memory_space<vmem>>) target_semaphore(%run_scoped3A : memref<!tpu.dma_semaphore, #tpu.memory_space<semaphore_mem>>)
        %dma_wait3A_3899 = tpu.memref_slice %arg4[%add3A_1270] : memref<589952xf32, #tpu.memory_space<hbm>> -> memref<128xf32, #tpu.memory_space<hbm>>
        %dma_wait3A_3900 = tpu.memref_slice %arg4[%add3A_1270] : memref<589952xf32, #tpu.memory_space<hbm>> -> memref<128xf32, #tpu.memory_space<hbm>>
        tpu.wait_dma2 semaphore(%run_scoped3A : memref<!tpu.dma_semaphore, #tpu.memory_space<semaphore_mem>>) src(%dma_wait3A_3900 : memref<128xf32, #tpu.memory_space<hbm>>) dst(%arg7 : memref<128xf32, #tpu.memory_space<vmem>>)
        tpu.yield
      }) : () -> ()
      %get3A_1271 = arith.constant 0 : index
      %get3A_1272 = tpu.vector_load %arg6[%get3A_1271] {strides = array<i32>} : memref<128xf32, #tpu.memory_space<vmem>>, vector<16xf32>,
      %get3A_1273 = arith.constant 0 : index
      %get3A_1274 = tpu.vector_load %arg7[%get3A_1273] {strides = array<i32>} : memref<128xf32, #tpu.memory_space<vmem>>, vector<16xf32>,
      %add3A_1275 = arith.constant 1.000000e+00 : f32
      %add3A_1276 = vector.broadcast %add3A_1275 : f32 to vector<16xf32>
      %add3A_1277 = arith.addf %get3A_1272, %add3A_1276 : vector<16xf32>
      %mul3A_1278 = arith.constant 3.840000e+02 : f32
      %mul3A_1279 = vector.broadcast %mul3A_1278 : f32 to vector<16xf32>
      %mul3A_1280 = arith.mulf %add3A_1277, %mul3A_1279 : vector<16xf32>
      %sub3A_1281 = arith.constant 1.000000e+00 : f32
      %sub3A_1282 = vector.broadcast %sub3A_1281 : f32 to vector<16xf32>
      %sub3A_1283 = arith.subf %mul3A_1280, %sub3A_1282 : vector<16xf32>
      %mul3A_1284 = arith.constant 5.000000e-01 : f32
      %mul3A_1285 = vector.broadcast %mul3A_1284 : f32 to vector<16xf32>
      %mul3A_1286 = arith.mulf %sub3A_1283, %mul3A_1285 : vector<16xf32>
      %add3A_1287 = arith.constant 1.000000e+00 : f32
      %add3A_1288 = vector.broadcast %add3A_1287 : f32 to vector<16xf32>
      %add3A_1289 = arith.addf %get3A_1274, %add3A_1288 : vector<16xf32>
      %mul3A_1290 = arith.constant 3.840000e+02 : f32
      %mul3A_1291 = vector.broadcast %mul3A_1290 : f32 to vector<16xf32>
      %mul3A_1292 = arith.mulf %add3A_1289, %mul3A_1291 : vector<16xf32>
      %sub3A_1293 = arith.constant 1.000000e+00 : f32
      %sub3A_1294 = vector.broadcast %sub3A_1293 : f32 to vector<16xf32>
      %sub3A_1295 = arith.subf %mul3A_1292, %sub3A_1294 : vector<16xf32>
      %mul3A_1296 = arith.constant 5.000000e-01 : f32
      %mul3A_1297 = vector.broadcast %mul3A_1296 : f32 to vector<16xf32>
      %mul3A_1298 = arith.mulf %sub3A_1295, %mul3A_1297 : vector<16xf32>
      %convert_element_type3A_1299 = arith.fptosi %mul3A_1286 : vector<16xf32> to vector<16xi32>
      %convert_element_type3A_1300 = arith.sitofp %convert_element_type3A_1299 : vector<16xi32> to vector<16xf32>
      %gt3A_1301 = arith.cmpf ogt, %convert_element_type3A_1300, %mul3A_1286 : vector<16xf32>
      %sub3A_1302 = arith.constant 1.000000e+00 : f32
      %sub3A_1303 = vector.broadcast %sub3A_1302 : f32 to vector<16xf32>
      %sub3A_1304 = arith.subf %convert_element_type3A_1300, %sub3A_1303 : vector<16xf32>
      %select_n3A_1305 = arith.select %gt3A_1301, %sub3A_1304, %convert_element_type3A_1300 : vector<16xi1>, vector<16xf32>
      %convert_element_type3A_1306 = arith.fptosi %mul3A_1298 : vector<16xf32> to vector<16xi32>
      %convert_element_type3A_1307 = arith.sitofp %convert_element_type3A_1306 : vector<16xi32> to vector<16xf32>
      %gt3A_1308 = arith.cmpf ogt, %convert_element_type3A_1307, %mul3A_1298 : vector<16xf32>
      %sub3A_1309 = arith.constant 1.000000e+00 : f32
      %sub3A_1310 = vector.broadcast %sub3A_1309 : f32 to vector<16xf32>
      %sub3A_1311 = arith.subf %convert_element_type3A_1307, %sub3A_1310 : vector<16xf32>
      %select_n3A_1312 = arith.select %gt3A_1308, %sub3A_1311, %convert_element_type3A_1307 : vector<16xi1>, vector<16xf32>
      %sub3A_1313 = arith.subf %mul3A_1286, %select_n3A_1305 : vector<16xf32>
      %sub3A_1314 = arith.subf %mul3A_1298, %select_n3A_1312 : vector<16xf32>
      %convert_element_type3A_1315 = arith.fptosi %select_n3A_1305 : vector<16xf32> to vector<16xi32>
      %convert_element_type3A_1316 = arith.fptosi %select_n3A_1312 : vector<16xf32> to vector<16xi32>
      %add3A_1317 = arith.constant 1 : i32
      %add3A_1318 = vector.broadcast %add3A_1317 : i32 to vector<16xi32>
      %add3A_1319 = arith.addi %convert_element_type3A_1315, %add3A_1318 : vector<16xi32>
      %add3A_1320 = arith.constant 1 : i32
      %add3A_1321 = vector.broadcast %add3A_1320 : i32 to vector<16xi32>
      %add3A_1322 = arith.addi %convert_element_type3A_1316, %add3A_1321 : vector<16xi32>
      %broadcast_in_dim3A_1323 = arith.constant 0.000000e+00 : f32
      %broadcast_in_dim3A_1324 = vector.broadcast %broadcast_in_dim3A_1323 : f32 to vector<16xf32>
      %ge3A_1325 = arith.constant 0 : i32
      %ge3A_1326 = vector.broadcast %ge3A_1325 : i32 to vector<16xi32>
      %ge3A_1327 = arith.cmpi sge, %convert_element_type3A_1315, %ge3A_1326 : vector<16xi32>
      %le3A_1328 = arith.constant 383 : i32
      %le3A_1329 = vector.broadcast %le3A_1328 : i32 to vector<16xi32>
      %le3A_1330 = arith.cmpi sle, %convert_element_type3A_1315, %le3A_1329 : vector<16xi32>
      %and3A_1331 = arith.andi %ge3A_1327, %le3A_1330 : vector<16xi1>
      %sub3A_1332 = arith.constant 1.000000e+00 : f32
      %sub3A_1333 = vector.broadcast %sub3A_1332 : f32 to vector<16xf32>
      %sub3A_1334 = arith.subf %sub3A_1333, %sub3A_1313 : vector<16xf32>
      %select_n3A_1335 = arith.select %and3A_1331, %sub3A_1334, %broadcast_in_dim3A_1324 : vector<16xi1>, vector<16xf32>
      %ge3A_1336 = arith.constant 0 : i32
      %ge3A_1337 = vector.broadcast %ge3A_1336 : i32 to vector<16xi32>
      %ge3A_1338 = arith.cmpi sge, %add3A_1319, %ge3A_1337 : vector<16xi32>
      %le3A_1339 = arith.constant 383 : i32
      %le3A_1340 = vector.broadcast %le3A_1339 : i32 to vector<16xi32>
      %le3A_1341 = arith.cmpi sle, %add3A_1319, %le3A_1340 : vector<16xi32>
      %and3A_1342 = arith.andi %ge3A_1338, %le3A_1341 : vector<16xi1>
      %select_n3A_1343 = arith.select %and3A_1342, %sub3A_1313, %broadcast_in_dim3A_1324 : vector<16xi1>, vector<16xf32>
      %ge3A_1344 = arith.constant 0 : i32
      %ge3A_1345 = vector.broadcast %ge3A_1344 : i32 to vector<16xi32>
      %ge3A_1346 = arith.cmpi sge, %convert_element_type3A_1316, %ge3A_1345 : vector<16xi32>
      %le3A_1347 = arith.constant 383 : i32
      %le3A_1348 = vector.broadcast %le3A_1347 : i32 to vector<16xi32>
      %le3A_1349 = arith.cmpi sle, %convert_element_type3A_1316, %le3A_1348 : vector<16xi32>
      %and3A_1350 = arith.andi %ge3A_1346, %le3A_1349 : vector<16xi1>
      %sub3A_1351 = arith.constant 1.000000e+00 : f32
      %sub3A_1352 = vector.broadcast %sub3A_1351 : f32 to vector<16xf32>
      %sub3A_1353 = arith.subf %sub3A_1352, %sub3A_1314 : vector<16xf32>
      %select_n3A_1354 = arith.select %and3A_1350, %sub3A_1353, %broadcast_in_dim3A_1324 : vector<16xi1>, vector<16xf32>
      %ge3A_1355 = arith.constant 0 : i32
      %ge3A_1356 = vector.broadcast %ge3A_1355 : i32 to vector<16xi32>
      %ge3A_1357 = arith.cmpi sge, %add3A_1322, %ge3A_1356 : vector<16xi32>
      %le3A_1358 = arith.constant 383 : i32
      %le3A_1359 = vector.broadcast %le3A_1358 : i32 to vector<16xi32>
      %le3A_1360 = arith.cmpi sle, %add3A_1322, %le3A_1359 : vector<16xi32>
      %and3A_1361 = arith.andi %ge3A_1357, %le3A_1360 : vector<16xi1>
      %select_n3A_1362 = arith.select %and3A_1361, %sub3A_1314, %broadcast_in_dim3A_1324 : vector<16xi1>, vector<16xf32>
      %max3A_1363 = arith.constant 0 : i32
      %max3A_1364 = vector.broadcast %max3A_1363 : i32 to vector<16xi32>
      %max3A_1365 = arith.maxsi %convert_element_type3A_1315, %max3A_1364 : vector<16xi32>
      %min3A_1366 = arith.constant 383 : i32
      %min3A_1367 = vector.broadcast %min3A_1366 : i32 to vector<16xi32>
      %min3A_1368 = arith.minsi %max3A_1365, %min3A_1367 : vector<16xi32>
      %max3A_1369 = arith.constant 0 : i32
      %max3A_1370 = vector.broadcast %max3A_1369 : i32 to vector<16xi32>
      %max3A_1371 = arith.maxsi %add3A_1319, %max3A_1370 : vector<16xi32>
      %min3A_1372 = arith.constant 383 : i32
      %min3A_1373 = vector.broadcast %min3A_1372 : i32 to vector<16xi32>
      %min3A_1374 = arith.minsi %max3A_1371, %min3A_1373 : vector<16xi32>
      %max3A_1375 = arith.constant 0 : i32
      %max3A_1376 = vector.broadcast %max3A_1375 : i32 to vector<16xi32>
      %max3A_1377 = arith.maxsi %convert_element_type3A_1316, %max3A_1376 : vector<16xi32>
      %min3A_1378 = arith.constant 383 : i32
      %min3A_1379 = vector.broadcast %min3A_1378 : i32 to vector<16xi32>
      %min3A_1380 = arith.minsi %max3A_1377, %min3A_1379 : vector<16xi32>
      %max3A_1381 = arith.constant 0 : i32
      %max3A_1382 = vector.broadcast %max3A_1381 : i32 to vector<16xi32>
      %max3A_1383 = arith.maxsi %add3A_1322, %max3A_1382 : vector<16xi32>
      %min3A_1384 = arith.constant 383 : i32
      %min3A_1385 = vector.broadcast %min3A_1384 : i32 to vector<16xi32>
      %min3A_1386 = arith.minsi %max3A_1383, %min3A_1385 : vector<16xi32>
      %mul3A_1387 = arith.constant 384 : i32
      %mul3A_1388 = vector.broadcast %mul3A_1387 : i32 to vector<16xi32>
      %mul3A_1389 = arith.muli %min3A_1380, %mul3A_1388 : vector<16xi32>
      %add3A_1390 = vector.broadcast %mul3A_18 : i32 to vector<16xi32>
      %add3A_1391 = arith.addi %add3A_1390, %mul3A_1389 : vector<16xi32>
      %mul3A_1392 = arith.constant 384 : i32
      %mul3A_1393 = vector.broadcast %mul3A_1392 : i32 to vector<16xi32>
      %mul3A_1394 = arith.muli %min3A_1386, %mul3A_1393 : vector<16xi32>
      %add3A_1395 = vector.broadcast %mul3A_18 : i32 to vector<16xi32>
      %add3A_1396 = arith.addi %add3A_1395, %mul3A_1394 : vector<16xi32>
      %add3A_1397 = arith.addi %add3A_1391, %min3A_1368 : vector<16xi32>
      %swap3A_1398 = arith.constant 0 : index
      %swap3A_1399 = tpu.vector_load %arg12[%swap3A_1398] {strides = array<i32>} : memref<128xi32, #tpu.memory_space<vmem>>, vector<16xi32>,
      tpu.vector_store %arg12[%swap3A_1398], %add3A_1397 {strides = array<i32>} : memref<128xi32, #tpu.memory_space<vmem>>, vector<16xi32>,
      %add3A_1400 = arith.addi %add3A_1391, %min3A_1374 : vector<16xi32>
      %swap3A_1401 = arith.constant 0 : index
      %swap3A_1402 = tpu.vector_load %arg13[%swap3A_1401] {strides = array<i32>} : memref<128xi32, #tpu.memory_space<vmem>>, vector<16xi32>,
      tpu.vector_store %arg13[%swap3A_1401], %add3A_1400 {strides = array<i32>} : memref<128xi32, #tpu.memory_space<vmem>>, vector<16xi32>,
      %add3A_1403 = arith.addi %add3A_1396, %min3A_1368 : vector<16xi32>
      %swap3A_1404 = arith.constant 0 : index
      %swap3A_1405 = tpu.vector_load %arg14[%swap3A_1404] {strides = array<i32>} : memref<128xi32, #tpu.memory_space<vmem>>, vector<16xi32>,
      tpu.vector_store %arg14[%swap3A_1404], %add3A_1403 {strides = array<i32>} : memref<128xi32, #tpu.memory_space<vmem>>, vector<16xi32>,
      %add3A_1406 = arith.addi %add3A_1396, %min3A_1374 : vector<16xi32>
      %swap3A_1407 = arith.constant 0 : index
      %swap3A_1408 = tpu.vector_load %arg15[%swap3A_1407] {strides = array<i32>} : memref<128xi32, #tpu.memory_space<vmem>>, vector<16xi32>,
      tpu.vector_store %arg15[%swap3A_1407], %add3A_1406 {strides = array<i32>} : memref<128xi32, #tpu.memory_space<vmem>>, vector<16xi32>,
      %mul3A_1409 = arith.mulf %select_n3A_1354, %select_n3A_1335 : vector<16xf32>
      %swap3A_1410 = arith.constant 0 : index
      %swap3A_1411 = tpu.vector_load %arg20[%swap3A_1410] {strides = array<i32>} : memref<128xf32, #tpu.memory_space<vmem>>, vector<16xf32>,
      tpu.vector_store %arg20[%swap3A_1410], %mul3A_1409 {strides = array<i32>} : memref<128xf32, #tpu.memory_space<vmem>>, vector<16xf32>,
      %mul3A_1412 = arith.mulf %select_n3A_1354, %select_n3A_1343 : vector<16xf32>
      %swap3A_1413 = arith.constant 0 : index
      %swap3A_1414 = tpu.vector_load %arg21[%swap3A_1413] {strides = array<i32>} : memref<128xf32, #tpu.memory_space<vmem>>, vector<16xf32>,
      tpu.vector_store %arg21[%swap3A_1413], %mul3A_1412 {strides = array<i32>} : memref<128xf32, #tpu.memory_space<vmem>>, vector<16xf32>,
      %mul3A_1415 = arith.mulf %select_n3A_1362, %select_n3A_1335 : vector<16xf32>
      %swap3A_1416 = arith.constant 0 : index
      %swap3A_1417 = tpu.vector_load %arg22[%swap3A_1416] {strides = array<i32>} : memref<128xf32, #tpu.memory_space<vmem>>, vector<16xf32>,
      tpu.vector_store %arg22[%swap3A_1416], %mul3A_1415 {strides = array<i32>} : memref<128xf32, #tpu.memory_space<vmem>>, vector<16xf32>,
      %mul3A_1418 = arith.mulf %select_n3A_1362, %select_n3A_1343 : vector<16xf32>
      %swap3A_1419 = arith.constant 0 : index
      %swap3A_1420 = tpu.vector_load %arg23[%swap3A_1419] {strides = array<i32>} : memref<128xf32, #tpu.memory_space<vmem>>, vector<16xf32>,
      tpu.vector_store %arg23[%swap3A_1419], %mul3A_1418 {strides = array<i32>} : memref<128xf32, #tpu.memory_space<vmem>>, vector<16xf32>,
      %get3A_1421 = arith.constant 16 : index
      %get3A_1422 = tpu.vector_load %arg6[%get3A_1421] {strides = array<i32>} : memref<128xf32, #tpu.memory_space<vmem>>, vector<16xf32>,
      %get3A_1423 = arith.constant 16 : index
      %get3A_1424 = tpu.vector_load %arg7[%get3A_1423] {strides = array<i32>} : memref<128xf32, #tpu.memory_space<vmem>>, vector<16xf32>,
      %add3A_1425 = arith.constant 1.000000e+00 : f32
      %add3A_1426 = vector.broadcast %add3A_1425 : f32 to vector<16xf32>
      %add3A_1427 = arith.addf %get3A_1422, %add3A_1426 : vector<16xf32>
      %mul3A_1428 = arith.constant 3.840000e+02 : f32
      %mul3A_1429 = vector.broadcast %mul3A_1428 : f32 to vector<16xf32>
      %mul3A_1430 = arith.mulf %add3A_1427, %mul3A_1429 : vector<16xf32>
      %sub3A_1431 = arith.constant 1.000000e+00 : f32
      %sub3A_1432 = vector.broadcast %sub3A_1431 : f32 to vector<16xf32>
      %sub3A_1433 = arith.subf %mul3A_1430, %sub3A_1432 : vector<16xf32>
      %mul3A_1434 = arith.constant 5.000000e-01 : f32
      %mul3A_1435 = vector.broadcast %mul3A_1434 : f32 to vector<16xf32>
      %mul3A_1436 = arith.mulf %sub3A_1433, %mul3A_1435 : vector<16xf32>
      %add3A_1437 = arith.constant 1.000000e+00 : f32
      %add3A_1438 = vector.broadcast %add3A_1437 : f32 to vector<16xf32>
      %add3A_1439 = arith.addf %get3A_1424, %add3A_1438 : vector<16xf32>
      %mul3A_1440 = arith.constant 3.840000e+02 : f32
      %mul3A_1441 = vector.broadcast %mul3A_1440 : f32 to vector<16xf32>
      %mul3A_1442 = arith.mulf %add3A_1439, %mul3A_1441 : vector<16xf32>
      %sub3A_1443 = arith.constant 1.000000e+00 : f32
      %sub3A_1444 = vector.broadcast %sub3A_1443 : f32 to vector<16xf32>
      %sub3A_1445 = arith.subf %mul3A_1442, %sub3A_1444 : vector<16xf32>
      %mul3A_1446 = arith.constant 5.000000e-01 : f32
      %mul3A_1447 = vector.broadcast %mul3A_1446 : f32 to vector<16xf32>
      %mul3A_1448 = arith.mulf %sub3A_1445, %mul3A_1447 : vector<16xf32>
      %convert_element_type3A_1449 = arith.fptosi %mul3A_1436 : vector<16xf32> to vector<16xi32>
      %convert_element_type3A_1450 = arith.sitofp %convert_element_type3A_1449 : vector<16xi32> to vector<16xf32>
      %gt3A_1451 = arith.cmpf ogt, %convert_element_type3A_1450, %mul3A_1436 : vector<16xf32>
      %sub3A_1452 = arith.constant 1.000000e+00 : f32
      %sub3A_1453 = vector.broadcast %sub3A_1452 : f32 to vector<16xf32>
      %sub3A_1454 = arith.subf %convert_element_type3A_1450, %sub3A_1453 : vector<16xf32>
      %select_n3A_1455 = arith.select %gt3A_1451, %sub3A_1454, %convert_element_type3A_1450 : vector<16xi1>, vector<16xf32>
      %convert_element_type3A_1456 = arith.fptosi %mul3A_1448 : vector<16xf32> to vector<16xi32>
      %convert_element_type3A_1457 = arith.sitofp %convert_element_type3A_1456 : vector<16xi32> to vector<16xf32>
      %gt3A_1458 = arith.cmpf ogt, %convert_element_type3A_1457, %mul3A_1448 : vector<16xf32>
      %sub3A_1459 = arith.constant 1.000000e+00 : f32
      %sub3A_1460 = vector.broadcast %sub3A_1459 : f32 to vector<16xf32>
      %sub3A_1461 = arith.subf %convert_element_type3A_1457, %sub3A_1460 : vector<16xf32>
      %select_n3A_1462 = arith.select %gt3A_1458, %sub3A_1461, %convert_element_type3A_1457 : vector<16xi1>, vector<16xf32>
      %sub3A_1463 = arith.subf %mul3A_1436, %select_n3A_1455 : vector<16xf32>
      %sub3A_1464 = arith.subf %mul3A_1448, %select_n3A_1462 : vector<16xf32>
      %convert_element_type3A_1465 = arith.fptosi %select_n3A_1455 : vector<16xf32> to vector<16xi32>
      %convert_element_type3A_1466 = arith.fptosi %select_n3A_1462 : vector<16xf32> to vector<16xi32>
      %add3A_1467 = arith.constant 1 : i32
      %add3A_1468 = vector.broadcast %add3A_1467 : i32 to vector<16xi32>
      %add3A_1469 = arith.addi %convert_element_type3A_1465, %add3A_1468 : vector<16xi32>
      %add3A_1470 = arith.constant 1 : i32
      %add3A_1471 = vector.broadcast %add3A_1470 : i32 to vector<16xi32>
      %add3A_1472 = arith.addi %convert_element_type3A_1466, %add3A_1471 : vector<16xi32>
      %broadcast_in_dim3A_1473 = arith.constant 0.000000e+00 : f32
      %broadcast_in_dim3A_1474 = vector.broadcast %broadcast_in_dim3A_1473 : f32 to vector<16xf32>
      %ge3A_1475 = arith.constant 0 : i32
      %ge3A_1476 = vector.broadcast %ge3A_1475 : i32 to vector<16xi32>
      %ge3A_1477 = arith.cmpi sge, %convert_element_type3A_1465, %ge3A_1476 : vector<16xi32>
      %le3A_1478 = arith.constant 383 : i32
      %le3A_1479 = vector.broadcast %le3A_1478 : i32 to vector<16xi32>
      %le3A_1480 = arith.cmpi sle, %convert_element_type3A_1465, %le3A_1479 : vector<16xi32>
      %and3A_1481 = arith.andi %ge3A_1477, %le3A_1480 : vector<16xi1>
      %sub3A_1482 = arith.constant 1.000000e+00 : f32
      %sub3A_1483 = vector.broadcast %sub3A_1482 : f32 to vector<16xf32>
      %sub3A_1484 = arith.subf %sub3A_1483, %sub3A_1463 : vector<16xf32>
      %select_n3A_1485 = arith.select %and3A_1481, %sub3A_1484, %broadcast_in_dim3A_1474 : vector<16xi1>, vector<16xf32>
      %ge3A_1486 = arith.constant 0 : i32
      %ge3A_1487 = vector.broadcast %ge3A_1486 : i32 to vector<16xi32>
      %ge3A_1488 = arith.cmpi sge, %add3A_1469, %ge3A_1487 : vector<16xi32>
      %le3A_1489 = arith.constant 383 : i32
      %le3A_1490 = vector.broadcast %le3A_1489 : i32 to vector<16xi32>
      %le3A_1491 = arith.cmpi sle, %add3A_1469, %le3A_1490 : vector<16xi32>
      %and3A_1492 = arith.andi %ge3A_1488, %le3A_1491 : vector<16xi1>
      %select_n3A_1493 = arith.select %and3A_1492, %sub3A_1463, %broadcast_in_dim3A_1474 : vector<16xi1>, vector<16xf32>
      %ge3A_1494 = arith.constant 0 : i32
      %ge3A_1495 = vector.broadcast %ge3A_1494 : i32 to vector<16xi32>
      %ge3A_1496 = arith.cmpi sge, %convert_element_type3A_1466, %ge3A_1495 : vector<16xi32>
      %le3A_1497 = arith.constant 383 : i32
      %le3A_1498 = vector.broadcast %le3A_1497 : i32 to vector<16xi32>
      %le3A_1499 = arith.cmpi sle, %convert_element_type3A_1466, %le3A_1498 : vector<16xi32>
      %and3A_1500 = arith.andi %ge3A_1496, %le3A_1499 : vector<16xi1>
      %sub3A_1501 = arith.constant 1.000000e+00 : f32
      %sub3A_1502 = vector.broadcast %sub3A_1501 : f32 to vector<16xf32>
      %sub3A_1503 = arith.subf %sub3A_1502, %sub3A_1464 : vector<16xf32>
      %select_n3A_1504 = arith.select %and3A_1500, %sub3A_1503, %broadcast_in_dim3A_1474 : vector<16xi1>, vector<16xf32>
      %ge3A_1505 = arith.constant 0 : i32
      %ge3A_1506 = vector.broadcast %ge3A_1505 : i32 to vector<16xi32>
      %ge3A_1507 = arith.cmpi sge, %add3A_1472, %ge3A_1506 : vector<16xi32>
      %le3A_1508 = arith.constant 383 : i32
      %le3A_1509 = vector.broadcast %le3A_1508 : i32 to vector<16xi32>
      %le3A_1510 = arith.cmpi sle, %add3A_1472, %le3A_1509 : vector<16xi32>
      %and3A_1511 = arith.andi %ge3A_1507, %le3A_1510 : vector<16xi1>
      %select_n3A_1512 = arith.select %and3A_1511, %sub3A_1464, %broadcast_in_dim3A_1474 : vector<16xi1>, vector<16xf32>
      %max3A_1513 = arith.constant 0 : i32
      %max3A_1514 = vector.broadcast %max3A_1513 : i32 to vector<16xi32>
      %max3A_1515 = arith.maxsi %convert_element_type3A_1465, %max3A_1514 : vector<16xi32>
      %min3A_1516 = arith.constant 383 : i32
      %min3A_1517 = vector.broadcast %min3A_1516 : i32 to vector<16xi32>
      %min3A_1518 = arith.minsi %max3A_1515, %min3A_1517 : vector<16xi32>
      %max3A_1519 = arith.constant 0 : i32
      %max3A_1520 = vector.broadcast %max3A_1519 : i32 to vector<16xi32>
      %max3A_1521 = arith.maxsi %add3A_1469, %max3A_1520 : vector<16xi32>
      %min3A_1522 = arith.constant 383 : i32
      %min3A_1523 = vector.broadcast %min3A_1522 : i32 to vector<16xi32>
      %min3A_1524 = arith.minsi %max3A_1521, %min3A_1523 : vector<16xi32>
      %max3A_1525 = arith.constant 0 : i32
      %max3A_1526 = vector.broadcast %max3A_1525 : i32 to vector<16xi32>
      %max3A_1527 = arith.maxsi %convert_element_type3A_1466, %max3A_1526 : vector<16xi32>
      %min3A_1528 = arith.constant 383 : i32
      %min3A_1529 = vector.broadcast %min3A_1528 : i32 to vector<16xi32>
      %min3A_1530 = arith.minsi %max3A_1527, %min3A_1529 : vector<16xi32>
      %max3A_1531 = arith.constant 0 : i32
      %max3A_1532 = vector.broadcast %max3A_1531 : i32 to vector<16xi32>
      %max3A_1533 = arith.maxsi %add3A_1472, %max3A_1532 : vector<16xi32>
      %min3A_1534 = arith.constant 383 : i32
      %min3A_1535 = vector.broadcast %min3A_1534 : i32 to vector<16xi32>
      %min3A_1536 = arith.minsi %max3A_1533, %min3A_1535 : vector<16xi32>
      %mul3A_1537 = arith.constant 384 : i32
      %mul3A_1538 = vector.broadcast %mul3A_1537 : i32 to vector<16xi32>
      %mul3A_1539 = arith.muli %min3A_1530, %mul3A_1538 : vector<16xi32>
      %add3A_1540 = vector.broadcast %mul3A_18 : i32 to vector<16xi32>
      %add3A_1541 = arith.addi %add3A_1540, %mul3A_1539 : vector<16xi32>
      %mul3A_1542 = arith.constant 384 : i32
      %mul3A_1543 = vector.broadcast %mul3A_1542 : i32 to vector<16xi32>
      %mul3A_1544 = arith.muli %min3A_1536, %mul3A_1543 : vector<16xi32>
      %add3A_1545 = vector.broadcast %mul3A_18 : i32 to vector<16xi32>
      %add3A_1546 = arith.addi %add3A_1545, %mul3A_1544 : vector<16xi32>
      %add3A_1547 = arith.addi %add3A_1541, %min3A_1518 : vector<16xi32>
      %swap3A_1548 = arith.constant 16 : index
      %swap3A_1549 = tpu.vector_load %arg12[%swap3A_1548] {strides = array<i32>} : memref<128xi32, #tpu.memory_space<vmem>>, vector<16xi32>,
      tpu.vector_store %arg12[%swap3A_1548], %add3A_1547 {strides = array<i32>} : memref<128xi32, #tpu.memory_space<vmem>>, vector<16xi32>,
      %add3A_1550 = arith.addi %add3A_1541, %min3A_1524 : vector<16xi32>
      %swap3A_1551 = arith.constant 16 : index
      %swap3A_1552 = tpu.vector_load %arg13[%swap3A_1551] {strides = array<i32>} : memref<128xi32, #tpu.memory_space<vmem>>, vector<16xi32>,
      tpu.vector_store %arg13[%swap3A_1551], %add3A_1550 {strides = array<i32>} : memref<128xi32, #tpu.memory_space<vmem>>, vector<16xi32>,
      %add3A_1553 = arith.addi %add3A_1546, %min3A_1518 : vector<16xi32>
      %swap3A_1554 = arith.constant 16 : index
      %swap3A_1555 = tpu.vector_load %arg14[%swap3A_1554] {strides = array<i32>} : memref<128xi32, #tpu.memory_space<vmem>>, vector<16xi32>,
      tpu.vector_store %arg14[%swap3A_1554], %add3A_1553 {strides = array<i32>} : memref<128xi32, #tpu.memory_space<vmem>>, vector<16xi32>,
      %add3A_1556 = arith.addi %add3A_1546, %min3A_1524 : vector<16xi32>
      %swap3A_1557 = arith.constant 16 : index
      %swap3A_1558 = tpu.vector_load %arg15[%swap3A_1557] {strides = array<i32>} : memref<128xi32, #tpu.memory_space<vmem>>, vector<16xi32>,
      tpu.vector_store %arg15[%swap3A_1557], %add3A_1556 {strides = array<i32>} : memref<128xi32, #tpu.memory_space<vmem>>, vector<16xi32>,
      %mul3A_1559 = arith.mulf %select_n3A_1504, %select_n3A_1485 : vector<16xf32>
      %swap3A_1560 = arith.constant 16 : index
      %swap3A_1561 = tpu.vector_load %arg20[%swap3A_1560] {strides = array<i32>} : memref<128xf32, #tpu.memory_space<vmem>>, vector<16xf32>,
      tpu.vector_store %arg20[%swap3A_1560], %mul3A_1559 {strides = array<i32>} : memref<128xf32, #tpu.memory_space<vmem>>, vector<16xf32>,
      %mul3A_1562 = arith.mulf %select_n3A_1504, %select_n3A_1493 : vector<16xf32>
      %swap3A_1563 = arith.constant 16 : index
      %swap3A_1564 = tpu.vector_load %arg21[%swap3A_1563] {strides = array<i32>} : memref<128xf32, #tpu.memory_space<vmem>>, vector<16xf32>,
      tpu.vector_store %arg21[%swap3A_1563], %mul3A_1562 {strides = array<i32>} : memref<128xf32, #tpu.memory_space<vmem>>, vector<16xf32>,
      %mul3A_1565 = arith.mulf %select_n3A_1512, %select_n3A_1485 : vector<16xf32>
      %swap3A_1566 = arith.constant 16 : index
      %swap3A_1567 = tpu.vector_load %arg22[%swap3A_1566] {strides = array<i32>} : memref<128xf32, #tpu.memory_space<vmem>>, vector<16xf32>,
      tpu.vector_store %arg22[%swap3A_1566], %mul3A_1565 {strides = array<i32>} : memref<128xf32, #tpu.memory_space<vmem>>, vector<16xf32>,
      %mul3A_1568 = arith.mulf %select_n3A_1512, %select_n3A_1493 : vector<16xf32>
      %swap3A_1569 = arith.constant 16 : index
      %swap3A_1570 = tpu.vector_load %arg23[%swap3A_1569] {strides = array<i32>} : memref<128xf32, #tpu.memory_space<vmem>>, vector<16xf32>,
      tpu.vector_store %arg23[%swap3A_1569], %mul3A_1568 {strides = array<i32>} : memref<128xf32, #tpu.memory_space<vmem>>, vector<16xf32>,
      %get3A_1571 = arith.constant 32 : index
      %get3A_1572 = tpu.vector_load %arg6[%get3A_1571] {strides = array<i32>} : memref<128xf32, #tpu.memory_space<vmem>>, vector<16xf32>,
      %get3A_1573 = arith.constant 32 : index
      %get3A_1574 = tpu.vector_load %arg7[%get3A_1573] {strides = array<i32>} : memref<128xf32, #tpu.memory_space<vmem>>, vector<16xf32>,
      %add3A_1575 = arith.constant 1.000000e+00 : f32
      %add3A_1576 = vector.broadcast %add3A_1575 : f32 to vector<16xf32>
      %add3A_1577 = arith.addf %get3A_1572, %add3A_1576 : vector<16xf32>
      %mul3A_1578 = arith.constant 3.840000e+02 : f32
      %mul3A_1579 = vector.broadcast %mul3A_1578 : f32 to vector<16xf32>
      %mul3A_1580 = arith.mulf %add3A_1577, %mul3A_1579 : vector<16xf32>
      %sub3A_1581 = arith.constant 1.000000e+00 : f32
      %sub3A_1582 = vector.broadcast %sub3A_1581 : f32 to vector<16xf32>
      %sub3A_1583 = arith.subf %mul3A_1580, %sub3A_1582 : vector<16xf32>
      %mul3A_1584 = arith.constant 5.000000e-01 : f32
      %mul3A_1585 = vector.broadcast %mul3A_1584 : f32 to vector<16xf32>
      %mul3A_1586 = arith.mulf %sub3A_1583, %mul3A_1585 : vector<16xf32>
      %add3A_1587 = arith.constant 1.000000e+00 : f32
      %add3A_1588 = vector.broadcast %add3A_1587 : f32 to vector<16xf32>
      %add3A_1589 = arith.addf %get3A_1574, %add3A_1588 : vector<16xf32>
      %mul3A_1590 = arith.constant 3.840000e+02 : f32
      %mul3A_1591 = vector.broadcast %mul3A_1590 : f32 to vector<16xf32>
      %mul3A_1592 = arith.mulf %add3A_1589, %mul3A_1591 : vector<16xf32>
      %sub3A_1593 = arith.constant 1.000000e+00 : f32
      %sub3A_1594 = vector.broadcast %sub3A_1593 : f32 to vector<16xf32>
      %sub3A_1595 = arith.subf %mul3A_1592, %sub3A_1594 : vector<16xf32>
      %mul3A_1596 = arith.constant 5.000000e-01 : f32
      %mul3A_1597 = vector.broadcast %mul3A_1596 : f32 to vector<16xf32>
      %mul3A_1598 = arith.mulf %sub3A_1595, %mul3A_1597 : vector<16xf32>
      %convert_element_type3A_1599 = arith.fptosi %mul3A_1586 : vector<16xf32> to vector<16xi32>
      %convert_element_type3A_1600 = arith.sitofp %convert_element_type3A_1599 : vector<16xi32> to vector<16xf32>
      %gt3A_1601 = arith.cmpf ogt, %convert_element_type3A_1600, %mul3A_1586 : vector<16xf32>
      %sub3A_1602 = arith.constant 1.000000e+00 : f32
      %sub3A_1603 = vector.broadcast %sub3A_1602 : f32 to vector<16xf32>
      %sub3A_1604 = arith.subf %convert_element_type3A_1600, %sub3A_1603 : vector<16xf32>
      %select_n3A_1605 = arith.select %gt3A_1601, %sub3A_1604, %convert_element_type3A_1600 : vector<16xi1>, vector<16xf32>
      %convert_element_type3A_1606 = arith.fptosi %mul3A_1598 : vector<16xf32> to vector<16xi32>
      %convert_element_type3A_1607 = arith.sitofp %convert_element_type3A_1606 : vector<16xi32> to vector<16xf32>
      %gt3A_1608 = arith.cmpf ogt, %convert_element_type3A_1607, %mul3A_1598 : vector<16xf32>
      %sub3A_1609 = arith.constant 1.000000e+00 : f32
      %sub3A_1610 = vector.broadcast %sub3A_1609 : f32 to vector<16xf32>
      %sub3A_1611 = arith.subf %convert_element_type3A_1607, %sub3A_1610 : vector<16xf32>
      %select_n3A_1612 = arith.select %gt3A_1608, %sub3A_1611, %convert_element_type3A_1607 : vector<16xi1>, vector<16xf32>
      %sub3A_1613 = arith.subf %mul3A_1586, %select_n3A_1605 : vector<16xf32>
      %sub3A_1614 = arith.subf %mul3A_1598, %select_n3A_1612 : vector<16xf32>
      %convert_element_type3A_1615 = arith.fptosi %select_n3A_1605 : vector<16xf32> to vector<16xi32>
      %convert_element_type3A_1616 = arith.fptosi %select_n3A_1612 : vector<16xf32> to vector<16xi32>
      %add3A_1617 = arith.constant 1 : i32
      %add3A_1618 = vector.broadcast %add3A_1617 : i32 to vector<16xi32>
      %add3A_1619 = arith.addi %convert_element_type3A_1615, %add3A_1618 : vector<16xi32>
      %add3A_1620 = arith.constant 1 : i32
      %add3A_1621 = vector.broadcast %add3A_1620 : i32 to vector<16xi32>
      %add3A_1622 = arith.addi %convert_element_type3A_1616, %add3A_1621 : vector<16xi32>
      %broadcast_in_dim3A_1623 = arith.constant 0.000000e+00 : f32
      %broadcast_in_dim3A_1624 = vector.broadcast %broadcast_in_dim3A_1623 : f32 to vector<16xf32>
      %ge3A_1625 = arith.constant 0 : i32
      %ge3A_1626 = vector.broadcast %ge3A_1625 : i32 to vector<16xi32>
      %ge3A_1627 = arith.cmpi sge, %convert_element_type3A_1615, %ge3A_1626 : vector<16xi32>
      %le3A_1628 = arith.constant 383 : i32
      %le3A_1629 = vector.broadcast %le3A_1628 : i32 to vector<16xi32>
      %le3A_1630 = arith.cmpi sle, %convert_element_type3A_1615, %le3A_1629 : vector<16xi32>
      %and3A_1631 = arith.andi %ge3A_1627, %le3A_1630 : vector<16xi1>
      %sub3A_1632 = arith.constant 1.000000e+00 : f32
      %sub3A_1633 = vector.broadcast %sub3A_1632 : f32 to vector<16xf32>
      %sub3A_1634 = arith.subf %sub3A_1633, %sub3A_1613 : vector<16xf32>
      %select_n3A_1635 = arith.select %and3A_1631, %sub3A_1634, %broadcast_in_dim3A_1624 : vector<16xi1>, vector<16xf32>
      %ge3A_1636 = arith.constant 0 : i32
      %ge3A_1637 = vector.broadcast %ge3A_1636 : i32 to vector<16xi32>
      %ge3A_1638 = arith.cmpi sge, %add3A_1619, %ge3A_1637 : vector<16xi32>
      %le3A_1639 = arith.constant 383 : i32
      %le3A_1640 = vector.broadcast %le3A_1639 : i32 to vector<16xi32>
      %le3A_1641 = arith.cmpi sle, %add3A_1619, %le3A_1640 : vector<16xi32>
      %and3A_1642 = arith.andi %ge3A_1638, %le3A_1641 : vector<16xi1>
      %select_n3A_1643 = arith.select %and3A_1642, %sub3A_1613, %broadcast_in_dim3A_1624 : vector<16xi1>, vector<16xf32>
      %ge3A_1644 = arith.constant 0 : i32
      %ge3A_1645 = vector.broadcast %ge3A_1644 : i32 to vector<16xi32>
      %ge3A_1646 = arith.cmpi sge, %convert_element_type3A_1616, %ge3A_1645 : vector<16xi32>
      %le3A_1647 = arith.constant 383 : i32
      %le3A_1648 = vector.broadcast %le3A_1647 : i32 to vector<16xi32>
      %le3A_1649 = arith.cmpi sle, %convert_element_type3A_1616, %le3A_1648 : vector<16xi32>
      %and3A_1650 = arith.andi %ge3A_1646, %le3A_1649 : vector<16xi1>
      %sub3A_1651 = arith.constant 1.000000e+00 : f32
      %sub3A_1652 = vector.broadcast %sub3A_1651 : f32 to vector<16xf32>
      %sub3A_1653 = arith.subf %sub3A_1652, %sub3A_1614 : vector<16xf32>
      %select_n3A_1654 = arith.select %and3A_1650, %sub3A_1653, %broadcast_in_dim3A_1624 : vector<16xi1>, vector<16xf32>
      %ge3A_1655 = arith.constant 0 : i32
      %ge3A_1656 = vector.broadcast %ge3A_1655 : i32 to vector<16xi32>
      %ge3A_1657 = arith.cmpi sge, %add3A_1622, %ge3A_1656 : vector<16xi32>
      %le3A_1658 = arith.constant 383 : i32
      %le3A_1659 = vector.broadcast %le3A_1658 : i32 to vector<16xi32>
      %le3A_1660 = arith.cmpi sle, %add3A_1622, %le3A_1659 : vector<16xi32>
      %and3A_1661 = arith.andi %ge3A_1657, %le3A_1660 : vector<16xi1>
      %select_n3A_1662 = arith.select %and3A_1661, %sub3A_1614, %broadcast_in_dim3A_1624 : vector<16xi1>, vector<16xf32>
      %max3A_1663 = arith.constant 0 : i32
      %max3A_1664 = vector.broadcast %max3A_1663 : i32 to vector<16xi32>
      %max3A_1665 = arith.maxsi %convert_element_type3A_1615, %max3A_1664 : vector<16xi32>
      %min3A_1666 = arith.constant 383 : i32
      %min3A_1667 = vector.broadcast %min3A_1666 : i32 to vector<16xi32>
      %min3A_1668 = arith.minsi %max3A_1665, %min3A_1667 : vector<16xi32>
      %max3A_1669 = arith.constant 0 : i32
      %max3A_1670 = vector.broadcast %max3A_1669 : i32 to vector<16xi32>
      %max3A_1671 = arith.maxsi %add3A_1619, %max3A_1670 : vector<16xi32>
      %min3A_1672 = arith.constant 383 : i32
      %min3A_1673 = vector.broadcast %min3A_1672 : i32 to vector<16xi32>
      %min3A_1674 = arith.minsi %max3A_1671, %min3A_1673 : vector<16xi32>
      %max3A_1675 = arith.constant 0 : i32
      %max3A_1676 = vector.broadcast %max3A_1675 : i32 to vector<16xi32>
      %max3A_1677 = arith.maxsi %convert_element_type3A_1616, %max3A_1676 : vector<16xi32>
      %min3A_1678 = arith.constant 383 : i32
      %min3A_1679 = vector.broadcast %min3A_1678 : i32 to vector<16xi32>
      %min3A_1680 = arith.minsi %max3A_1677, %min3A_1679 : vector<16xi32>
      %max3A_1681 = arith.constant 0 : i32
      %max3A_1682 = vector.broadcast %max3A_1681 : i32 to vector<16xi32>
      %max3A_1683 = arith.maxsi %add3A_1622, %max3A_1682 : vector<16xi32>
      %min3A_1684 = arith.constant 383 : i32
      %min3A_1685 = vector.broadcast %min3A_1684 : i32 to vector<16xi32>
      %min3A_1686 = arith.minsi %max3A_1683, %min3A_1685 : vector<16xi32>
      %mul3A_1687 = arith.constant 384 : i32
      %mul3A_1688 = vector.broadcast %mul3A_1687 : i32 to vector<16xi32>
      %mul3A_1689 = arith.muli %min3A_1680, %mul3A_1688 : vector<16xi32>
      %add3A_1690 = vector.broadcast %mul3A_18 : i32 to vector<16xi32>
      %add3A_1691 = arith.addi %add3A_1690, %mul3A_1689 : vector<16xi32>
      %mul3A_1692 = arith.constant 384 : i32
      %mul3A_1693 = vector.broadcast %mul3A_1692 : i32 to vector<16xi32>
      %mul3A_1694 = arith.muli %min3A_1686, %mul3A_1693 : vector<16xi32>
      %add3A_1695 = vector.broadcast %mul3A_18 : i32 to vector<16xi32>
      %add3A_1696 = arith.addi %add3A_1695, %mul3A_1694 : vector<16xi32>
      %add3A_1697 = arith.addi %add3A_1691, %min3A_1668 : vector<16xi32>
      %swap3A_1698 = arith.constant 32 : index
      %swap3A_1699 = tpu.vector_load %arg12[%swap3A_1698] {strides = array<i32>} : memref<128xi32, #tpu.memory_space<vmem>>, vector<16xi32>,
      tpu.vector_store %arg12[%swap3A_1698], %add3A_1697 {strides = array<i32>} : memref<128xi32, #tpu.memory_space<vmem>>, vector<16xi32>,
      %add3A_1700 = arith.addi %add3A_1691, %min3A_1674 : vector<16xi32>
      %swap3A_1701 = arith.constant 32 : index
      %swap3A_1702 = tpu.vector_load %arg13[%swap3A_1701] {strides = array<i32>} : memref<128xi32, #tpu.memory_space<vmem>>, vector<16xi32>,
      tpu.vector_store %arg13[%swap3A_1701], %add3A_1700 {strides = array<i32>} : memref<128xi32, #tpu.memory_space<vmem>>, vector<16xi32>,
      %add3A_1703 = arith.addi %add3A_1696, %min3A_1668 : vector<16xi32>
      %swap3A_1704 = arith.constant 32 : index
      %swap3A_1705 = tpu.vector_load %arg14[%swap3A_1704] {strides = array<i32>} : memref<128xi32, #tpu.memory_space<vmem>>, vector<16xi32>,
      tpu.vector_store %arg14[%swap3A_1704], %add3A_1703 {strides = array<i32>} : memref<128xi32, #tpu.memory_space<vmem>>, vector<16xi32>,
      %add3A_1706 = arith.addi %add3A_1696, %min3A_1674 : vector<16xi32>
      %swap3A_1707 = arith.constant 32 : index
      %swap3A_1708 = tpu.vector_load %arg15[%swap3A_1707] {strides = array<i32>} : memref<128xi32, #tpu.memory_space<vmem>>, vector<16xi32>,
      tpu.vector_store %arg15[%swap3A_1707], %add3A_1706 {strides = array<i32>} : memref<128xi32, #tpu.memory_space<vmem>>, vector<16xi32>,
      %mul3A_1709 = arith.mulf %select_n3A_1654, %select_n3A_1635 : vector<16xf32>
      %swap3A_1710 = arith.constant 32 : index
      %swap3A_1711 = tpu.vector_load %arg20[%swap3A_1710] {strides = array<i32>} : memref<128xf32, #tpu.memory_space<vmem>>, vector<16xf32>,
      tpu.vector_store %arg20[%swap3A_1710], %mul3A_1709 {strides = array<i32>} : memref<128xf32, #tpu.memory_space<vmem>>, vector<16xf32>,
      %mul3A_1712 = arith.mulf %select_n3A_1654, %select_n3A_1643 : vector<16xf32>
      %swap3A_1713 = arith.constant 32 : index
      %swap3A_1714 = tpu.vector_load %arg21[%swap3A_1713] {strides = array<i32>} : memref<128xf32, #tpu.memory_space<vmem>>, vector<16xf32>,
      tpu.vector_store %arg21[%swap3A_1713], %mul3A_1712 {strides = array<i32>} : memref<128xf32, #tpu.memory_space<vmem>>, vector<16xf32>,
      %mul3A_1715 = arith.mulf %select_n3A_1662, %select_n3A_1635 : vector<16xf32>
      %swap3A_1716 = arith.constant 32 : index
      %swap3A_1717 = tpu.vector_load %arg22[%swap3A_1716] {strides = array<i32>} : memref<128xf32, #tpu.memory_space<vmem>>, vector<16xf32>,
      tpu.vector_store %arg22[%swap3A_1716], %mul3A_1715 {strides = array<i32>} : memref<128xf32, #tpu.memory_space<vmem>>, vector<16xf32>,
      %mul3A_1718 = arith.mulf %select_n3A_1662, %select_n3A_1643 : vector<16xf32>
      %swap3A_1719 = arith.constant 32 : index
      %swap3A_1720 = tpu.vector_load %arg23[%swap3A_1719] {strides = array<i32>} : memref<128xf32, #tpu.memory_space<vmem>>, vector<16xf32>,
      tpu.vector_store %arg23[%swap3A_1719], %mul3A_1718 {strides = array<i32>} : memref<128xf32, #tpu.memory_space<vmem>>, vector<16xf32>,
      %get3A_1721 = arith.constant 48 : index
      %get3A_1722 = tpu.vector_load %arg6[%get3A_1721] {strides = array<i32>} : memref<128xf32, #tpu.memory_space<vmem>>, vector<16xf32>,
      %get3A_1723 = arith.constant 48 : index
      %get3A_1724 = tpu.vector_load %arg7[%get3A_1723] {strides = array<i32>} : memref<128xf32, #tpu.memory_space<vmem>>, vector<16xf32>,
      %add3A_1725 = arith.constant 1.000000e+00 : f32
      %add3A_1726 = vector.broadcast %add3A_1725 : f32 to vector<16xf32>
      %add3A_1727 = arith.addf %get3A_1722, %add3A_1726 : vector<16xf32>
      %mul3A_1728 = arith.constant 3.840000e+02 : f32
      %mul3A_1729 = vector.broadcast %mul3A_1728 : f32 to vector<16xf32>
      %mul3A_1730 = arith.mulf %add3A_1727, %mul3A_1729 : vector<16xf32>
      %sub3A_1731 = arith.constant 1.000000e+00 : f32
      %sub3A_1732 = vector.broadcast %sub3A_1731 : f32 to vector<16xf32>
      %sub3A_1733 = arith.subf %mul3A_1730, %sub3A_1732 : vector<16xf32>
      %mul3A_1734 = arith.constant 5.000000e-01 : f32
      %mul3A_1735 = vector.broadcast %mul3A_1734 : f32 to vector<16xf32>
      %mul3A_1736 = arith.mulf %sub3A_1733, %mul3A_1735 : vector<16xf32>
      %add3A_1737 = arith.constant 1.000000e+00 : f32
      %add3A_1738 = vector.broadcast %add3A_1737 : f32 to vector<16xf32>
      %add3A_1739 = arith.addf %get3A_1724, %add3A_1738 : vector<16xf32>
      %mul3A_1740 = arith.constant 3.840000e+02 : f32
      %mul3A_1741 = vector.broadcast %mul3A_1740 : f32 to vector<16xf32>
      %mul3A_1742 = arith.mulf %add3A_1739, %mul3A_1741 : vector<16xf32>
      %sub3A_1743 = arith.constant 1.000000e+00 : f32
      %sub3A_1744 = vector.broadcast %sub3A_1743 : f32 to vector<16xf32>
      %sub3A_1745 = arith.subf %mul3A_1742, %sub3A_1744 : vector<16xf32>
      %mul3A_1746 = arith.constant 5.000000e-01 : f32
      %mul3A_1747 = vector.broadcast %mul3A_1746 : f32 to vector<16xf32>
      %mul3A_1748 = arith.mulf %sub3A_1745, %mul3A_1747 : vector<16xf32>
      %convert_element_type3A_1749 = arith.fptosi %mul3A_1736 : vector<16xf32> to vector<16xi32>
      %convert_element_type3A_1750 = arith.sitofp %convert_element_type3A_1749 : vector<16xi32> to vector<16xf32>
      %gt3A_1751 = arith.cmpf ogt, %convert_element_type3A_1750, %mul3A_1736 : vector<16xf32>
      %sub3A_1752 = arith.constant 1.000000e+00 : f32
      %sub3A_1753 = vector.broadcast %sub3A_1752 : f32 to vector<16xf32>
      %sub3A_1754 = arith.subf %convert_element_type3A_1750, %sub3A_1753 : vector<16xf32>
      %select_n3A_1755 = arith.select %gt3A_1751, %sub3A_1754, %convert_element_type3A_1750 : vector<16xi1>, vector<16xf32>
      %convert_element_type3A_1756 = arith.fptosi %mul3A_1748 : vector<16xf32> to vector<16xi32>
      %convert_element_type3A_1757 = arith.sitofp %convert_element_type3A_1756 : vector<16xi32> to vector<16xf32>
      %gt3A_1758 = arith.cmpf ogt, %convert_element_type3A_1757, %mul3A_1748 : vector<16xf32>
      %sub3A_1759 = arith.constant 1.000000e+00 : f32
      %sub3A_1760 = vector.broadcast %sub3A_1759 : f32 to vector<16xf32>
      %sub3A_1761 = arith.subf %convert_element_type3A_1757, %sub3A_1760 : vector<16xf32>
      %select_n3A_1762 = arith.select %gt3A_1758, %sub3A_1761, %convert_element_type3A_1757 : vector<16xi1>, vector<16xf32>
      %sub3A_1763 = arith.subf %mul3A_1736, %select_n3A_1755 : vector<16xf32>
      %sub3A_1764 = arith.subf %mul3A_1748, %select_n3A_1762 : vector<16xf32>
      %convert_element_type3A_1765 = arith.fptosi %select_n3A_1755 : vector<16xf32> to vector<16xi32>
      %convert_element_type3A_1766 = arith.fptosi %select_n3A_1762 : vector<16xf32> to vector<16xi32>
      %add3A_1767 = arith.constant 1 : i32
      %add3A_1768 = vector.broadcast %add3A_1767 : i32 to vector<16xi32>
      %add3A_1769 = arith.addi %convert_element_type3A_1765, %add3A_1768 : vector<16xi32>
      %add3A_1770 = arith.constant 1 : i32
      %add3A_1771 = vector.broadcast %add3A_1770 : i32 to vector<16xi32>
      %add3A_1772 = arith.addi %convert_element_type3A_1766, %add3A_1771 : vector<16xi32>
      %broadcast_in_dim3A_1773 = arith.constant 0.000000e+00 : f32
      %broadcast_in_dim3A_1774 = vector.broadcast %broadcast_in_dim3A_1773 : f32 to vector<16xf32>
      %ge3A_1775 = arith.constant 0 : i32
      %ge3A_1776 = vector.broadcast %ge3A_1775 : i32 to vector<16xi32>
      %ge3A_1777 = arith.cmpi sge, %convert_element_type3A_1765, %ge3A_1776 : vector<16xi32>
      %le3A_1778 = arith.constant 383 : i32
      %le3A_1779 = vector.broadcast %le3A_1778 : i32 to vector<16xi32>
      %le3A_1780 = arith.cmpi sle, %convert_element_type3A_1765, %le3A_1779 : vector<16xi32>
      %and3A_1781 = arith.andi %ge3A_1777, %le3A_1780 : vector<16xi1>
      %sub3A_1782 = arith.constant 1.000000e+00 : f32
      %sub3A_1783 = vector.broadcast %sub3A_1782 : f32 to vector<16xf32>
      %sub3A_1784 = arith.subf %sub3A_1783, %sub3A_1763 : vector<16xf32>
      %select_n3A_1785 = arith.select %and3A_1781, %sub3A_1784, %broadcast_in_dim3A_1774 : vector<16xi1>, vector<16xf32>
      %ge3A_1786 = arith.constant 0 : i32
      %ge3A_1787 = vector.broadcast %ge3A_1786 : i32 to vector<16xi32>
      %ge3A_1788 = arith.cmpi sge, %add3A_1769, %ge3A_1787 : vector<16xi32>
      %le3A_1789 = arith.constant 383 : i32
      %le3A_1790 = vector.broadcast %le3A_1789 : i32 to vector<16xi32>
      %le3A_1791 = arith.cmpi sle, %add3A_1769, %le3A_1790 : vector<16xi32>
      %and3A_1792 = arith.andi %ge3A_1788, %le3A_1791 : vector<16xi1>
      %select_n3A_1793 = arith.select %and3A_1792, %sub3A_1763, %broadcast_in_dim3A_1774 : vector<16xi1>, vector<16xf32>
      %ge3A_1794 = arith.constant 0 : i32
      %ge3A_1795 = vector.broadcast %ge3A_1794 : i32 to vector<16xi32>
      %ge3A_1796 = arith.cmpi sge, %convert_element_type3A_1766, %ge3A_1795 : vector<16xi32>
      %le3A_1797 = arith.constant 383 : i32
      %le3A_1798 = vector.broadcast %le3A_1797 : i32 to vector<16xi32>
      %le3A_1799 = arith.cmpi sle, %convert_element_type3A_1766, %le3A_1798 : vector<16xi32>
      %and3A_1800 = arith.andi %ge3A_1796, %le3A_1799 : vector<16xi1>
      %sub3A_1801 = arith.constant 1.000000e+00 : f32
      %sub3A_1802 = vector.broadcast %sub3A_1801 : f32 to vector<16xf32>
      %sub3A_1803 = arith.subf %sub3A_1802, %sub3A_1764 : vector<16xf32>
      %select_n3A_1804 = arith.select %and3A_1800, %sub3A_1803, %broadcast_in_dim3A_1774 : vector<16xi1>, vector<16xf32>
      %ge3A_1805 = arith.constant 0 : i32
      %ge3A_1806 = vector.broadcast %ge3A_1805 : i32 to vector<16xi32>
      %ge3A_1807 = arith.cmpi sge, %add3A_1772, %ge3A_1806 : vector<16xi32>
      %le3A_1808 = arith.constant 383 : i32
      %le3A_1809 = vector.broadcast %le3A_1808 : i32 to vector<16xi32>
      %le3A_1810 = arith.cmpi sle, %add3A_1772, %le3A_1809 : vector<16xi32>
      %and3A_1811 = arith.andi %ge3A_1807, %le3A_1810 : vector<16xi1>
      %select_n3A_1812 = arith.select %and3A_1811, %sub3A_1764, %broadcast_in_dim3A_1774 : vector<16xi1>, vector<16xf32>
      %max3A_1813 = arith.constant 0 : i32
      %max3A_1814 = vector.broadcast %max3A_1813 : i32 to vector<16xi32>
      %max3A_1815 = arith.maxsi %convert_element_type3A_1765, %max3A_1814 : vector<16xi32>
      %min3A_1816 = arith.constant 383 : i32
      %min3A_1817 = vector.broadcast %min3A_1816 : i32 to vector<16xi32>
      %min3A_1818 = arith.minsi %max3A_1815, %min3A_1817 : vector<16xi32>
      %max3A_1819 = arith.constant 0 : i32
      %max3A_1820 = vector.broadcast %max3A_1819 : i32 to vector<16xi32>
      %max3A_1821 = arith.maxsi %add3A_1769, %max3A_1820 : vector<16xi32>
      %min3A_1822 = arith.constant 383 : i32
      %min3A_1823 = vector.broadcast %min3A_1822 : i32 to vector<16xi32>
      %min3A_1824 = arith.minsi %max3A_1821, %min3A_1823 : vector<16xi32>
      %max3A_1825 = arith.constant 0 : i32
      %max3A_1826 = vector.broadcast %max3A_1825 : i32 to vector<16xi32>
      %max3A_1827 = arith.maxsi %convert_element_type3A_1766, %max3A_1826 : vector<16xi32>
      %min3A_1828 = arith.constant 383 : i32
      %min3A_1829 = vector.broadcast %min3A_1828 : i32 to vector<16xi32>
      %min3A_1830 = arith.minsi %max3A_1827, %min3A_1829 : vector<16xi32>
      %max3A_1831 = arith.constant 0 : i32
      %max3A_1832 = vector.broadcast %max3A_1831 : i32 to vector<16xi32>
      %max3A_1833 = arith.maxsi %add3A_1772, %max3A_1832 : vector<16xi32>
      %min3A_1834 = arith.constant 383 : i32
      %min3A_1835 = vector.broadcast %min3A_1834 : i32 to vector<16xi32>
      %min3A_1836 = arith.minsi %max3A_1833, %min3A_1835 : vector<16xi32>
      %mul3A_1837 = arith.constant 384 : i32
      %mul3A_1838 = vector.broadcast %mul3A_1837 : i32 to vector<16xi32>
      %mul3A_1839 = arith.muli %min3A_1830, %mul3A_1838 : vector<16xi32>
      %add3A_1840 = vector.broadcast %mul3A_18 : i32 to vector<16xi32>
      %add3A_1841 = arith.addi %add3A_1840, %mul3A_1839 : vector<16xi32>
      %mul3A_1842 = arith.constant 384 : i32
      %mul3A_1843 = vector.broadcast %mul3A_1842 : i32 to vector<16xi32>
      %mul3A_1844 = arith.muli %min3A_1836, %mul3A_1843 : vector<16xi32>
      %add3A_1845 = vector.broadcast %mul3A_18 : i32 to vector<16xi32>
      %add3A_1846 = arith.addi %add3A_1845, %mul3A_1844 : vector<16xi32>
      %add3A_1847 = arith.addi %add3A_1841, %min3A_1818 : vector<16xi32>
      %swap3A_1848 = arith.constant 48 : index
      %swap3A_1849 = tpu.vector_load %arg12[%swap3A_1848] {strides = array<i32>} : memref<128xi32, #tpu.memory_space<vmem>>, vector<16xi32>,
      tpu.vector_store %arg12[%swap3A_1848], %add3A_1847 {strides = array<i32>} : memref<128xi32, #tpu.memory_space<vmem>>, vector<16xi32>,
      %add3A_1850 = arith.addi %add3A_1841, %min3A_1824 : vector<16xi32>
      %swap3A_1851 = arith.constant 48 : index
      %swap3A_1852 = tpu.vector_load %arg13[%swap3A_1851] {strides = array<i32>} : memref<128xi32, #tpu.memory_space<vmem>>, vector<16xi32>,
      tpu.vector_store %arg13[%swap3A_1851], %add3A_1850 {strides = array<i32>} : memref<128xi32, #tpu.memory_space<vmem>>, vector<16xi32>,
      %add3A_1853 = arith.addi %add3A_1846, %min3A_1818 : vector<16xi32>
      %swap3A_1854 = arith.constant 48 : index
      %swap3A_1855 = tpu.vector_load %arg14[%swap3A_1854] {strides = array<i32>} : memref<128xi32, #tpu.memory_space<vmem>>, vector<16xi32>,
      tpu.vector_store %arg14[%swap3A_1854], %add3A_1853 {strides = array<i32>} : memref<128xi32, #tpu.memory_space<vmem>>, vector<16xi32>,
      %add3A_1856 = arith.addi %add3A_1846, %min3A_1824 : vector<16xi32>
      %swap3A_1857 = arith.constant 48 : index
      %swap3A_1858 = tpu.vector_load %arg15[%swap3A_1857] {strides = array<i32>} : memref<128xi32, #tpu.memory_space<vmem>>, vector<16xi32>,
      tpu.vector_store %arg15[%swap3A_1857], %add3A_1856 {strides = array<i32>} : memref<128xi32, #tpu.memory_space<vmem>>, vector<16xi32>,
      %mul3A_1859 = arith.mulf %select_n3A_1804, %select_n3A_1785 : vector<16xf32>
      %swap3A_1860 = arith.constant 48 : index
      %swap3A_1861 = tpu.vector_load %arg20[%swap3A_1860] {strides = array<i32>} : memref<128xf32, #tpu.memory_space<vmem>>, vector<16xf32>,
      tpu.vector_store %arg20[%swap3A_1860], %mul3A_1859 {strides = array<i32>} : memref<128xf32, #tpu.memory_space<vmem>>, vector<16xf32>,
      %mul3A_1862 = arith.mulf %select_n3A_1804, %select_n3A_1793 : vector<16xf32>
      %swap3A_1863 = arith.constant 48 : index
      %swap3A_1864 = tpu.vector_load %arg21[%swap3A_1863] {strides = array<i32>} : memref<128xf32, #tpu.memory_space<vmem>>, vector<16xf32>,
      tpu.vector_store %arg21[%swap3A_1863], %mul3A_1862 {strides = array<i32>} : memref<128xf32, #tpu.memory_space<vmem>>, vector<16xf32>,
      %mul3A_1865 = arith.mulf %select_n3A_1812, %select_n3A_1785 : vector<16xf32>
      %swap3A_1866 = arith.constant 48 : index
      %swap3A_1867 = tpu.vector_load %arg22[%swap3A_1866] {strides = array<i32>} : memref<128xf32, #tpu.memory_space<vmem>>, vector<16xf32>,
      tpu.vector_store %arg22[%swap3A_1866], %mul3A_1865 {strides = array<i32>} : memref<128xf32, #tpu.memory_space<vmem>>, vector<16xf32>,
      %mul3A_1868 = arith.mulf %select_n3A_1812, %select_n3A_1793 : vector<16xf32>
      %swap3A_1869 = arith.constant 48 : index
      %swap3A_1870 = tpu.vector_load %arg23[%swap3A_1869] {strides = array<i32>} : memref<128xf32, #tpu.memory_space<vmem>>, vector<16xf32>,
      tpu.vector_store %arg23[%swap3A_1869], %mul3A_1868 {strides = array<i32>} : memref<128xf32, #tpu.memory_space<vmem>>, vector<16xf32>,
      %get3A_1871 = arith.constant 64 : index
      %get3A_1872 = tpu.vector_load %arg6[%get3A_1871] {strides = array<i32>} : memref<128xf32, #tpu.memory_space<vmem>>, vector<16xf32>,
      %get3A_1873 = arith.constant 64 : index
      %get3A_1874 = tpu.vector_load %arg7[%get3A_1873] {strides = array<i32>} : memref<128xf32, #tpu.memory_space<vmem>>, vector<16xf32>,
      %add3A_1875 = arith.constant 1.000000e+00 : f32
      %add3A_1876 = vector.broadcast %add3A_1875 : f32 to vector<16xf32>
      %add3A_1877 = arith.addf %get3A_1872, %add3A_1876 : vector<16xf32>
      %mul3A_1878 = arith.constant 3.840000e+02 : f32
      %mul3A_1879 = vector.broadcast %mul3A_1878 : f32 to vector<16xf32>
      %mul3A_1880 = arith.mulf %add3A_1877, %mul3A_1879 : vector<16xf32>
      %sub3A_1881 = arith.constant 1.000000e+00 : f32
      %sub3A_1882 = vector.broadcast %sub3A_1881 : f32 to vector<16xf32>
      %sub3A_1883 = arith.subf %mul3A_1880, %sub3A_1882 : vector<16xf32>
      %mul3A_1884 = arith.constant 5.000000e-01 : f32
      %mul3A_1885 = vector.broadcast %mul3A_1884 : f32 to vector<16xf32>
      %mul3A_1886 = arith.mulf %sub3A_1883, %mul3A_1885 : vector<16xf32>
      %add3A_1887 = arith.constant 1.000000e+00 : f32
      %add3A_1888 = vector.broadcast %add3A_1887 : f32 to vector<16xf32>
      %add3A_1889 = arith.addf %get3A_1874, %add3A_1888 : vector<16xf32>
      %mul3A_1890 = arith.constant 3.840000e+02 : f32
      %mul3A_1891 = vector.broadcast %mul3A_1890 : f32 to vector<16xf32>
      %mul3A_1892 = arith.mulf %add3A_1889, %mul3A_1891 : vector<16xf32>
      %sub3A_1893 = arith.constant 1.000000e+00 : f32
      %sub3A_1894 = vector.broadcast %sub3A_1893 : f32 to vector<16xf32>
      %sub3A_1895 = arith.subf %mul3A_1892, %sub3A_1894 : vector<16xf32>
      %mul3A_1896 = arith.constant 5.000000e-01 : f32
      %mul3A_1897 = vector.broadcast %mul3A_1896 : f32 to vector<16xf32>
      %mul3A_1898 = arith.mulf %sub3A_1895, %mul3A_1897 : vector<16xf32>
      %convert_element_type3A_1899 = arith.fptosi %mul3A_1886 : vector<16xf32> to vector<16xi32>
      %convert_element_type3A_1900 = arith.sitofp %convert_element_type3A_1899 : vector<16xi32> to vector<16xf32>
      %gt3A_1901 = arith.cmpf ogt, %convert_element_type3A_1900, %mul3A_1886 : vector<16xf32>
      %sub3A_1902 = arith.constant 1.000000e+00 : f32
      %sub3A_1903 = vector.broadcast %sub3A_1902 : f32 to vector<16xf32>
      %sub3A_1904 = arith.subf %convert_element_type3A_1900, %sub3A_1903 : vector<16xf32>
      %select_n3A_1905 = arith.select %gt3A_1901, %sub3A_1904, %convert_element_type3A_1900 : vector<16xi1>, vector<16xf32>
      %convert_element_type3A_1906 = arith.fptosi %mul3A_1898 : vector<16xf32> to vector<16xi32>
      %convert_element_type3A_1907 = arith.sitofp %convert_element_type3A_1906 : vector<16xi32> to vector<16xf32>
      %gt3A_1908 = arith.cmpf ogt, %convert_element_type3A_1907, %mul3A_1898 : vector<16xf32>
      %sub3A_1909 = arith.constant 1.000000e+00 : f32
      %sub3A_1910 = vector.broadcast %sub3A_1909 : f32 to vector<16xf32>
      %sub3A_1911 = arith.subf %convert_element_type3A_1907, %sub3A_1910 : vector<16xf32>
      %select_n3A_1912 = arith.select %gt3A_1908, %sub3A_1911, %convert_element_type3A_1907 : vector<16xi1>, vector<16xf32>
      %sub3A_1913 = arith.subf %mul3A_1886, %select_n3A_1905 : vector<16xf32>
      %sub3A_1914 = arith.subf %mul3A_1898, %select_n3A_1912 : vector<16xf32>
      %convert_element_type3A_1915 = arith.fptosi %select_n3A_1905 : vector<16xf32> to vector<16xi32>
      %convert_element_type3A_1916 = arith.fptosi %select_n3A_1912 : vector<16xf32> to vector<16xi32>
      %add3A_1917 = arith.constant 1 : i32
      %add3A_1918 = vector.broadcast %add3A_1917 : i32 to vector<16xi32>
      %add3A_1919 = arith.addi %convert_element_type3A_1915, %add3A_1918 : vector<16xi32>
      %add3A_1920 = arith.constant 1 : i32
      %add3A_1921 = vector.broadcast %add3A_1920 : i32 to vector<16xi32>
      %add3A_1922 = arith.addi %convert_element_type3A_1916, %add3A_1921 : vector<16xi32>
      %broadcast_in_dim3A_1923 = arith.constant 0.000000e+00 : f32
      %broadcast_in_dim3A_1924 = vector.broadcast %broadcast_in_dim3A_1923 : f32 to vector<16xf32>
      %ge3A_1925 = arith.constant 0 : i32
      %ge3A_1926 = vector.broadcast %ge3A_1925 : i32 to vector<16xi32>
      %ge3A_1927 = arith.cmpi sge, %convert_element_type3A_1915, %ge3A_1926 : vector<16xi32>
      %le3A_1928 = arith.constant 383 : i32
      %le3A_1929 = vector.broadcast %le3A_1928 : i32 to vector<16xi32>
      %le3A_1930 = arith.cmpi sle, %convert_element_type3A_1915, %le3A_1929 : vector<16xi32>
      %and3A_1931 = arith.andi %ge3A_1927, %le3A_1930 : vector<16xi1>
      %sub3A_1932 = arith.constant 1.000000e+00 : f32
      %sub3A_1933 = vector.broadcast %sub3A_1932 : f32 to vector<16xf32>
      %sub3A_1934 = arith.subf %sub3A_1933, %sub3A_1913 : vector<16xf32>
      %select_n3A_1935 = arith.select %and3A_1931, %sub3A_1934, %broadcast_in_dim3A_1924 : vector<16xi1>, vector<16xf32>
      %ge3A_1936 = arith.constant 0 : i32
      %ge3A_1937 = vector.broadcast %ge3A_1936 : i32 to vector<16xi32>
      %ge3A_1938 = arith.cmpi sge, %add3A_1919, %ge3A_1937 : vector<16xi32>
      %le3A_1939 = arith.constant 383 : i32
      %le3A_1940 = vector.broadcast %le3A_1939 : i32 to vector<16xi32>
      %le3A_1941 = arith.cmpi sle, %add3A_1919, %le3A_1940 : vector<16xi32>
      %and3A_1942 = arith.andi %ge3A_1938, %le3A_1941 : vector<16xi1>
      %select_n3A_1943 = arith.select %and3A_1942, %sub3A_1913, %broadcast_in_dim3A_1924 : vector<16xi1>, vector<16xf32>
      %ge3A_1944 = arith.constant 0 : i32
      %ge3A_1945 = vector.broadcast %ge3A_1944 : i32 to vector<16xi32>
      %ge3A_1946 = arith.cmpi sge, %convert_element_type3A_1916, %ge3A_1945 : vector<16xi32>
      %le3A_1947 = arith.constant 383 : i32
      %le3A_1948 = vector.broadcast %le3A_1947 : i32 to vector<16xi32>
      %le3A_1949 = arith.cmpi sle, %convert_element_type3A_1916, %le3A_1948 : vector<16xi32>
      %and3A_1950 = arith.andi %ge3A_1946, %le3A_1949 : vector<16xi1>
      %sub3A_1951 = arith.constant 1.000000e+00 : f32
      %sub3A_1952 = vector.broadcast %sub3A_1951 : f32 to vector<16xf32>
      %sub3A_1953 = arith.subf %sub3A_1952, %sub3A_1914 : vector<16xf32>
      %select_n3A_1954 = arith.select %and3A_1950, %sub3A_1953, %broadcast_in_dim3A_1924 : vector<16xi1>, vector<16xf32>
      %ge3A_1955 = arith.constant 0 : i32
      %ge3A_1956 = vector.broadcast %ge3A_1955 : i32 to vector<16xi32>
      %ge3A_1957 = arith.cmpi sge, %add3A_1922, %ge3A_1956 : vector<16xi32>
      %le3A_1958 = arith.constant 383 : i32
      %le3A_1959 = vector.broadcast %le3A_1958 : i32 to vector<16xi32>
      %le3A_1960 = arith.cmpi sle, %add3A_1922, %le3A_1959 : vector<16xi32>
      %and3A_1961 = arith.andi %ge3A_1957, %le3A_1960 : vector<16xi1>
      %select_n3A_1962 = arith.select %and3A_1961, %sub3A_1914, %broadcast_in_dim3A_1924 : vector<16xi1>, vector<16xf32>
      %max3A_1963 = arith.constant 0 : i32
      %max3A_1964 = vector.broadcast %max3A_1963 : i32 to vector<16xi32>
      %max3A_1965 = arith.maxsi %convert_element_type3A_1915, %max3A_1964 : vector<16xi32>
      %min3A_1966 = arith.constant 383 : i32
      %min3A_1967 = vector.broadcast %min3A_1966 : i32 to vector<16xi32>
      %min3A_1968 = arith.minsi %max3A_1965, %min3A_1967 : vector<16xi32>
      %max3A_1969 = arith.constant 0 : i32
      %max3A_1970 = vector.broadcast %max3A_1969 : i32 to vector<16xi32>
      %max3A_1971 = arith.maxsi %add3A_1919, %max3A_1970 : vector<16xi32>
      %min3A_1972 = arith.constant 383 : i32
      %min3A_1973 = vector.broadcast %min3A_1972 : i32 to vector<16xi32>
      %min3A_1974 = arith.minsi %max3A_1971, %min3A_1973 : vector<16xi32>
      %max3A_1975 = arith.constant 0 : i32
      %max3A_1976 = vector.broadcast %max3A_1975 : i32 to vector<16xi32>
      %max3A_1977 = arith.maxsi %convert_element_type3A_1916, %max3A_1976 : vector<16xi32>
      %min3A_1978 = arith.constant 383 : i32
      %min3A_1979 = vector.broadcast %min3A_1978 : i32 to vector<16xi32>
      %min3A_1980 = arith.minsi %max3A_1977, %min3A_1979 : vector<16xi32>
      %max3A_1981 = arith.constant 0 : i32
      %max3A_1982 = vector.broadcast %max3A_1981 : i32 to vector<16xi32>
      %max3A_1983 = arith.maxsi %add3A_1922, %max3A_1982 : vector<16xi32>
      %min3A_1984 = arith.constant 383 : i32
      %min3A_1985 = vector.broadcast %min3A_1984 : i32 to vector<16xi32>
      %min3A_1986 = arith.minsi %max3A_1983, %min3A_1985 : vector<16xi32>
      %mul3A_1987 = arith.constant 384 : i32
      %mul3A_1988 = vector.broadcast %mul3A_1987 : i32 to vector<16xi32>
      %mul3A_1989 = arith.muli %min3A_1980, %mul3A_1988 : vector<16xi32>
      %add3A_1990 = vector.broadcast %mul3A_18 : i32 to vector<16xi32>
      %add3A_1991 = arith.addi %add3A_1990, %mul3A_1989 : vector<16xi32>
      %mul3A_1992 = arith.constant 384 : i32
      %mul3A_1993 = vector.broadcast %mul3A_1992 : i32 to vector<16xi32>
      %mul3A_1994 = arith.muli %min3A_1986, %mul3A_1993 : vector<16xi32>
      %add3A_1995 = vector.broadcast %mul3A_18 : i32 to vector<16xi32>
      %add3A_1996 = arith.addi %add3A_1995, %mul3A_1994 : vector<16xi32>
      %add3A_1997 = arith.addi %add3A_1991, %min3A_1968 : vector<16xi32>
      %swap3A_1998 = arith.constant 64 : index
      %swap3A_1999 = tpu.vector_load %arg12[%swap3A_1998] {strides = array<i32>} : memref<128xi32, #tpu.memory_space<vmem>>, vector<16xi32>,
      tpu.vector_store %arg12[%swap3A_1998], %add3A_1997 {strides = array<i32>} : memref<128xi32, #tpu.memory_space<vmem>>, vector<16xi32>,
      %add3A_2000 = arith.addi %add3A_1991, %min3A_1974 : vector<16xi32>
      %swap3A_2001 = arith.constant 64 : index
      %swap3A_2002 = tpu.vector_load %arg13[%swap3A_2001] {strides = array<i32>} : memref<128xi32, #tpu.memory_space<vmem>>, vector<16xi32>,
      tpu.vector_store %arg13[%swap3A_2001], %add3A_2000 {strides = array<i32>} : memref<128xi32, #tpu.memory_space<vmem>>, vector<16xi32>,
      %add3A_2003 = arith.addi %add3A_1996, %min3A_1968 : vector<16xi32>
      %swap3A_2004 = arith.constant 64 : index
      %swap3A_2005 = tpu.vector_load %arg14[%swap3A_2004] {strides = array<i32>} : memref<128xi32, #tpu.memory_space<vmem>>, vector<16xi32>,
      tpu.vector_store %arg14[%swap3A_2004], %add3A_2003 {strides = array<i32>} : memref<128xi32, #tpu.memory_space<vmem>>, vector<16xi32>,
      %add3A_2006 = arith.addi %add3A_1996, %min3A_1974 : vector<16xi32>
      %swap3A_2007 = arith.constant 64 : index
      %swap3A_2008 = tpu.vector_load %arg15[%swap3A_2007] {strides = array<i32>} : memref<128xi32, #tpu.memory_space<vmem>>, vector<16xi32>,
      tpu.vector_store %arg15[%swap3A_2007], %add3A_2006 {strides = array<i32>} : memref<128xi32, #tpu.memory_space<vmem>>, vector<16xi32>,
      %mul3A_2009 = arith.mulf %select_n3A_1954, %select_n3A_1935 : vector<16xf32>
      %swap3A_2010 = arith.constant 64 : index
      %swap3A_2011 = tpu.vector_load %arg20[%swap3A_2010] {strides = array<i32>} : memref<128xf32, #tpu.memory_space<vmem>>, vector<16xf32>,
      tpu.vector_store %arg20[%swap3A_2010], %mul3A_2009 {strides = array<i32>} : memref<128xf32, #tpu.memory_space<vmem>>, vector<16xf32>,
      %mul3A_2012 = arith.mulf %select_n3A_1954, %select_n3A_1943 : vector<16xf32>
      %swap3A_2013 = arith.constant 64 : index
      %swap3A_2014 = tpu.vector_load %arg21[%swap3A_2013] {strides = array<i32>} : memref<128xf32, #tpu.memory_space<vmem>>, vector<16xf32>,
      tpu.vector_store %arg21[%swap3A_2013], %mul3A_2012 {strides = array<i32>} : memref<128xf32, #tpu.memory_space<vmem>>, vector<16xf32>,
      %mul3A_2015 = arith.mulf %select_n3A_1962, %select_n3A_1935 : vector<16xf32>
      %swap3A_2016 = arith.constant 64 : index
      %swap3A_2017 = tpu.vector_load %arg22[%swap3A_2016] {strides = array<i32>} : memref<128xf32, #tpu.memory_space<vmem>>, vector<16xf32>,
      tpu.vector_store %arg22[%swap3A_2016], %mul3A_2015 {strides = array<i32>} : memref<128xf32, #tpu.memory_space<vmem>>, vector<16xf32>,
      %mul3A_2018 = arith.mulf %select_n3A_1962, %select_n3A_1943 : vector<16xf32>
      %swap3A_2019 = arith.constant 64 : index
      %swap3A_2020 = tpu.vector_load %arg23[%swap3A_2019] {strides = array<i32>} : memref<128xf32, #tpu.memory_space<vmem>>, vector<16xf32>,
      tpu.vector_store %arg23[%swap3A_2019], %mul3A_2018 {strides = array<i32>} : memref<128xf32, #tpu.memory_space<vmem>>, vector<16xf32>,
      %get3A_2021 = arith.constant 80 : index
      %get3A_2022 = tpu.vector_load %arg6[%get3A_2021] {strides = array<i32>} : memref<128xf32, #tpu.memory_space<vmem>>, vector<16xf32>,
      %get3A_2023 = arith.constant 80 : index
      %get3A_2024 = tpu.vector_load %arg7[%get3A_2023] {strides = array<i32>} : memref<128xf32, #tpu.memory_space<vmem>>, vector<16xf32>,
      %add3A_2025 = arith.constant 1.000000e+00 : f32
      %add3A_2026 = vector.broadcast %add3A_2025 : f32 to vector<16xf32>
      %add3A_2027 = arith.addf %get3A_2022, %add3A_2026 : vector<16xf32>
      %mul3A_2028 = arith.constant 3.840000e+02 : f32
      %mul3A_2029 = vector.broadcast %mul3A_2028 : f32 to vector<16xf32>
      %mul3A_2030 = arith.mulf %add3A_2027, %mul3A_2029 : vector<16xf32>
      %sub3A_2031 = arith.constant 1.000000e+00 : f32
      %sub3A_2032 = vector.broadcast %sub3A_2031 : f32 to vector<16xf32>
      %sub3A_2033 = arith.subf %mul3A_2030, %sub3A_2032 : vector<16xf32>
      %mul3A_2034 = arith.constant 5.000000e-01 : f32
      %mul3A_2035 = vector.broadcast %mul3A_2034 : f32 to vector<16xf32>
      %mul3A_2036 = arith.mulf %sub3A_2033, %mul3A_2035 : vector<16xf32>
      %add3A_2037 = arith.constant 1.000000e+00 : f32
      %add3A_2038 = vector.broadcast %add3A_2037 : f32 to vector<16xf32>
      %add3A_2039 = arith.addf %get3A_2024, %add3A_2038 : vector<16xf32>
      %mul3A_2040 = arith.constant 3.840000e+02 : f32
      %mul3A_2041 = vector.broadcast %mul3A_2040 : f32 to vector<16xf32>
      %mul3A_2042 = arith.mulf %add3A_2039, %mul3A_2041 : vector<16xf32>
      %sub3A_2043 = arith.constant 1.000000e+00 : f32
      %sub3A_2044 = vector.broadcast %sub3A_2043 : f32 to vector<16xf32>
      %sub3A_2045 = arith.subf %mul3A_2042, %sub3A_2044 : vector<16xf32>
      %mul3A_2046 = arith.constant 5.000000e-01 : f32
      %mul3A_2047 = vector.broadcast %mul3A_2046 : f32 to vector<16xf32>
      %mul3A_2048 = arith.mulf %sub3A_2045, %mul3A_2047 : vector<16xf32>
      %convert_element_type3A_2049 = arith.fptosi %mul3A_2036 : vector<16xf32> to vector<16xi32>
      %convert_element_type3A_2050 = arith.sitofp %convert_element_type3A_2049 : vector<16xi32> to vector<16xf32>
      %gt3A_2051 = arith.cmpf ogt, %convert_element_type3A_2050, %mul3A_2036 : vector<16xf32>
      %sub3A_2052 = arith.constant 1.000000e+00 : f32
      %sub3A_2053 = vector.broadcast %sub3A_2052 : f32 to vector<16xf32>
      %sub3A_2054 = arith.subf %convert_element_type3A_2050, %sub3A_2053 : vector<16xf32>
      %select_n3A_2055 = arith.select %gt3A_2051, %sub3A_2054, %convert_element_type3A_2050 : vector<16xi1>, vector<16xf32>
      %convert_element_type3A_2056 = arith.fptosi %mul3A_2048 : vector<16xf32> to vector<16xi32>
      %convert_element_type3A_2057 = arith.sitofp %convert_element_type3A_2056 : vector<16xi32> to vector<16xf32>
      %gt3A_2058 = arith.cmpf ogt, %convert_element_type3A_2057, %mul3A_2048 : vector<16xf32>
      %sub3A_2059 = arith.constant 1.000000e+00 : f32
      %sub3A_2060 = vector.broadcast %sub3A_2059 : f32 to vector<16xf32>
      %sub3A_2061 = arith.subf %convert_element_type3A_2057, %sub3A_2060 : vector<16xf32>
      %select_n3A_2062 = arith.select %gt3A_2058, %sub3A_2061, %convert_element_type3A_2057 : vector<16xi1>, vector<16xf32>
      %sub3A_2063 = arith.subf %mul3A_2036, %select_n3A_2055 : vector<16xf32>
      %sub3A_2064 = arith.subf %mul3A_2048, %select_n3A_2062 : vector<16xf32>
      %convert_element_type3A_2065 = arith.fptosi %select_n3A_2055 : vector<16xf32> to vector<16xi32>
      %convert_element_type3A_2066 = arith.fptosi %select_n3A_2062 : vector<16xf32> to vector<16xi32>
      %add3A_2067 = arith.constant 1 : i32
      %add3A_2068 = vector.broadcast %add3A_2067 : i32 to vector<16xi32>
      %add3A_2069 = arith.addi %convert_element_type3A_2065, %add3A_2068 : vector<16xi32>
      %add3A_2070 = arith.constant 1 : i32
      %add3A_2071 = vector.broadcast %add3A_2070 : i32 to vector<16xi32>
      %add3A_2072 = arith.addi %convert_element_type3A_2066, %add3A_2071 : vector<16xi32>
      %broadcast_in_dim3A_2073 = arith.constant 0.000000e+00 : f32
      %broadcast_in_dim3A_2074 = vector.broadcast %broadcast_in_dim3A_2073 : f32 to vector<16xf32>
      %ge3A_2075 = arith.constant 0 : i32
      %ge3A_2076 = vector.broadcast %ge3A_2075 : i32 to vector<16xi32>
      %ge3A_2077 = arith.cmpi sge, %convert_element_type3A_2065, %ge3A_2076 : vector<16xi32>
      %le3A_2078 = arith.constant 383 : i32
      %le3A_2079 = vector.broadcast %le3A_2078 : i32 to vector<16xi32>
      %le3A_2080 = arith.cmpi sle, %convert_element_type3A_2065, %le3A_2079 : vector<16xi32>
      %and3A_2081 = arith.andi %ge3A_2077, %le3A_2080 : vector<16xi1>
      %sub3A_2082 = arith.constant 1.000000e+00 : f32
      %sub3A_2083 = vector.broadcast %sub3A_2082 : f32 to vector<16xf32>
      %sub3A_2084 = arith.subf %sub3A_2083, %sub3A_2063 : vector<16xf32>
      %select_n3A_2085 = arith.select %and3A_2081, %sub3A_2084, %broadcast_in_dim3A_2074 : vector<16xi1>, vector<16xf32>
      %ge3A_2086 = arith.constant 0 : i32
      %ge3A_2087 = vector.broadcast %ge3A_2086 : i32 to vector<16xi32>
      %ge3A_2088 = arith.cmpi sge, %add3A_2069, %ge3A_2087 : vector<16xi32>
      %le3A_2089 = arith.constant 383 : i32
      %le3A_2090 = vector.broadcast %le3A_2089 : i32 to vector<16xi32>
      %le3A_2091 = arith.cmpi sle, %add3A_2069, %le3A_2090 : vector<16xi32>
      %and3A_2092 = arith.andi %ge3A_2088, %le3A_2091 : vector<16xi1>
      %select_n3A_2093 = arith.select %and3A_2092, %sub3A_2063, %broadcast_in_dim3A_2074 : vector<16xi1>, vector<16xf32>
      %ge3A_2094 = arith.constant 0 : i32
      %ge3A_2095 = vector.broadcast %ge3A_2094 : i32 to vector<16xi32>
      %ge3A_2096 = arith.cmpi sge, %convert_element_type3A_2066, %ge3A_2095 : vector<16xi32>
      %le3A_2097 = arith.constant 383 : i32
      %le3A_2098 = vector.broadcast %le3A_2097 : i32 to vector<16xi32>
      %le3A_2099 = arith.cmpi sle, %convert_element_type3A_2066, %le3A_2098 : vector<16xi32>
      %and3A_2100 = arith.andi %ge3A_2096, %le3A_2099 : vector<16xi1>
      %sub3A_2101 = arith.constant 1.000000e+00 : f32
      %sub3A_2102 = vector.broadcast %sub3A_2101 : f32 to vector<16xf32>
      %sub3A_2103 = arith.subf %sub3A_2102, %sub3A_2064 : vector<16xf32>
      %select_n3A_2104 = arith.select %and3A_2100, %sub3A_2103, %broadcast_in_dim3A_2074 : vector<16xi1>, vector<16xf32>
      %ge3A_2105 = arith.constant 0 : i32
      %ge3A_2106 = vector.broadcast %ge3A_2105 : i32 to vector<16xi32>
      %ge3A_2107 = arith.cmpi sge, %add3A_2072, %ge3A_2106 : vector<16xi32>
      %le3A_2108 = arith.constant 383 : i32
      %le3A_2109 = vector.broadcast %le3A_2108 : i32 to vector<16xi32>
      %le3A_2110 = arith.cmpi sle, %add3A_2072, %le3A_2109 : vector<16xi32>
      %and3A_2111 = arith.andi %ge3A_2107, %le3A_2110 : vector<16xi1>
      %select_n3A_2112 = arith.select %and3A_2111, %sub3A_2064, %broadcast_in_dim3A_2074 : vector<16xi1>, vector<16xf32>
      %max3A_2113 = arith.constant 0 : i32
      %max3A_2114 = vector.broadcast %max3A_2113 : i32 to vector<16xi32>
      %max3A_2115 = arith.maxsi %convert_element_type3A_2065, %max3A_2114 : vector<16xi32>
      %min3A_2116 = arith.constant 383 : i32
      %min3A_2117 = vector.broadcast %min3A_2116 : i32 to vector<16xi32>
      %min3A_2118 = arith.minsi %max3A_2115, %min3A_2117 : vector<16xi32>
      %max3A_2119 = arith.constant 0 : i32
      %max3A_2120 = vector.broadcast %max3A_2119 : i32 to vector<16xi32>
      %max3A_2121 = arith.maxsi %add3A_2069, %max3A_2120 : vector<16xi32>
      %min3A_2122 = arith.constant 383 : i32
      %min3A_2123 = vector.broadcast %min3A_2122 : i32 to vector<16xi32>
      %min3A_2124 = arith.minsi %max3A_2121, %min3A_2123 : vector<16xi32>
      %max3A_2125 = arith.constant 0 : i32
      %max3A_2126 = vector.broadcast %max3A_2125 : i32 to vector<16xi32>
      %max3A_2127 = arith.maxsi %convert_element_type3A_2066, %max3A_2126 : vector<16xi32>
      %min3A_2128 = arith.constant 383 : i32
      %min3A_2129 = vector.broadcast %min3A_2128 : i32 to vector<16xi32>
      %min3A_2130 = arith.minsi %max3A_2127, %min3A_2129 : vector<16xi32>
      %max3A_2131 = arith.constant 0 : i32
      %max3A_2132 = vector.broadcast %max3A_2131 : i32 to vector<16xi32>
      %max3A_2133 = arith.maxsi %add3A_2072, %max3A_2132 : vector<16xi32>
      %min3A_2134 = arith.constant 383 : i32
      %min3A_2135 = vector.broadcast %min3A_2134 : i32 to vector<16xi32>
      %min3A_2136 = arith.minsi %max3A_2133, %min3A_2135 : vector<16xi32>
      %mul3A_2137 = arith.constant 384 : i32
      %mul3A_2138 = vector.broadcast %mul3A_2137 : i32 to vector<16xi32>
      %mul3A_2139 = arith.muli %min3A_2130, %mul3A_2138 : vector<16xi32>
      %add3A_2140 = vector.broadcast %mul3A_18 : i32 to vector<16xi32>
      %add3A_2141 = arith.addi %add3A_2140, %mul3A_2139 : vector<16xi32>
      %mul3A_2142 = arith.constant 384 : i32
      %mul3A_2143 = vector.broadcast %mul3A_2142 : i32 to vector<16xi32>
      %mul3A_2144 = arith.muli %min3A_2136, %mul3A_2143 : vector<16xi32>
      %add3A_2145 = vector.broadcast %mul3A_18 : i32 to vector<16xi32>
      %add3A_2146 = arith.addi %add3A_2145, %mul3A_2144 : vector<16xi32>
      %add3A_2147 = arith.addi %add3A_2141, %min3A_2118 : vector<16xi32>
      %swap3A_2148 = arith.constant 80 : index
      %swap3A_2149 = tpu.vector_load %arg12[%swap3A_2148] {strides = array<i32>} : memref<128xi32, #tpu.memory_space<vmem>>, vector<16xi32>,
      tpu.vector_store %arg12[%swap3A_2148], %add3A_2147 {strides = array<i32>} : memref<128xi32, #tpu.memory_space<vmem>>, vector<16xi32>,
      %add3A_2150 = arith.addi %add3A_2141, %min3A_2124 : vector<16xi32>
      %swap3A_2151 = arith.constant 80 : index
      %swap3A_2152 = tpu.vector_load %arg13[%swap3A_2151] {strides = array<i32>} : memref<128xi32, #tpu.memory_space<vmem>>, vector<16xi32>,
      tpu.vector_store %arg13[%swap3A_2151], %add3A_2150 {strides = array<i32>} : memref<128xi32, #tpu.memory_space<vmem>>, vector<16xi32>,
      %add3A_2153 = arith.addi %add3A_2146, %min3A_2118 : vector<16xi32>
      %swap3A_2154 = arith.constant 80 : index
      %swap3A_2155 = tpu.vector_load %arg14[%swap3A_2154] {strides = array<i32>} : memref<128xi32, #tpu.memory_space<vmem>>, vector<16xi32>,
      tpu.vector_store %arg14[%swap3A_2154], %add3A_2153 {strides = array<i32>} : memref<128xi32, #tpu.memory_space<vmem>>, vector<16xi32>,
      %add3A_2156 = arith.addi %add3A_2146, %min3A_2124 : vector<16xi32>
      %swap3A_2157 = arith.constant 80 : index
      %swap3A_2158 = tpu.vector_load %arg15[%swap3A_2157] {strides = array<i32>} : memref<128xi32, #tpu.memory_space<vmem>>, vector<16xi32>,
      tpu.vector_store %arg15[%swap3A_2157], %add3A_2156 {strides = array<i32>} : memref<128xi32, #tpu.memory_space<vmem>>, vector<16xi32>,
      %mul3A_2159 = arith.mulf %select_n3A_2104, %select_n3A_2085 : vector<16xf32>
      %swap3A_2160 = arith.constant 80 : index
      %swap3A_2161 = tpu.vector_load %arg20[%swap3A_2160] {strides = array<i32>} : memref<128xf32, #tpu.memory_space<vmem>>, vector<16xf32>,
      tpu.vector_store %arg20[%swap3A_2160], %mul3A_2159 {strides = array<i32>} : memref<128xf32, #tpu.memory_space<vmem>>, vector<16xf32>,
      %mul3A_2162 = arith.mulf %select_n3A_2104, %select_n3A_2093 : vector<16xf32>
      %swap3A_2163 = arith.constant 80 : index
      %swap3A_2164 = tpu.vector_load %arg21[%swap3A_2163] {strides = array<i32>} : memref<128xf32, #tpu.memory_space<vmem>>, vector<16xf32>,
      tpu.vector_store %arg21[%swap3A_2163], %mul3A_2162 {strides = array<i32>} : memref<128xf32, #tpu.memory_space<vmem>>, vector<16xf32>,
      %mul3A_2165 = arith.mulf %select_n3A_2112, %select_n3A_2085 : vector<16xf32>
      %swap3A_2166 = arith.constant 80 : index
      %swap3A_2167 = tpu.vector_load %arg22[%swap3A_2166] {strides = array<i32>} : memref<128xf32, #tpu.memory_space<vmem>>, vector<16xf32>,
      tpu.vector_store %arg22[%swap3A_2166], %mul3A_2165 {strides = array<i32>} : memref<128xf32, #tpu.memory_space<vmem>>, vector<16xf32>,
      %mul3A_2168 = arith.mulf %select_n3A_2112, %select_n3A_2093 : vector<16xf32>
      %swap3A_2169 = arith.constant 80 : index
      %swap3A_2170 = tpu.vector_load %arg23[%swap3A_2169] {strides = array<i32>} : memref<128xf32, #tpu.memory_space<vmem>>, vector<16xf32>,
      tpu.vector_store %arg23[%swap3A_2169], %mul3A_2168 {strides = array<i32>} : memref<128xf32, #tpu.memory_space<vmem>>, vector<16xf32>,
      %get3A_2171 = arith.constant 96 : index
      %get3A_2172 = tpu.vector_load %arg6[%get3A_2171] {strides = array<i32>} : memref<128xf32, #tpu.memory_space<vmem>>, vector<16xf32>,
      %get3A_2173 = arith.constant 96 : index
      %get3A_2174 = tpu.vector_load %arg7[%get3A_2173] {strides = array<i32>} : memref<128xf32, #tpu.memory_space<vmem>>, vector<16xf32>,
      %add3A_2175 = arith.constant 1.000000e+00 : f32
      %add3A_2176 = vector.broadcast %add3A_2175 : f32 to vector<16xf32>
      %add3A_2177 = arith.addf %get3A_2172, %add3A_2176 : vector<16xf32>
      %mul3A_2178 = arith.constant 3.840000e+02 : f32
      %mul3A_2179 = vector.broadcast %mul3A_2178 : f32 to vector<16xf32>
      %mul3A_2180 = arith.mulf %add3A_2177, %mul3A_2179 : vector<16xf32>
      %sub3A_2181 = arith.constant 1.000000e+00 : f32
      %sub3A_2182 = vector.broadcast %sub3A_2181 : f32 to vector<16xf32>
      %sub3A_2183 = arith.subf %mul3A_2180, %sub3A_2182 : vector<16xf32>
      %mul3A_2184 = arith.constant 5.000000e-01 : f32
      %mul3A_2185 = vector.broadcast %mul3A_2184 : f32 to vector<16xf32>
      %mul3A_2186 = arith.mulf %sub3A_2183, %mul3A_2185 : vector<16xf32>
      %add3A_2187 = arith.constant 1.000000e+00 : f32
      %add3A_2188 = vector.broadcast %add3A_2187 : f32 to vector<16xf32>
      %add3A_2189 = arith.addf %get3A_2174, %add3A_2188 : vector<16xf32>
      %mul3A_2190 = arith.constant 3.840000e+02 : f32
      %mul3A_2191 = vector.broadcast %mul3A_2190 : f32 to vector<16xf32>
      %mul3A_2192 = arith.mulf %add3A_2189, %mul3A_2191 : vector<16xf32>
      %sub3A_2193 = arith.constant 1.000000e+00 : f32
      %sub3A_2194 = vector.broadcast %sub3A_2193 : f32 to vector<16xf32>
      %sub3A_2195 = arith.subf %mul3A_2192, %sub3A_2194 : vector<16xf32>
      %mul3A_2196 = arith.constant 5.000000e-01 : f32
      %mul3A_2197 = vector.broadcast %mul3A_2196 : f32 to vector<16xf32>
      %mul3A_2198 = arith.mulf %sub3A_2195, %mul3A_2197 : vector<16xf32>
      %convert_element_type3A_2199 = arith.fptosi %mul3A_2186 : vector<16xf32> to vector<16xi32>
      %convert_element_type3A_2200 = arith.sitofp %convert_element_type3A_2199 : vector<16xi32> to vector<16xf32>
      %gt3A_2201 = arith.cmpf ogt, %convert_element_type3A_2200, %mul3A_2186 : vector<16xf32>
      %sub3A_2202 = arith.constant 1.000000e+00 : f32
      %sub3A_2203 = vector.broadcast %sub3A_2202 : f32 to vector<16xf32>
      %sub3A_2204 = arith.subf %convert_element_type3A_2200, %sub3A_2203 : vector<16xf32>
      %select_n3A_2205 = arith.select %gt3A_2201, %sub3A_2204, %convert_element_type3A_2200 : vector<16xi1>, vector<16xf32>
      %convert_element_type3A_2206 = arith.fptosi %mul3A_2198 : vector<16xf32> to vector<16xi32>
      %convert_element_type3A_2207 = arith.sitofp %convert_element_type3A_2206 : vector<16xi32> to vector<16xf32>
      %gt3A_2208 = arith.cmpf ogt, %convert_element_type3A_2207, %mul3A_2198 : vector<16xf32>
      %sub3A_2209 = arith.constant 1.000000e+00 : f32
      %sub3A_2210 = vector.broadcast %sub3A_2209 : f32 to vector<16xf32>
      %sub3A_2211 = arith.subf %convert_element_type3A_2207, %sub3A_2210 : vector<16xf32>
      %select_n3A_2212 = arith.select %gt3A_2208, %sub3A_2211, %convert_element_type3A_2207 : vector<16xi1>, vector<16xf32>
      %sub3A_2213 = arith.subf %mul3A_2186, %select_n3A_2205 : vector<16xf32>
      %sub3A_2214 = arith.subf %mul3A_2198, %select_n3A_2212 : vector<16xf32>
      %convert_element_type3A_2215 = arith.fptosi %select_n3A_2205 : vector<16xf32> to vector<16xi32>
      %convert_element_type3A_2216 = arith.fptosi %select_n3A_2212 : vector<16xf32> to vector<16xi32>
      %add3A_2217 = arith.constant 1 : i32
      %add3A_2218 = vector.broadcast %add3A_2217 : i32 to vector<16xi32>
      %add3A_2219 = arith.addi %convert_element_type3A_2215, %add3A_2218 : vector<16xi32>
      %add3A_2220 = arith.constant 1 : i32
      %add3A_2221 = vector.broadcast %add3A_2220 : i32 to vector<16xi32>
      %add3A_2222 = arith.addi %convert_element_type3A_2216, %add3A_2221 : vector<16xi32>
      %broadcast_in_dim3A_2223 = arith.constant 0.000000e+00 : f32
      %broadcast_in_dim3A_2224 = vector.broadcast %broadcast_in_dim3A_2223 : f32 to vector<16xf32>
      %ge3A_2225 = arith.constant 0 : i32
      %ge3A_2226 = vector.broadcast %ge3A_2225 : i32 to vector<16xi32>
      %ge3A_2227 = arith.cmpi sge, %convert_element_type3A_2215, %ge3A_2226 : vector<16xi32>
      %le3A_2228 = arith.constant 383 : i32
      %le3A_2229 = vector.broadcast %le3A_2228 : i32 to vector<16xi32>
      %le3A_2230 = arith.cmpi sle, %convert_element_type3A_2215, %le3A_2229 : vector<16xi32>
      %and3A_2231 = arith.andi %ge3A_2227, %le3A_2230 : vector<16xi1>
      %sub3A_2232 = arith.constant 1.000000e+00 : f32
      %sub3A_2233 = vector.broadcast %sub3A_2232 : f32 to vector<16xf32>
      %sub3A_2234 = arith.subf %sub3A_2233, %sub3A_2213 : vector<16xf32>
      %select_n3A_2235 = arith.select %and3A_2231, %sub3A_2234, %broadcast_in_dim3A_2224 : vector<16xi1>, vector<16xf32>
      %ge3A_2236 = arith.constant 0 : i32
      %ge3A_2237 = vector.broadcast %ge3A_2236 : i32 to vector<16xi32>
      %ge3A_2238 = arith.cmpi sge, %add3A_2219, %ge3A_2237 : vector<16xi32>
      %le3A_2239 = arith.constant 383 : i32
      %le3A_2240 = vector.broadcast %le3A_2239 : i32 to vector<16xi32>
      %le3A_2241 = arith.cmpi sle, %add3A_2219, %le3A_2240 : vector<16xi32>
      %and3A_2242 = arith.andi %ge3A_2238, %le3A_2241 : vector<16xi1>
      %select_n3A_2243 = arith.select %and3A_2242, %sub3A_2213, %broadcast_in_dim3A_2224 : vector<16xi1>, vector<16xf32>
      %ge3A_2244 = arith.constant 0 : i32
      %ge3A_2245 = vector.broadcast %ge3A_2244 : i32 to vector<16xi32>
      %ge3A_2246 = arith.cmpi sge, %convert_element_type3A_2216, %ge3A_2245 : vector<16xi32>
      %le3A_2247 = arith.constant 383 : i32
      %le3A_2248 = vector.broadcast %le3A_2247 : i32 to vector<16xi32>
      %le3A_2249 = arith.cmpi sle, %convert_element_type3A_2216, %le3A_2248 : vector<16xi32>
      %and3A_2250 = arith.andi %ge3A_2246, %le3A_2249 : vector<16xi1>
      %sub3A_2251 = arith.constant 1.000000e+00 : f32
      %sub3A_2252 = vector.broadcast %sub3A_2251 : f32 to vector<16xf32>
      %sub3A_2253 = arith.subf %sub3A_2252, %sub3A_2214 : vector<16xf32>
      %select_n3A_2254 = arith.select %and3A_2250, %sub3A_2253, %broadcast_in_dim3A_2224 : vector<16xi1>, vector<16xf32>
      %ge3A_2255 = arith.constant 0 : i32
      %ge3A_2256 = vector.broadcast %ge3A_2255 : i32 to vector<16xi32>
      %ge3A_2257 = arith.cmpi sge, %add3A_2222, %ge3A_2256 : vector<16xi32>
      %le3A_2258 = arith.constant 383 : i32
      %le3A_2259 = vector.broadcast %le3A_2258 : i32 to vector<16xi32>
      %le3A_2260 = arith.cmpi sle, %add3A_2222, %le3A_2259 : vector<16xi32>
      %and3A_2261 = arith.andi %ge3A_2257, %le3A_2260 : vector<16xi1>
      %select_n3A_2262 = arith.select %and3A_2261, %sub3A_2214, %broadcast_in_dim3A_2224 : vector<16xi1>, vector<16xf32>
      %max3A_2263 = arith.constant 0 : i32
      %max3A_2264 = vector.broadcast %max3A_2263 : i32 to vector<16xi32>
      %max3A_2265 = arith.maxsi %convert_element_type3A_2215, %max3A_2264 : vector<16xi32>
      %min3A_2266 = arith.constant 383 : i32
      %min3A_2267 = vector.broadcast %min3A_2266 : i32 to vector<16xi32>
      %min3A_2268 = arith.minsi %max3A_2265, %min3A_2267 : vector<16xi32>
      %max3A_2269 = arith.constant 0 : i32
      %max3A_2270 = vector.broadcast %max3A_2269 : i32 to vector<16xi32>
      %max3A_2271 = arith.maxsi %add3A_2219, %max3A_2270 : vector<16xi32>
      %min3A_2272 = arith.constant 383 : i32
      %min3A_2273 = vector.broadcast %min3A_2272 : i32 to vector<16xi32>
      %min3A_2274 = arith.minsi %max3A_2271, %min3A_2273 : vector<16xi32>
      %max3A_2275 = arith.constant 0 : i32
      %max3A_2276 = vector.broadcast %max3A_2275 : i32 to vector<16xi32>
      %max3A_2277 = arith.maxsi %convert_element_type3A_2216, %max3A_2276 : vector<16xi32>
      %min3A_2278 = arith.constant 383 : i32
      %min3A_2279 = vector.broadcast %min3A_2278 : i32 to vector<16xi32>
      %min3A_2280 = arith.minsi %max3A_2277, %min3A_2279 : vector<16xi32>
      %max3A_2281 = arith.constant 0 : i32
      %max3A_2282 = vector.broadcast %max3A_2281 : i32 to vector<16xi32>
      %max3A_2283 = arith.maxsi %add3A_2222, %max3A_2282 : vector<16xi32>
      %min3A_2284 = arith.constant 383 : i32
      %min3A_2285 = vector.broadcast %min3A_2284 : i32 to vector<16xi32>
      %min3A_2286 = arith.minsi %max3A_2283, %min3A_2285 : vector<16xi32>
      %mul3A_2287 = arith.constant 384 : i32
      %mul3A_2288 = vector.broadcast %mul3A_2287 : i32 to vector<16xi32>
      %mul3A_2289 = arith.muli %min3A_2280, %mul3A_2288 : vector<16xi32>
      %add3A_2290 = vector.broadcast %mul3A_18 : i32 to vector<16xi32>
      %add3A_2291 = arith.addi %add3A_2290, %mul3A_2289 : vector<16xi32>
      %mul3A_2292 = arith.constant 384 : i32
      %mul3A_2293 = vector.broadcast %mul3A_2292 : i32 to vector<16xi32>
      %mul3A_2294 = arith.muli %min3A_2286, %mul3A_2293 : vector<16xi32>
      %add3A_2295 = vector.broadcast %mul3A_18 : i32 to vector<16xi32>
      %add3A_2296 = arith.addi %add3A_2295, %mul3A_2294 : vector<16xi32>
      %add3A_2297 = arith.addi %add3A_2291, %min3A_2268 : vector<16xi32>
      %swap3A_2298 = arith.constant 96 : index
      %swap3A_2299 = tpu.vector_load %arg12[%swap3A_2298] {strides = array<i32>} : memref<128xi32, #tpu.memory_space<vmem>>, vector<16xi32>,
      tpu.vector_store %arg12[%swap3A_2298], %add3A_2297 {strides = array<i32>} : memref<128xi32, #tpu.memory_space<vmem>>, vector<16xi32>,
      %add3A_2300 = arith.addi %add3A_2291, %min3A_2274 : vector<16xi32>
      %swap3A_2301 = arith.constant 96 : index
      %swap3A_2302 = tpu.vector_load %arg13[%swap3A_2301] {strides = array<i32>} : memref<128xi32, #tpu.memory_space<vmem>>, vector<16xi32>,
      tpu.vector_store %arg13[%swap3A_2301], %add3A_2300 {strides = array<i32>} : memref<128xi32, #tpu.memory_space<vmem>>, vector<16xi32>,
      %add3A_2303 = arith.addi %add3A_2296, %min3A_2268 : vector<16xi32>
      %swap3A_2304 = arith.constant 96 : index
      %swap3A_2305 = tpu.vector_load %arg14[%swap3A_2304] {strides = array<i32>} : memref<128xi32, #tpu.memory_space<vmem>>, vector<16xi32>,
      tpu.vector_store %arg14[%swap3A_2304], %add3A_2303 {strides = array<i32>} : memref<128xi32, #tpu.memory_space<vmem>>, vector<16xi32>,
      %add3A_2306 = arith.addi %add3A_2296, %min3A_2274 : vector<16xi32>
      %swap3A_2307 = arith.constant 96 : index
      %swap3A_2308 = tpu.vector_load %arg15[%swap3A_2307] {strides = array<i32>} : memref<128xi32, #tpu.memory_space<vmem>>, vector<16xi32>,
      tpu.vector_store %arg15[%swap3A_2307], %add3A_2306 {strides = array<i32>} : memref<128xi32, #tpu.memory_space<vmem>>, vector<16xi32>,
      %mul3A_2309 = arith.mulf %select_n3A_2254, %select_n3A_2235 : vector<16xf32>
      %swap3A_2310 = arith.constant 96 : index
      %swap3A_2311 = tpu.vector_load %arg20[%swap3A_2310] {strides = array<i32>} : memref<128xf32, #tpu.memory_space<vmem>>, vector<16xf32>,
      tpu.vector_store %arg20[%swap3A_2310], %mul3A_2309 {strides = array<i32>} : memref<128xf32, #tpu.memory_space<vmem>>, vector<16xf32>,
      %mul3A_2312 = arith.mulf %select_n3A_2254, %select_n3A_2243 : vector<16xf32>
      %swap3A_2313 = arith.constant 96 : index
      %swap3A_2314 = tpu.vector_load %arg21[%swap3A_2313] {strides = array<i32>} : memref<128xf32, #tpu.memory_space<vmem>>, vector<16xf32>,
      tpu.vector_store %arg21[%swap3A_2313], %mul3A_2312 {strides = array<i32>} : memref<128xf32, #tpu.memory_space<vmem>>, vector<16xf32>,
      %mul3A_2315 = arith.mulf %select_n3A_2262, %select_n3A_2235 : vector<16xf32>
      %swap3A_2316 = arith.constant 96 : index
      %swap3A_2317 = tpu.vector_load %arg22[%swap3A_2316] {strides = array<i32>} : memref<128xf32, #tpu.memory_space<vmem>>, vector<16xf32>,
      tpu.vector_store %arg22[%swap3A_2316], %mul3A_2315 {strides = array<i32>} : memref<128xf32, #tpu.memory_space<vmem>>, vector<16xf32>,
      %mul3A_2318 = arith.mulf %select_n3A_2262, %select_n3A_2243 : vector<16xf32>
      %swap3A_2319 = arith.constant 96 : index
      %swap3A_2320 = tpu.vector_load %arg23[%swap3A_2319] {strides = array<i32>} : memref<128xf32, #tpu.memory_space<vmem>>, vector<16xf32>,
      tpu.vector_store %arg23[%swap3A_2319], %mul3A_2318 {strides = array<i32>} : memref<128xf32, #tpu.memory_space<vmem>>, vector<16xf32>,
      %get3A_2321 = arith.constant 112 : index
      %get3A_2322 = tpu.vector_load %arg6[%get3A_2321] {strides = array<i32>} : memref<128xf32, #tpu.memory_space<vmem>>, vector<16xf32>,
      %get3A_2323 = arith.constant 112 : index
      %get3A_2324 = tpu.vector_load %arg7[%get3A_2323] {strides = array<i32>} : memref<128xf32, #tpu.memory_space<vmem>>, vector<16xf32>,
      %add3A_2325 = arith.constant 1.000000e+00 : f32
      %add3A_2326 = vector.broadcast %add3A_2325 : f32 to vector<16xf32>
      %add3A_2327 = arith.addf %get3A_2322, %add3A_2326 : vector<16xf32>
      %mul3A_2328 = arith.constant 3.840000e+02 : f32
      %mul3A_2329 = vector.broadcast %mul3A_2328 : f32 to vector<16xf32>
      %mul3A_2330 = arith.mulf %add3A_2327, %mul3A_2329 : vector<16xf32>
      %sub3A_2331 = arith.constant 1.000000e+00 : f32
      %sub3A_2332 = vector.broadcast %sub3A_2331 : f32 to vector<16xf32>
      %sub3A_2333 = arith.subf %mul3A_2330, %sub3A_2332 : vector<16xf32>
      %mul3A_2334 = arith.constant 5.000000e-01 : f32
      %mul3A_2335 = vector.broadcast %mul3A_2334 : f32 to vector<16xf32>
      %mul3A_2336 = arith.mulf %sub3A_2333, %mul3A_2335 : vector<16xf32>
      %add3A_2337 = arith.constant 1.000000e+00 : f32
      %add3A_2338 = vector.broadcast %add3A_2337 : f32 to vector<16xf32>
      %add3A_2339 = arith.addf %get3A_2324, %add3A_2338 : vector<16xf32>
      %mul3A_2340 = arith.constant 3.840000e+02 : f32
      %mul3A_2341 = vector.broadcast %mul3A_2340 : f32 to vector<16xf32>
      %mul3A_2342 = arith.mulf %add3A_2339, %mul3A_2341 : vector<16xf32>
      %sub3A_2343 = arith.constant 1.000000e+00 : f32
      %sub3A_2344 = vector.broadcast %sub3A_2343 : f32 to vector<16xf32>
      %sub3A_2345 = arith.subf %mul3A_2342, %sub3A_2344 : vector<16xf32>
      %mul3A_2346 = arith.constant 5.000000e-01 : f32
      %mul3A_2347 = vector.broadcast %mul3A_2346 : f32 to vector<16xf32>
      %mul3A_2348 = arith.mulf %sub3A_2345, %mul3A_2347 : vector<16xf32>
      %convert_element_type3A_2349 = arith.fptosi %mul3A_2336 : vector<16xf32> to vector<16xi32>
      %convert_element_type3A_2350 = arith.sitofp %convert_element_type3A_2349 : vector<16xi32> to vector<16xf32>
      %gt3A_2351 = arith.cmpf ogt, %convert_element_type3A_2350, %mul3A_2336 : vector<16xf32>
      %sub3A_2352 = arith.constant 1.000000e+00 : f32
      %sub3A_2353 = vector.broadcast %sub3A_2352 : f32 to vector<16xf32>
      %sub3A_2354 = arith.subf %convert_element_type3A_2350, %sub3A_2353 : vector<16xf32>
      %select_n3A_2355 = arith.select %gt3A_2351, %sub3A_2354, %convert_element_type3A_2350 : vector<16xi1>, vector<16xf32>
      %convert_element_type3A_2356 = arith.fptosi %mul3A_2348 : vector<16xf32> to vector<16xi32>
      %convert_element_type3A_2357 = arith.sitofp %convert_element_type3A_2356 : vector<16xi32> to vector<16xf32>
      %gt3A_2358 = arith.cmpf ogt, %convert_element_type3A_2357, %mul3A_2348 : vector<16xf32>
      %sub3A_2359 = arith.constant 1.000000e+00 : f32
      %sub3A_2360 = vector.broadcast %sub3A_2359 : f32 to vector<16xf32>
      %sub3A_2361 = arith.subf %convert_element_type3A_2357, %sub3A_2360 : vector<16xf32>
      %select_n3A_2362 = arith.select %gt3A_2358, %sub3A_2361, %convert_element_type3A_2357 : vector<16xi1>, vector<16xf32>
      %sub3A_2363 = arith.subf %mul3A_2336, %select_n3A_2355 : vector<16xf32>
      %sub3A_2364 = arith.subf %mul3A_2348, %select_n3A_2362 : vector<16xf32>
      %convert_element_type3A_2365 = arith.fptosi %select_n3A_2355 : vector<16xf32> to vector<16xi32>
      %convert_element_type3A_2366 = arith.fptosi %select_n3A_2362 : vector<16xf32> to vector<16xi32>
      %add3A_2367 = arith.constant 1 : i32
      %add3A_2368 = vector.broadcast %add3A_2367 : i32 to vector<16xi32>
      %add3A_2369 = arith.addi %convert_element_type3A_2365, %add3A_2368 : vector<16xi32>
      %add3A_2370 = arith.constant 1 : i32
      %add3A_2371 = vector.broadcast %add3A_2370 : i32 to vector<16xi32>
      %add3A_2372 = arith.addi %convert_element_type3A_2366, %add3A_2371 : vector<16xi32>
      %broadcast_in_dim3A_2373 = arith.constant 0.000000e+00 : f32
      %broadcast_in_dim3A_2374 = vector.broadcast %broadcast_in_dim3A_2373 : f32 to vector<16xf32>
      %ge3A_2375 = arith.constant 0 : i32
      %ge3A_2376 = vector.broadcast %ge3A_2375 : i32 to vector<16xi32>
      %ge3A_2377 = arith.cmpi sge, %convert_element_type3A_2365, %ge3A_2376 : vector<16xi32>
      %le3A_2378 = arith.constant 383 : i32
      %le3A_2379 = vector.broadcast %le3A_2378 : i32 to vector<16xi32>
      %le3A_2380 = arith.cmpi sle, %convert_element_type3A_2365, %le3A_2379 : vector<16xi32>
      %and3A_2381 = arith.andi %ge3A_2377, %le3A_2380 : vector<16xi1>
      %sub3A_2382 = arith.constant 1.000000e+00 : f32
      %sub3A_2383 = vector.broadcast %sub3A_2382 : f32 to vector<16xf32>
      %sub3A_2384 = arith.subf %sub3A_2383, %sub3A_2363 : vector<16xf32>
      %select_n3A_2385 = arith.select %and3A_2381, %sub3A_2384, %broadcast_in_dim3A_2374 : vector<16xi1>, vector<16xf32>
      %ge3A_2386 = arith.constant 0 : i32
      %ge3A_2387 = vector.broadcast %ge3A_2386 : i32 to vector<16xi32>
      %ge3A_2388 = arith.cmpi sge, %add3A_2369, %ge3A_2387 : vector<16xi32>
      %le3A_2389 = arith.constant 383 : i32
      %le3A_2390 = vector.broadcast %le3A_2389 : i32 to vector<16xi32>
      %le3A_2391 = arith.cmpi sle, %add3A_2369, %le3A_2390 : vector<16xi32>
      %and3A_2392 = arith.andi %ge3A_2388, %le3A_2391 : vector<16xi1>
      %select_n3A_2393 = arith.select %and3A_2392, %sub3A_2363, %broadcast_in_dim3A_2374 : vector<16xi1>, vector<16xf32>
      %ge3A_2394 = arith.constant 0 : i32
      %ge3A_2395 = vector.broadcast %ge3A_2394 : i32 to vector<16xi32>
      %ge3A_2396 = arith.cmpi sge, %convert_element_type3A_2366, %ge3A_2395 : vector<16xi32>
      %le3A_2397 = arith.constant 383 : i32
      %le3A_2398 = vector.broadcast %le3A_2397 : i32 to vector<16xi32>
      %le3A_2399 = arith.cmpi sle, %convert_element_type3A_2366, %le3A_2398 : vector<16xi32>
      %and3A_2400 = arith.andi %ge3A_2396, %le3A_2399 : vector<16xi1>
      %sub3A_2401 = arith.constant 1.000000e+00 : f32
      %sub3A_2402 = vector.broadcast %sub3A_2401 : f32 to vector<16xf32>
      %sub3A_2403 = arith.subf %sub3A_2402, %sub3A_2364 : vector<16xf32>
      %select_n3A_2404 = arith.select %and3A_2400, %sub3A_2403, %broadcast_in_dim3A_2374 : vector<16xi1>, vector<16xf32>
      %ge3A_2405 = arith.constant 0 : i32
      %ge3A_2406 = vector.broadcast %ge3A_2405 : i32 to vector<16xi32>
      %ge3A_2407 = arith.cmpi sge, %add3A_2372, %ge3A_2406 : vector<16xi32>
      %le3A_2408 = arith.constant 383 : i32
      %le3A_2409 = vector.broadcast %le3A_2408 : i32 to vector<16xi32>
      %le3A_2410 = arith.cmpi sle, %add3A_2372, %le3A_2409 : vector<16xi32>
      %and3A_2411 = arith.andi %ge3A_2407, %le3A_2410 : vector<16xi1>
      %select_n3A_2412 = arith.select %and3A_2411, %sub3A_2364, %broadcast_in_dim3A_2374 : vector<16xi1>, vector<16xf32>
      %max3A_2413 = arith.constant 0 : i32
      %max3A_2414 = vector.broadcast %max3A_2413 : i32 to vector<16xi32>
      %max3A_2415 = arith.maxsi %convert_element_type3A_2365, %max3A_2414 : vector<16xi32>
      %min3A_2416 = arith.constant 383 : i32
      %min3A_2417 = vector.broadcast %min3A_2416 : i32 to vector<16xi32>
      %min3A_2418 = arith.minsi %max3A_2415, %min3A_2417 : vector<16xi32>
      %max3A_2419 = arith.constant 0 : i32
      %max3A_2420 = vector.broadcast %max3A_2419 : i32 to vector<16xi32>
      %max3A_2421 = arith.maxsi %add3A_2369, %max3A_2420 : vector<16xi32>
      %min3A_2422 = arith.constant 383 : i32
      %min3A_2423 = vector.broadcast %min3A_2422 : i32 to vector<16xi32>
      %min3A_2424 = arith.minsi %max3A_2421, %min3A_2423 : vector<16xi32>
      %max3A_2425 = arith.constant 0 : i32
      %max3A_2426 = vector.broadcast %max3A_2425 : i32 to vector<16xi32>
      %max3A_2427 = arith.maxsi %convert_element_type3A_2366, %max3A_2426 : vector<16xi32>
      %min3A_2428 = arith.constant 383 : i32
      %min3A_2429 = vector.broadcast %min3A_2428 : i32 to vector<16xi32>
      %min3A_2430 = arith.minsi %max3A_2427, %min3A_2429 : vector<16xi32>
      %max3A_2431 = arith.constant 0 : i32
      %max3A_2432 = vector.broadcast %max3A_2431 : i32 to vector<16xi32>
      %max3A_2433 = arith.maxsi %add3A_2372, %max3A_2432 : vector<16xi32>
      %min3A_2434 = arith.constant 383 : i32
      %min3A_2435 = vector.broadcast %min3A_2434 : i32 to vector<16xi32>
      %min3A_2436 = arith.minsi %max3A_2433, %min3A_2435 : vector<16xi32>
      %mul3A_2437 = arith.constant 384 : i32
      %mul3A_2438 = vector.broadcast %mul3A_2437 : i32 to vector<16xi32>
      %mul3A_2439 = arith.muli %min3A_2430, %mul3A_2438 : vector<16xi32>
      %add3A_2440 = vector.broadcast %mul3A_18 : i32 to vector<16xi32>
      %add3A_2441 = arith.addi %add3A_2440, %mul3A_2439 : vector<16xi32>
      %mul3A_2442 = arith.constant 384 : i32
      %mul3A_2443 = vector.broadcast %mul3A_2442 : i32 to vector<16xi32>
      %mul3A_2444 = arith.muli %min3A_2436, %mul3A_2443 : vector<16xi32>
      %add3A_2445 = vector.broadcast %mul3A_18 : i32 to vector<16xi32>
      %add3A_2446 = arith.addi %add3A_2445, %mul3A_2444 : vector<16xi32>
      %add3A_2447 = arith.addi %add3A_2441, %min3A_2418 : vector<16xi32>
      %swap3A_2448 = arith.constant 112 : index
      %swap3A_2449 = tpu.vector_load %arg12[%swap3A_2448] {strides = array<i32>} : memref<128xi32, #tpu.memory_space<vmem>>, vector<16xi32>,
      tpu.vector_store %arg12[%swap3A_2448], %add3A_2447 {strides = array<i32>} : memref<128xi32, #tpu.memory_space<vmem>>, vector<16xi32>,
      %add3A_2450 = arith.addi %add3A_2441, %min3A_2424 : vector<16xi32>
      %swap3A_2451 = arith.constant 112 : index
      %swap3A_2452 = tpu.vector_load %arg13[%swap3A_2451] {strides = array<i32>} : memref<128xi32, #tpu.memory_space<vmem>>, vector<16xi32>,
      tpu.vector_store %arg13[%swap3A_2451], %add3A_2450 {strides = array<i32>} : memref<128xi32, #tpu.memory_space<vmem>>, vector<16xi32>,
      %add3A_2453 = arith.addi %add3A_2446, %min3A_2418 : vector<16xi32>
      %swap3A_2454 = arith.constant 112 : index
      %swap3A_2455 = tpu.vector_load %arg14[%swap3A_2454] {strides = array<i32>} : memref<128xi32, #tpu.memory_space<vmem>>, vector<16xi32>,
      tpu.vector_store %arg14[%swap3A_2454], %add3A_2453 {strides = array<i32>} : memref<128xi32, #tpu.memory_space<vmem>>, vector<16xi32>,
      %add3A_2456 = arith.addi %add3A_2446, %min3A_2424 : vector<16xi32>
      %swap3A_2457 = arith.constant 112 : index
      %swap3A_2458 = tpu.vector_load %arg15[%swap3A_2457] {strides = array<i32>} : memref<128xi32, #tpu.memory_space<vmem>>, vector<16xi32>,
      tpu.vector_store %arg15[%swap3A_2457], %add3A_2456 {strides = array<i32>} : memref<128xi32, #tpu.memory_space<vmem>>, vector<16xi32>,
      %mul3A_2459 = arith.mulf %select_n3A_2404, %select_n3A_2385 : vector<16xf32>
      %swap3A_2460 = arith.constant 112 : index
      %swap3A_2461 = tpu.vector_load %arg20[%swap3A_2460] {strides = array<i32>} : memref<128xf32, #tpu.memory_space<vmem>>, vector<16xf32>,
      tpu.vector_store %arg20[%swap3A_2460], %mul3A_2459 {strides = array<i32>} : memref<128xf32, #tpu.memory_space<vmem>>, vector<16xf32>,
      %mul3A_2462 = arith.mulf %select_n3A_2404, %select_n3A_2393 : vector<16xf32>
      %swap3A_2463 = arith.constant 112 : index
      %swap3A_2464 = tpu.vector_load %arg21[%swap3A_2463] {strides = array<i32>} : memref<128xf32, #tpu.memory_space<vmem>>, vector<16xf32>,
      tpu.vector_store %arg21[%swap3A_2463], %mul3A_2462 {strides = array<i32>} : memref<128xf32, #tpu.memory_space<vmem>>, vector<16xf32>,
      %mul3A_2465 = arith.mulf %select_n3A_2412, %select_n3A_2385 : vector<16xf32>
      %swap3A_2466 = arith.constant 112 : index
      %swap3A_2467 = tpu.vector_load %arg22[%swap3A_2466] {strides = array<i32>} : memref<128xf32, #tpu.memory_space<vmem>>, vector<16xf32>,
      tpu.vector_store %arg22[%swap3A_2466], %mul3A_2465 {strides = array<i32>} : memref<128xf32, #tpu.memory_space<vmem>>, vector<16xf32>,
      %mul3A_2468 = arith.mulf %select_n3A_2412, %select_n3A_2393 : vector<16xf32>
      %swap3A_2469 = arith.constant 112 : index
      %swap3A_2470 = tpu.vector_load %arg23[%swap3A_2469] {strides = array<i32>} : memref<128xf32, #tpu.memory_space<vmem>>, vector<16xf32>,
      tpu.vector_store %arg23[%swap3A_2469], %mul3A_2468 {strides = array<i32>} : memref<128xf32, #tpu.memory_space<vmem>>, vector<16xf32>,
      %dma_start3A_2471 = arith.constant 0 : i32
      %dma_start3A_2472 = arith.constant 0 : i32
      %dma_start3A_2473 = tpu.memref_slice %arg2[%dma_start3A_2471, %dma_start3A_2472] : memref<589824x96xbf16, #tpu.memory_space<hbm>> -> memref<589824x96xbf16, #tpu.memory_space<hbm>>
      tpu.enqueue_indirect_dma source(%dma_start3A_2473 : memref<589824x96xbf16, #tpu.memory_space<hbm>>) target(%arg28 : memref<128x96xbf16, #tpu.memory_space<vmem>>) offsets(%arg12 : memref<128xi32, #tpu.memory_space<vmem>>) semaphore(%arg35 : memref<!tpu.dma_semaphore, #tpu.memory_space<semaphore_mem>>)
      %dma_start3A_2474 = arith.constant 0 : i32
      %dma_start3A_2475 = arith.constant 0 : i32
      %dma_start3A_2476 = tpu.memref_slice %arg2[%dma_start3A_2474, %dma_start3A_2475] : memref<589824x96xbf16, #tpu.memory_space<hbm>> -> memref<589824x96xbf16, #tpu.memory_space<hbm>>
      tpu.enqueue_indirect_dma source(%dma_start3A_2476 : memref<589824x96xbf16, #tpu.memory_space<hbm>>) target(%arg29 : memref<128x96xbf16, #tpu.memory_space<vmem>>) offsets(%arg13 : memref<128xi32, #tpu.memory_space<vmem>>) semaphore(%arg35 : memref<!tpu.dma_semaphore, #tpu.memory_space<semaphore_mem>>)
      %dma_start3A_2477 = arith.constant 0 : i32
      %dma_start3A_2478 = arith.constant 0 : i32
      %dma_start3A_2479 = tpu.memref_slice %arg2[%dma_start3A_2477, %dma_start3A_2478] : memref<589824x96xbf16, #tpu.memory_space<hbm>> -> memref<589824x96xbf16, #tpu.memory_space<hbm>>
      tpu.enqueue_indirect_dma source(%dma_start3A_2479 : memref<589824x96xbf16, #tpu.memory_space<hbm>>) target(%arg30 : memref<128x96xbf16, #tpu.memory_space<vmem>>) offsets(%arg14 : memref<128xi32, #tpu.memory_space<vmem>>) semaphore(%arg35 : memref<!tpu.dma_semaphore, #tpu.memory_space<semaphore_mem>>)
      %dma_start3A_2480 = arith.constant 0 : i32
      %dma_start3A_2481 = arith.constant 0 : i32
      %dma_start3A_2482 = tpu.memref_slice %arg2[%dma_start3A_2480, %dma_start3A_2481] : memref<589824x96xbf16, #tpu.memory_space<hbm>> -> memref<589824x96xbf16, #tpu.memory_space<hbm>>
      tpu.enqueue_indirect_dma source(%dma_start3A_2482 : memref<589824x96xbf16, #tpu.memory_space<hbm>>) target(%arg31 : memref<128x96xbf16, #tpu.memory_space<vmem>>) offsets(%arg15 : memref<128xi32, #tpu.memory_space<vmem>>) semaphore(%arg35 : memref<!tpu.dma_semaphore, #tpu.memory_space<semaphore_mem>>)
      %dma_wait3A_2483 = arith.constant 0 : i32
      %dma_wait3A_2484 = arith.constant 0 : i32
      %dma_wait3A_2485 = tpu.memref_slice %arg2[%dma_wait3A_2483, %dma_wait3A_2484] : memref<589824x96xbf16, #tpu.memory_space<hbm>> -> memref<589824x96xbf16, #tpu.memory_space<hbm>>
      tpu.wait_indirect_dma semaphore(%arg34 : memref<!tpu.dma_semaphore, #tpu.memory_space<semaphore_mem>>) src(%dma_wait3A_2485 : memref<589824x96xbf16, #tpu.memory_space<hbm>>) dst(%arg24 : memref<128x96xbf16, #tpu.memory_space<vmem>>)
      %dma_wait3A_2486 = arith.constant 0 : i32
      %dma_wait3A_2487 = arith.constant 0 : i32
      %dma_wait3A_2488 = tpu.memref_slice %arg2[%dma_wait3A_2486, %dma_wait3A_2487] : memref<589824x96xbf16, #tpu.memory_space<hbm>> -> memref<589824x96xbf16, #tpu.memory_space<hbm>>
      tpu.wait_indirect_dma semaphore(%arg34 : memref<!tpu.dma_semaphore, #tpu.memory_space<semaphore_mem>>) src(%dma_wait3A_2488 : memref<589824x96xbf16, #tpu.memory_space<hbm>>) dst(%arg25 : memref<128x96xbf16, #tpu.memory_space<vmem>>)
      %dma_wait3A_2489 = arith.constant 0 : i32
      %dma_wait3A_2490 = arith.constant 0 : i32
      %dma_wait3A_2491 = tpu.memref_slice %arg2[%dma_wait3A_2489, %dma_wait3A_2490] : memref<589824x96xbf16, #tpu.memory_space<hbm>> -> memref<589824x96xbf16, #tpu.memory_space<hbm>>
      tpu.wait_indirect_dma semaphore(%arg34 : memref<!tpu.dma_semaphore, #tpu.memory_space<semaphore_mem>>) src(%dma_wait3A_2491 : memref<589824x96xbf16, #tpu.memory_space<hbm>>) dst(%arg26 : memref<128x96xbf16, #tpu.memory_space<vmem>>)
      %dma_wait3A_2492 = arith.constant 0 : i32
      %dma_wait3A_2493 = arith.constant 0 : i32
      %dma_wait3A_2494 = tpu.memref_slice %arg2[%dma_wait3A_2492, %dma_wait3A_2493] : memref<589824x96xbf16, #tpu.memory_space<hbm>> -> memref<589824x96xbf16, #tpu.memory_space<hbm>>
      tpu.wait_indirect_dma semaphore(%arg34 : memref<!tpu.dma_semaphore, #tpu.memory_space<semaphore_mem>>) src(%dma_wait3A_2494 : memref<589824x96xbf16, #tpu.memory_space<hbm>>) dst(%arg27 : memref<128x96xbf16, #tpu.memory_space<vmem>>)
      %jit3A_2495 = arith.constant 8 : i32
      %eq3A = arith.constant 0 : i32
      %eq3A_2496 = arith.cmpi eq, %jit3A_2495, %eq3A : i32
      %jit3A_2497 = arith.constant 1 : i32
      %select_n3A_2498 = arith.select %eq3A_2496, %jit3A_2497, %jit3A_2495 : i32
      %rem3A_2499 = arith.remsi %add3A, %select_n3A_2498 : i32
      %ne3A_2500 = arith.constant 0 : i32
      %ne3A_2501 = arith.cmpi ne, %rem3A_2499, %ne3A_2500 : i32
      %lt3A = arith.constant 0 : i32
      %lt3A_2502 = arith.cmpi slt, %rem3A_2499, %lt3A : i32
      %lt3A_2503 = arith.constant 0 : i32
      %lt3A_2504 = arith.cmpi slt, %select_n3A_2498, %lt3A_2503 : i32
      %ne3A_2505 = arith.xori %lt3A_2502, %lt3A_2504 : i1
      %and3A_2506 = arith.andi %ne3A_2505, %ne3A_2501 : i1
      %add3A_2507 = arith.addi %rem3A_2499, %select_n3A_2498 : i32
      %select_n3A_2508 = arith.select %and3A_2506, %add3A_2507, %rem3A_2499 : i32
      %mul3A_2509 = arith.constant 18432 : i32
      %mul3A_2510 = arith.muli %select_n3A_2508, %mul3A_2509 : i32
      %mul3A_2511 = arith.constant 128 : i32
      %mul3A_2512 = arith.muli %mul3A_1263, %mul3A_2511 : i32
      %add3A_2513 = arith.addi %mul3A_2510, %mul3A_2512 : i32
      %jit3A_2514 = arith.constant 384 : i32
      %div3A_2515 = arith.divsi %add3A_2513, %jit3A_2514 : i32
      %sign3A_2516 = arith.constant 0 : i32
      %sign3A_2517 = arith.cmpi sgt, %add3A_2513, %sign3A_2516 : i32
      %sign3A_2518 = arith.extui %sign3A_2517 : i1 to i32
      %sign3A_2519 = arith.constant 0 : i32
      %sign3A_2520 = arith.cmpi slt, %add3A_2513, %sign3A_2519 : i32
      %sign3A_2521 = arith.extui %sign3A_2520 : i1 to i32
      %sign3A_2522 = arith.subi %sign3A_2518, %sign3A_2521 : i32
      %sign3A_2523 = arith.constant 0 : i32
      %sign3A_2524 = arith.cmpi sgt, %jit3A_2514, %sign3A_2523 : i32
      %sign3A_2525 = arith.extui %sign3A_2524 : i1 to i32
      %sign3A_2526 = arith.constant 0 : i32
      %sign3A_2527 = arith.cmpi slt, %jit3A_2514, %sign3A_2526 : i32
      %sign3A_2528 = arith.extui %sign3A_2527 : i1 to i32
      %sign3A_2529 = arith.subi %sign3A_2525, %sign3A_2528 : i32
      %ne3A_2530 = arith.cmpi ne, %sign3A_2522, %sign3A_2529 : i32
      %rem3A_2531 = arith.remsi %add3A_2513, %jit3A_2514 : i32
      %ne3A_2532 = arith.constant 0 : i32
      %ne3A_2533 = arith.cmpi ne, %rem3A_2531, %ne3A_2532 : i32
      %and3A_2534 = arith.andi %ne3A_2530, %ne3A_2533 : i1
      %sub3A_2535 = arith.constant 1 : i32
      %sub3A_2536 = arith.subi %div3A_2515, %sub3A_2535 : i32
      %select_n3A_2537 = arith.select %and3A_2534, %sub3A_2536, %div3A_2515 : i32
      %mul3A_2538 = arith.constant 384 : i32
      %mul3A_2539 = arith.muli %select_n3A_2537, %mul3A_2538 : i32
      %sub3A_2540 = arith.subi %add3A_2513, %mul3A_2539 : i32
      %jit3A_2541 = arith.constant 8 : i32
      %div3A_2542 = arith.divsi %add3A, %jit3A_2541 : i32
      %sign3A_2543 = arith.constant 0 : i32
      %sign3A_2544 = arith.cmpi sgt, %add3A, %sign3A_2543 : i32
      %sign3A_2545 = arith.extui %sign3A_2544 : i1 to i32
      %sign3A_2546 = arith.constant 0 : i32
      %sign3A_2547 = arith.cmpi slt, %add3A, %sign3A_2546 : i32
      %sign3A_2548 = arith.extui %sign3A_2547 : i1 to i32
      %sign3A_2549 = arith.subi %sign3A_2545, %sign3A_2548 : i32
      %sign3A_2550 = arith.constant 0 : i32
      %sign3A_2551 = arith.cmpi sgt, %jit3A_2541, %sign3A_2550 : i32
      %sign3A_2552 = arith.extui %sign3A_2551 : i1 to i32
      %sign3A_2553 = arith.constant 0 : i32
      %sign3A_2554 = arith.cmpi slt, %jit3A_2541, %sign3A_2553 : i32
      %sign3A_2555 = arith.extui %sign3A_2554 : i1 to i32
      %sign3A_2556 = arith.subi %sign3A_2552, %sign3A_2555 : i32
      %ne3A_2557 = arith.cmpi ne, %sign3A_2549, %sign3A_2556 : i32
      %rem3A_2558 = arith.remsi %add3A, %jit3A_2541 : i32
      %ne3A_2559 = arith.constant 0 : i32
      %ne3A_2560 = arith.cmpi ne, %rem3A_2558, %ne3A_2559 : i32
      %and3A_2561 = arith.andi %ne3A_2557, %ne3A_2560 : i1
      %sub3A_2562 = arith.constant 1 : i32
      %sub3A_2563 = arith.subi %div3A_2542, %sub3A_2562 : i32
      %select_n3A_2564 = arith.select %and3A_2561, %sub3A_2563, %div3A_2542 : i32
      %ge3A_2565 = arith.constant 2 : i32
      %ge3A_2566 = arith.cmpi sge, %mul3A_1263, %ge3A_2565 : i32
      %convert_element_type3A_2567 = arith.extui %ge3A_2566 : i1 to i32
      %cond3A = arith.constant 0 : i32
      %cond3A_2568 = arith.cmpi ne, %convert_element_type3A_2567, %cond3A : i32
      scf.if %cond3A_2568 {
        %dma_wait3A_3897 = arith.constant 0 : i32
        %dma_wait3A_3898 = tpu.memref_slice %arg5[%select_n3A_2564, %select_n3A_2537, %sub3A_2540, %dma_wait3A_3897] : memref<4x384x384x128xf32, #tpu.memory_space<hbm>> -> memref<1x1x128x128xf32, #tpu.memory_space<hbm>>
        %dma_wait3A_3899 = tpu.memref_squeeze %dma_wait3A_3898 : memref<1x1x128x128xf32, #tpu.memory_space<hbm>> -> memref<128x128xf32, #tpu.memory_space<hbm>>
        %dma_wait3A_3900 = arith.constant 0 : i32
        %dma_wait3A_3901 = tpu.memref_slice %arg5[%select_n3A_2564, %select_n3A_2537, %sub3A_2540, %dma_wait3A_3900] : memref<4x384x384x128xf32, #tpu.memory_space<hbm>> -> memref<1x1x128x128xf32, #tpu.memory_space<hbm>>
        %dma_wait3A_3902 = tpu.memref_squeeze %dma_wait3A_3901 : memref<1x1x128x128xf32, #tpu.memory_space<hbm>> -> memref<128x128xf32, #tpu.memory_space<hbm>>
        tpu.wait_dma2 semaphore(%arg36 : memref<!tpu.dma_semaphore, #tpu.memory_space<semaphore_mem>>) src(%arg32 : memref<128x128xf32, #tpu.memory_space<vmem>>) dst(%dma_wait3A_3902 : memref<128x128xf32, #tpu.memory_space<hbm>>)
      } else {
      }
      %iota3A = tpu.iota {dimensions = array<i32: 0>} : vector<16xi32>
      %parallel_loop3A = arith.constant 0 : i32
      %parallel_loop3A_2569 = arith.constant 128 : i32
      %parallel_loop3A_2570 = arith.constant 1 : i32
      scf.for %parallel_loop3A_3897 = %parallel_loop3A to %parallel_loop3A_2569 step %parallel_loop3A_2570  : i32 {
        %parallel_loop3A_3898 = vector.broadcast %parallel_loop3A_3897 : i32 to vector<16xi32>
        %parallel_loop3A_3899 = tpu.vector_load_idx %arg16[%parallel_loop3A_3898] : memref<128xf32, #tpu.memory_space<vmem>>[vector<16xi32>], vector<16xf32>,
        %parallel_loop3A_3900 = tpu.vector_load_idx %arg17[%parallel_loop3A_3898] : memref<128xf32, #tpu.memory_space<vmem>>[vector<16xi32>], vector<16xf32>,
        %parallel_loop3A_3901 = tpu.vector_load_idx %arg18[%parallel_loop3A_3898] : memref<128xf32, #tpu.memory_space<vmem>>[vector<16xi32>], vector<16xf32>,
        %parallel_loop3A_3902 = tpu.vector_load_idx %arg19[%parallel_loop3A_3898] : memref<128xf32, #tpu.memory_space<vmem>>[vector<16xi32>], vector<16xf32>,
        %parallel_loop3A_3903 = tpu.pack_subelements %parallel_loop3A_3899, %parallel_loop3A_3899 {pack_format = #tpu.pack_format<interleaved>, positions = array<i32: 0, 1>} : vector<16xf32>, vector<16xf32> -> vector<32xbf16>
        %parallel_loop3A_3904 = tpu.pack_subelements %parallel_loop3A_3900, %parallel_loop3A_3900 {pack_format = #tpu.pack_format<interleaved>, positions = array<i32: 0, 1>} : vector<16xf32>, vector<16xf32> -> vector<32xbf16>
        %parallel_loop3A_3905 = tpu.pack_subelements %parallel_loop3A_3901, %parallel_loop3A_3901 {pack_format = #tpu.pack_format<interleaved>, positions = array<i32: 0, 1>} : vector<16xf32>, vector<16xf32> -> vector<32xbf16>
        %parallel_loop3A_3906 = tpu.pack_subelements %parallel_loop3A_3902, %parallel_loop3A_3902 {pack_format = #tpu.pack_format<interleaved>, positions = array<i32: 0, 1>} : vector<16xf32>, vector<16xf32> -> vector<32xbf16>
        %parallel_loop3A_3907 = arith.index_cast %parallel_loop3A_3897 : i32 to index
        %parallel_loop3A_3908 = arith.constant 0 : index
        %parallel_loop3A_3909 = tpu.vector_load %arg24[%parallel_loop3A_3907, %parallel_loop3A_3908] {strides = array<i32>} : memref<128x96xbf16, #tpu.memory_space<vmem>>, vector<32xbf16>,
        %parallel_loop3A_3910 = arith.mulf %parallel_loop3A_3909, %parallel_loop3A_3903 : vector<32xbf16>
        %parallel_loop3A_3911 = arith.index_cast %parallel_loop3A_3897 : i32 to index
        %parallel_loop3A_3912 = arith.constant 0 : index
        %parallel_loop3A_3913 = tpu.vector_load %arg25[%parallel_loop3A_3911, %parallel_loop3A_3912] {strides = array<i32>} : memref<128x96xbf16, #tpu.memory_space<vmem>>, vector<32xbf16>,
        %parallel_loop3A_3914 = arith.mulf %parallel_loop3A_3913, %parallel_loop3A_3904 : vector<32xbf16>
        %parallel_loop3A_3915 = arith.addf %parallel_loop3A_3910, %parallel_loop3A_3914 : vector<32xbf16>
        %parallel_loop3A_3916 = arith.index_cast %parallel_loop3A_3897 : i32 to index
        %parallel_loop3A_3917 = arith.constant 0 : index
        %parallel_loop3A_3918 = tpu.vector_load %arg26[%parallel_loop3A_3916, %parallel_loop3A_3917] {strides = array<i32>} : memref<128x96xbf16, #tpu.memory_space<vmem>>, vector<32xbf16>,
        %parallel_loop3A_3919 = arith.mulf %parallel_loop3A_3918, %parallel_loop3A_3905 : vector<32xbf16>
        %parallel_loop3A_3920 = arith.addf %parallel_loop3A_3915, %parallel_loop3A_3919 : vector<32xbf16>
        %parallel_loop3A_3921 = arith.index_cast %parallel_loop3A_3897 : i32 to index
        %parallel_loop3A_3922 = arith.constant 0 : index
        %parallel_loop3A_3923 = tpu.vector_load %arg27[%parallel_loop3A_3921, %parallel_loop3A_3922] {strides = array<i32>} : memref<128x96xbf16, #tpu.memory_space<vmem>>, vector<32xbf16>,
        %parallel_loop3A_3924 = arith.mulf %parallel_loop3A_3923, %parallel_loop3A_3906 : vector<32xbf16>
        %parallel_loop3A_3925 = arith.addf %parallel_loop3A_3920, %parallel_loop3A_3924 : vector<32xbf16>
        %parallel_loop3A_3926 = tpu.unpack_subelements %parallel_loop3A_3925, 0 {pack_format = #tpu.pack_format<interleaved>} : vector<32xbf16> -> vector<16xf32>
        %parallel_loop3A_3927 = tpu.unpack_subelements %parallel_loop3A_3925, 1 {pack_format = #tpu.pack_format<interleaved>} : vector<32xbf16> -> vector<16xf32>
        %parallel_loop3A_3928 = arith.constant 2 : i32
        %parallel_loop3A_3929 = vector.broadcast %parallel_loop3A_3928 : i32 to vector<16xi32>
        %parallel_loop3A_3930 = arith.muli %parallel_loop3A_3929, %iota3A : vector<16xi32>
        %parallel_loop3A_3931 = arith.constant 0 : i32
        %parallel_loop3A_3932 = vector.broadcast %parallel_loop3A_3931 : i32 to vector<16xi32>
        %parallel_loop3A_3933 = arith.addi %parallel_loop3A_3932, %parallel_loop3A_3930 : vector<16xi32>
        tpu.vector_store_idx %arg32[%parallel_loop3A_3898, %parallel_loop3A_3933], %parallel_loop3A_3926 : memref<128x128xf32, #tpu.memory_space<vmem>>[vector<16xi32>, vector<16xi32>], vector<16xf32>,
        %parallel_loop3A_3934 = arith.constant 1 : i32
        %parallel_loop3A_3935 = vector.broadcast %parallel_loop3A_3934 : i32 to vector<16xi32>
        %parallel_loop3A_3936 = arith.addi %parallel_loop3A_3933, %parallel_loop3A_3935 : vector<16xi32>
        tpu.vector_store_idx %arg32[%parallel_loop3A_3898, %parallel_loop3A_3936], %parallel_loop3A_3927 : memref<128x128xf32, #tpu.memory_space<vmem>>[vector<16xi32>, vector<16xi32>], vector<16xf32>,
        %parallel_loop3A_3937 = arith.index_cast %parallel_loop3A_3897 : i32 to index
        %parallel_loop3A_3938 = arith.constant 32 : index
        %parallel_loop3A_3939 = tpu.vector_load %arg24[%parallel_loop3A_3937, %parallel_loop3A_3938] {strides = array<i32>} : memref<128x96xbf16, #tpu.memory_space<vmem>>, vector<32xbf16>,
        %parallel_loop3A_3940 = arith.mulf %parallel_loop3A_3939, %parallel_loop3A_3903 : vector<32xbf16>
        %parallel_loop3A_3941 = arith.index_cast %parallel_loop3A_3897 : i32 to index
        %parallel_loop3A_3942 = arith.constant 32 : index
        %parallel_loop3A_3943 = tpu.vector_load %arg25[%parallel_loop3A_3941, %parallel_loop3A_3942] {strides = array<i32>} : memref<128x96xbf16, #tpu.memory_space<vmem>>, vector<32xbf16>,
        %parallel_loop3A_3944 = arith.mulf %parallel_loop3A_3943, %parallel_loop3A_3904 : vector<32xbf16>
        %parallel_loop3A_3945 = arith.addf %parallel_loop3A_3940, %parallel_loop3A_3944 : vector<32xbf16>
        %parallel_loop3A_3946 = arith.index_cast %parallel_loop3A_3897 : i32 to index
        %parallel_loop3A_3947 = arith.constant 32 : index
        %parallel_loop3A_3948 = tpu.vector_load %arg26[%parallel_loop3A_3946, %parallel_loop3A_3947] {strides = array<i32>} : memref<128x96xbf16, #tpu.memory_space<vmem>>, vector<32xbf16>,
        %parallel_loop3A_3949 = arith.mulf %parallel_loop3A_3948, %parallel_loop3A_3905 : vector<32xbf16>
        %parallel_loop3A_3950 = arith.addf %parallel_loop3A_3945, %parallel_loop3A_3949 : vector<32xbf16>
        %parallel_loop3A_3951 = arith.index_cast %parallel_loop3A_3897 : i32 to index
        %parallel_loop3A_3952 = arith.constant 32 : index
        %parallel_loop3A_3953 = tpu.vector_load %arg27[%parallel_loop3A_3951, %parallel_loop3A_3952] {strides = array<i32>} : memref<128x96xbf16, #tpu.memory_space<vmem>>, vector<32xbf16>,
        %parallel_loop3A_3954 = arith.mulf %parallel_loop3A_3953, %parallel_loop3A_3906 : vector<32xbf16>
        %parallel_loop3A_3955 = arith.addf %parallel_loop3A_3950, %parallel_loop3A_3954 : vector<32xbf16>
        %parallel_loop3A_3956 = tpu.unpack_subelements %parallel_loop3A_3955, 0 {pack_format = #tpu.pack_format<interleaved>} : vector<32xbf16> -> vector<16xf32>
        %parallel_loop3A_3957 = tpu.unpack_subelements %parallel_loop3A_3955, 1 {pack_format = #tpu.pack_format<interleaved>} : vector<32xbf16> -> vector<16xf32>
        %parallel_loop3A_3958 = arith.constant 2 : i32
        %parallel_loop3A_3959 = vector.broadcast %parallel_loop3A_3958 : i32 to vector<16xi32>
        %parallel_loop3A_3960 = arith.muli %parallel_loop3A_3959, %iota3A : vector<16xi32>
        %parallel_loop3A_3961 = arith.constant 32 : i32
        %parallel_loop3A_3962 = vector.broadcast %parallel_loop3A_3961 : i32 to vector<16xi32>
        %parallel_loop3A_3963 = arith.addi %parallel_loop3A_3962, %parallel_loop3A_3960 : vector<16xi32>
        tpu.vector_store_idx %arg32[%parallel_loop3A_3898, %parallel_loop3A_3963], %parallel_loop3A_3956 : memref<128x128xf32, #tpu.memory_space<vmem>>[vector<16xi32>, vector<16xi32>], vector<16xf32>,
        %parallel_loop3A_3964 = arith.constant 1 : i32
        %parallel_loop3A_3965 = vector.broadcast %parallel_loop3A_3964 : i32 to vector<16xi32>
        %parallel_loop3A_3966 = arith.addi %parallel_loop3A_3963, %parallel_loop3A_3965 : vector<16xi32>
        tpu.vector_store_idx %arg32[%parallel_loop3A_3898, %parallel_loop3A_3966], %parallel_loop3A_3957 : memref<128x128xf32, #tpu.memory_space<vmem>>[vector<16xi32>, vector<16xi32>], vector<16xf32>,
        %parallel_loop3A_3967 = arith.index_cast %parallel_loop3A_3897 : i32 to index
        %parallel_loop3A_3968 = arith.constant 64 : index
        %parallel_loop3A_3969 = tpu.vector_load %arg24[%parallel_loop3A_3967, %parallel_loop3A_3968] {strides = array<i32>} : memref<128x96xbf16, #tpu.memory_space<vmem>>, vector<32xbf16>,
        %parallel_loop3A_3970 = arith.mulf %parallel_loop3A_3969, %parallel_loop3A_3903 : vector<32xbf16>
        %parallel_loop3A_3971 = arith.index_cast %parallel_loop3A_3897 : i32 to index
        %parallel_loop3A_3972 = arith.constant 64 : index
        %parallel_loop3A_3973 = tpu.vector_load %arg25[%parallel_loop3A_3971, %parallel_loop3A_3972] {strides = array<i32>} : memref<128x96xbf16, #tpu.memory_space<vmem>>, vector<32xbf16>,
        %parallel_loop3A_3974 = arith.mulf %parallel_loop3A_3973, %parallel_loop3A_3904 : vector<32xbf16>
        %parallel_loop3A_3975 = arith.addf %parallel_loop3A_3970, %parallel_loop3A_3974 : vector<32xbf16>
        %parallel_loop3A_3976 = arith.index_cast %parallel_loop3A_3897 : i32 to index
        %parallel_loop3A_3977 = arith.constant 64 : index
        %parallel_loop3A_3978 = tpu.vector_load %arg26[%parallel_loop3A_3976, %parallel_loop3A_3977] {strides = array<i32>} : memref<128x96xbf16, #tpu.memory_space<vmem>>, vector<32xbf16>,
        %parallel_loop3A_3979 = arith.mulf %parallel_loop3A_3978, %parallel_loop3A_3905 : vector<32xbf16>
        %parallel_loop3A_3980 = arith.addf %parallel_loop3A_3975, %parallel_loop3A_3979 : vector<32xbf16>
        %parallel_loop3A_3981 = arith.index_cast %parallel_loop3A_3897 : i32 to index
        %parallel_loop3A_3982 = arith.constant 64 : index
        %parallel_loop3A_3983 = tpu.vector_load %arg27[%parallel_loop3A_3981, %parallel_loop3A_3982] {strides = array<i32>} : memref<128x96xbf16, #tpu.memory_space<vmem>>, vector<32xbf16>,
        %parallel_loop3A_3984 = arith.mulf %parallel_loop3A_3983, %parallel_loop3A_3906 : vector<32xbf16>
        %parallel_loop3A_3985 = arith.addf %parallel_loop3A_3980, %parallel_loop3A_3984 : vector<32xbf16>
        %parallel_loop3A_3986 = tpu.unpack_subelements %parallel_loop3A_3985, 0 {pack_format = #tpu.pack_format<interleaved>} : vector<32xbf16> -> vector<16xf32>
        %parallel_loop3A_3987 = tpu.unpack_subelements %parallel_loop3A_3985, 1 {pack_format = #tpu.pack_format<interleaved>} : vector<32xbf16> -> vector<16xf32>
        %parallel_loop3A_3988 = arith.constant 2 : i32
        %parallel_loop3A_3989 = vector.broadcast %parallel_loop3A_3988 : i32 to vector<16xi32>
        %parallel_loop3A_3990 = arith.muli %parallel_loop3A_3989, %iota3A : vector<16xi32>
        %parallel_loop3A_3991 = arith.constant 64 : i32
        %parallel_loop3A_3992 = vector.broadcast %parallel_loop3A_3991 : i32 to vector<16xi32>
        %parallel_loop3A_3993 = arith.addi %parallel_loop3A_3992, %parallel_loop3A_3990 : vector<16xi32>
        tpu.vector_store_idx %arg32[%parallel_loop3A_3898, %parallel_loop3A_3993], %parallel_loop3A_3986 : memref<128x128xf32, #tpu.memory_space<vmem>>[vector<16xi32>, vector<16xi32>], vector<16xf32>,
        %parallel_loop3A_3994 = arith.constant 1 : i32
        %parallel_loop3A_3995 = vector.broadcast %parallel_loop3A_3994 : i32 to vector<16xi32>
        %parallel_loop3A_3996 = arith.addi %parallel_loop3A_3993, %parallel_loop3A_3995 : vector<16xi32>
        tpu.vector_store_idx %arg32[%parallel_loop3A_3898, %parallel_loop3A_3996], %parallel_loop3A_3987 : memref<128x128xf32, #tpu.memory_space<vmem>>[vector<16xi32>, vector<16xi32>], vector<16xf32>,
      } {sc.loop_unroll_factor = 2 : i64, sc.parallel_access}
      %dma_start3A_2571 = arith.constant 0 : i32
      %dma_start3A_2572 = tpu.memref_slice %arg5[%select_n3A_2564, %select_n3A_2537, %sub3A_2540, %dma_start3A_2571] : memref<4x384x384x128xf32, #tpu.memory_space<hbm>> -> memref<1x1x128x128xf32, #tpu.memory_space<hbm>>
      %dma_start3A_2573 = tpu.memref_squeeze %dma_start3A_2572 : memref<1x1x128x128xf32, #tpu.memory_space<hbm>> -> memref<128x128xf32, #tpu.memory_space<hbm>>
      %dma_start3A_2574 = arith.constant 0 : i32
      %dma_start3A_2575 = tpu.memref_slice %arg5[%select_n3A_2564, %select_n3A_2537, %sub3A_2540, %dma_start3A_2574] : memref<4x384x384x128xf32, #tpu.memory_space<hbm>> -> memref<1x1x128x128xf32, #tpu.memory_space<hbm>>
      %dma_start3A_2576 = tpu.memref_squeeze %dma_start3A_2575 : memref<1x1x128x128xf32, #tpu.memory_space<hbm>> -> memref<128x128xf32, #tpu.memory_space<hbm>>
      tpu.enqueue_dma source(%arg32 : memref<128x128xf32, #tpu.memory_space<vmem>>) target(%dma_start3A_2576 : memref<128x128xf32, #tpu.memory_space<hbm>>) target_semaphore(%arg36 : memref<!tpu.dma_semaphore, #tpu.memory_space<semaphore_mem>>)
      %add3A_2577 = arith.constant 2 : i32
      %add3A_2578 = arith.addi %mul3A_1263, %add3A_2577 : i32
      %mul3A_2579 = arith.constant 18432 : i32
      %mul3A_2580 = arith.muli %add3A, %mul3A_2579 : i32
      %mul3A_2581 = arith.constant 128 : i32
      %mul3A_2582 = arith.muli %add3A_2578, %mul3A_2581 : i32
      %add3A_2583 = arith.addi %mul3A_2580, %mul3A_2582 : i32
      "tpu.region"() ({
        %run_scoped3A = tpu.sem_alloc : memref<!tpu.dma_semaphore, #tpu.memory_space<semaphore_mem>>
        %dma_start3A_3897 = tpu.memref_slice %arg3[%add3A_2583] : memref<589952xf32, #tpu.memory_space<hbm>> -> memref<128xf32, #tpu.memory_space<hbm>>
        %dma_start3A_3898 = tpu.memref_slice %arg3[%add3A_2583] : memref<589952xf32, #tpu.memory_space<hbm>> -> memref<128xf32, #tpu.memory_space<hbm>>
        tpu.enqueue_dma source(%dma_start3A_3898 : memref<128xf32, #tpu.memory_space<hbm>>) target(%arg6 : memref<128xf32, #tpu.memory_space<vmem>>) target_semaphore(%run_scoped3A : memref<!tpu.dma_semaphore, #tpu.memory_space<semaphore_mem>>)
        %dma_wait3A_3899 = tpu.memref_slice %arg3[%add3A_2583] : memref<589952xf32, #tpu.memory_space<hbm>> -> memref<128xf32, #tpu.memory_space<hbm>>
        %dma_wait3A_3900 = tpu.memref_slice %arg3[%add3A_2583] : memref<589952xf32, #tpu.memory_space<hbm>> -> memref<128xf32, #tpu.memory_space<hbm>>
        tpu.wait_dma2 semaphore(%run_scoped3A : memref<!tpu.dma_semaphore, #tpu.memory_space<semaphore_mem>>) src(%dma_wait3A_3900 : memref<128xf32, #tpu.memory_space<hbm>>) dst(%arg6 : memref<128xf32, #tpu.memory_space<vmem>>)
        tpu.yield
      }) : () -> ()
      "tpu.region"() ({
        %run_scoped3A = tpu.sem_alloc : memref<!tpu.dma_semaphore, #tpu.memory_space<semaphore_mem>>
        %dma_start3A_3897 = tpu.memref_slice %arg4[%add3A_2583] : memref<589952xf32, #tpu.memory_space<hbm>> -> memref<128xf32, #tpu.memory_space<hbm>>
        %dma_start3A_3898 = tpu.memref_slice %arg4[%add3A_2583] : memref<589952xf32, #tpu.memory_space<hbm>> -> memref<128xf32, #tpu.memory_space<hbm>>
        tpu.enqueue_dma source(%dma_start3A_3898 : memref<128xf32, #tpu.memory_space<hbm>>) target(%arg7 : memref<128xf32, #tpu.memory_space<vmem>>) target_semaphore(%run_scoped3A : memref<!tpu.dma_semaphore, #tpu.memory_space<semaphore_mem>>)
        %dma_wait3A_3899 = tpu.memref_slice %arg4[%add3A_2583] : memref<589952xf32, #tpu.memory_space<hbm>> -> memref<128xf32, #tpu.memory_space<hbm>>
        %dma_wait3A_3900 = tpu.memref_slice %arg4[%add3A_2583] : memref<589952xf32, #tpu.memory_space<hbm>> -> memref<128xf32, #tpu.memory_space<hbm>>
        tpu.wait_dma2 semaphore(%run_scoped3A : memref<!tpu.dma_semaphore, #tpu.memory_space<semaphore_mem>>) src(%dma_wait3A_3900 : memref<128xf32, #tpu.memory_space<hbm>>) dst(%arg7 : memref<128xf32, #tpu.memory_space<vmem>>)
        tpu.yield
      }) : () -> ()
      %get3A_2584 = arith.constant 0 : index
      %get3A_2585 = tpu.vector_load %arg6[%get3A_2584] {strides = array<i32>} : memref<128xf32, #tpu.memory_space<vmem>>, vector<16xf32>,
      %get3A_2586 = arith.constant 0 : index
      %get3A_2587 = tpu.vector_load %arg7[%get3A_2586] {strides = array<i32>} : memref<128xf32, #tpu.memory_space<vmem>>, vector<16xf32>,
      %add3A_2588 = arith.constant 1.000000e+00 : f32
      %add3A_2589 = vector.broadcast %add3A_2588 : f32 to vector<16xf32>
      %add3A_2590 = arith.addf %get3A_2585, %add3A_2589 : vector<16xf32>
      %mul3A_2591 = arith.constant 3.840000e+02 : f32
      %mul3A_2592 = vector.broadcast %mul3A_2591 : f32 to vector<16xf32>
      %mul3A_2593 = arith.mulf %add3A_2590, %mul3A_2592 : vector<16xf32>
      %sub3A_2594 = arith.constant 1.000000e+00 : f32
      %sub3A_2595 = vector.broadcast %sub3A_2594 : f32 to vector<16xf32>
      %sub3A_2596 = arith.subf %mul3A_2593, %sub3A_2595 : vector<16xf32>
      %mul3A_2597 = arith.constant 5.000000e-01 : f32
      %mul3A_2598 = vector.broadcast %mul3A_2597 : f32 to vector<16xf32>
      %mul3A_2599 = arith.mulf %sub3A_2596, %mul3A_2598 : vector<16xf32>
      %add3A_2600 = arith.constant 1.000000e+00 : f32
      %add3A_2601 = vector.broadcast %add3A_2600 : f32 to vector<16xf32>
      %add3A_2602 = arith.addf %get3A_2587, %add3A_2601 : vector<16xf32>
      %mul3A_2603 = arith.constant 3.840000e+02 : f32
      %mul3A_2604 = vector.broadcast %mul3A_2603 : f32 to vector<16xf32>
      %mul3A_2605 = arith.mulf %add3A_2602, %mul3A_2604 : vector<16xf32>
      %sub3A_2606 = arith.constant 1.000000e+00 : f32
      %sub3A_2607 = vector.broadcast %sub3A_2606 : f32 to vector<16xf32>
      %sub3A_2608 = arith.subf %mul3A_2605, %sub3A_2607 : vector<16xf32>
      %mul3A_2609 = arith.constant 5.000000e-01 : f32
      %mul3A_2610 = vector.broadcast %mul3A_2609 : f32 to vector<16xf32>
      %mul3A_2611 = arith.mulf %sub3A_2608, %mul3A_2610 : vector<16xf32>
      %convert_element_type3A_2612 = arith.fptosi %mul3A_2599 : vector<16xf32> to vector<16xi32>
      %convert_element_type3A_2613 = arith.sitofp %convert_element_type3A_2612 : vector<16xi32> to vector<16xf32>
      %gt3A_2614 = arith.cmpf ogt, %convert_element_type3A_2613, %mul3A_2599 : vector<16xf32>
      %sub3A_2615 = arith.constant 1.000000e+00 : f32
      %sub3A_2616 = vector.broadcast %sub3A_2615 : f32 to vector<16xf32>
      %sub3A_2617 = arith.subf %convert_element_type3A_2613, %sub3A_2616 : vector<16xf32>
      %select_n3A_2618 = arith.select %gt3A_2614, %sub3A_2617, %convert_element_type3A_2613 : vector<16xi1>, vector<16xf32>
      %convert_element_type3A_2619 = arith.fptosi %mul3A_2611 : vector<16xf32> to vector<16xi32>
      %convert_element_type3A_2620 = arith.sitofp %convert_element_type3A_2619 : vector<16xi32> to vector<16xf32>
      %gt3A_2621 = arith.cmpf ogt, %convert_element_type3A_2620, %mul3A_2611 : vector<16xf32>
      %sub3A_2622 = arith.constant 1.000000e+00 : f32
      %sub3A_2623 = vector.broadcast %sub3A_2622 : f32 to vector<16xf32>
      %sub3A_2624 = arith.subf %convert_element_type3A_2620, %sub3A_2623 : vector<16xf32>
      %select_n3A_2625 = arith.select %gt3A_2621, %sub3A_2624, %convert_element_type3A_2620 : vector<16xi1>, vector<16xf32>
      %sub3A_2626 = arith.subf %mul3A_2599, %select_n3A_2618 : vector<16xf32>
      %sub3A_2627 = arith.subf %mul3A_2611, %select_n3A_2625 : vector<16xf32>
      %convert_element_type3A_2628 = arith.fptosi %select_n3A_2618 : vector<16xf32> to vector<16xi32>
      %convert_element_type3A_2629 = arith.fptosi %select_n3A_2625 : vector<16xf32> to vector<16xi32>
      %add3A_2630 = arith.constant 1 : i32
      %add3A_2631 = vector.broadcast %add3A_2630 : i32 to vector<16xi32>
      %add3A_2632 = arith.addi %convert_element_type3A_2628, %add3A_2631 : vector<16xi32>
      %add3A_2633 = arith.constant 1 : i32
      %add3A_2634 = vector.broadcast %add3A_2633 : i32 to vector<16xi32>
      %add3A_2635 = arith.addi %convert_element_type3A_2629, %add3A_2634 : vector<16xi32>
      %broadcast_in_dim3A_2636 = arith.constant 0.000000e+00 : f32
      %broadcast_in_dim3A_2637 = vector.broadcast %broadcast_in_dim3A_2636 : f32 to vector<16xf32>
      %ge3A_2638 = arith.constant 0 : i32
      %ge3A_2639 = vector.broadcast %ge3A_2638 : i32 to vector<16xi32>
      %ge3A_2640 = arith.cmpi sge, %convert_element_type3A_2628, %ge3A_2639 : vector<16xi32>
      %le3A_2641 = arith.constant 383 : i32
      %le3A_2642 = vector.broadcast %le3A_2641 : i32 to vector<16xi32>
      %le3A_2643 = arith.cmpi sle, %convert_element_type3A_2628, %le3A_2642 : vector<16xi32>
      %and3A_2644 = arith.andi %ge3A_2640, %le3A_2643 : vector<16xi1>
      %sub3A_2645 = arith.constant 1.000000e+00 : f32
      %sub3A_2646 = vector.broadcast %sub3A_2645 : f32 to vector<16xf32>
      %sub3A_2647 = arith.subf %sub3A_2646, %sub3A_2626 : vector<16xf32>
      %select_n3A_2648 = arith.select %and3A_2644, %sub3A_2647, %broadcast_in_dim3A_2637 : vector<16xi1>, vector<16xf32>
      %ge3A_2649 = arith.constant 0 : i32
      %ge3A_2650 = vector.broadcast %ge3A_2649 : i32 to vector<16xi32>
      %ge3A_2651 = arith.cmpi sge, %add3A_2632, %ge3A_2650 : vector<16xi32>
      %le3A_2652 = arith.constant 383 : i32
      %le3A_2653 = vector.broadcast %le3A_2652 : i32 to vector<16xi32>
      %le3A_2654 = arith.cmpi sle, %add3A_2632, %le3A_2653 : vector<16xi32>
      %and3A_2655 = arith.andi %ge3A_2651, %le3A_2654 : vector<16xi1>
      %select_n3A_2656 = arith.select %and3A_2655, %sub3A_2626, %broadcast_in_dim3A_2637 : vector<16xi1>, vector<16xf32>
      %ge3A_2657 = arith.constant 0 : i32
      %ge3A_2658 = vector.broadcast %ge3A_2657 : i32 to vector<16xi32>
      %ge3A_2659 = arith.cmpi sge, %convert_element_type3A_2629, %ge3A_2658 : vector<16xi32>
      %le3A_2660 = arith.constant 383 : i32
      %le3A_2661 = vector.broadcast %le3A_2660 : i32 to vector<16xi32>
      %le3A_2662 = arith.cmpi sle, %convert_element_type3A_2629, %le3A_2661 : vector<16xi32>
      %and3A_2663 = arith.andi %ge3A_2659, %le3A_2662 : vector<16xi1>
      %sub3A_2664 = arith.constant 1.000000e+00 : f32
      %sub3A_2665 = vector.broadcast %sub3A_2664 : f32 to vector<16xf32>
      %sub3A_2666 = arith.subf %sub3A_2665, %sub3A_2627 : vector<16xf32>
      %select_n3A_2667 = arith.select %and3A_2663, %sub3A_2666, %broadcast_in_dim3A_2637 : vector<16xi1>, vector<16xf32>
      %ge3A_2668 = arith.constant 0 : i32
      %ge3A_2669 = vector.broadcast %ge3A_2668 : i32 to vector<16xi32>
      %ge3A_2670 = arith.cmpi sge, %add3A_2635, %ge3A_2669 : vector<16xi32>
      %le3A_2671 = arith.constant 383 : i32
      %le3A_2672 = vector.broadcast %le3A_2671 : i32 to vector<16xi32>
      %le3A_2673 = arith.cmpi sle, %add3A_2635, %le3A_2672 : vector<16xi32>
      %and3A_2674 = arith.andi %ge3A_2670, %le3A_2673 : vector<16xi1>
      %select_n3A_2675 = arith.select %and3A_2674, %sub3A_2627, %broadcast_in_dim3A_2637 : vector<16xi1>, vector<16xf32>
      %max3A_2676 = arith.constant 0 : i32
      %max3A_2677 = vector.broadcast %max3A_2676 : i32 to vector<16xi32>
      %max3A_2678 = arith.maxsi %convert_element_type3A_2628, %max3A_2677 : vector<16xi32>
      %min3A_2679 = arith.constant 383 : i32
      %min3A_2680 = vector.broadcast %min3A_2679 : i32 to vector<16xi32>
      %min3A_2681 = arith.minsi %max3A_2678, %min3A_2680 : vector<16xi32>
      %max3A_2682 = arith.constant 0 : i32
      %max3A_2683 = vector.broadcast %max3A_2682 : i32 to vector<16xi32>
      %max3A_2684 = arith.maxsi %add3A_2632, %max3A_2683 : vector<16xi32>
      %min3A_2685 = arith.constant 383 : i32
      %min3A_2686 = vector.broadcast %min3A_2685 : i32 to vector<16xi32>
      %min3A_2687 = arith.minsi %max3A_2684, %min3A_2686 : vector<16xi32>
      %max3A_2688 = arith.constant 0 : i32
      %max3A_2689 = vector.broadcast %max3A_2688 : i32 to vector<16xi32>
      %max3A_2690 = arith.maxsi %convert_element_type3A_2629, %max3A_2689 : vector<16xi32>
      %min3A_2691 = arith.constant 383 : i32
      %min3A_2692 = vector.broadcast %min3A_2691 : i32 to vector<16xi32>
      %min3A_2693 = arith.minsi %max3A_2690, %min3A_2692 : vector<16xi32>
      %max3A_2694 = arith.constant 0 : i32
      %max3A_2695 = vector.broadcast %max3A_2694 : i32 to vector<16xi32>
      %max3A_2696 = arith.maxsi %add3A_2635, %max3A_2695 : vector<16xi32>
      %min3A_2697 = arith.constant 383 : i32
      %min3A_2698 = vector.broadcast %min3A_2697 : i32 to vector<16xi32>
      %min3A_2699 = arith.minsi %max3A_2696, %min3A_2698 : vector<16xi32>
      %mul3A_2700 = arith.constant 384 : i32
      %mul3A_2701 = vector.broadcast %mul3A_2700 : i32 to vector<16xi32>
      %mul3A_2702 = arith.muli %min3A_2693, %mul3A_2701 : vector<16xi32>
      %add3A_2703 = vector.broadcast %mul3A_18 : i32 to vector<16xi32>
      %add3A_2704 = arith.addi %add3A_2703, %mul3A_2702 : vector<16xi32>
      %mul3A_2705 = arith.constant 384 : i32
      %mul3A_2706 = vector.broadcast %mul3A_2705 : i32 to vector<16xi32>
      %mul3A_2707 = arith.muli %min3A_2699, %mul3A_2706 : vector<16xi32>
      %add3A_2708 = vector.broadcast %mul3A_18 : i32 to vector<16xi32>
      %add3A_2709 = arith.addi %add3A_2708, %mul3A_2707 : vector<16xi32>
      %add3A_2710 = arith.addi %add3A_2704, %min3A_2681 : vector<16xi32>
      %swap3A_2711 = arith.constant 0 : index
      %swap3A_2712 = tpu.vector_load %arg8[%swap3A_2711] {strides = array<i32>} : memref<128xi32, #tpu.memory_space<vmem>>, vector<16xi32>,
      tpu.vector_store %arg8[%swap3A_2711], %add3A_2710 {strides = array<i32>} : memref<128xi32, #tpu.memory_space<vmem>>, vector<16xi32>,
      %add3A_2713 = arith.addi %add3A_2704, %min3A_2687 : vector<16xi32>
      %swap3A_2714 = arith.constant 0 : index
      %swap3A_2715 = tpu.vector_load %arg9[%swap3A_2714] {strides = array<i32>} : memref<128xi32, #tpu.memory_space<vmem>>, vector<16xi32>,
      tpu.vector_store %arg9[%swap3A_2714], %add3A_2713 {strides = array<i32>} : memref<128xi32, #tpu.memory_space<vmem>>, vector<16xi32>,
      %add3A_2716 = arith.addi %add3A_2709, %min3A_2681 : vector<16xi32>
      %swap3A_2717 = arith.constant 0 : index
      %swap3A_2718 = tpu.vector_load %arg10[%swap3A_2717] {strides = array<i32>} : memref<128xi32, #tpu.memory_space<vmem>>, vector<16xi32>,
      tpu.vector_store %arg10[%swap3A_2717], %add3A_2716 {strides = array<i32>} : memref<128xi32, #tpu.memory_space<vmem>>, vector<16xi32>,
      %add3A_2719 = arith.addi %add3A_2709, %min3A_2687 : vector<16xi32>
      %swap3A_2720 = arith.constant 0 : index
      %swap3A_2721 = tpu.vector_load %arg11[%swap3A_2720] {strides = array<i32>} : memref<128xi32, #tpu.memory_space<vmem>>, vector<16xi32>,
      tpu.vector_store %arg11[%swap3A_2720], %add3A_2719 {strides = array<i32>} : memref<128xi32, #tpu.memory_space<vmem>>, vector<16xi32>,
      %mul3A_2722 = arith.mulf %select_n3A_2667, %select_n3A_2648 : vector<16xf32>
      %swap3A_2723 = arith.constant 0 : index
      %swap3A_2724 = tpu.vector_load %arg16[%swap3A_2723] {strides = array<i32>} : memref<128xf32, #tpu.memory_space<vmem>>, vector<16xf32>,
      tpu.vector_store %arg16[%swap3A_2723], %mul3A_2722 {strides = array<i32>} : memref<128xf32, #tpu.memory_space<vmem>>, vector<16xf32>,
      %mul3A_2725 = arith.mulf %select_n3A_2667, %select_n3A_2656 : vector<16xf32>
      %swap3A_2726 = arith.constant 0 : index
      %swap3A_2727 = tpu.vector_load %arg17[%swap3A_2726] {strides = array<i32>} : memref<128xf32, #tpu.memory_space<vmem>>, vector<16xf32>,
      tpu.vector_store %arg17[%swap3A_2726], %mul3A_2725 {strides = array<i32>} : memref<128xf32, #tpu.memory_space<vmem>>, vector<16xf32>,
      %mul3A_2728 = arith.mulf %select_n3A_2675, %select_n3A_2648 : vector<16xf32>
      %swap3A_2729 = arith.constant 0 : index
      %swap3A_2730 = tpu.vector_load %arg18[%swap3A_2729] {strides = array<i32>} : memref<128xf32, #tpu.memory_space<vmem>>, vector<16xf32>,
      tpu.vector_store %arg18[%swap3A_2729], %mul3A_2728 {strides = array<i32>} : memref<128xf32, #tpu.memory_space<vmem>>, vector<16xf32>,
      %mul3A_2731 = arith.mulf %select_n3A_2675, %select_n3A_2656 : vector<16xf32>
      %swap3A_2732 = arith.constant 0 : index
      %swap3A_2733 = tpu.vector_load %arg19[%swap3A_2732] {strides = array<i32>} : memref<128xf32, #tpu.memory_space<vmem>>, vector<16xf32>,
      tpu.vector_store %arg19[%swap3A_2732], %mul3A_2731 {strides = array<i32>} : memref<128xf32, #tpu.memory_space<vmem>>, vector<16xf32>,
      %get3A_2734 = arith.constant 16 : index
      %get3A_2735 = tpu.vector_load %arg6[%get3A_2734] {strides = array<i32>} : memref<128xf32, #tpu.memory_space<vmem>>, vector<16xf32>,
      %get3A_2736 = arith.constant 16 : index
      %get3A_2737 = tpu.vector_load %arg7[%get3A_2736] {strides = array<i32>} : memref<128xf32, #tpu.memory_space<vmem>>, vector<16xf32>,
      %add3A_2738 = arith.constant 1.000000e+00 : f32
      %add3A_2739 = vector.broadcast %add3A_2738 : f32 to vector<16xf32>
      %add3A_2740 = arith.addf %get3A_2735, %add3A_2739 : vector<16xf32>
      %mul3A_2741 = arith.constant 3.840000e+02 : f32
      %mul3A_2742 = vector.broadcast %mul3A_2741 : f32 to vector<16xf32>
      %mul3A_2743 = arith.mulf %add3A_2740, %mul3A_2742 : vector<16xf32>
      %sub3A_2744 = arith.constant 1.000000e+00 : f32
      %sub3A_2745 = vector.broadcast %sub3A_2744 : f32 to vector<16xf32>
      %sub3A_2746 = arith.subf %mul3A_2743, %sub3A_2745 : vector<16xf32>
      %mul3A_2747 = arith.constant 5.000000e-01 : f32
      %mul3A_2748 = vector.broadcast %mul3A_2747 : f32 to vector<16xf32>
      %mul3A_2749 = arith.mulf %sub3A_2746, %mul3A_2748 : vector<16xf32>
      %add3A_2750 = arith.constant 1.000000e+00 : f32
      %add3A_2751 = vector.broadcast %add3A_2750 : f32 to vector<16xf32>
      %add3A_2752 = arith.addf %get3A_2737, %add3A_2751 : vector<16xf32>
      %mul3A_2753 = arith.constant 3.840000e+02 : f32
      %mul3A_2754 = vector.broadcast %mul3A_2753 : f32 to vector<16xf32>
      %mul3A_2755 = arith.mulf %add3A_2752, %mul3A_2754 : vector<16xf32>
      %sub3A_2756 = arith.constant 1.000000e+00 : f32
      %sub3A_2757 = vector.broadcast %sub3A_2756 : f32 to vector<16xf32>
      %sub3A_2758 = arith.subf %mul3A_2755, %sub3A_2757 : vector<16xf32>
      %mul3A_2759 = arith.constant 5.000000e-01 : f32
      %mul3A_2760 = vector.broadcast %mul3A_2759 : f32 to vector<16xf32>
      %mul3A_2761 = arith.mulf %sub3A_2758, %mul3A_2760 : vector<16xf32>
      %convert_element_type3A_2762 = arith.fptosi %mul3A_2749 : vector<16xf32> to vector<16xi32>
      %convert_element_type3A_2763 = arith.sitofp %convert_element_type3A_2762 : vector<16xi32> to vector<16xf32>
      %gt3A_2764 = arith.cmpf ogt, %convert_element_type3A_2763, %mul3A_2749 : vector<16xf32>
      %sub3A_2765 = arith.constant 1.000000e+00 : f32
      %sub3A_2766 = vector.broadcast %sub3A_2765 : f32 to vector<16xf32>
      %sub3A_2767 = arith.subf %convert_element_type3A_2763, %sub3A_2766 : vector<16xf32>
      %select_n3A_2768 = arith.select %gt3A_2764, %sub3A_2767, %convert_element_type3A_2763 : vector<16xi1>, vector<16xf32>
      %convert_element_type3A_2769 = arith.fptosi %mul3A_2761 : vector<16xf32> to vector<16xi32>
      %convert_element_type3A_2770 = arith.sitofp %convert_element_type3A_2769 : vector<16xi32> to vector<16xf32>
      %gt3A_2771 = arith.cmpf ogt, %convert_element_type3A_2770, %mul3A_2761 : vector<16xf32>
      %sub3A_2772 = arith.constant 1.000000e+00 : f32
      %sub3A_2773 = vector.broadcast %sub3A_2772 : f32 to vector<16xf32>
      %sub3A_2774 = arith.subf %convert_element_type3A_2770, %sub3A_2773 : vector<16xf32>
      %select_n3A_2775 = arith.select %gt3A_2771, %sub3A_2774, %convert_element_type3A_2770 : vector<16xi1>, vector<16xf32>
      %sub3A_2776 = arith.subf %mul3A_2749, %select_n3A_2768 : vector<16xf32>
      %sub3A_2777 = arith.subf %mul3A_2761, %select_n3A_2775 : vector<16xf32>
      %convert_element_type3A_2778 = arith.fptosi %select_n3A_2768 : vector<16xf32> to vector<16xi32>
      %convert_element_type3A_2779 = arith.fptosi %select_n3A_2775 : vector<16xf32> to vector<16xi32>
      %add3A_2780 = arith.constant 1 : i32
      %add3A_2781 = vector.broadcast %add3A_2780 : i32 to vector<16xi32>
      %add3A_2782 = arith.addi %convert_element_type3A_2778, %add3A_2781 : vector<16xi32>
      %add3A_2783 = arith.constant 1 : i32
      %add3A_2784 = vector.broadcast %add3A_2783 : i32 to vector<16xi32>
      %add3A_2785 = arith.addi %convert_element_type3A_2779, %add3A_2784 : vector<16xi32>
      %broadcast_in_dim3A_2786 = arith.constant 0.000000e+00 : f32
      %broadcast_in_dim3A_2787 = vector.broadcast %broadcast_in_dim3A_2786 : f32 to vector<16xf32>
      %ge3A_2788 = arith.constant 0 : i32
      %ge3A_2789 = vector.broadcast %ge3A_2788 : i32 to vector<16xi32>
      %ge3A_2790 = arith.cmpi sge, %convert_element_type3A_2778, %ge3A_2789 : vector<16xi32>
      %le3A_2791 = arith.constant 383 : i32
      %le3A_2792 = vector.broadcast %le3A_2791 : i32 to vector<16xi32>
      %le3A_2793 = arith.cmpi sle, %convert_element_type3A_2778, %le3A_2792 : vector<16xi32>
      %and3A_2794 = arith.andi %ge3A_2790, %le3A_2793 : vector<16xi1>
      %sub3A_2795 = arith.constant 1.000000e+00 : f32
      %sub3A_2796 = vector.broadcast %sub3A_2795 : f32 to vector<16xf32>
      %sub3A_2797 = arith.subf %sub3A_2796, %sub3A_2776 : vector<16xf32>
      %select_n3A_2798 = arith.select %and3A_2794, %sub3A_2797, %broadcast_in_dim3A_2787 : vector<16xi1>, vector<16xf32>
      %ge3A_2799 = arith.constant 0 : i32
      %ge3A_2800 = vector.broadcast %ge3A_2799 : i32 to vector<16xi32>
      %ge3A_2801 = arith.cmpi sge, %add3A_2782, %ge3A_2800 : vector<16xi32>
      %le3A_2802 = arith.constant 383 : i32
      %le3A_2803 = vector.broadcast %le3A_2802 : i32 to vector<16xi32>
      %le3A_2804 = arith.cmpi sle, %add3A_2782, %le3A_2803 : vector<16xi32>
      %and3A_2805 = arith.andi %ge3A_2801, %le3A_2804 : vector<16xi1>
      %select_n3A_2806 = arith.select %and3A_2805, %sub3A_2776, %broadcast_in_dim3A_2787 : vector<16xi1>, vector<16xf32>
      %ge3A_2807 = arith.constant 0 : i32
      %ge3A_2808 = vector.broadcast %ge3A_2807 : i32 to vector<16xi32>
      %ge3A_2809 = arith.cmpi sge, %convert_element_type3A_2779, %ge3A_2808 : vector<16xi32>
      %le3A_2810 = arith.constant 383 : i32
      %le3A_2811 = vector.broadcast %le3A_2810 : i32 to vector<16xi32>
      %le3A_2812 = arith.cmpi sle, %convert_element_type3A_2779, %le3A_2811 : vector<16xi32>
      %and3A_2813 = arith.andi %ge3A_2809, %le3A_2812 : vector<16xi1>
      %sub3A_2814 = arith.constant 1.000000e+00 : f32
      %sub3A_2815 = vector.broadcast %sub3A_2814 : f32 to vector<16xf32>
      %sub3A_2816 = arith.subf %sub3A_2815, %sub3A_2777 : vector<16xf32>
      %select_n3A_2817 = arith.select %and3A_2813, %sub3A_2816, %broadcast_in_dim3A_2787 : vector<16xi1>, vector<16xf32>
      %ge3A_2818 = arith.constant 0 : i32
      %ge3A_2819 = vector.broadcast %ge3A_2818 : i32 to vector<16xi32>
      %ge3A_2820 = arith.cmpi sge, %add3A_2785, %ge3A_2819 : vector<16xi32>
      %le3A_2821 = arith.constant 383 : i32
      %le3A_2822 = vector.broadcast %le3A_2821 : i32 to vector<16xi32>
      %le3A_2823 = arith.cmpi sle, %add3A_2785, %le3A_2822 : vector<16xi32>
      %and3A_2824 = arith.andi %ge3A_2820, %le3A_2823 : vector<16xi1>
      %select_n3A_2825 = arith.select %and3A_2824, %sub3A_2777, %broadcast_in_dim3A_2787 : vector<16xi1>, vector<16xf32>
      %max3A_2826 = arith.constant 0 : i32
      %max3A_2827 = vector.broadcast %max3A_2826 : i32 to vector<16xi32>
      %max3A_2828 = arith.maxsi %convert_element_type3A_2778, %max3A_2827 : vector<16xi32>
      %min3A_2829 = arith.constant 383 : i32
      %min3A_2830 = vector.broadcast %min3A_2829 : i32 to vector<16xi32>
      %min3A_2831 = arith.minsi %max3A_2828, %min3A_2830 : vector<16xi32>
      %max3A_2832 = arith.constant 0 : i32
      %max3A_2833 = vector.broadcast %max3A_2832 : i32 to vector<16xi32>
      %max3A_2834 = arith.maxsi %add3A_2782, %max3A_2833 : vector<16xi32>
      %min3A_2835 = arith.constant 383 : i32
      %min3A_2836 = vector.broadcast %min3A_2835 : i32 to vector<16xi32>
      %min3A_2837 = arith.minsi %max3A_2834, %min3A_2836 : vector<16xi32>
      %max3A_2838 = arith.constant 0 : i32
      %max3A_2839 = vector.broadcast %max3A_2838 : i32 to vector<16xi32>
      %max3A_2840 = arith.maxsi %convert_element_type3A_2779, %max3A_2839 : vector<16xi32>
      %min3A_2841 = arith.constant 383 : i32
      %min3A_2842 = vector.broadcast %min3A_2841 : i32 to vector<16xi32>
      %min3A_2843 = arith.minsi %max3A_2840, %min3A_2842 : vector<16xi32>
      %max3A_2844 = arith.constant 0 : i32
      %max3A_2845 = vector.broadcast %max3A_2844 : i32 to vector<16xi32>
      %max3A_2846 = arith.maxsi %add3A_2785, %max3A_2845 : vector<16xi32>
      %min3A_2847 = arith.constant 383 : i32
      %min3A_2848 = vector.broadcast %min3A_2847 : i32 to vector<16xi32>
      %min3A_2849 = arith.minsi %max3A_2846, %min3A_2848 : vector<16xi32>
      %mul3A_2850 = arith.constant 384 : i32
      %mul3A_2851 = vector.broadcast %mul3A_2850 : i32 to vector<16xi32>
      %mul3A_2852 = arith.muli %min3A_2843, %mul3A_2851 : vector<16xi32>
      %add3A_2853 = vector.broadcast %mul3A_18 : i32 to vector<16xi32>
      %add3A_2854 = arith.addi %add3A_2853, %mul3A_2852 : vector<16xi32>
      %mul3A_2855 = arith.constant 384 : i32
      %mul3A_2856 = vector.broadcast %mul3A_2855 : i32 to vector<16xi32>
      %mul3A_2857 = arith.muli %min3A_2849, %mul3A_2856 : vector<16xi32>
      %add3A_2858 = vector.broadcast %mul3A_18 : i32 to vector<16xi32>
      %add3A_2859 = arith.addi %add3A_2858, %mul3A_2857 : vector<16xi32>
      %add3A_2860 = arith.addi %add3A_2854, %min3A_2831 : vector<16xi32>
      %swap3A_2861 = arith.constant 16 : index
      %swap3A_2862 = tpu.vector_load %arg8[%swap3A_2861] {strides = array<i32>} : memref<128xi32, #tpu.memory_space<vmem>>, vector<16xi32>,
      tpu.vector_store %arg8[%swap3A_2861], %add3A_2860 {strides = array<i32>} : memref<128xi32, #tpu.memory_space<vmem>>, vector<16xi32>,
      %add3A_2863 = arith.addi %add3A_2854, %min3A_2837 : vector<16xi32>
      %swap3A_2864 = arith.constant 16 : index
      %swap3A_2865 = tpu.vector_load %arg9[%swap3A_2864] {strides = array<i32>} : memref<128xi32, #tpu.memory_space<vmem>>, vector<16xi32>,
      tpu.vector_store %arg9[%swap3A_2864], %add3A_2863 {strides = array<i32>} : memref<128xi32, #tpu.memory_space<vmem>>, vector<16xi32>,
      %add3A_2866 = arith.addi %add3A_2859, %min3A_2831 : vector<16xi32>
      %swap3A_2867 = arith.constant 16 : index
      %swap3A_2868 = tpu.vector_load %arg10[%swap3A_2867] {strides = array<i32>} : memref<128xi32, #tpu.memory_space<vmem>>, vector<16xi32>,
      tpu.vector_store %arg10[%swap3A_2867], %add3A_2866 {strides = array<i32>} : memref<128xi32, #tpu.memory_space<vmem>>, vector<16xi32>,
      %add3A_2869 = arith.addi %add3A_2859, %min3A_2837 : vector<16xi32>
      %swap3A_2870 = arith.constant 16 : index
      %swap3A_2871 = tpu.vector_load %arg11[%swap3A_2870] {strides = array<i32>} : memref<128xi32, #tpu.memory_space<vmem>>, vector<16xi32>,
      tpu.vector_store %arg11[%swap3A_2870], %add3A_2869 {strides = array<i32>} : memref<128xi32, #tpu.memory_space<vmem>>, vector<16xi32>,
      %mul3A_2872 = arith.mulf %select_n3A_2817, %select_n3A_2798 : vector<16xf32>
      %swap3A_2873 = arith.constant 16 : index
      %swap3A_2874 = tpu.vector_load %arg16[%swap3A_2873] {strides = array<i32>} : memref<128xf32, #tpu.memory_space<vmem>>, vector<16xf32>,
      tpu.vector_store %arg16[%swap3A_2873], %mul3A_2872 {strides = array<i32>} : memref<128xf32, #tpu.memory_space<vmem>>, vector<16xf32>,
      %mul3A_2875 = arith.mulf %select_n3A_2817, %select_n3A_2806 : vector<16xf32>
      %swap3A_2876 = arith.constant 16 : index
      %swap3A_2877 = tpu.vector_load %arg17[%swap3A_2876] {strides = array<i32>} : memref<128xf32, #tpu.memory_space<vmem>>, vector<16xf32>,
      tpu.vector_store %arg17[%swap3A_2876], %mul3A_2875 {strides = array<i32>} : memref<128xf32, #tpu.memory_space<vmem>>, vector<16xf32>,
      %mul3A_2878 = arith.mulf %select_n3A_2825, %select_n3A_2798 : vector<16xf32>
      %swap3A_2879 = arith.constant 16 : index
      %swap3A_2880 = tpu.vector_load %arg18[%swap3A_2879] {strides = array<i32>} : memref<128xf32, #tpu.memory_space<vmem>>, vector<16xf32>,
      tpu.vector_store %arg18[%swap3A_2879], %mul3A_2878 {strides = array<i32>} : memref<128xf32, #tpu.memory_space<vmem>>, vector<16xf32>,
      %mul3A_2881 = arith.mulf %select_n3A_2825, %select_n3A_2806 : vector<16xf32>
      %swap3A_2882 = arith.constant 16 : index
      %swap3A_2883 = tpu.vector_load %arg19[%swap3A_2882] {strides = array<i32>} : memref<128xf32, #tpu.memory_space<vmem>>, vector<16xf32>,
      tpu.vector_store %arg19[%swap3A_2882], %mul3A_2881 {strides = array<i32>} : memref<128xf32, #tpu.memory_space<vmem>>, vector<16xf32>,
      %get3A_2884 = arith.constant 32 : index
      %get3A_2885 = tpu.vector_load %arg6[%get3A_2884] {strides = array<i32>} : memref<128xf32, #tpu.memory_space<vmem>>, vector<16xf32>,
      %get3A_2886 = arith.constant 32 : index
      %get3A_2887 = tpu.vector_load %arg7[%get3A_2886] {strides = array<i32>} : memref<128xf32, #tpu.memory_space<vmem>>, vector<16xf32>,
      %add3A_2888 = arith.constant 1.000000e+00 : f32
      %add3A_2889 = vector.broadcast %add3A_2888 : f32 to vector<16xf32>
      %add3A_2890 = arith.addf %get3A_2885, %add3A_2889 : vector<16xf32>
      %mul3A_2891 = arith.constant 3.840000e+02 : f32
      %mul3A_2892 = vector.broadcast %mul3A_2891 : f32 to vector<16xf32>
      %mul3A_2893 = arith.mulf %add3A_2890, %mul3A_2892 : vector<16xf32>
      %sub3A_2894 = arith.constant 1.000000e+00 : f32
      %sub3A_2895 = vector.broadcast %sub3A_2894 : f32 to vector<16xf32>
      %sub3A_2896 = arith.subf %mul3A_2893, %sub3A_2895 : vector<16xf32>
      %mul3A_2897 = arith.constant 5.000000e-01 : f32
      %mul3A_2898 = vector.broadcast %mul3A_2897 : f32 to vector<16xf32>
      %mul3A_2899 = arith.mulf %sub3A_2896, %mul3A_2898 : vector<16xf32>
      %add3A_2900 = arith.constant 1.000000e+00 : f32
      %add3A_2901 = vector.broadcast %add3A_2900 : f32 to vector<16xf32>
      %add3A_2902 = arith.addf %get3A_2887, %add3A_2901 : vector<16xf32>
      %mul3A_2903 = arith.constant 3.840000e+02 : f32
      %mul3A_2904 = vector.broadcast %mul3A_2903 : f32 to vector<16xf32>
      %mul3A_2905 = arith.mulf %add3A_2902, %mul3A_2904 : vector<16xf32>
      %sub3A_2906 = arith.constant 1.000000e+00 : f32
      %sub3A_2907 = vector.broadcast %sub3A_2906 : f32 to vector<16xf32>
      %sub3A_2908 = arith.subf %mul3A_2905, %sub3A_2907 : vector<16xf32>
      %mul3A_2909 = arith.constant 5.000000e-01 : f32
      %mul3A_2910 = vector.broadcast %mul3A_2909 : f32 to vector<16xf32>
      %mul3A_2911 = arith.mulf %sub3A_2908, %mul3A_2910 : vector<16xf32>
      %convert_element_type3A_2912 = arith.fptosi %mul3A_2899 : vector<16xf32> to vector<16xi32>
      %convert_element_type3A_2913 = arith.sitofp %convert_element_type3A_2912 : vector<16xi32> to vector<16xf32>
      %gt3A_2914 = arith.cmpf ogt, %convert_element_type3A_2913, %mul3A_2899 : vector<16xf32>
      %sub3A_2915 = arith.constant 1.000000e+00 : f32
      %sub3A_2916 = vector.broadcast %sub3A_2915 : f32 to vector<16xf32>
      %sub3A_2917 = arith.subf %convert_element_type3A_2913, %sub3A_2916 : vector<16xf32>
      %select_n3A_2918 = arith.select %gt3A_2914, %sub3A_2917, %convert_element_type3A_2913 : vector<16xi1>, vector<16xf32>
      %convert_element_type3A_2919 = arith.fptosi %mul3A_2911 : vector<16xf32> to vector<16xi32>
      %convert_element_type3A_2920 = arith.sitofp %convert_element_type3A_2919 : vector<16xi32> to vector<16xf32>
      %gt3A_2921 = arith.cmpf ogt, %convert_element_type3A_2920, %mul3A_2911 : vector<16xf32>
      %sub3A_2922 = arith.constant 1.000000e+00 : f32
      %sub3A_2923 = vector.broadcast %sub3A_2922 : f32 to vector<16xf32>
      %sub3A_2924 = arith.subf %convert_element_type3A_2920, %sub3A_2923 : vector<16xf32>
      %select_n3A_2925 = arith.select %gt3A_2921, %sub3A_2924, %convert_element_type3A_2920 : vector<16xi1>, vector<16xf32>
      %sub3A_2926 = arith.subf %mul3A_2899, %select_n3A_2918 : vector<16xf32>
      %sub3A_2927 = arith.subf %mul3A_2911, %select_n3A_2925 : vector<16xf32>
      %convert_element_type3A_2928 = arith.fptosi %select_n3A_2918 : vector<16xf32> to vector<16xi32>
      %convert_element_type3A_2929 = arith.fptosi %select_n3A_2925 : vector<16xf32> to vector<16xi32>
      %add3A_2930 = arith.constant 1 : i32
      %add3A_2931 = vector.broadcast %add3A_2930 : i32 to vector<16xi32>
      %add3A_2932 = arith.addi %convert_element_type3A_2928, %add3A_2931 : vector<16xi32>
      %add3A_2933 = arith.constant 1 : i32
      %add3A_2934 = vector.broadcast %add3A_2933 : i32 to vector<16xi32>
      %add3A_2935 = arith.addi %convert_element_type3A_2929, %add3A_2934 : vector<16xi32>
      %broadcast_in_dim3A_2936 = arith.constant 0.000000e+00 : f32
      %broadcast_in_dim3A_2937 = vector.broadcast %broadcast_in_dim3A_2936 : f32 to vector<16xf32>
      %ge3A_2938 = arith.constant 0 : i32
      %ge3A_2939 = vector.broadcast %ge3A_2938 : i32 to vector<16xi32>
      %ge3A_2940 = arith.cmpi sge, %convert_element_type3A_2928, %ge3A_2939 : vector<16xi32>
      %le3A_2941 = arith.constant 383 : i32
      %le3A_2942 = vector.broadcast %le3A_2941 : i32 to vector<16xi32>
      %le3A_2943 = arith.cmpi sle, %convert_element_type3A_2928, %le3A_2942 : vector<16xi32>
      %and3A_2944 = arith.andi %ge3A_2940, %le3A_2943 : vector<16xi1>
      %sub3A_2945 = arith.constant 1.000000e+00 : f32
      %sub3A_2946 = vector.broadcast %sub3A_2945 : f32 to vector<16xf32>
      %sub3A_2947 = arith.subf %sub3A_2946, %sub3A_2926 : vector<16xf32>
      %select_n3A_2948 = arith.select %and3A_2944, %sub3A_2947, %broadcast_in_dim3A_2937 : vector<16xi1>, vector<16xf32>
      %ge3A_2949 = arith.constant 0 : i32
      %ge3A_2950 = vector.broadcast %ge3A_2949 : i32 to vector<16xi32>
      %ge3A_2951 = arith.cmpi sge, %add3A_2932, %ge3A_2950 : vector<16xi32>
      %le3A_2952 = arith.constant 383 : i32
      %le3A_2953 = vector.broadcast %le3A_2952 : i32 to vector<16xi32>
      %le3A_2954 = arith.cmpi sle, %add3A_2932, %le3A_2953 : vector<16xi32>
      %and3A_2955 = arith.andi %ge3A_2951, %le3A_2954 : vector<16xi1>
      %select_n3A_2956 = arith.select %and3A_2955, %sub3A_2926, %broadcast_in_dim3A_2937 : vector<16xi1>, vector<16xf32>
      %ge3A_2957 = arith.constant 0 : i32
      %ge3A_2958 = vector.broadcast %ge3A_2957 : i32 to vector<16xi32>
      %ge3A_2959 = arith.cmpi sge, %convert_element_type3A_2929, %ge3A_2958 : vector<16xi32>
      %le3A_2960 = arith.constant 383 : i32
      %le3A_2961 = vector.broadcast %le3A_2960 : i32 to vector<16xi32>
      %le3A_2962 = arith.cmpi sle, %convert_element_type3A_2929, %le3A_2961 : vector<16xi32>
      %and3A_2963 = arith.andi %ge3A_2959, %le3A_2962 : vector<16xi1>
      %sub3A_2964 = arith.constant 1.000000e+00 : f32
      %sub3A_2965 = vector.broadcast %sub3A_2964 : f32 to vector<16xf32>
      %sub3A_2966 = arith.subf %sub3A_2965, %sub3A_2927 : vector<16xf32>
      %select_n3A_2967 = arith.select %and3A_2963, %sub3A_2966, %broadcast_in_dim3A_2937 : vector<16xi1>, vector<16xf32>
      %ge3A_2968 = arith.constant 0 : i32
      %ge3A_2969 = vector.broadcast %ge3A_2968 : i32 to vector<16xi32>
      %ge3A_2970 = arith.cmpi sge, %add3A_2935, %ge3A_2969 : vector<16xi32>
      %le3A_2971 = arith.constant 383 : i32
      %le3A_2972 = vector.broadcast %le3A_2971 : i32 to vector<16xi32>
      %le3A_2973 = arith.cmpi sle, %add3A_2935, %le3A_2972 : vector<16xi32>
      %and3A_2974 = arith.andi %ge3A_2970, %le3A_2973 : vector<16xi1>
      %select_n3A_2975 = arith.select %and3A_2974, %sub3A_2927, %broadcast_in_dim3A_2937 : vector<16xi1>, vector<16xf32>
      %max3A_2976 = arith.constant 0 : i32
      %max3A_2977 = vector.broadcast %max3A_2976 : i32 to vector<16xi32>
      %max3A_2978 = arith.maxsi %convert_element_type3A_2928, %max3A_2977 : vector<16xi32>
      %min3A_2979 = arith.constant 383 : i32
      %min3A_2980 = vector.broadcast %min3A_2979 : i32 to vector<16xi32>
      %min3A_2981 = arith.minsi %max3A_2978, %min3A_2980 : vector<16xi32>
      %max3A_2982 = arith.constant 0 : i32
      %max3A_2983 = vector.broadcast %max3A_2982 : i32 to vector<16xi32>
      %max3A_2984 = arith.maxsi %add3A_2932, %max3A_2983 : vector<16xi32>
      %min3A_2985 = arith.constant 383 : i32
      %min3A_2986 = vector.broadcast %min3A_2985 : i32 to vector<16xi32>
      %min3A_2987 = arith.minsi %max3A_2984, %min3A_2986 : vector<16xi32>
      %max3A_2988 = arith.constant 0 : i32
      %max3A_2989 = vector.broadcast %max3A_2988 : i32 to vector<16xi32>
      %max3A_2990 = arith.maxsi %convert_element_type3A_2929, %max3A_2989 : vector<16xi32>
      %min3A_2991 = arith.constant 383 : i32
      %min3A_2992 = vector.broadcast %min3A_2991 : i32 to vector<16xi32>
      %min3A_2993 = arith.minsi %max3A_2990, %min3A_2992 : vector<16xi32>
      %max3A_2994 = arith.constant 0 : i32
      %max3A_2995 = vector.broadcast %max3A_2994 : i32 to vector<16xi32>
      %max3A_2996 = arith.maxsi %add3A_2935, %max3A_2995 : vector<16xi32>
      %min3A_2997 = arith.constant 383 : i32
      %min3A_2998 = vector.broadcast %min3A_2997 : i32 to vector<16xi32>
      %min3A_2999 = arith.minsi %max3A_2996, %min3A_2998 : vector<16xi32>
      %mul3A_3000 = arith.constant 384 : i32
      %mul3A_3001 = vector.broadcast %mul3A_3000 : i32 to vector<16xi32>
      %mul3A_3002 = arith.muli %min3A_2993, %mul3A_3001 : vector<16xi32>
      %add3A_3003 = vector.broadcast %mul3A_18 : i32 to vector<16xi32>
      %add3A_3004 = arith.addi %add3A_3003, %mul3A_3002 : vector<16xi32>
      %mul3A_3005 = arith.constant 384 : i32
      %mul3A_3006 = vector.broadcast %mul3A_3005 : i32 to vector<16xi32>
      %mul3A_3007 = arith.muli %min3A_2999, %mul3A_3006 : vector<16xi32>
      %add3A_3008 = vector.broadcast %mul3A_18 : i32 to vector<16xi32>
      %add3A_3009 = arith.addi %add3A_3008, %mul3A_3007 : vector<16xi32>
      %add3A_3010 = arith.addi %add3A_3004, %min3A_2981 : vector<16xi32>
      %swap3A_3011 = arith.constant 32 : index
      %swap3A_3012 = tpu.vector_load %arg8[%swap3A_3011] {strides = array<i32>} : memref<128xi32, #tpu.memory_space<vmem>>, vector<16xi32>,
      tpu.vector_store %arg8[%swap3A_3011], %add3A_3010 {strides = array<i32>} : memref<128xi32, #tpu.memory_space<vmem>>, vector<16xi32>,
      %add3A_3013 = arith.addi %add3A_3004, %min3A_2987 : vector<16xi32>
      %swap3A_3014 = arith.constant 32 : index
      %swap3A_3015 = tpu.vector_load %arg9[%swap3A_3014] {strides = array<i32>} : memref<128xi32, #tpu.memory_space<vmem>>, vector<16xi32>,
      tpu.vector_store %arg9[%swap3A_3014], %add3A_3013 {strides = array<i32>} : memref<128xi32, #tpu.memory_space<vmem>>, vector<16xi32>,
      %add3A_3016 = arith.addi %add3A_3009, %min3A_2981 : vector<16xi32>
      %swap3A_3017 = arith.constant 32 : index
      %swap3A_3018 = tpu.vector_load %arg10[%swap3A_3017] {strides = array<i32>} : memref<128xi32, #tpu.memory_space<vmem>>, vector<16xi32>,
      tpu.vector_store %arg10[%swap3A_3017], %add3A_3016 {strides = array<i32>} : memref<128xi32, #tpu.memory_space<vmem>>, vector<16xi32>,
      %add3A_3019 = arith.addi %add3A_3009, %min3A_2987 : vector<16xi32>
      %swap3A_3020 = arith.constant 32 : index
      %swap3A_3021 = tpu.vector_load %arg11[%swap3A_3020] {strides = array<i32>} : memref<128xi32, #tpu.memory_space<vmem>>, vector<16xi32>,
      tpu.vector_store %arg11[%swap3A_3020], %add3A_3019 {strides = array<i32>} : memref<128xi32, #tpu.memory_space<vmem>>, vector<16xi32>,
      %mul3A_3022 = arith.mulf %select_n3A_2967, %select_n3A_2948 : vector<16xf32>
      %swap3A_3023 = arith.constant 32 : index
      %swap3A_3024 = tpu.vector_load %arg16[%swap3A_3023] {strides = array<i32>} : memref<128xf32, #tpu.memory_space<vmem>>, vector<16xf32>,
      tpu.vector_store %arg16[%swap3A_3023], %mul3A_3022 {strides = array<i32>} : memref<128xf32, #tpu.memory_space<vmem>>, vector<16xf32>,
      %mul3A_3025 = arith.mulf %select_n3A_2967, %select_n3A_2956 : vector<16xf32>
      %swap3A_3026 = arith.constant 32 : index
      %swap3A_3027 = tpu.vector_load %arg17[%swap3A_3026] {strides = array<i32>} : memref<128xf32, #tpu.memory_space<vmem>>, vector<16xf32>,
      tpu.vector_store %arg17[%swap3A_3026], %mul3A_3025 {strides = array<i32>} : memref<128xf32, #tpu.memory_space<vmem>>, vector<16xf32>,
      %mul3A_3028 = arith.mulf %select_n3A_2975, %select_n3A_2948 : vector<16xf32>
      %swap3A_3029 = arith.constant 32 : index
      %swap3A_3030 = tpu.vector_load %arg18[%swap3A_3029] {strides = array<i32>} : memref<128xf32, #tpu.memory_space<vmem>>, vector<16xf32>,
      tpu.vector_store %arg18[%swap3A_3029], %mul3A_3028 {strides = array<i32>} : memref<128xf32, #tpu.memory_space<vmem>>, vector<16xf32>,
      %mul3A_3031 = arith.mulf %select_n3A_2975, %select_n3A_2956 : vector<16xf32>
      %swap3A_3032 = arith.constant 32 : index
      %swap3A_3033 = tpu.vector_load %arg19[%swap3A_3032] {strides = array<i32>} : memref<128xf32, #tpu.memory_space<vmem>>, vector<16xf32>,
      tpu.vector_store %arg19[%swap3A_3032], %mul3A_3031 {strides = array<i32>} : memref<128xf32, #tpu.memory_space<vmem>>, vector<16xf32>,
      %get3A_3034 = arith.constant 48 : index
      %get3A_3035 = tpu.vector_load %arg6[%get3A_3034] {strides = array<i32>} : memref<128xf32, #tpu.memory_space<vmem>>, vector<16xf32>,
      %get3A_3036 = arith.constant 48 : index
      %get3A_3037 = tpu.vector_load %arg7[%get3A_3036] {strides = array<i32>} : memref<128xf32, #tpu.memory_space<vmem>>, vector<16xf32>,
      %add3A_3038 = arith.constant 1.000000e+00 : f32
      %add3A_3039 = vector.broadcast %add3A_3038 : f32 to vector<16xf32>
      %add3A_3040 = arith.addf %get3A_3035, %add3A_3039 : vector<16xf32>
      %mul3A_3041 = arith.constant 3.840000e+02 : f32
      %mul3A_3042 = vector.broadcast %mul3A_3041 : f32 to vector<16xf32>
      %mul3A_3043 = arith.mulf %add3A_3040, %mul3A_3042 : vector<16xf32>
      %sub3A_3044 = arith.constant 1.000000e+00 : f32
      %sub3A_3045 = vector.broadcast %sub3A_3044 : f32 to vector<16xf32>
      %sub3A_3046 = arith.subf %mul3A_3043, %sub3A_3045 : vector<16xf32>
      %mul3A_3047 = arith.constant 5.000000e-01 : f32
      %mul3A_3048 = vector.broadcast %mul3A_3047 : f32 to vector<16xf32>
      %mul3A_3049 = arith.mulf %sub3A_3046, %mul3A_3048 : vector<16xf32>
      %add3A_3050 = arith.constant 1.000000e+00 : f32
      %add3A_3051 = vector.broadcast %add3A_3050 : f32 to vector<16xf32>
      %add3A_3052 = arith.addf %get3A_3037, %add3A_3051 : vector<16xf32>
      %mul3A_3053 = arith.constant 3.840000e+02 : f32
      %mul3A_3054 = vector.broadcast %mul3A_3053 : f32 to vector<16xf32>
      %mul3A_3055 = arith.mulf %add3A_3052, %mul3A_3054 : vector<16xf32>
      %sub3A_3056 = arith.constant 1.000000e+00 : f32
      %sub3A_3057 = vector.broadcast %sub3A_3056 : f32 to vector<16xf32>
      %sub3A_3058 = arith.subf %mul3A_3055, %sub3A_3057 : vector<16xf32>
      %mul3A_3059 = arith.constant 5.000000e-01 : f32
      %mul3A_3060 = vector.broadcast %mul3A_3059 : f32 to vector<16xf32>
      %mul3A_3061 = arith.mulf %sub3A_3058, %mul3A_3060 : vector<16xf32>
      %convert_element_type3A_3062 = arith.fptosi %mul3A_3049 : vector<16xf32> to vector<16xi32>
      %convert_element_type3A_3063 = arith.sitofp %convert_element_type3A_3062 : vector<16xi32> to vector<16xf32>
      %gt3A_3064 = arith.cmpf ogt, %convert_element_type3A_3063, %mul3A_3049 : vector<16xf32>
      %sub3A_3065 = arith.constant 1.000000e+00 : f32
      %sub3A_3066 = vector.broadcast %sub3A_3065 : f32 to vector<16xf32>
      %sub3A_3067 = arith.subf %convert_element_type3A_3063, %sub3A_3066 : vector<16xf32>
      %select_n3A_3068 = arith.select %gt3A_3064, %sub3A_3067, %convert_element_type3A_3063 : vector<16xi1>, vector<16xf32>
      %convert_element_type3A_3069 = arith.fptosi %mul3A_3061 : vector<16xf32> to vector<16xi32>
      %convert_element_type3A_3070 = arith.sitofp %convert_element_type3A_3069 : vector<16xi32> to vector<16xf32>
      %gt3A_3071 = arith.cmpf ogt, %convert_element_type3A_3070, %mul3A_3061 : vector<16xf32>
      %sub3A_3072 = arith.constant 1.000000e+00 : f32
      %sub3A_3073 = vector.broadcast %sub3A_3072 : f32 to vector<16xf32>
      %sub3A_3074 = arith.subf %convert_element_type3A_3070, %sub3A_3073 : vector<16xf32>
      %select_n3A_3075 = arith.select %gt3A_3071, %sub3A_3074, %convert_element_type3A_3070 : vector<16xi1>, vector<16xf32>
      %sub3A_3076 = arith.subf %mul3A_3049, %select_n3A_3068 : vector<16xf32>
      %sub3A_3077 = arith.subf %mul3A_3061, %select_n3A_3075 : vector<16xf32>
      %convert_element_type3A_3078 = arith.fptosi %select_n3A_3068 : vector<16xf32> to vector<16xi32>
      %convert_element_type3A_3079 = arith.fptosi %select_n3A_3075 : vector<16xf32> to vector<16xi32>
      %add3A_3080 = arith.constant 1 : i32
      %add3A_3081 = vector.broadcast %add3A_3080 : i32 to vector<16xi32>
      %add3A_3082 = arith.addi %convert_element_type3A_3078, %add3A_3081 : vector<16xi32>
      %add3A_3083 = arith.constant 1 : i32
      %add3A_3084 = vector.broadcast %add3A_3083 : i32 to vector<16xi32>
      %add3A_3085 = arith.addi %convert_element_type3A_3079, %add3A_3084 : vector<16xi32>
      %broadcast_in_dim3A_3086 = arith.constant 0.000000e+00 : f32
      %broadcast_in_dim3A_3087 = vector.broadcast %broadcast_in_dim3A_3086 : f32 to vector<16xf32>
      %ge3A_3088 = arith.constant 0 : i32
      %ge3A_3089 = vector.broadcast %ge3A_3088 : i32 to vector<16xi32>
      %ge3A_3090 = arith.cmpi sge, %convert_element_type3A_3078, %ge3A_3089 : vector<16xi32>
      %le3A_3091 = arith.constant 383 : i32
      %le3A_3092 = vector.broadcast %le3A_3091 : i32 to vector<16xi32>
      %le3A_3093 = arith.cmpi sle, %convert_element_type3A_3078, %le3A_3092 : vector<16xi32>
      %and3A_3094 = arith.andi %ge3A_3090, %le3A_3093 : vector<16xi1>
      %sub3A_3095 = arith.constant 1.000000e+00 : f32
      %sub3A_3096 = vector.broadcast %sub3A_3095 : f32 to vector<16xf32>
      %sub3A_3097 = arith.subf %sub3A_3096, %sub3A_3076 : vector<16xf32>
      %select_n3A_3098 = arith.select %and3A_3094, %sub3A_3097, %broadcast_in_dim3A_3087 : vector<16xi1>, vector<16xf32>
      %ge3A_3099 = arith.constant 0 : i32
      %ge3A_3100 = vector.broadcast %ge3A_3099 : i32 to vector<16xi32>
      %ge3A_3101 = arith.cmpi sge, %add3A_3082, %ge3A_3100 : vector<16xi32>
      %le3A_3102 = arith.constant 383 : i32
      %le3A_3103 = vector.broadcast %le3A_3102 : i32 to vector<16xi32>
      %le3A_3104 = arith.cmpi sle, %add3A_3082, %le3A_3103 : vector<16xi32>
      %and3A_3105 = arith.andi %ge3A_3101, %le3A_3104 : vector<16xi1>
      %select_n3A_3106 = arith.select %and3A_3105, %sub3A_3076, %broadcast_in_dim3A_3087 : vector<16xi1>, vector<16xf32>
      %ge3A_3107 = arith.constant 0 : i32
      %ge3A_3108 = vector.broadcast %ge3A_3107 : i32 to vector<16xi32>
      %ge3A_3109 = arith.cmpi sge, %convert_element_type3A_3079, %ge3A_3108 : vector<16xi32>
      %le3A_3110 = arith.constant 383 : i32
      %le3A_3111 = vector.broadcast %le3A_3110 : i32 to vector<16xi32>
      %le3A_3112 = arith.cmpi sle, %convert_element_type3A_3079, %le3A_3111 : vector<16xi32>
      %and3A_3113 = arith.andi %ge3A_3109, %le3A_3112 : vector<16xi1>
      %sub3A_3114 = arith.constant 1.000000e+00 : f32
      %sub3A_3115 = vector.broadcast %sub3A_3114 : f32 to vector<16xf32>
      %sub3A_3116 = arith.subf %sub3A_3115, %sub3A_3077 : vector<16xf32>
      %select_n3A_3117 = arith.select %and3A_3113, %sub3A_3116, %broadcast_in_dim3A_3087 : vector<16xi1>, vector<16xf32>
      %ge3A_3118 = arith.constant 0 : i32
      %ge3A_3119 = vector.broadcast %ge3A_3118 : i32 to vector<16xi32>
      %ge3A_3120 = arith.cmpi sge, %add3A_3085, %ge3A_3119 : vector<16xi32>
      %le3A_3121 = arith.constant 383 : i32
      %le3A_3122 = vector.broadcast %le3A_3121 : i32 to vector<16xi32>
      %le3A_3123 = arith.cmpi sle, %add3A_3085, %le3A_3122 : vector<16xi32>
      %and3A_3124 = arith.andi %ge3A_3120, %le3A_3123 : vector<16xi1>
      %select_n3A_3125 = arith.select %and3A_3124, %sub3A_3077, %broadcast_in_dim3A_3087 : vector<16xi1>, vector<16xf32>
      %max3A_3126 = arith.constant 0 : i32
      %max3A_3127 = vector.broadcast %max3A_3126 : i32 to vector<16xi32>
      %max3A_3128 = arith.maxsi %convert_element_type3A_3078, %max3A_3127 : vector<16xi32>
      %min3A_3129 = arith.constant 383 : i32
      %min3A_3130 = vector.broadcast %min3A_3129 : i32 to vector<16xi32>
      %min3A_3131 = arith.minsi %max3A_3128, %min3A_3130 : vector<16xi32>
      %max3A_3132 = arith.constant 0 : i32
      %max3A_3133 = vector.broadcast %max3A_3132 : i32 to vector<16xi32>
      %max3A_3134 = arith.maxsi %add3A_3082, %max3A_3133 : vector<16xi32>
      %min3A_3135 = arith.constant 383 : i32
      %min3A_3136 = vector.broadcast %min3A_3135 : i32 to vector<16xi32>
      %min3A_3137 = arith.minsi %max3A_3134, %min3A_3136 : vector<16xi32>
      %max3A_3138 = arith.constant 0 : i32
      %max3A_3139 = vector.broadcast %max3A_3138 : i32 to vector<16xi32>
      %max3A_3140 = arith.maxsi %convert_element_type3A_3079, %max3A_3139 : vector<16xi32>
      %min3A_3141 = arith.constant 383 : i32
      %min3A_3142 = vector.broadcast %min3A_3141 : i32 to vector<16xi32>
      %min3A_3143 = arith.minsi %max3A_3140, %min3A_3142 : vector<16xi32>
      %max3A_3144 = arith.constant 0 : i32
      %max3A_3145 = vector.broadcast %max3A_3144 : i32 to vector<16xi32>
      %max3A_3146 = arith.maxsi %add3A_3085, %max3A_3145 : vector<16xi32>
      %min3A_3147 = arith.constant 383 : i32
      %min3A_3148 = vector.broadcast %min3A_3147 : i32 to vector<16xi32>
      %min3A_3149 = arith.minsi %max3A_3146, %min3A_3148 : vector<16xi32>
      %mul3A_3150 = arith.constant 384 : i32
      %mul3A_3151 = vector.broadcast %mul3A_3150 : i32 to vector<16xi32>
      %mul3A_3152 = arith.muli %min3A_3143, %mul3A_3151 : vector<16xi32>
      %add3A_3153 = vector.broadcast %mul3A_18 : i32 to vector<16xi32>
      %add3A_3154 = arith.addi %add3A_3153, %mul3A_3152 : vector<16xi32>
      %mul3A_3155 = arith.constant 384 : i32
      %mul3A_3156 = vector.broadcast %mul3A_3155 : i32 to vector<16xi32>
      %mul3A_3157 = arith.muli %min3A_3149, %mul3A_3156 : vector<16xi32>
      %add3A_3158 = vector.broadcast %mul3A_18 : i32 to vector<16xi32>
      %add3A_3159 = arith.addi %add3A_3158, %mul3A_3157 : vector<16xi32>
      %add3A_3160 = arith.addi %add3A_3154, %min3A_3131 : vector<16xi32>
      %swap3A_3161 = arith.constant 48 : index
      %swap3A_3162 = tpu.vector_load %arg8[%swap3A_3161] {strides = array<i32>} : memref<128xi32, #tpu.memory_space<vmem>>, vector<16xi32>,
      tpu.vector_store %arg8[%swap3A_3161], %add3A_3160 {strides = array<i32>} : memref<128xi32, #tpu.memory_space<vmem>>, vector<16xi32>,
      %add3A_3163 = arith.addi %add3A_3154, %min3A_3137 : vector<16xi32>
      %swap3A_3164 = arith.constant 48 : index
      %swap3A_3165 = tpu.vector_load %arg9[%swap3A_3164] {strides = array<i32>} : memref<128xi32, #tpu.memory_space<vmem>>, vector<16xi32>,
      tpu.vector_store %arg9[%swap3A_3164], %add3A_3163 {strides = array<i32>} : memref<128xi32, #tpu.memory_space<vmem>>, vector<16xi32>,
      %add3A_3166 = arith.addi %add3A_3159, %min3A_3131 : vector<16xi32>
      %swap3A_3167 = arith.constant 48 : index
      %swap3A_3168 = tpu.vector_load %arg10[%swap3A_3167] {strides = array<i32>} : memref<128xi32, #tpu.memory_space<vmem>>, vector<16xi32>,
      tpu.vector_store %arg10[%swap3A_3167], %add3A_3166 {strides = array<i32>} : memref<128xi32, #tpu.memory_space<vmem>>, vector<16xi32>,
      %add3A_3169 = arith.addi %add3A_3159, %min3A_3137 : vector<16xi32>
      %swap3A_3170 = arith.constant 48 : index
      %swap3A_3171 = tpu.vector_load %arg11[%swap3A_3170] {strides = array<i32>} : memref<128xi32, #tpu.memory_space<vmem>>, vector<16xi32>,
      tpu.vector_store %arg11[%swap3A_3170], %add3A_3169 {strides = array<i32>} : memref<128xi32, #tpu.memory_space<vmem>>, vector<16xi32>,
      %mul3A_3172 = arith.mulf %select_n3A_3117, %select_n3A_3098 : vector<16xf32>
      %swap3A_3173 = arith.constant 48 : index
      %swap3A_3174 = tpu.vector_load %arg16[%swap3A_3173] {strides = array<i32>} : memref<128xf32, #tpu.memory_space<vmem>>, vector<16xf32>,
      tpu.vector_store %arg16[%swap3A_3173], %mul3A_3172 {strides = array<i32>} : memref<128xf32, #tpu.memory_space<vmem>>, vector<16xf32>,
      %mul3A_3175 = arith.mulf %select_n3A_3117, %select_n3A_3106 : vector<16xf32>
      %swap3A_3176 = arith.constant 48 : index
      %swap3A_3177 = tpu.vector_load %arg17[%swap3A_3176] {strides = array<i32>} : memref<128xf32, #tpu.memory_space<vmem>>, vector<16xf32>,
      tpu.vector_store %arg17[%swap3A_3176], %mul3A_3175 {strides = array<i32>} : memref<128xf32, #tpu.memory_space<vmem>>, vector<16xf32>,
      %mul3A_3178 = arith.mulf %select_n3A_3125, %select_n3A_3098 : vector<16xf32>
      %swap3A_3179 = arith.constant 48 : index
      %swap3A_3180 = tpu.vector_load %arg18[%swap3A_3179] {strides = array<i32>} : memref<128xf32, #tpu.memory_space<vmem>>, vector<16xf32>,
      tpu.vector_store %arg18[%swap3A_3179], %mul3A_3178 {strides = array<i32>} : memref<128xf32, #tpu.memory_space<vmem>>, vector<16xf32>,
      %mul3A_3181 = arith.mulf %select_n3A_3125, %select_n3A_3106 : vector<16xf32>
      %swap3A_3182 = arith.constant 48 : index
      %swap3A_3183 = tpu.vector_load %arg19[%swap3A_3182] {strides = array<i32>} : memref<128xf32, #tpu.memory_space<vmem>>, vector<16xf32>,
      tpu.vector_store %arg19[%swap3A_3182], %mul3A_3181 {strides = array<i32>} : memref<128xf32, #tpu.memory_space<vmem>>, vector<16xf32>,
      %get3A_3184 = arith.constant 64 : index
      %get3A_3185 = tpu.vector_load %arg6[%get3A_3184] {strides = array<i32>} : memref<128xf32, #tpu.memory_space<vmem>>, vector<16xf32>,
      %get3A_3186 = arith.constant 64 : index
      %get3A_3187 = tpu.vector_load %arg7[%get3A_3186] {strides = array<i32>} : memref<128xf32, #tpu.memory_space<vmem>>, vector<16xf32>,
      %add3A_3188 = arith.constant 1.000000e+00 : f32
      %add3A_3189 = vector.broadcast %add3A_3188 : f32 to vector<16xf32>
      %add3A_3190 = arith.addf %get3A_3185, %add3A_3189 : vector<16xf32>
      %mul3A_3191 = arith.constant 3.840000e+02 : f32
      %mul3A_3192 = vector.broadcast %mul3A_3191 : f32 to vector<16xf32>
      %mul3A_3193 = arith.mulf %add3A_3190, %mul3A_3192 : vector<16xf32>
      %sub3A_3194 = arith.constant 1.000000e+00 : f32
      %sub3A_3195 = vector.broadcast %sub3A_3194 : f32 to vector<16xf32>
      %sub3A_3196 = arith.subf %mul3A_3193, %sub3A_3195 : vector<16xf32>
      %mul3A_3197 = arith.constant 5.000000e-01 : f32
      %mul3A_3198 = vector.broadcast %mul3A_3197 : f32 to vector<16xf32>
      %mul3A_3199 = arith.mulf %sub3A_3196, %mul3A_3198 : vector<16xf32>
      %add3A_3200 = arith.constant 1.000000e+00 : f32
      %add3A_3201 = vector.broadcast %add3A_3200 : f32 to vector<16xf32>
      %add3A_3202 = arith.addf %get3A_3187, %add3A_3201 : vector<16xf32>
      %mul3A_3203 = arith.constant 3.840000e+02 : f32
      %mul3A_3204 = vector.broadcast %mul3A_3203 : f32 to vector<16xf32>
      %mul3A_3205 = arith.mulf %add3A_3202, %mul3A_3204 : vector<16xf32>
      %sub3A_3206 = arith.constant 1.000000e+00 : f32
      %sub3A_3207 = vector.broadcast %sub3A_3206 : f32 to vector<16xf32>
      %sub3A_3208 = arith.subf %mul3A_3205, %sub3A_3207 : vector<16xf32>
      %mul3A_3209 = arith.constant 5.000000e-01 : f32
      %mul3A_3210 = vector.broadcast %mul3A_3209 : f32 to vector<16xf32>
      %mul3A_3211 = arith.mulf %sub3A_3208, %mul3A_3210 : vector<16xf32>
      %convert_element_type3A_3212 = arith.fptosi %mul3A_3199 : vector<16xf32> to vector<16xi32>
      %convert_element_type3A_3213 = arith.sitofp %convert_element_type3A_3212 : vector<16xi32> to vector<16xf32>
      %gt3A_3214 = arith.cmpf ogt, %convert_element_type3A_3213, %mul3A_3199 : vector<16xf32>
      %sub3A_3215 = arith.constant 1.000000e+00 : f32
      %sub3A_3216 = vector.broadcast %sub3A_3215 : f32 to vector<16xf32>
      %sub3A_3217 = arith.subf %convert_element_type3A_3213, %sub3A_3216 : vector<16xf32>
      %select_n3A_3218 = arith.select %gt3A_3214, %sub3A_3217, %convert_element_type3A_3213 : vector<16xi1>, vector<16xf32>
      %convert_element_type3A_3219 = arith.fptosi %mul3A_3211 : vector<16xf32> to vector<16xi32>
      %convert_element_type3A_3220 = arith.sitofp %convert_element_type3A_3219 : vector<16xi32> to vector<16xf32>
      %gt3A_3221 = arith.cmpf ogt, %convert_element_type3A_3220, %mul3A_3211 : vector<16xf32>
      %sub3A_3222 = arith.constant 1.000000e+00 : f32
      %sub3A_3223 = vector.broadcast %sub3A_3222 : f32 to vector<16xf32>
      %sub3A_3224 = arith.subf %convert_element_type3A_3220, %sub3A_3223 : vector<16xf32>
      %select_n3A_3225 = arith.select %gt3A_3221, %sub3A_3224, %convert_element_type3A_3220 : vector<16xi1>, vector<16xf32>
      %sub3A_3226 = arith.subf %mul3A_3199, %select_n3A_3218 : vector<16xf32>
      %sub3A_3227 = arith.subf %mul3A_3211, %select_n3A_3225 : vector<16xf32>
      %convert_element_type3A_3228 = arith.fptosi %select_n3A_3218 : vector<16xf32> to vector<16xi32>
      %convert_element_type3A_3229 = arith.fptosi %select_n3A_3225 : vector<16xf32> to vector<16xi32>
      %add3A_3230 = arith.constant 1 : i32
      %add3A_3231 = vector.broadcast %add3A_3230 : i32 to vector<16xi32>
      %add3A_3232 = arith.addi %convert_element_type3A_3228, %add3A_3231 : vector<16xi32>
      %add3A_3233 = arith.constant 1 : i32
      %add3A_3234 = vector.broadcast %add3A_3233 : i32 to vector<16xi32>
      %add3A_3235 = arith.addi %convert_element_type3A_3229, %add3A_3234 : vector<16xi32>
      %broadcast_in_dim3A_3236 = arith.constant 0.000000e+00 : f32
      %broadcast_in_dim3A_3237 = vector.broadcast %broadcast_in_dim3A_3236 : f32 to vector<16xf32>
      %ge3A_3238 = arith.constant 0 : i32
      %ge3A_3239 = vector.broadcast %ge3A_3238 : i32 to vector<16xi32>
      %ge3A_3240 = arith.cmpi sge, %convert_element_type3A_3228, %ge3A_3239 : vector<16xi32>
      %le3A_3241 = arith.constant 383 : i32
      %le3A_3242 = vector.broadcast %le3A_3241 : i32 to vector<16xi32>
      %le3A_3243 = arith.cmpi sle, %convert_element_type3A_3228, %le3A_3242 : vector<16xi32>
      %and3A_3244 = arith.andi %ge3A_3240, %le3A_3243 : vector<16xi1>
      %sub3A_3245 = arith.constant 1.000000e+00 : f32
      %sub3A_3246 = vector.broadcast %sub3A_3245 : f32 to vector<16xf32>
      %sub3A_3247 = arith.subf %sub3A_3246, %sub3A_3226 : vector<16xf32>
      %select_n3A_3248 = arith.select %and3A_3244, %sub3A_3247, %broadcast_in_dim3A_3237 : vector<16xi1>, vector<16xf32>
      %ge3A_3249 = arith.constant 0 : i32
      %ge3A_3250 = vector.broadcast %ge3A_3249 : i32 to vector<16xi32>
      %ge3A_3251 = arith.cmpi sge, %add3A_3232, %ge3A_3250 : vector<16xi32>
      %le3A_3252 = arith.constant 383 : i32
      %le3A_3253 = vector.broadcast %le3A_3252 : i32 to vector<16xi32>
      %le3A_3254 = arith.cmpi sle, %add3A_3232, %le3A_3253 : vector<16xi32>
      %and3A_3255 = arith.andi %ge3A_3251, %le3A_3254 : vector<16xi1>
      %select_n3A_3256 = arith.select %and3A_3255, %sub3A_3226, %broadcast_in_dim3A_3237 : vector<16xi1>, vector<16xf32>
      %ge3A_3257 = arith.constant 0 : i32
      %ge3A_3258 = vector.broadcast %ge3A_3257 : i32 to vector<16xi32>
      %ge3A_3259 = arith.cmpi sge, %convert_element_type3A_3229, %ge3A_3258 : vector<16xi32>
      %le3A_3260 = arith.constant 383 : i32
      %le3A_3261 = vector.broadcast %le3A_3260 : i32 to vector<16xi32>
      %le3A_3262 = arith.cmpi sle, %convert_element_type3A_3229, %le3A_3261 : vector<16xi32>
      %and3A_3263 = arith.andi %ge3A_3259, %le3A_3262 : vector<16xi1>
      %sub3A_3264 = arith.constant 1.000000e+00 : f32
      %sub3A_3265 = vector.broadcast %sub3A_3264 : f32 to vector<16xf32>
      %sub3A_3266 = arith.subf %sub3A_3265, %sub3A_3227 : vector<16xf32>
      %select_n3A_3267 = arith.select %and3A_3263, %sub3A_3266, %broadcast_in_dim3A_3237 : vector<16xi1>, vector<16xf32>
      %ge3A_3268 = arith.constant 0 : i32
      %ge3A_3269 = vector.broadcast %ge3A_3268 : i32 to vector<16xi32>
      %ge3A_3270 = arith.cmpi sge, %add3A_3235, %ge3A_3269 : vector<16xi32>
      %le3A_3271 = arith.constant 383 : i32
      %le3A_3272 = vector.broadcast %le3A_3271 : i32 to vector<16xi32>
      %le3A_3273 = arith.cmpi sle, %add3A_3235, %le3A_3272 : vector<16xi32>
      %and3A_3274 = arith.andi %ge3A_3270, %le3A_3273 : vector<16xi1>
      %select_n3A_3275 = arith.select %and3A_3274, %sub3A_3227, %broadcast_in_dim3A_3237 : vector<16xi1>, vector<16xf32>
      %max3A_3276 = arith.constant 0 : i32
      %max3A_3277 = vector.broadcast %max3A_3276 : i32 to vector<16xi32>
      %max3A_3278 = arith.maxsi %convert_element_type3A_3228, %max3A_3277 : vector<16xi32>
      %min3A_3279 = arith.constant 383 : i32
      %min3A_3280 = vector.broadcast %min3A_3279 : i32 to vector<16xi32>
      %min3A_3281 = arith.minsi %max3A_3278, %min3A_3280 : vector<16xi32>
      %max3A_3282 = arith.constant 0 : i32
      %max3A_3283 = vector.broadcast %max3A_3282 : i32 to vector<16xi32>
      %max3A_3284 = arith.maxsi %add3A_3232, %max3A_3283 : vector<16xi32>
      %min3A_3285 = arith.constant 383 : i32
      %min3A_3286 = vector.broadcast %min3A_3285 : i32 to vector<16xi32>
      %min3A_3287 = arith.minsi %max3A_3284, %min3A_3286 : vector<16xi32>
      %max3A_3288 = arith.constant 0 : i32
      %max3A_3289 = vector.broadcast %max3A_3288 : i32 to vector<16xi32>
      %max3A_3290 = arith.maxsi %convert_element_type3A_3229, %max3A_3289 : vector<16xi32>
      %min3A_3291 = arith.constant 383 : i32
      %min3A_3292 = vector.broadcast %min3A_3291 : i32 to vector<16xi32>
      %min3A_3293 = arith.minsi %max3A_3290, %min3A_3292 : vector<16xi32>
      %max3A_3294 = arith.constant 0 : i32
      %max3A_3295 = vector.broadcast %max3A_3294 : i32 to vector<16xi32>
      %max3A_3296 = arith.maxsi %add3A_3235, %max3A_3295 : vector<16xi32>
      %min3A_3297 = arith.constant 383 : i32
      %min3A_3298 = vector.broadcast %min3A_3297 : i32 to vector<16xi32>
      %min3A_3299 = arith.minsi %max3A_3296, %min3A_3298 : vector<16xi32>
      %mul3A_3300 = arith.constant 384 : i32
      %mul3A_3301 = vector.broadcast %mul3A_3300 : i32 to vector<16xi32>
      %mul3A_3302 = arith.muli %min3A_3293, %mul3A_3301 : vector<16xi32>
      %add3A_3303 = vector.broadcast %mul3A_18 : i32 to vector<16xi32>
      %add3A_3304 = arith.addi %add3A_3303, %mul3A_3302 : vector<16xi32>
      %mul3A_3305 = arith.constant 384 : i32
      %mul3A_3306 = vector.broadcast %mul3A_3305 : i32 to vector<16xi32>
      %mul3A_3307 = arith.muli %min3A_3299, %mul3A_3306 : vector<16xi32>
      %add3A_3308 = vector.broadcast %mul3A_18 : i32 to vector<16xi32>
      %add3A_3309 = arith.addi %add3A_3308, %mul3A_3307 : vector<16xi32>
      %add3A_3310 = arith.addi %add3A_3304, %min3A_3281 : vector<16xi32>
      %swap3A_3311 = arith.constant 64 : index
      %swap3A_3312 = tpu.vector_load %arg8[%swap3A_3311] {strides = array<i32>} : memref<128xi32, #tpu.memory_space<vmem>>, vector<16xi32>,
      tpu.vector_store %arg8[%swap3A_3311], %add3A_3310 {strides = array<i32>} : memref<128xi32, #tpu.memory_space<vmem>>, vector<16xi32>,
      %add3A_3313 = arith.addi %add3A_3304, %min3A_3287 : vector<16xi32>
      %swap3A_3314 = arith.constant 64 : index
      %swap3A_3315 = tpu.vector_load %arg9[%swap3A_3314] {strides = array<i32>} : memref<128xi32, #tpu.memory_space<vmem>>, vector<16xi32>,
      tpu.vector_store %arg9[%swap3A_3314], %add3A_3313 {strides = array<i32>} : memref<128xi32, #tpu.memory_space<vmem>>, vector<16xi32>,
      %add3A_3316 = arith.addi %add3A_3309, %min3A_3281 : vector<16xi32>
      %swap3A_3317 = arith.constant 64 : index
      %swap3A_3318 = tpu.vector_load %arg10[%swap3A_3317] {strides = array<i32>} : memref<128xi32, #tpu.memory_space<vmem>>, vector<16xi32>,
      tpu.vector_store %arg10[%swap3A_3317], %add3A_3316 {strides = array<i32>} : memref<128xi32, #tpu.memory_space<vmem>>, vector<16xi32>,
      %add3A_3319 = arith.addi %add3A_3309, %min3A_3287 : vector<16xi32>
      %swap3A_3320 = arith.constant 64 : index
      %swap3A_3321 = tpu.vector_load %arg11[%swap3A_3320] {strides = array<i32>} : memref<128xi32, #tpu.memory_space<vmem>>, vector<16xi32>,
      tpu.vector_store %arg11[%swap3A_3320], %add3A_3319 {strides = array<i32>} : memref<128xi32, #tpu.memory_space<vmem>>, vector<16xi32>,
      %mul3A_3322 = arith.mulf %select_n3A_3267, %select_n3A_3248 : vector<16xf32>
      %swap3A_3323 = arith.constant 64 : index
      %swap3A_3324 = tpu.vector_load %arg16[%swap3A_3323] {strides = array<i32>} : memref<128xf32, #tpu.memory_space<vmem>>, vector<16xf32>,
      tpu.vector_store %arg16[%swap3A_3323], %mul3A_3322 {strides = array<i32>} : memref<128xf32, #tpu.memory_space<vmem>>, vector<16xf32>,
      %mul3A_3325 = arith.mulf %select_n3A_3267, %select_n3A_3256 : vector<16xf32>
      %swap3A_3326 = arith.constant 64 : index
      %swap3A_3327 = tpu.vector_load %arg17[%swap3A_3326] {strides = array<i32>} : memref<128xf32, #tpu.memory_space<vmem>>, vector<16xf32>,
      tpu.vector_store %arg17[%swap3A_3326], %mul3A_3325 {strides = array<i32>} : memref<128xf32, #tpu.memory_space<vmem>>, vector<16xf32>,
      %mul3A_3328 = arith.mulf %select_n3A_3275, %select_n3A_3248 : vector<16xf32>
      %swap3A_3329 = arith.constant 64 : index
      %swap3A_3330 = tpu.vector_load %arg18[%swap3A_3329] {strides = array<i32>} : memref<128xf32, #tpu.memory_space<vmem>>, vector<16xf32>,
      tpu.vector_store %arg18[%swap3A_3329], %mul3A_3328 {strides = array<i32>} : memref<128xf32, #tpu.memory_space<vmem>>, vector<16xf32>,
      %mul3A_3331 = arith.mulf %select_n3A_3275, %select_n3A_3256 : vector<16xf32>
      %swap3A_3332 = arith.constant 64 : index
      %swap3A_3333 = tpu.vector_load %arg19[%swap3A_3332] {strides = array<i32>} : memref<128xf32, #tpu.memory_space<vmem>>, vector<16xf32>,
      tpu.vector_store %arg19[%swap3A_3332], %mul3A_3331 {strides = array<i32>} : memref<128xf32, #tpu.memory_space<vmem>>, vector<16xf32>,
      %get3A_3334 = arith.constant 80 : index
      %get3A_3335 = tpu.vector_load %arg6[%get3A_3334] {strides = array<i32>} : memref<128xf32, #tpu.memory_space<vmem>>, vector<16xf32>,
      %get3A_3336 = arith.constant 80 : index
      %get3A_3337 = tpu.vector_load %arg7[%get3A_3336] {strides = array<i32>} : memref<128xf32, #tpu.memory_space<vmem>>, vector<16xf32>,
      %add3A_3338 = arith.constant 1.000000e+00 : f32
      %add3A_3339 = vector.broadcast %add3A_3338 : f32 to vector<16xf32>
      %add3A_3340 = arith.addf %get3A_3335, %add3A_3339 : vector<16xf32>
      %mul3A_3341 = arith.constant 3.840000e+02 : f32
      %mul3A_3342 = vector.broadcast %mul3A_3341 : f32 to vector<16xf32>
      %mul3A_3343 = arith.mulf %add3A_3340, %mul3A_3342 : vector<16xf32>
      %sub3A_3344 = arith.constant 1.000000e+00 : f32
      %sub3A_3345 = vector.broadcast %sub3A_3344 : f32 to vector<16xf32>
      %sub3A_3346 = arith.subf %mul3A_3343, %sub3A_3345 : vector<16xf32>
      %mul3A_3347 = arith.constant 5.000000e-01 : f32
      %mul3A_3348 = vector.broadcast %mul3A_3347 : f32 to vector<16xf32>
      %mul3A_3349 = arith.mulf %sub3A_3346, %mul3A_3348 : vector<16xf32>
      %add3A_3350 = arith.constant 1.000000e+00 : f32
      %add3A_3351 = vector.broadcast %add3A_3350 : f32 to vector<16xf32>
      %add3A_3352 = arith.addf %get3A_3337, %add3A_3351 : vector<16xf32>
      %mul3A_3353 = arith.constant 3.840000e+02 : f32
      %mul3A_3354 = vector.broadcast %mul3A_3353 : f32 to vector<16xf32>
      %mul3A_3355 = arith.mulf %add3A_3352, %mul3A_3354 : vector<16xf32>
      %sub3A_3356 = arith.constant 1.000000e+00 : f32
      %sub3A_3357 = vector.broadcast %sub3A_3356 : f32 to vector<16xf32>
      %sub3A_3358 = arith.subf %mul3A_3355, %sub3A_3357 : vector<16xf32>
      %mul3A_3359 = arith.constant 5.000000e-01 : f32
      %mul3A_3360 = vector.broadcast %mul3A_3359 : f32 to vector<16xf32>
      %mul3A_3361 = arith.mulf %sub3A_3358, %mul3A_3360 : vector<16xf32>
      %convert_element_type3A_3362 = arith.fptosi %mul3A_3349 : vector<16xf32> to vector<16xi32>
      %convert_element_type3A_3363 = arith.sitofp %convert_element_type3A_3362 : vector<16xi32> to vector<16xf32>
      %gt3A_3364 = arith.cmpf ogt, %convert_element_type3A_3363, %mul3A_3349 : vector<16xf32>
      %sub3A_3365 = arith.constant 1.000000e+00 : f32
      %sub3A_3366 = vector.broadcast %sub3A_3365 : f32 to vector<16xf32>
      %sub3A_3367 = arith.subf %convert_element_type3A_3363, %sub3A_3366 : vector<16xf32>
      %select_n3A_3368 = arith.select %gt3A_3364, %sub3A_3367, %convert_element_type3A_3363 : vector<16xi1>, vector<16xf32>
      %convert_element_type3A_3369 = arith.fptosi %mul3A_3361 : vector<16xf32> to vector<16xi32>
      %convert_element_type3A_3370 = arith.sitofp %convert_element_type3A_3369 : vector<16xi32> to vector<16xf32>
      %gt3A_3371 = arith.cmpf ogt, %convert_element_type3A_3370, %mul3A_3361 : vector<16xf32>
      %sub3A_3372 = arith.constant 1.000000e+00 : f32
      %sub3A_3373 = vector.broadcast %sub3A_3372 : f32 to vector<16xf32>
      %sub3A_3374 = arith.subf %convert_element_type3A_3370, %sub3A_3373 : vector<16xf32>
      %select_n3A_3375 = arith.select %gt3A_3371, %sub3A_3374, %convert_element_type3A_3370 : vector<16xi1>, vector<16xf32>
      %sub3A_3376 = arith.subf %mul3A_3349, %select_n3A_3368 : vector<16xf32>
      %sub3A_3377 = arith.subf %mul3A_3361, %select_n3A_3375 : vector<16xf32>
      %convert_element_type3A_3378 = arith.fptosi %select_n3A_3368 : vector<16xf32> to vector<16xi32>
      %convert_element_type3A_3379 = arith.fptosi %select_n3A_3375 : vector<16xf32> to vector<16xi32>
      %add3A_3380 = arith.constant 1 : i32
      %add3A_3381 = vector.broadcast %add3A_3380 : i32 to vector<16xi32>
      %add3A_3382 = arith.addi %convert_element_type3A_3378, %add3A_3381 : vector<16xi32>
      %add3A_3383 = arith.constant 1 : i32
      %add3A_3384 = vector.broadcast %add3A_3383 : i32 to vector<16xi32>
      %add3A_3385 = arith.addi %convert_element_type3A_3379, %add3A_3384 : vector<16xi32>
      %broadcast_in_dim3A_3386 = arith.constant 0.000000e+00 : f32
      %broadcast_in_dim3A_3387 = vector.broadcast %broadcast_in_dim3A_3386 : f32 to vector<16xf32>
      %ge3A_3388 = arith.constant 0 : i32
      %ge3A_3389 = vector.broadcast %ge3A_3388 : i32 to vector<16xi32>
      %ge3A_3390 = arith.cmpi sge, %convert_element_type3A_3378, %ge3A_3389 : vector<16xi32>
      %le3A_3391 = arith.constant 383 : i32
      %le3A_3392 = vector.broadcast %le3A_3391 : i32 to vector<16xi32>
      %le3A_3393 = arith.cmpi sle, %convert_element_type3A_3378, %le3A_3392 : vector<16xi32>
      %and3A_3394 = arith.andi %ge3A_3390, %le3A_3393 : vector<16xi1>
      %sub3A_3395 = arith.constant 1.000000e+00 : f32
      %sub3A_3396 = vector.broadcast %sub3A_3395 : f32 to vector<16xf32>
      %sub3A_3397 = arith.subf %sub3A_3396, %sub3A_3376 : vector<16xf32>
      %select_n3A_3398 = arith.select %and3A_3394, %sub3A_3397, %broadcast_in_dim3A_3387 : vector<16xi1>, vector<16xf32>
      %ge3A_3399 = arith.constant 0 : i32
      %ge3A_3400 = vector.broadcast %ge3A_3399 : i32 to vector<16xi32>
      %ge3A_3401 = arith.cmpi sge, %add3A_3382, %ge3A_3400 : vector<16xi32>
      %le3A_3402 = arith.constant 383 : i32
      %le3A_3403 = vector.broadcast %le3A_3402 : i32 to vector<16xi32>
      %le3A_3404 = arith.cmpi sle, %add3A_3382, %le3A_3403 : vector<16xi32>
      %and3A_3405 = arith.andi %ge3A_3401, %le3A_3404 : vector<16xi1>
      %select_n3A_3406 = arith.select %and3A_3405, %sub3A_3376, %broadcast_in_dim3A_3387 : vector<16xi1>, vector<16xf32>
      %ge3A_3407 = arith.constant 0 : i32
      %ge3A_3408 = vector.broadcast %ge3A_3407 : i32 to vector<16xi32>
      %ge3A_3409 = arith.cmpi sge, %convert_element_type3A_3379, %ge3A_3408 : vector<16xi32>
      %le3A_3410 = arith.constant 383 : i32
      %le3A_3411 = vector.broadcast %le3A_3410 : i32 to vector<16xi32>
      %le3A_3412 = arith.cmpi sle, %convert_element_type3A_3379, %le3A_3411 : vector<16xi32>
      %and3A_3413 = arith.andi %ge3A_3409, %le3A_3412 : vector<16xi1>
      %sub3A_3414 = arith.constant 1.000000e+00 : f32
      %sub3A_3415 = vector.broadcast %sub3A_3414 : f32 to vector<16xf32>
      %sub3A_3416 = arith.subf %sub3A_3415, %sub3A_3377 : vector<16xf32>
      %select_n3A_3417 = arith.select %and3A_3413, %sub3A_3416, %broadcast_in_dim3A_3387 : vector<16xi1>, vector<16xf32>
      %ge3A_3418 = arith.constant 0 : i32
      %ge3A_3419 = vector.broadcast %ge3A_3418 : i32 to vector<16xi32>
      %ge3A_3420 = arith.cmpi sge, %add3A_3385, %ge3A_3419 : vector<16xi32>
      %le3A_3421 = arith.constant 383 : i32
      %le3A_3422 = vector.broadcast %le3A_3421 : i32 to vector<16xi32>
      %le3A_3423 = arith.cmpi sle, %add3A_3385, %le3A_3422 : vector<16xi32>
      %and3A_3424 = arith.andi %ge3A_3420, %le3A_3423 : vector<16xi1>
      %select_n3A_3425 = arith.select %and3A_3424, %sub3A_3377, %broadcast_in_dim3A_3387 : vector<16xi1>, vector<16xf32>
      %max3A_3426 = arith.constant 0 : i32
      %max3A_3427 = vector.broadcast %max3A_3426 : i32 to vector<16xi32>
      %max3A_3428 = arith.maxsi %convert_element_type3A_3378, %max3A_3427 : vector<16xi32>
      %min3A_3429 = arith.constant 383 : i32
      %min3A_3430 = vector.broadcast %min3A_3429 : i32 to vector<16xi32>
      %min3A_3431 = arith.minsi %max3A_3428, %min3A_3430 : vector<16xi32>
      %max3A_3432 = arith.constant 0 : i32
      %max3A_3433 = vector.broadcast %max3A_3432 : i32 to vector<16xi32>
      %max3A_3434 = arith.maxsi %add3A_3382, %max3A_3433 : vector<16xi32>
      %min3A_3435 = arith.constant 383 : i32
      %min3A_3436 = vector.broadcast %min3A_3435 : i32 to vector<16xi32>
      %min3A_3437 = arith.minsi %max3A_3434, %min3A_3436 : vector<16xi32>
      %max3A_3438 = arith.constant 0 : i32
      %max3A_3439 = vector.broadcast %max3A_3438 : i32 to vector<16xi32>
      %max3A_3440 = arith.maxsi %convert_element_type3A_3379, %max3A_3439 : vector<16xi32>
      %min3A_3441 = arith.constant 383 : i32
      %min3A_3442 = vector.broadcast %min3A_3441 : i32 to vector<16xi32>
      %min3A_3443 = arith.minsi %max3A_3440, %min3A_3442 : vector<16xi32>
      %max3A_3444 = arith.constant 0 : i32
      %max3A_3445 = vector.broadcast %max3A_3444 : i32 to vector<16xi32>
      %max3A_3446 = arith.maxsi %add3A_3385, %max3A_3445 : vector<16xi32>
      %min3A_3447 = arith.constant 383 : i32
      %min3A_3448 = vector.broadcast %min3A_3447 : i32 to vector<16xi32>
      %min3A_3449 = arith.minsi %max3A_3446, %min3A_3448 : vector<16xi32>
      %mul3A_3450 = arith.constant 384 : i32
      %mul3A_3451 = vector.broadcast %mul3A_3450 : i32 to vector<16xi32>
      %mul3A_3452 = arith.muli %min3A_3443, %mul3A_3451 : vector<16xi32>
      %add3A_3453 = vector.broadcast %mul3A_18 : i32 to vector<16xi32>
      %add3A_3454 = arith.addi %add3A_3453, %mul3A_3452 : vector<16xi32>
      %mul3A_3455 = arith.constant 384 : i32
      %mul3A_3456 = vector.broadcast %mul3A_3455 : i32 to vector<16xi32>
      %mul3A_3457 = arith.muli %min3A_3449, %mul3A_3456 : vector<16xi32>
      %add3A_3458 = vector.broadcast %mul3A_18 : i32 to vector<16xi32>
      %add3A_3459 = arith.addi %add3A_3458, %mul3A_3457 : vector<16xi32>
      %add3A_3460 = arith.addi %add3A_3454, %min3A_3431 : vector<16xi32>
      %swap3A_3461 = arith.constant 80 : index
      %swap3A_3462 = tpu.vector_load %arg8[%swap3A_3461] {strides = array<i32>} : memref<128xi32, #tpu.memory_space<vmem>>, vector<16xi32>,
      tpu.vector_store %arg8[%swap3A_3461], %add3A_3460 {strides = array<i32>} : memref<128xi32, #tpu.memory_space<vmem>>, vector<16xi32>,
      %add3A_3463 = arith.addi %add3A_3454, %min3A_3437 : vector<16xi32>
      %swap3A_3464 = arith.constant 80 : index
      %swap3A_3465 = tpu.vector_load %arg9[%swap3A_3464] {strides = array<i32>} : memref<128xi32, #tpu.memory_space<vmem>>, vector<16xi32>,
      tpu.vector_store %arg9[%swap3A_3464], %add3A_3463 {strides = array<i32>} : memref<128xi32, #tpu.memory_space<vmem>>, vector<16xi32>,
      %add3A_3466 = arith.addi %add3A_3459, %min3A_3431 : vector<16xi32>
      %swap3A_3467 = arith.constant 80 : index
      %swap3A_3468 = tpu.vector_load %arg10[%swap3A_3467] {strides = array<i32>} : memref<128xi32, #tpu.memory_space<vmem>>, vector<16xi32>,
      tpu.vector_store %arg10[%swap3A_3467], %add3A_3466 {strides = array<i32>} : memref<128xi32, #tpu.memory_space<vmem>>, vector<16xi32>,
      %add3A_3469 = arith.addi %add3A_3459, %min3A_3437 : vector<16xi32>
      %swap3A_3470 = arith.constant 80 : index
      %swap3A_3471 = tpu.vector_load %arg11[%swap3A_3470] {strides = array<i32>} : memref<128xi32, #tpu.memory_space<vmem>>, vector<16xi32>,
      tpu.vector_store %arg11[%swap3A_3470], %add3A_3469 {strides = array<i32>} : memref<128xi32, #tpu.memory_space<vmem>>, vector<16xi32>,
      %mul3A_3472 = arith.mulf %select_n3A_3417, %select_n3A_3398 : vector<16xf32>
      %swap3A_3473 = arith.constant 80 : index
      %swap3A_3474 = tpu.vector_load %arg16[%swap3A_3473] {strides = array<i32>} : memref<128xf32, #tpu.memory_space<vmem>>, vector<16xf32>,
      tpu.vector_store %arg16[%swap3A_3473], %mul3A_3472 {strides = array<i32>} : memref<128xf32, #tpu.memory_space<vmem>>, vector<16xf32>,
      %mul3A_3475 = arith.mulf %select_n3A_3417, %select_n3A_3406 : vector<16xf32>
      %swap3A_3476 = arith.constant 80 : index
      %swap3A_3477 = tpu.vector_load %arg17[%swap3A_3476] {strides = array<i32>} : memref<128xf32, #tpu.memory_space<vmem>>, vector<16xf32>,
      tpu.vector_store %arg17[%swap3A_3476], %mul3A_3475 {strides = array<i32>} : memref<128xf32, #tpu.memory_space<vmem>>, vector<16xf32>,
      %mul3A_3478 = arith.mulf %select_n3A_3425, %select_n3A_3398 : vector<16xf32>
      %swap3A_3479 = arith.constant 80 : index
      %swap3A_3480 = tpu.vector_load %arg18[%swap3A_3479] {strides = array<i32>} : memref<128xf32, #tpu.memory_space<vmem>>, vector<16xf32>,
      tpu.vector_store %arg18[%swap3A_3479], %mul3A_3478 {strides = array<i32>} : memref<128xf32, #tpu.memory_space<vmem>>, vector<16xf32>,
      %mul3A_3481 = arith.mulf %select_n3A_3425, %select_n3A_3406 : vector<16xf32>
      %swap3A_3482 = arith.constant 80 : index
      %swap3A_3483 = tpu.vector_load %arg19[%swap3A_3482] {strides = array<i32>} : memref<128xf32, #tpu.memory_space<vmem>>, vector<16xf32>,
      tpu.vector_store %arg19[%swap3A_3482], %mul3A_3481 {strides = array<i32>} : memref<128xf32, #tpu.memory_space<vmem>>, vector<16xf32>,
      %get3A_3484 = arith.constant 96 : index
      %get3A_3485 = tpu.vector_load %arg6[%get3A_3484] {strides = array<i32>} : memref<128xf32, #tpu.memory_space<vmem>>, vector<16xf32>,
      %get3A_3486 = arith.constant 96 : index
      %get3A_3487 = tpu.vector_load %arg7[%get3A_3486] {strides = array<i32>} : memref<128xf32, #tpu.memory_space<vmem>>, vector<16xf32>,
      %add3A_3488 = arith.constant 1.000000e+00 : f32
      %add3A_3489 = vector.broadcast %add3A_3488 : f32 to vector<16xf32>
      %add3A_3490 = arith.addf %get3A_3485, %add3A_3489 : vector<16xf32>
      %mul3A_3491 = arith.constant 3.840000e+02 : f32
      %mul3A_3492 = vector.broadcast %mul3A_3491 : f32 to vector<16xf32>
      %mul3A_3493 = arith.mulf %add3A_3490, %mul3A_3492 : vector<16xf32>
      %sub3A_3494 = arith.constant 1.000000e+00 : f32
      %sub3A_3495 = vector.broadcast %sub3A_3494 : f32 to vector<16xf32>
      %sub3A_3496 = arith.subf %mul3A_3493, %sub3A_3495 : vector<16xf32>
      %mul3A_3497 = arith.constant 5.000000e-01 : f32
      %mul3A_3498 = vector.broadcast %mul3A_3497 : f32 to vector<16xf32>
      %mul3A_3499 = arith.mulf %sub3A_3496, %mul3A_3498 : vector<16xf32>
      %add3A_3500 = arith.constant 1.000000e+00 : f32
      %add3A_3501 = vector.broadcast %add3A_3500 : f32 to vector<16xf32>
      %add3A_3502 = arith.addf %get3A_3487, %add3A_3501 : vector<16xf32>
      %mul3A_3503 = arith.constant 3.840000e+02 : f32
      %mul3A_3504 = vector.broadcast %mul3A_3503 : f32 to vector<16xf32>
      %mul3A_3505 = arith.mulf %add3A_3502, %mul3A_3504 : vector<16xf32>
      %sub3A_3506 = arith.constant 1.000000e+00 : f32
      %sub3A_3507 = vector.broadcast %sub3A_3506 : f32 to vector<16xf32>
      %sub3A_3508 = arith.subf %mul3A_3505, %sub3A_3507 : vector<16xf32>
      %mul3A_3509 = arith.constant 5.000000e-01 : f32
      %mul3A_3510 = vector.broadcast %mul3A_3509 : f32 to vector<16xf32>
      %mul3A_3511 = arith.mulf %sub3A_3508, %mul3A_3510 : vector<16xf32>
      %convert_element_type3A_3512 = arith.fptosi %mul3A_3499 : vector<16xf32> to vector<16xi32>
      %convert_element_type3A_3513 = arith.sitofp %convert_element_type3A_3512 : vector<16xi32> to vector<16xf32>
      %gt3A_3514 = arith.cmpf ogt, %convert_element_type3A_3513, %mul3A_3499 : vector<16xf32>
      %sub3A_3515 = arith.constant 1.000000e+00 : f32
      %sub3A_3516 = vector.broadcast %sub3A_3515 : f32 to vector<16xf32>
      %sub3A_3517 = arith.subf %convert_element_type3A_3513, %sub3A_3516 : vector<16xf32>
      %select_n3A_3518 = arith.select %gt3A_3514, %sub3A_3517, %convert_element_type3A_3513 : vector<16xi1>, vector<16xf32>
      %convert_element_type3A_3519 = arith.fptosi %mul3A_3511 : vector<16xf32> to vector<16xi32>
      %convert_element_type3A_3520 = arith.sitofp %convert_element_type3A_3519 : vector<16xi32> to vector<16xf32>
      %gt3A_3521 = arith.cmpf ogt, %convert_element_type3A_3520, %mul3A_3511 : vector<16xf32>
      %sub3A_3522 = arith.constant 1.000000e+00 : f32
      %sub3A_3523 = vector.broadcast %sub3A_3522 : f32 to vector<16xf32>
      %sub3A_3524 = arith.subf %convert_element_type3A_3520, %sub3A_3523 : vector<16xf32>
      %select_n3A_3525 = arith.select %gt3A_3521, %sub3A_3524, %convert_element_type3A_3520 : vector<16xi1>, vector<16xf32>
      %sub3A_3526 = arith.subf %mul3A_3499, %select_n3A_3518 : vector<16xf32>
      %sub3A_3527 = arith.subf %mul3A_3511, %select_n3A_3525 : vector<16xf32>
      %convert_element_type3A_3528 = arith.fptosi %select_n3A_3518 : vector<16xf32> to vector<16xi32>
      %convert_element_type3A_3529 = arith.fptosi %select_n3A_3525 : vector<16xf32> to vector<16xi32>
      %add3A_3530 = arith.constant 1 : i32
      %add3A_3531 = vector.broadcast %add3A_3530 : i32 to vector<16xi32>
      %add3A_3532 = arith.addi %convert_element_type3A_3528, %add3A_3531 : vector<16xi32>
      %add3A_3533 = arith.constant 1 : i32
      %add3A_3534 = vector.broadcast %add3A_3533 : i32 to vector<16xi32>
      %add3A_3535 = arith.addi %convert_element_type3A_3529, %add3A_3534 : vector<16xi32>
      %broadcast_in_dim3A_3536 = arith.constant 0.000000e+00 : f32
      %broadcast_in_dim3A_3537 = vector.broadcast %broadcast_in_dim3A_3536 : f32 to vector<16xf32>
      %ge3A_3538 = arith.constant 0 : i32
      %ge3A_3539 = vector.broadcast %ge3A_3538 : i32 to vector<16xi32>
      %ge3A_3540 = arith.cmpi sge, %convert_element_type3A_3528, %ge3A_3539 : vector<16xi32>
      %le3A_3541 = arith.constant 383 : i32
      %le3A_3542 = vector.broadcast %le3A_3541 : i32 to vector<16xi32>
      %le3A_3543 = arith.cmpi sle, %convert_element_type3A_3528, %le3A_3542 : vector<16xi32>
      %and3A_3544 = arith.andi %ge3A_3540, %le3A_3543 : vector<16xi1>
      %sub3A_3545 = arith.constant 1.000000e+00 : f32
      %sub3A_3546 = vector.broadcast %sub3A_3545 : f32 to vector<16xf32>
      %sub3A_3547 = arith.subf %sub3A_3546, %sub3A_3526 : vector<16xf32>
      %select_n3A_3548 = arith.select %and3A_3544, %sub3A_3547, %broadcast_in_dim3A_3537 : vector<16xi1>, vector<16xf32>
      %ge3A_3549 = arith.constant 0 : i32
      %ge3A_3550 = vector.broadcast %ge3A_3549 : i32 to vector<16xi32>
      %ge3A_3551 = arith.cmpi sge, %add3A_3532, %ge3A_3550 : vector<16xi32>
      %le3A_3552 = arith.constant 383 : i32
      %le3A_3553 = vector.broadcast %le3A_3552 : i32 to vector<16xi32>
      %le3A_3554 = arith.cmpi sle, %add3A_3532, %le3A_3553 : vector<16xi32>
      %and3A_3555 = arith.andi %ge3A_3551, %le3A_3554 : vector<16xi1>
      %select_n3A_3556 = arith.select %and3A_3555, %sub3A_3526, %broadcast_in_dim3A_3537 : vector<16xi1>, vector<16xf32>
      %ge3A_3557 = arith.constant 0 : i32
      %ge3A_3558 = vector.broadcast %ge3A_3557 : i32 to vector<16xi32>
      %ge3A_3559 = arith.cmpi sge, %convert_element_type3A_3529, %ge3A_3558 : vector<16xi32>
      %le3A_3560 = arith.constant 383 : i32
      %le3A_3561 = vector.broadcast %le3A_3560 : i32 to vector<16xi32>
      %le3A_3562 = arith.cmpi sle, %convert_element_type3A_3529, %le3A_3561 : vector<16xi32>
      %and3A_3563 = arith.andi %ge3A_3559, %le3A_3562 : vector<16xi1>
      %sub3A_3564 = arith.constant 1.000000e+00 : f32
      %sub3A_3565 = vector.broadcast %sub3A_3564 : f32 to vector<16xf32>
      %sub3A_3566 = arith.subf %sub3A_3565, %sub3A_3527 : vector<16xf32>
      %select_n3A_3567 = arith.select %and3A_3563, %sub3A_3566, %broadcast_in_dim3A_3537 : vector<16xi1>, vector<16xf32>
      %ge3A_3568 = arith.constant 0 : i32
      %ge3A_3569 = vector.broadcast %ge3A_3568 : i32 to vector<16xi32>
      %ge3A_3570 = arith.cmpi sge, %add3A_3535, %ge3A_3569 : vector<16xi32>
      %le3A_3571 = arith.constant 383 : i32
      %le3A_3572 = vector.broadcast %le3A_3571 : i32 to vector<16xi32>
      %le3A_3573 = arith.cmpi sle, %add3A_3535, %le3A_3572 : vector<16xi32>
      %and3A_3574 = arith.andi %ge3A_3570, %le3A_3573 : vector<16xi1>
      %select_n3A_3575 = arith.select %and3A_3574, %sub3A_3527, %broadcast_in_dim3A_3537 : vector<16xi1>, vector<16xf32>
      %max3A_3576 = arith.constant 0 : i32
      %max3A_3577 = vector.broadcast %max3A_3576 : i32 to vector<16xi32>
      %max3A_3578 = arith.maxsi %convert_element_type3A_3528, %max3A_3577 : vector<16xi32>
      %min3A_3579 = arith.constant 383 : i32
      %min3A_3580 = vector.broadcast %min3A_3579 : i32 to vector<16xi32>
      %min3A_3581 = arith.minsi %max3A_3578, %min3A_3580 : vector<16xi32>
      %max3A_3582 = arith.constant 0 : i32
      %max3A_3583 = vector.broadcast %max3A_3582 : i32 to vector<16xi32>
      %max3A_3584 = arith.maxsi %add3A_3532, %max3A_3583 : vector<16xi32>
      %min3A_3585 = arith.constant 383 : i32
      %min3A_3586 = vector.broadcast %min3A_3585 : i32 to vector<16xi32>
      %min3A_3587 = arith.minsi %max3A_3584, %min3A_3586 : vector<16xi32>
      %max3A_3588 = arith.constant 0 : i32
      %max3A_3589 = vector.broadcast %max3A_3588 : i32 to vector<16xi32>
      %max3A_3590 = arith.maxsi %convert_element_type3A_3529, %max3A_3589 : vector<16xi32>
      %min3A_3591 = arith.constant 383 : i32
      %min3A_3592 = vector.broadcast %min3A_3591 : i32 to vector<16xi32>
      %min3A_3593 = arith.minsi %max3A_3590, %min3A_3592 : vector<16xi32>
      %max3A_3594 = arith.constant 0 : i32
      %max3A_3595 = vector.broadcast %max3A_3594 : i32 to vector<16xi32>
      %max3A_3596 = arith.maxsi %add3A_3535, %max3A_3595 : vector<16xi32>
      %min3A_3597 = arith.constant 383 : i32
      %min3A_3598 = vector.broadcast %min3A_3597 : i32 to vector<16xi32>
      %min3A_3599 = arith.minsi %max3A_3596, %min3A_3598 : vector<16xi32>
      %mul3A_3600 = arith.constant 384 : i32
      %mul3A_3601 = vector.broadcast %mul3A_3600 : i32 to vector<16xi32>
      %mul3A_3602 = arith.muli %min3A_3593, %mul3A_3601 : vector<16xi32>
      %add3A_3603 = vector.broadcast %mul3A_18 : i32 to vector<16xi32>
      %add3A_3604 = arith.addi %add3A_3603, %mul3A_3602 : vector<16xi32>
      %mul3A_3605 = arith.constant 384 : i32
      %mul3A_3606 = vector.broadcast %mul3A_3605 : i32 to vector<16xi32>
      %mul3A_3607 = arith.muli %min3A_3599, %mul3A_3606 : vector<16xi32>
      %add3A_3608 = vector.broadcast %mul3A_18 : i32 to vector<16xi32>
      %add3A_3609 = arith.addi %add3A_3608, %mul3A_3607 : vector<16xi32>
      %add3A_3610 = arith.addi %add3A_3604, %min3A_3581 : vector<16xi32>
      %swap3A_3611 = arith.constant 96 : index
      %swap3A_3612 = tpu.vector_load %arg8[%swap3A_3611] {strides = array<i32>} : memref<128xi32, #tpu.memory_space<vmem>>, vector<16xi32>,
      tpu.vector_store %arg8[%swap3A_3611], %add3A_3610 {strides = array<i32>} : memref<128xi32, #tpu.memory_space<vmem>>, vector<16xi32>,
      %add3A_3613 = arith.addi %add3A_3604, %min3A_3587 : vector<16xi32>
      %swap3A_3614 = arith.constant 96 : index
      %swap3A_3615 = tpu.vector_load %arg9[%swap3A_3614] {strides = array<i32>} : memref<128xi32, #tpu.memory_space<vmem>>, vector<16xi32>,
      tpu.vector_store %arg9[%swap3A_3614], %add3A_3613 {strides = array<i32>} : memref<128xi32, #tpu.memory_space<vmem>>, vector<16xi32>,
      %add3A_3616 = arith.addi %add3A_3609, %min3A_3581 : vector<16xi32>
      %swap3A_3617 = arith.constant 96 : index
      %swap3A_3618 = tpu.vector_load %arg10[%swap3A_3617] {strides = array<i32>} : memref<128xi32, #tpu.memory_space<vmem>>, vector<16xi32>,
      tpu.vector_store %arg10[%swap3A_3617], %add3A_3616 {strides = array<i32>} : memref<128xi32, #tpu.memory_space<vmem>>, vector<16xi32>,
      %add3A_3619 = arith.addi %add3A_3609, %min3A_3587 : vector<16xi32>
      %swap3A_3620 = arith.constant 96 : index
      %swap3A_3621 = tpu.vector_load %arg11[%swap3A_3620] {strides = array<i32>} : memref<128xi32, #tpu.memory_space<vmem>>, vector<16xi32>,
      tpu.vector_store %arg11[%swap3A_3620], %add3A_3619 {strides = array<i32>} : memref<128xi32, #tpu.memory_space<vmem>>, vector<16xi32>,
      %mul3A_3622 = arith.mulf %select_n3A_3567, %select_n3A_3548 : vector<16xf32>
      %swap3A_3623 = arith.constant 96 : index
      %swap3A_3624 = tpu.vector_load %arg16[%swap3A_3623] {strides = array<i32>} : memref<128xf32, #tpu.memory_space<vmem>>, vector<16xf32>,
      tpu.vector_store %arg16[%swap3A_3623], %mul3A_3622 {strides = array<i32>} : memref<128xf32, #tpu.memory_space<vmem>>, vector<16xf32>,
      %mul3A_3625 = arith.mulf %select_n3A_3567, %select_n3A_3556 : vector<16xf32>
      %swap3A_3626 = arith.constant 96 : index
      %swap3A_3627 = tpu.vector_load %arg17[%swap3A_3626] {strides = array<i32>} : memref<128xf32, #tpu.memory_space<vmem>>, vector<16xf32>,
      tpu.vector_store %arg17[%swap3A_3626], %mul3A_3625 {strides = array<i32>} : memref<128xf32, #tpu.memory_space<vmem>>, vector<16xf32>,
      %mul3A_3628 = arith.mulf %select_n3A_3575, %select_n3A_3548 : vector<16xf32>
      %swap3A_3629 = arith.constant 96 : index
      %swap3A_3630 = tpu.vector_load %arg18[%swap3A_3629] {strides = array<i32>} : memref<128xf32, #tpu.memory_space<vmem>>, vector<16xf32>,
      tpu.vector_store %arg18[%swap3A_3629], %mul3A_3628 {strides = array<i32>} : memref<128xf32, #tpu.memory_space<vmem>>, vector<16xf32>,
      %mul3A_3631 = arith.mulf %select_n3A_3575, %select_n3A_3556 : vector<16xf32>
      %swap3A_3632 = arith.constant 96 : index
      %swap3A_3633 = tpu.vector_load %arg19[%swap3A_3632] {strides = array<i32>} : memref<128xf32, #tpu.memory_space<vmem>>, vector<16xf32>,
      tpu.vector_store %arg19[%swap3A_3632], %mul3A_3631 {strides = array<i32>} : memref<128xf32, #tpu.memory_space<vmem>>, vector<16xf32>,
      %get3A_3634 = arith.constant 112 : index
      %get3A_3635 = tpu.vector_load %arg6[%get3A_3634] {strides = array<i32>} : memref<128xf32, #tpu.memory_space<vmem>>, vector<16xf32>,
      %get3A_3636 = arith.constant 112 : index
      %get3A_3637 = tpu.vector_load %arg7[%get3A_3636] {strides = array<i32>} : memref<128xf32, #tpu.memory_space<vmem>>, vector<16xf32>,
      %add3A_3638 = arith.constant 1.000000e+00 : f32
      %add3A_3639 = vector.broadcast %add3A_3638 : f32 to vector<16xf32>
      %add3A_3640 = arith.addf %get3A_3635, %add3A_3639 : vector<16xf32>
      %mul3A_3641 = arith.constant 3.840000e+02 : f32
      %mul3A_3642 = vector.broadcast %mul3A_3641 : f32 to vector<16xf32>
      %mul3A_3643 = arith.mulf %add3A_3640, %mul3A_3642 : vector<16xf32>
      %sub3A_3644 = arith.constant 1.000000e+00 : f32
      %sub3A_3645 = vector.broadcast %sub3A_3644 : f32 to vector<16xf32>
      %sub3A_3646 = arith.subf %mul3A_3643, %sub3A_3645 : vector<16xf32>
      %mul3A_3647 = arith.constant 5.000000e-01 : f32
      %mul3A_3648 = vector.broadcast %mul3A_3647 : f32 to vector<16xf32>
      %mul3A_3649 = arith.mulf %sub3A_3646, %mul3A_3648 : vector<16xf32>
      %add3A_3650 = arith.constant 1.000000e+00 : f32
      %add3A_3651 = vector.broadcast %add3A_3650 : f32 to vector<16xf32>
      %add3A_3652 = arith.addf %get3A_3637, %add3A_3651 : vector<16xf32>
      %mul3A_3653 = arith.constant 3.840000e+02 : f32
      %mul3A_3654 = vector.broadcast %mul3A_3653 : f32 to vector<16xf32>
      %mul3A_3655 = arith.mulf %add3A_3652, %mul3A_3654 : vector<16xf32>
      %sub3A_3656 = arith.constant 1.000000e+00 : f32
      %sub3A_3657 = vector.broadcast %sub3A_3656 : f32 to vector<16xf32>
      %sub3A_3658 = arith.subf %mul3A_3655, %sub3A_3657 : vector<16xf32>
      %mul3A_3659 = arith.constant 5.000000e-01 : f32
      %mul3A_3660 = vector.broadcast %mul3A_3659 : f32 to vector<16xf32>
      %mul3A_3661 = arith.mulf %sub3A_3658, %mul3A_3660 : vector<16xf32>
      %convert_element_type3A_3662 = arith.fptosi %mul3A_3649 : vector<16xf32> to vector<16xi32>
      %convert_element_type3A_3663 = arith.sitofp %convert_element_type3A_3662 : vector<16xi32> to vector<16xf32>
      %gt3A_3664 = arith.cmpf ogt, %convert_element_type3A_3663, %mul3A_3649 : vector<16xf32>
      %sub3A_3665 = arith.constant 1.000000e+00 : f32
      %sub3A_3666 = vector.broadcast %sub3A_3665 : f32 to vector<16xf32>
      %sub3A_3667 = arith.subf %convert_element_type3A_3663, %sub3A_3666 : vector<16xf32>
      %select_n3A_3668 = arith.select %gt3A_3664, %sub3A_3667, %convert_element_type3A_3663 : vector<16xi1>, vector<16xf32>
      %convert_element_type3A_3669 = arith.fptosi %mul3A_3661 : vector<16xf32> to vector<16xi32>
      %convert_element_type3A_3670 = arith.sitofp %convert_element_type3A_3669 : vector<16xi32> to vector<16xf32>
      %gt3A_3671 = arith.cmpf ogt, %convert_element_type3A_3670, %mul3A_3661 : vector<16xf32>
      %sub3A_3672 = arith.constant 1.000000e+00 : f32
      %sub3A_3673 = vector.broadcast %sub3A_3672 : f32 to vector<16xf32>
      %sub3A_3674 = arith.subf %convert_element_type3A_3670, %sub3A_3673 : vector<16xf32>
      %select_n3A_3675 = arith.select %gt3A_3671, %sub3A_3674, %convert_element_type3A_3670 : vector<16xi1>, vector<16xf32>
      %sub3A_3676 = arith.subf %mul3A_3649, %select_n3A_3668 : vector<16xf32>
      %sub3A_3677 = arith.subf %mul3A_3661, %select_n3A_3675 : vector<16xf32>
      %convert_element_type3A_3678 = arith.fptosi %select_n3A_3668 : vector<16xf32> to vector<16xi32>
      %convert_element_type3A_3679 = arith.fptosi %select_n3A_3675 : vector<16xf32> to vector<16xi32>
      %add3A_3680 = arith.constant 1 : i32
      %add3A_3681 = vector.broadcast %add3A_3680 : i32 to vector<16xi32>
      %add3A_3682 = arith.addi %convert_element_type3A_3678, %add3A_3681 : vector<16xi32>
      %add3A_3683 = arith.constant 1 : i32
      %add3A_3684 = vector.broadcast %add3A_3683 : i32 to vector<16xi32>
      %add3A_3685 = arith.addi %convert_element_type3A_3679, %add3A_3684 : vector<16xi32>
      %broadcast_in_dim3A_3686 = arith.constant 0.000000e+00 : f32
      %broadcast_in_dim3A_3687 = vector.broadcast %broadcast_in_dim3A_3686 : f32 to vector<16xf32>
      %ge3A_3688 = arith.constant 0 : i32
      %ge3A_3689 = vector.broadcast %ge3A_3688 : i32 to vector<16xi32>
      %ge3A_3690 = arith.cmpi sge, %convert_element_type3A_3678, %ge3A_3689 : vector<16xi32>
      %le3A_3691 = arith.constant 383 : i32
      %le3A_3692 = vector.broadcast %le3A_3691 : i32 to vector<16xi32>
      %le3A_3693 = arith.cmpi sle, %convert_element_type3A_3678, %le3A_3692 : vector<16xi32>
      %and3A_3694 = arith.andi %ge3A_3690, %le3A_3693 : vector<16xi1>
      %sub3A_3695 = arith.constant 1.000000e+00 : f32
      %sub3A_3696 = vector.broadcast %sub3A_3695 : f32 to vector<16xf32>
      %sub3A_3697 = arith.subf %sub3A_3696, %sub3A_3676 : vector<16xf32>
      %select_n3A_3698 = arith.select %and3A_3694, %sub3A_3697, %broadcast_in_dim3A_3687 : vector<16xi1>, vector<16xf32>
      %ge3A_3699 = arith.constant 0 : i32
      %ge3A_3700 = vector.broadcast %ge3A_3699 : i32 to vector<16xi32>
      %ge3A_3701 = arith.cmpi sge, %add3A_3682, %ge3A_3700 : vector<16xi32>
      %le3A_3702 = arith.constant 383 : i32
      %le3A_3703 = vector.broadcast %le3A_3702 : i32 to vector<16xi32>
      %le3A_3704 = arith.cmpi sle, %add3A_3682, %le3A_3703 : vector<16xi32>
      %and3A_3705 = arith.andi %ge3A_3701, %le3A_3704 : vector<16xi1>
      %select_n3A_3706 = arith.select %and3A_3705, %sub3A_3676, %broadcast_in_dim3A_3687 : vector<16xi1>, vector<16xf32>
      %ge3A_3707 = arith.constant 0 : i32
      %ge3A_3708 = vector.broadcast %ge3A_3707 : i32 to vector<16xi32>
      %ge3A_3709 = arith.cmpi sge, %convert_element_type3A_3679, %ge3A_3708 : vector<16xi32>
      %le3A_3710 = arith.constant 383 : i32
      %le3A_3711 = vector.broadcast %le3A_3710 : i32 to vector<16xi32>
      %le3A_3712 = arith.cmpi sle, %convert_element_type3A_3679, %le3A_3711 : vector<16xi32>
      %and3A_3713 = arith.andi %ge3A_3709, %le3A_3712 : vector<16xi1>
      %sub3A_3714 = arith.constant 1.000000e+00 : f32
      %sub3A_3715 = vector.broadcast %sub3A_3714 : f32 to vector<16xf32>
      %sub3A_3716 = arith.subf %sub3A_3715, %sub3A_3677 : vector<16xf32>
      %select_n3A_3717 = arith.select %and3A_3713, %sub3A_3716, %broadcast_in_dim3A_3687 : vector<16xi1>, vector<16xf32>
      %ge3A_3718 = arith.constant 0 : i32
      %ge3A_3719 = vector.broadcast %ge3A_3718 : i32 to vector<16xi32>
      %ge3A_3720 = arith.cmpi sge, %add3A_3685, %ge3A_3719 : vector<16xi32>
      %le3A_3721 = arith.constant 383 : i32
      %le3A_3722 = vector.broadcast %le3A_3721 : i32 to vector<16xi32>
      %le3A_3723 = arith.cmpi sle, %add3A_3685, %le3A_3722 : vector<16xi32>
      %and3A_3724 = arith.andi %ge3A_3720, %le3A_3723 : vector<16xi1>
      %select_n3A_3725 = arith.select %and3A_3724, %sub3A_3677, %broadcast_in_dim3A_3687 : vector<16xi1>, vector<16xf32>
      %max3A_3726 = arith.constant 0 : i32
      %max3A_3727 = vector.broadcast %max3A_3726 : i32 to vector<16xi32>
      %max3A_3728 = arith.maxsi %convert_element_type3A_3678, %max3A_3727 : vector<16xi32>
      %min3A_3729 = arith.constant 383 : i32
      %min3A_3730 = vector.broadcast %min3A_3729 : i32 to vector<16xi32>
      %min3A_3731 = arith.minsi %max3A_3728, %min3A_3730 : vector<16xi32>
      %max3A_3732 = arith.constant 0 : i32
      %max3A_3733 = vector.broadcast %max3A_3732 : i32 to vector<16xi32>
      %max3A_3734 = arith.maxsi %add3A_3682, %max3A_3733 : vector<16xi32>
      %min3A_3735 = arith.constant 383 : i32
      %min3A_3736 = vector.broadcast %min3A_3735 : i32 to vector<16xi32>
      %min3A_3737 = arith.minsi %max3A_3734, %min3A_3736 : vector<16xi32>
      %max3A_3738 = arith.constant 0 : i32
      %max3A_3739 = vector.broadcast %max3A_3738 : i32 to vector<16xi32>
      %max3A_3740 = arith.maxsi %convert_element_type3A_3679, %max3A_3739 : vector<16xi32>
      %min3A_3741 = arith.constant 383 : i32
      %min3A_3742 = vector.broadcast %min3A_3741 : i32 to vector<16xi32>
      %min3A_3743 = arith.minsi %max3A_3740, %min3A_3742 : vector<16xi32>
      %max3A_3744 = arith.constant 0 : i32
      %max3A_3745 = vector.broadcast %max3A_3744 : i32 to vector<16xi32>
      %max3A_3746 = arith.maxsi %add3A_3685, %max3A_3745 : vector<16xi32>
      %min3A_3747 = arith.constant 383 : i32
      %min3A_3748 = vector.broadcast %min3A_3747 : i32 to vector<16xi32>
      %min3A_3749 = arith.minsi %max3A_3746, %min3A_3748 : vector<16xi32>
      %mul3A_3750 = arith.constant 384 : i32
      %mul3A_3751 = vector.broadcast %mul3A_3750 : i32 to vector<16xi32>
      %mul3A_3752 = arith.muli %min3A_3743, %mul3A_3751 : vector<16xi32>
      %add3A_3753 = vector.broadcast %mul3A_18 : i32 to vector<16xi32>
      %add3A_3754 = arith.addi %add3A_3753, %mul3A_3752 : vector<16xi32>
      %mul3A_3755 = arith.constant 384 : i32
      %mul3A_3756 = vector.broadcast %mul3A_3755 : i32 to vector<16xi32>
      %mul3A_3757 = arith.muli %min3A_3749, %mul3A_3756 : vector<16xi32>
      %add3A_3758 = vector.broadcast %mul3A_18 : i32 to vector<16xi32>
      %add3A_3759 = arith.addi %add3A_3758, %mul3A_3757 : vector<16xi32>
      %add3A_3760 = arith.addi %add3A_3754, %min3A_3731 : vector<16xi32>
      %swap3A_3761 = arith.constant 112 : index
      %swap3A_3762 = tpu.vector_load %arg8[%swap3A_3761] {strides = array<i32>} : memref<128xi32, #tpu.memory_space<vmem>>, vector<16xi32>,
      tpu.vector_store %arg8[%swap3A_3761], %add3A_3760 {strides = array<i32>} : memref<128xi32, #tpu.memory_space<vmem>>, vector<16xi32>,
      %add3A_3763 = arith.addi %add3A_3754, %min3A_3737 : vector<16xi32>
      %swap3A_3764 = arith.constant 112 : index
      %swap3A_3765 = tpu.vector_load %arg9[%swap3A_3764] {strides = array<i32>} : memref<128xi32, #tpu.memory_space<vmem>>, vector<16xi32>,
      tpu.vector_store %arg9[%swap3A_3764], %add3A_3763 {strides = array<i32>} : memref<128xi32, #tpu.memory_space<vmem>>, vector<16xi32>,
      %add3A_3766 = arith.addi %add3A_3759, %min3A_3731 : vector<16xi32>
      %swap3A_3767 = arith.constant 112 : index
      %swap3A_3768 = tpu.vector_load %arg10[%swap3A_3767] {strides = array<i32>} : memref<128xi32, #tpu.memory_space<vmem>>, vector<16xi32>,
      tpu.vector_store %arg10[%swap3A_3767], %add3A_3766 {strides = array<i32>} : memref<128xi32, #tpu.memory_space<vmem>>, vector<16xi32>,
      %add3A_3769 = arith.addi %add3A_3759, %min3A_3737 : vector<16xi32>
      %swap3A_3770 = arith.constant 112 : index
      %swap3A_3771 = tpu.vector_load %arg11[%swap3A_3770] {strides = array<i32>} : memref<128xi32, #tpu.memory_space<vmem>>, vector<16xi32>,
      tpu.vector_store %arg11[%swap3A_3770], %add3A_3769 {strides = array<i32>} : memref<128xi32, #tpu.memory_space<vmem>>, vector<16xi32>,
      %mul3A_3772 = arith.mulf %select_n3A_3717, %select_n3A_3698 : vector<16xf32>
      %swap3A_3773 = arith.constant 112 : index
      %swap3A_3774 = tpu.vector_load %arg16[%swap3A_3773] {strides = array<i32>} : memref<128xf32, #tpu.memory_space<vmem>>, vector<16xf32>,
      tpu.vector_store %arg16[%swap3A_3773], %mul3A_3772 {strides = array<i32>} : memref<128xf32, #tpu.memory_space<vmem>>, vector<16xf32>,
      %mul3A_3775 = arith.mulf %select_n3A_3717, %select_n3A_3706 : vector<16xf32>
      %swap3A_3776 = arith.constant 112 : index
      %swap3A_3777 = tpu.vector_load %arg17[%swap3A_3776] {strides = array<i32>} : memref<128xf32, #tpu.memory_space<vmem>>, vector<16xf32>,
      tpu.vector_store %arg17[%swap3A_3776], %mul3A_3775 {strides = array<i32>} : memref<128xf32, #tpu.memory_space<vmem>>, vector<16xf32>,
      %mul3A_3778 = arith.mulf %select_n3A_3725, %select_n3A_3698 : vector<16xf32>
      %swap3A_3779 = arith.constant 112 : index
      %swap3A_3780 = tpu.vector_load %arg18[%swap3A_3779] {strides = array<i32>} : memref<128xf32, #tpu.memory_space<vmem>>, vector<16xf32>,
      tpu.vector_store %arg18[%swap3A_3779], %mul3A_3778 {strides = array<i32>} : memref<128xf32, #tpu.memory_space<vmem>>, vector<16xf32>,
      %mul3A_3781 = arith.mulf %select_n3A_3725, %select_n3A_3706 : vector<16xf32>
      %swap3A_3782 = arith.constant 112 : index
      %swap3A_3783 = tpu.vector_load %arg19[%swap3A_3782] {strides = array<i32>} : memref<128xf32, #tpu.memory_space<vmem>>, vector<16xf32>,
      tpu.vector_store %arg19[%swap3A_3782], %mul3A_3781 {strides = array<i32>} : memref<128xf32, #tpu.memory_space<vmem>>, vector<16xf32>,
      %dma_start3A_3784 = arith.constant 0 : i32
      %dma_start3A_3785 = arith.constant 0 : i32
      %dma_start3A_3786 = tpu.memref_slice %arg2[%dma_start3A_3784, %dma_start3A_3785] : memref<589824x96xbf16, #tpu.memory_space<hbm>> -> memref<589824x96xbf16, #tpu.memory_space<hbm>>
      tpu.enqueue_indirect_dma source(%dma_start3A_3786 : memref<589824x96xbf16, #tpu.memory_space<hbm>>) target(%arg24 : memref<128x96xbf16, #tpu.memory_space<vmem>>) offsets(%arg8 : memref<128xi32, #tpu.memory_space<vmem>>) semaphore(%arg34 : memref<!tpu.dma_semaphore, #tpu.memory_space<semaphore_mem>>)
      %dma_start3A_3787 = arith.constant 0 : i32
      %dma_start3A_3788 = arith.constant 0 : i32
      %dma_start3A_3789 = tpu.memref_slice %arg2[%dma_start3A_3787, %dma_start3A_3788] : memref<589824x96xbf16, #tpu.memory_space<hbm>> -> memref<589824x96xbf16, #tpu.memory_space<hbm>>
      tpu.enqueue_indirect_dma source(%dma_start3A_3789 : memref<589824x96xbf16, #tpu.memory_space<hbm>>) target(%arg25 : memref<128x96xbf16, #tpu.memory_space<vmem>>) offsets(%arg9 : memref<128xi32, #tpu.memory_space<vmem>>) semaphore(%arg34 : memref<!tpu.dma_semaphore, #tpu.memory_space<semaphore_mem>>)
      %dma_start3A_3790 = arith.constant 0 : i32
      %dma_start3A_3791 = arith.constant 0 : i32
      %dma_start3A_3792 = tpu.memref_slice %arg2[%dma_start3A_3790, %dma_start3A_3791] : memref<589824x96xbf16, #tpu.memory_space<hbm>> -> memref<589824x96xbf16, #tpu.memory_space<hbm>>
      tpu.enqueue_indirect_dma source(%dma_start3A_3792 : memref<589824x96xbf16, #tpu.memory_space<hbm>>) target(%arg26 : memref<128x96xbf16, #tpu.memory_space<vmem>>) offsets(%arg10 : memref<128xi32, #tpu.memory_space<vmem>>) semaphore(%arg34 : memref<!tpu.dma_semaphore, #tpu.memory_space<semaphore_mem>>)
      %dma_start3A_3793 = arith.constant 0 : i32
      %dma_start3A_3794 = arith.constant 0 : i32
      %dma_start3A_3795 = tpu.memref_slice %arg2[%dma_start3A_3793, %dma_start3A_3794] : memref<589824x96xbf16, #tpu.memory_space<hbm>> -> memref<589824x96xbf16, #tpu.memory_space<hbm>>
      tpu.enqueue_indirect_dma source(%dma_start3A_3795 : memref<589824x96xbf16, #tpu.memory_space<hbm>>) target(%arg27 : memref<128x96xbf16, #tpu.memory_space<vmem>>) offsets(%arg11 : memref<128xi32, #tpu.memory_space<vmem>>) semaphore(%arg34 : memref<!tpu.dma_semaphore, #tpu.memory_space<semaphore_mem>>)
      %add3A_3796 = arith.constant 1 : i32
      %add3A_3797 = arith.addi %mul3A_1263, %add3A_3796 : i32
      %dma_wait3A_3798 = arith.constant 0 : i32
      %dma_wait3A_3799 = arith.constant 0 : i32
      %dma_wait3A_3800 = tpu.memref_slice %arg2[%dma_wait3A_3798, %dma_wait3A_3799] : memref<589824x96xbf16, #tpu.memory_space<hbm>> -> memref<589824x96xbf16, #tpu.memory_space<hbm>>
      tpu.wait_indirect_dma semaphore(%arg35 : memref<!tpu.dma_semaphore, #tpu.memory_space<semaphore_mem>>) src(%dma_wait3A_3800 : memref<589824x96xbf16, #tpu.memory_space<hbm>>) dst(%arg28 : memref<128x96xbf16, #tpu.memory_space<vmem>>)
      %dma_wait3A_3801 = arith.constant 0 : i32
      %dma_wait3A_3802 = arith.constant 0 : i32
      %dma_wait3A_3803 = tpu.memref_slice %arg2[%dma_wait3A_3801, %dma_wait3A_3802] : memref<589824x96xbf16, #tpu.memory_space<hbm>> -> memref<589824x96xbf16, #tpu.memory_space<hbm>>
      tpu.wait_indirect_dma semaphore(%arg35 : memref<!tpu.dma_semaphore, #tpu.memory_space<semaphore_mem>>) src(%dma_wait3A_3803 : memref<589824x96xbf16, #tpu.memory_space<hbm>>) dst(%arg29 : memref<128x96xbf16, #tpu.memory_space<vmem>>)
      %dma_wait3A_3804 = arith.constant 0 : i32
      %dma_wait3A_3805 = arith.constant 0 : i32
      %dma_wait3A_3806 = tpu.memref_slice %arg2[%dma_wait3A_3804, %dma_wait3A_3805] : memref<589824x96xbf16, #tpu.memory_space<hbm>> -> memref<589824x96xbf16, #tpu.memory_space<hbm>>
      tpu.wait_indirect_dma semaphore(%arg35 : memref<!tpu.dma_semaphore, #tpu.memory_space<semaphore_mem>>) src(%dma_wait3A_3806 : memref<589824x96xbf16, #tpu.memory_space<hbm>>) dst(%arg30 : memref<128x96xbf16, #tpu.memory_space<vmem>>)
      %dma_wait3A_3807 = arith.constant 0 : i32
      %dma_wait3A_3808 = arith.constant 0 : i32
      %dma_wait3A_3809 = tpu.memref_slice %arg2[%dma_wait3A_3807, %dma_wait3A_3808] : memref<589824x96xbf16, #tpu.memory_space<hbm>> -> memref<589824x96xbf16, #tpu.memory_space<hbm>>
      tpu.wait_indirect_dma semaphore(%arg35 : memref<!tpu.dma_semaphore, #tpu.memory_space<semaphore_mem>>) src(%dma_wait3A_3809 : memref<589824x96xbf16, #tpu.memory_space<hbm>>) dst(%arg31 : memref<128x96xbf16, #tpu.memory_space<vmem>>)
      %jit3A_3810 = arith.constant 8 : i32
      %eq3A_3811 = arith.constant 0 : i32
      %eq3A_3812 = arith.cmpi eq, %jit3A_3810, %eq3A_3811 : i32
      %jit3A_3813 = arith.constant 1 : i32
      %select_n3A_3814 = arith.select %eq3A_3812, %jit3A_3813, %jit3A_3810 : i32
      %rem3A_3815 = arith.remsi %add3A, %select_n3A_3814 : i32
      %ne3A_3816 = arith.constant 0 : i32
      %ne3A_3817 = arith.cmpi ne, %rem3A_3815, %ne3A_3816 : i32
      %lt3A_3818 = arith.constant 0 : i32
      %lt3A_3819 = arith.cmpi slt, %rem3A_3815, %lt3A_3818 : i32
      %lt3A_3820 = arith.constant 0 : i32
      %lt3A_3821 = arith.cmpi slt, %select_n3A_3814, %lt3A_3820 : i32
      %ne3A_3822 = arith.xori %lt3A_3819, %lt3A_3821 : i1
      %and3A_3823 = arith.andi %ne3A_3822, %ne3A_3817 : i1
      %add3A_3824 = arith.addi %rem3A_3815, %select_n3A_3814 : i32
      %select_n3A_3825 = arith.select %and3A_3823, %add3A_3824, %rem3A_3815 : i32
      %mul3A_3826 = arith.constant 18432 : i32
      %mul3A_3827 = arith.muli %select_n3A_3825, %mul3A_3826 : i32
      %mul3A_3828 = arith.constant 128 : i32
      %mul3A_3829 = arith.muli %add3A_3797, %mul3A_3828 : i32
      %add3A_3830 = arith.addi %mul3A_3827, %mul3A_3829 : i32
      %jit3A_3831 = arith.constant 384 : i32
      %div3A_3832 = arith.divsi %add3A_3830, %jit3A_3831 : i32
      %sign3A_3833 = arith.constant 0 : i32
      %sign3A_3834 = arith.cmpi sgt, %add3A_3830, %sign3A_3833 : i32
      %sign3A_3835 = arith.extui %sign3A_3834 : i1 to i32
      %sign3A_3836 = arith.constant 0 : i32
      %sign3A_3837 = arith.cmpi slt, %add3A_3830, %sign3A_3836 : i32
      %sign3A_3838 = arith.extui %sign3A_3837 : i1 to i32
      %sign3A_3839 = arith.subi %sign3A_3835, %sign3A_3838 : i32
      %sign3A_3840 = arith.constant 0 : i32
      %sign3A_3841 = arith.cmpi sgt, %jit3A_3831, %sign3A_3840 : i32
      %sign3A_3842 = arith.extui %sign3A_3841 : i1 to i32
      %sign3A_3843 = arith.constant 0 : i32
      %sign3A_3844 = arith.cmpi slt, %jit3A_3831, %sign3A_3843 : i32
      %sign3A_3845 = arith.extui %sign3A_3844 : i1 to i32
      %sign3A_3846 = arith.subi %sign3A_3842, %sign3A_3845 : i32
      %ne3A_3847 = arith.cmpi ne, %sign3A_3839, %sign3A_3846 : i32
      %rem3A_3848 = arith.remsi %add3A_3830, %jit3A_3831 : i32
      %ne3A_3849 = arith.constant 0 : i32
      %ne3A_3850 = arith.cmpi ne, %rem3A_3848, %ne3A_3849 : i32
      %and3A_3851 = arith.andi %ne3A_3847, %ne3A_3850 : i1
      %sub3A_3852 = arith.constant 1 : i32
      %sub3A_3853 = arith.subi %div3A_3832, %sub3A_3852 : i32
      %select_n3A_3854 = arith.select %and3A_3851, %sub3A_3853, %div3A_3832 : i32
      %mul3A_3855 = arith.constant 384 : i32
      %mul3A_3856 = arith.muli %select_n3A_3854, %mul3A_3855 : i32
      %sub3A_3857 = arith.subi %add3A_3830, %mul3A_3856 : i32
      %jit3A_3858 = arith.constant 8 : i32
      %div3A_3859 = arith.divsi %add3A, %jit3A_3858 : i32
      %sign3A_3860 = arith.constant 0 : i32
      %sign3A_3861 = arith.cmpi sgt, %add3A, %sign3A_3860 : i32
      %sign3A_3862 = arith.extui %sign3A_3861 : i1 to i32
      %sign3A_3863 = arith.constant 0 : i32
      %sign3A_3864 = arith.cmpi slt, %add3A, %sign3A_3863 : i32
      %sign3A_3865 = arith.extui %sign3A_3864 : i1 to i32
      %sign3A_3866 = arith.subi %sign3A_3862, %sign3A_3865 : i32
      %sign3A_3867 = arith.constant 0 : i32
      %sign3A_3868 = arith.cmpi sgt, %jit3A_3858, %sign3A_3867 : i32
      %sign3A_3869 = arith.extui %sign3A_3868 : i1 to i32
      %sign3A_3870 = arith.constant 0 : i32
      %sign3A_3871 = arith.cmpi slt, %jit3A_3858, %sign3A_3870 : i32
      %sign3A_3872 = arith.extui %sign3A_3871 : i1 to i32
      %sign3A_3873 = arith.subi %sign3A_3869, %sign3A_3872 : i32
      %ne3A_3874 = arith.cmpi ne, %sign3A_3866, %sign3A_3873 : i32
      %rem3A_3875 = arith.remsi %add3A, %jit3A_3858 : i32
      %ne3A_3876 = arith.constant 0 : i32
      %ne3A_3877 = arith.cmpi ne, %rem3A_3875, %ne3A_3876 : i32
      %and3A_3878 = arith.andi %ne3A_3874, %ne3A_3877 : i1
      %sub3A_3879 = arith.constant 1 : i32
      %sub3A_3880 = arith.subi %div3A_3859, %sub3A_3879 : i32
      %select_n3A_3881 = arith.select %and3A_3878, %sub3A_3880, %div3A_3859 : i32
      %ge3A_3882 = arith.constant 2 : i32
      %ge3A_3883 = arith.cmpi sge, %add3A_3797, %ge3A_3882 : i32
      %convert_element_type3A_3884 = arith.extui %ge3A_3883 : i1 to i32
      %cond3A_3885 = arith.constant 0 : i32
      %cond3A_3886 = arith.cmpi ne, %convert_element_type3A_3884, %cond3A_3885 : i32
      scf.if %cond3A_3886 {
        %dma_wait3A_3897 = arith.constant 0 : i32
        %dma_wait3A_3898 = tpu.memref_slice %arg5[%select_n3A_3881, %select_n3A_3854, %sub3A_3857, %dma_wait3A_3897] : memref<4x384x384x128xf32, #tpu.memory_space<hbm>> -> memref<1x1x128x128xf32, #tpu.memory_space<hbm>>
        %dma_wait3A_3899 = tpu.memref_squeeze %dma_wait3A_3898 : memref<1x1x128x128xf32, #tpu.memory_space<hbm>> -> memref<128x128xf32, #tpu.memory_space<hbm>>
        %dma_wait3A_3900 = arith.constant 0 : i32
        %dma_wait3A_3901 = tpu.memref_slice %arg5[%select_n3A_3881, %select_n3A_3854, %sub3A_3857, %dma_wait3A_3900] : memref<4x384x384x128xf32, #tpu.memory_space<hbm>> -> memref<1x1x128x128xf32, #tpu.memory_space<hbm>>
        %dma_wait3A_3902 = tpu.memref_squeeze %dma_wait3A_3901 : memref<1x1x128x128xf32, #tpu.memory_space<hbm>> -> memref<128x128xf32, #tpu.memory_space<hbm>>
        tpu.wait_dma2 semaphore(%arg37 : memref<!tpu.dma_semaphore, #tpu.memory_space<semaphore_mem>>) src(%arg33 : memref<128x128xf32, #tpu.memory_space<vmem>>) dst(%dma_wait3A_3902 : memref<128x128xf32, #tpu.memory_space<hbm>>)
      } else {
      }
      %iota3A_3887 = tpu.iota {dimensions = array<i32: 0>} : vector<16xi32>
      %parallel_loop3A_3888 = arith.constant 0 : i32
      %parallel_loop3A_3889 = arith.constant 128 : i32
      %parallel_loop3A_3890 = arith.constant 1 : i32
      scf.for %parallel_loop3A_3897 = %parallel_loop3A_3888 to %parallel_loop3A_3889 step %parallel_loop3A_3890  : i32 {
        %parallel_loop3A_3898 = vector.broadcast %parallel_loop3A_3897 : i32 to vector<16xi32>
        %parallel_loop3A_3899 = tpu.vector_load_idx %arg20[%parallel_loop3A_3898] : memref<128xf32, #tpu.memory_space<vmem>>[vector<16xi32>], vector<16xf32>,
        %parallel_loop3A_3900 = tpu.vector_load_idx %arg21[%parallel_loop3A_3898] : memref<128xf32, #tpu.memory_space<vmem>>[vector<16xi32>], vector<16xf32>,
        %parallel_loop3A_3901 = tpu.vector_load_idx %arg22[%parallel_loop3A_3898] : memref<128xf32, #tpu.memory_space<vmem>>[vector<16xi32>], vector<16xf32>,
        %parallel_loop3A_3902 = tpu.vector_load_idx %arg23[%parallel_loop3A_3898] : memref<128xf32, #tpu.memory_space<vmem>>[vector<16xi32>], vector<16xf32>,
        %parallel_loop3A_3903 = tpu.pack_subelements %parallel_loop3A_3899, %parallel_loop3A_3899 {pack_format = #tpu.pack_format<interleaved>, positions = array<i32: 0, 1>} : vector<16xf32>, vector<16xf32> -> vector<32xbf16>
        %parallel_loop3A_3904 = tpu.pack_subelements %parallel_loop3A_3900, %parallel_loop3A_3900 {pack_format = #tpu.pack_format<interleaved>, positions = array<i32: 0, 1>} : vector<16xf32>, vector<16xf32> -> vector<32xbf16>
        %parallel_loop3A_3905 = tpu.pack_subelements %parallel_loop3A_3901, %parallel_loop3A_3901 {pack_format = #tpu.pack_format<interleaved>, positions = array<i32: 0, 1>} : vector<16xf32>, vector<16xf32> -> vector<32xbf16>
        %parallel_loop3A_3906 = tpu.pack_subelements %parallel_loop3A_3902, %parallel_loop3A_3902 {pack_format = #tpu.pack_format<interleaved>, positions = array<i32: 0, 1>} : vector<16xf32>, vector<16xf32> -> vector<32xbf16>
        %parallel_loop3A_3907 = arith.index_cast %parallel_loop3A_3897 : i32 to index
        %parallel_loop3A_3908 = arith.constant 0 : index
        %parallel_loop3A_3909 = tpu.vector_load %arg28[%parallel_loop3A_3907, %parallel_loop3A_3908] {strides = array<i32>} : memref<128x96xbf16, #tpu.memory_space<vmem>>, vector<32xbf16>,
        %parallel_loop3A_3910 = arith.mulf %parallel_loop3A_3909, %parallel_loop3A_3903 : vector<32xbf16>
        %parallel_loop3A_3911 = arith.index_cast %parallel_loop3A_3897 : i32 to index
        %parallel_loop3A_3912 = arith.constant 0 : index
        %parallel_loop3A_3913 = tpu.vector_load %arg29[%parallel_loop3A_3911, %parallel_loop3A_3912] {strides = array<i32>} : memref<128x96xbf16, #tpu.memory_space<vmem>>, vector<32xbf16>,
        %parallel_loop3A_3914 = arith.mulf %parallel_loop3A_3913, %parallel_loop3A_3904 : vector<32xbf16>
        %parallel_loop3A_3915 = arith.addf %parallel_loop3A_3910, %parallel_loop3A_3914 : vector<32xbf16>
        %parallel_loop3A_3916 = arith.index_cast %parallel_loop3A_3897 : i32 to index
        %parallel_loop3A_3917 = arith.constant 0 : index
        %parallel_loop3A_3918 = tpu.vector_load %arg30[%parallel_loop3A_3916, %parallel_loop3A_3917] {strides = array<i32>} : memref<128x96xbf16, #tpu.memory_space<vmem>>, vector<32xbf16>,
        %parallel_loop3A_3919 = arith.mulf %parallel_loop3A_3918, %parallel_loop3A_3905 : vector<32xbf16>
        %parallel_loop3A_3920 = arith.addf %parallel_loop3A_3915, %parallel_loop3A_3919 : vector<32xbf16>
        %parallel_loop3A_3921 = arith.index_cast %parallel_loop3A_3897 : i32 to index
        %parallel_loop3A_3922 = arith.constant 0 : index
        %parallel_loop3A_3923 = tpu.vector_load %arg31[%parallel_loop3A_3921, %parallel_loop3A_3922] {strides = array<i32>} : memref<128x96xbf16, #tpu.memory_space<vmem>>, vector<32xbf16>,
        %parallel_loop3A_3924 = arith.mulf %parallel_loop3A_3923, %parallel_loop3A_3906 : vector<32xbf16>
        %parallel_loop3A_3925 = arith.addf %parallel_loop3A_3920, %parallel_loop3A_3924 : vector<32xbf16>
        %parallel_loop3A_3926 = tpu.unpack_subelements %parallel_loop3A_3925, 0 {pack_format = #tpu.pack_format<interleaved>} : vector<32xbf16> -> vector<16xf32>
        %parallel_loop3A_3927 = tpu.unpack_subelements %parallel_loop3A_3925, 1 {pack_format = #tpu.pack_format<interleaved>} : vector<32xbf16> -> vector<16xf32>
        %parallel_loop3A_3928 = arith.constant 2 : i32
        %parallel_loop3A_3929 = vector.broadcast %parallel_loop3A_3928 : i32 to vector<16xi32>
        %parallel_loop3A_3930 = arith.muli %parallel_loop3A_3929, %iota3A_3887 : vector<16xi32>
        %parallel_loop3A_3931 = arith.constant 0 : i32
        %parallel_loop3A_3932 = vector.broadcast %parallel_loop3A_3931 : i32 to vector<16xi32>
        %parallel_loop3A_3933 = arith.addi %parallel_loop3A_3932, %parallel_loop3A_3930 : vector<16xi32>
        tpu.vector_store_idx %arg33[%parallel_loop3A_3898, %parallel_loop3A_3933], %parallel_loop3A_3926 : memref<128x128xf32, #tpu.memory_space<vmem>>[vector<16xi32>, vector<16xi32>], vector<16xf32>,
        %parallel_loop3A_3934 = arith.constant 1 : i32
        %parallel_loop3A_3935 = vector.broadcast %parallel_loop3A_3934 : i32 to vector<16xi32>
        %parallel_loop3A_3936 = arith.addi %parallel_loop3A_3933, %parallel_loop3A_3935 : vector<16xi32>
        tpu.vector_store_idx %arg33[%parallel_loop3A_3898, %parallel_loop3A_3936], %parallel_loop3A_3927 : memref<128x128xf32, #tpu.memory_space<vmem>>[vector<16xi32>, vector<16xi32>], vector<16xf32>,
        %parallel_loop3A_3937 = arith.index_cast %parallel_loop3A_3897 : i32 to index
        %parallel_loop3A_3938 = arith.constant 32 : index
        %parallel_loop3A_3939 = tpu.vector_load %arg28[%parallel_loop3A_3937, %parallel_loop3A_3938] {strides = array<i32>} : memref<128x96xbf16, #tpu.memory_space<vmem>>, vector<32xbf16>,
        %parallel_loop3A_3940 = arith.mulf %parallel_loop3A_3939, %parallel_loop3A_3903 : vector<32xbf16>
        %parallel_loop3A_3941 = arith.index_cast %parallel_loop3A_3897 : i32 to index
        %parallel_loop3A_3942 = arith.constant 32 : index
        %parallel_loop3A_3943 = tpu.vector_load %arg29[%parallel_loop3A_3941, %parallel_loop3A_3942] {strides = array<i32>} : memref<128x96xbf16, #tpu.memory_space<vmem>>, vector<32xbf16>,
        %parallel_loop3A_3944 = arith.mulf %parallel_loop3A_3943, %parallel_loop3A_3904 : vector<32xbf16>
        %parallel_loop3A_3945 = arith.addf %parallel_loop3A_3940, %parallel_loop3A_3944 : vector<32xbf16>
        %parallel_loop3A_3946 = arith.index_cast %parallel_loop3A_3897 : i32 to index
        %parallel_loop3A_3947 = arith.constant 32 : index
        %parallel_loop3A_3948 = tpu.vector_load %arg30[%parallel_loop3A_3946, %parallel_loop3A_3947] {strides = array<i32>} : memref<128x96xbf16, #tpu.memory_space<vmem>>, vector<32xbf16>,
        %parallel_loop3A_3949 = arith.mulf %parallel_loop3A_3948, %parallel_loop3A_3905 : vector<32xbf16>
        %parallel_loop3A_3950 = arith.addf %parallel_loop3A_3945, %parallel_loop3A_3949 : vector<32xbf16>
        %parallel_loop3A_3951 = arith.index_cast %parallel_loop3A_3897 : i32 to index
        %parallel_loop3A_3952 = arith.constant 32 : index
        %parallel_loop3A_3953 = tpu.vector_load %arg31[%parallel_loop3A_3951, %parallel_loop3A_3952] {strides = array<i32>} : memref<128x96xbf16, #tpu.memory_space<vmem>>, vector<32xbf16>,
        %parallel_loop3A_3954 = arith.mulf %parallel_loop3A_3953, %parallel_loop3A_3906 : vector<32xbf16>
        %parallel_loop3A_3955 = arith.addf %parallel_loop3A_3950, %parallel_loop3A_3954 : vector<32xbf16>
        %parallel_loop3A_3956 = tpu.unpack_subelements %parallel_loop3A_3955, 0 {pack_format = #tpu.pack_format<interleaved>} : vector<32xbf16> -> vector<16xf32>
        %parallel_loop3A_3957 = tpu.unpack_subelements %parallel_loop3A_3955, 1 {pack_format = #tpu.pack_format<interleaved>} : vector<32xbf16> -> vector<16xf32>
        %parallel_loop3A_3958 = arith.constant 2 : i32
        %parallel_loop3A_3959 = vector.broadcast %parallel_loop3A_3958 : i32 to vector<16xi32>
        %parallel_loop3A_3960 = arith.muli %parallel_loop3A_3959, %iota3A_3887 : vector<16xi32>
        %parallel_loop3A_3961 = arith.constant 32 : i32
        %parallel_loop3A_3962 = vector.broadcast %parallel_loop3A_3961 : i32 to vector<16xi32>
        %parallel_loop3A_3963 = arith.addi %parallel_loop3A_3962, %parallel_loop3A_3960 : vector<16xi32>
        tpu.vector_store_idx %arg33[%parallel_loop3A_3898, %parallel_loop3A_3963], %parallel_loop3A_3956 : memref<128x128xf32, #tpu.memory_space<vmem>>[vector<16xi32>, vector<16xi32>], vector<16xf32>,
        %parallel_loop3A_3964 = arith.constant 1 : i32
        %parallel_loop3A_3965 = vector.broadcast %parallel_loop3A_3964 : i32 to vector<16xi32>
        %parallel_loop3A_3966 = arith.addi %parallel_loop3A_3963, %parallel_loop3A_3965 : vector<16xi32>
        tpu.vector_store_idx %arg33[%parallel_loop3A_3898, %parallel_loop3A_3966], %parallel_loop3A_3957 : memref<128x128xf32, #tpu.memory_space<vmem>>[vector<16xi32>, vector<16xi32>], vector<16xf32>,
        %parallel_loop3A_3967 = arith.index_cast %parallel_loop3A_3897 : i32 to index
        %parallel_loop3A_3968 = arith.constant 64 : index
        %parallel_loop3A_3969 = tpu.vector_load %arg28[%parallel_loop3A_3967, %parallel_loop3A_3968] {strides = array<i32>} : memref<128x96xbf16, #tpu.memory_space<vmem>>, vector<32xbf16>,
        %parallel_loop3A_3970 = arith.mulf %parallel_loop3A_3969, %parallel_loop3A_3903 : vector<32xbf16>
        %parallel_loop3A_3971 = arith.index_cast %parallel_loop3A_3897 : i32 to index
        %parallel_loop3A_3972 = arith.constant 64 : index
        %parallel_loop3A_3973 = tpu.vector_load %arg29[%parallel_loop3A_3971, %parallel_loop3A_3972] {strides = array<i32>} : memref<128x96xbf16, #tpu.memory_space<vmem>>, vector<32xbf16>,
        %parallel_loop3A_3974 = arith.mulf %parallel_loop3A_3973, %parallel_loop3A_3904 : vector<32xbf16>
        %parallel_loop3A_3975 = arith.addf %parallel_loop3A_3970, %parallel_loop3A_3974 : vector<32xbf16>
        %parallel_loop3A_3976 = arith.index_cast %parallel_loop3A_3897 : i32 to index
        %parallel_loop3A_3977 = arith.constant 64 : index
        %parallel_loop3A_3978 = tpu.vector_load %arg30[%parallel_loop3A_3976, %parallel_loop3A_3977] {strides = array<i32>} : memref<128x96xbf16, #tpu.memory_space<vmem>>, vector<32xbf16>,
        %parallel_loop3A_3979 = arith.mulf %parallel_loop3A_3978, %parallel_loop3A_3905 : vector<32xbf16>
        %parallel_loop3A_3980 = arith.addf %parallel_loop3A_3975, %parallel_loop3A_3979 : vector<32xbf16>
        %parallel_loop3A_3981 = arith.index_cast %parallel_loop3A_3897 : i32 to index
        %parallel_loop3A_3982 = arith.constant 64 : index
        %parallel_loop3A_3983 = tpu.vector_load %arg31[%parallel_loop3A_3981, %parallel_loop3A_3982] {strides = array<i32>} : memref<128x96xbf16, #tpu.memory_space<vmem>>, vector<32xbf16>,
        %parallel_loop3A_3984 = arith.mulf %parallel_loop3A_3983, %parallel_loop3A_3906 : vector<32xbf16>
        %parallel_loop3A_3985 = arith.addf %parallel_loop3A_3980, %parallel_loop3A_3984 : vector<32xbf16>
        %parallel_loop3A_3986 = tpu.unpack_subelements %parallel_loop3A_3985, 0 {pack_format = #tpu.pack_format<interleaved>} : vector<32xbf16> -> vector<16xf32>
        %parallel_loop3A_3987 = tpu.unpack_subelements %parallel_loop3A_3985, 1 {pack_format = #tpu.pack_format<interleaved>} : vector<32xbf16> -> vector<16xf32>
        %parallel_loop3A_3988 = arith.constant 2 : i32
        %parallel_loop3A_3989 = vector.broadcast %parallel_loop3A_3988 : i32 to vector<16xi32>
        %parallel_loop3A_3990 = arith.muli %parallel_loop3A_3989, %iota3A_3887 : vector<16xi32>
        %parallel_loop3A_3991 = arith.constant 64 : i32
        %parallel_loop3A_3992 = vector.broadcast %parallel_loop3A_3991 : i32 to vector<16xi32>
        %parallel_loop3A_3993 = arith.addi %parallel_loop3A_3992, %parallel_loop3A_3990 : vector<16xi32>
        tpu.vector_store_idx %arg33[%parallel_loop3A_3898, %parallel_loop3A_3993], %parallel_loop3A_3986 : memref<128x128xf32, #tpu.memory_space<vmem>>[vector<16xi32>, vector<16xi32>], vector<16xf32>,
        %parallel_loop3A_3994 = arith.constant 1 : i32
        %parallel_loop3A_3995 = vector.broadcast %parallel_loop3A_3994 : i32 to vector<16xi32>
        %parallel_loop3A_3996 = arith.addi %parallel_loop3A_3993, %parallel_loop3A_3995 : vector<16xi32>
        tpu.vector_store_idx %arg33[%parallel_loop3A_3898, %parallel_loop3A_3996], %parallel_loop3A_3987 : memref<128x128xf32, #tpu.memory_space<vmem>>[vector<16xi32>, vector<16xi32>], vector<16xf32>,
      } {sc.loop_unroll_factor = 2 : i64, sc.parallel_access}
      %dma_start3A_3891 = arith.constant 0 : i32
      %dma_start3A_3892 = tpu.memref_slice %arg5[%select_n3A_3881, %select_n3A_3854, %sub3A_3857, %dma_start3A_3891] : memref<4x384x384x128xf32, #tpu.memory_space<hbm>> -> memref<1x1x128x128xf32, #tpu.memory_space<hbm>>
      %dma_start3A_3893 = tpu.memref_squeeze %dma_start3A_3892 : memref<1x1x128x128xf32, #tpu.memory_space<hbm>> -> memref<128x128xf32, #tpu.memory_space<hbm>>
      %dma_start3A_3894 = arith.constant 0 : i32
      %dma_start3A_3895 = tpu.memref_slice %arg5[%select_n3A_3881, %select_n3A_3854, %sub3A_3857, %dma_start3A_3894] : memref<4x384x384x128xf32, #tpu.memory_space<hbm>> -> memref<1x1x128x128xf32, #tpu.memory_space<hbm>>
      %dma_start3A_3896 = tpu.memref_squeeze %dma_start3A_3895 : memref<1x1x128x128xf32, #tpu.memory_space<hbm>> -> memref<128x128xf32, #tpu.memory_space<hbm>>
      tpu.enqueue_dma source(%arg33 : memref<128x128xf32, #tpu.memory_space<vmem>>) target(%dma_start3A_3896 : memref<128x128xf32, #tpu.memory_space<hbm>>) target_semaphore(%arg37 : memref<!tpu.dma_semaphore, #tpu.memory_space<semaphore_mem>>)
    }
    %scan3A_1229 = arith.constant 72 : i32
    %dma_wait3A = arith.constant 0 : i32
    %dma_wait3A_1230 = arith.constant 0 : i32
    %dma_wait3A_1231 = tpu.memref_slice %arg2[%dma_wait3A, %dma_wait3A_1230] : memref<589824x96xbf16, #tpu.memory_space<hbm>> -> memref<589824x96xbf16, #tpu.memory_space<hbm>>
    tpu.wait_indirect_dma semaphore(%arg34 : memref<!tpu.dma_semaphore, #tpu.memory_space<semaphore_mem>>) src(%dma_wait3A_1231 : memref<589824x96xbf16, #tpu.memory_space<hbm>>) dst(%arg24 : memref<128x96xbf16, #tpu.memory_space<vmem>>)
    %dma_wait3A_1232 = arith.constant 0 : i32
    %dma_wait3A_1233 = arith.constant 0 : i32
    %dma_wait3A_1234 = tpu.memref_slice %arg2[%dma_wait3A_1232, %dma_wait3A_1233] : memref<589824x96xbf16, #tpu.memory_space<hbm>> -> memref<589824x96xbf16, #tpu.memory_space<hbm>>
    tpu.wait_indirect_dma semaphore(%arg34 : memref<!tpu.dma_semaphore, #tpu.memory_space<semaphore_mem>>) src(%dma_wait3A_1234 : memref<589824x96xbf16, #tpu.memory_space<hbm>>) dst(%arg25 : memref<128x96xbf16, #tpu.memory_space<vmem>>)
    %dma_wait3A_1235 = arith.constant 0 : i32
    %dma_wait3A_1236 = arith.constant 0 : i32
    %dma_wait3A_1237 = tpu.memref_slice %arg2[%dma_wait3A_1235, %dma_wait3A_1236] : memref<589824x96xbf16, #tpu.memory_space<hbm>> -> memref<589824x96xbf16, #tpu.memory_space<hbm>>
    tpu.wait_indirect_dma semaphore(%arg34 : memref<!tpu.dma_semaphore, #tpu.memory_space<semaphore_mem>>) src(%dma_wait3A_1237 : memref<589824x96xbf16, #tpu.memory_space<hbm>>) dst(%arg26 : memref<128x96xbf16, #tpu.memory_space<vmem>>)
    %dma_wait3A_1238 = arith.constant 0 : i32
    %dma_wait3A_1239 = arith.constant 0 : i32
    %dma_wait3A_1240 = tpu.memref_slice %arg2[%dma_wait3A_1238, %dma_wait3A_1239] : memref<589824x96xbf16, #tpu.memory_space<hbm>> -> memref<589824x96xbf16, #tpu.memory_space<hbm>>
    tpu.wait_indirect_dma semaphore(%arg34 : memref<!tpu.dma_semaphore, #tpu.memory_space<semaphore_mem>>) src(%dma_wait3A_1240 : memref<589824x96xbf16, #tpu.memory_space<hbm>>) dst(%arg27 : memref<128x96xbf16, #tpu.memory_space<vmem>>)
    %dma_wait3A_1241 = arith.constant 0 : i32
    %dma_wait3A_1242 = arith.constant 0 : i32
    %dma_wait3A_1243 = arith.constant 0 : i32
    %dma_wait3A_1244 = arith.constant 0 : i32
    %dma_wait3A_1245 = tpu.memref_slice %arg5[%dma_wait3A_1241, %dma_wait3A_1242, %dma_wait3A_1243, %dma_wait3A_1244] : memref<4x384x384x128xf32, #tpu.memory_space<hbm>> -> memref<1x1x128x128xf32, #tpu.memory_space<hbm>>
    %dma_wait3A_1246 = tpu.memref_squeeze %dma_wait3A_1245 : memref<1x1x128x128xf32, #tpu.memory_space<hbm>> -> memref<128x128xf32, #tpu.memory_space<hbm>>
    %dma_wait3A_1247 = arith.constant 0 : i32
    %dma_wait3A_1248 = arith.constant 0 : i32
    %dma_wait3A_1249 = tpu.memref_slice %arg5[%dma_wait3A_1241, %dma_wait3A_1242, %dma_wait3A_1247, %dma_wait3A_1248] : memref<4x384x384x128xf32, #tpu.memory_space<hbm>> -> memref<1x1x128x128xf32, #tpu.memory_space<hbm>>
    %dma_wait3A_1250 = tpu.memref_squeeze %dma_wait3A_1249 : memref<1x1x128x128xf32, #tpu.memory_space<hbm>> -> memref<128x128xf32, #tpu.memory_space<hbm>>
    tpu.wait_dma2 semaphore(%arg36 : memref<!tpu.dma_semaphore, #tpu.memory_space<semaphore_mem>>) src(%arg32 : memref<128x128xf32, #tpu.memory_space<vmem>>) dst(%dma_wait3A_1250 : memref<128x128xf32, #tpu.memory_space<hbm>>)
    %dma_wait3A_1251 = arith.constant 0 : i32
    %dma_wait3A_1252 = arith.constant 0 : i32
    %dma_wait3A_1253 = arith.constant 0 : i32
    %dma_wait3A_1254 = arith.constant 0 : i32
    %dma_wait3A_1255 = tpu.memref_slice %arg5[%dma_wait3A_1251, %dma_wait3A_1252, %dma_wait3A_1253, %dma_wait3A_1254] : memref<4x384x384x128xf32, #tpu.memory_space<hbm>> -> memref<1x1x128x128xf32, #tpu.memory_space<hbm>>
    %dma_wait3A_1256 = tpu.memref_squeeze %dma_wait3A_1255 : memref<1x1x128x128xf32, #tpu.memory_space<hbm>> -> memref<128x128xf32, #tpu.memory_space<hbm>>
    %dma_wait3A_1257 = arith.constant 0 : i32
    %dma_wait3A_1258 = arith.constant 0 : i32
    %dma_wait3A_1259 = tpu.memref_slice %arg5[%dma_wait3A_1251, %dma_wait3A_1252, %dma_wait3A_1257, %dma_wait3A_1258] : memref<4x384x384x128xf32, #tpu.memory_space<hbm>> -> memref<1x1x128x128xf32, #tpu.memory_space<hbm>>
    %dma_wait3A_1260 = tpu.memref_squeeze %dma_wait3A_1259 : memref<1x1x128x128xf32, #tpu.memory_space<hbm>> -> memref<128x128xf32, #tpu.memory_space<hbm>>
    tpu.wait_dma2 semaphore(%arg37 : memref<!tpu.dma_semaphore, #tpu.memory_space<semaphore_mem>>) src(%arg33 : memref<128x128xf32, #tpu.memory_space<vmem>>) dst(%dma_wait3A_1260 : memref<128x128xf32, #tpu.memory_space<hbm>>)
    return
  }
}

module attributes {stable_mosaic.version = 14 : i64} {
  func.func @body(%arg0: i32, %arg1: i32, %arg2: memref<1x96x8x384xf32, #tpu.memory_space<vmem>>, %arg3: memref<3072x96xbf16, #tpu.memory_space<vmem>>) attributes {dimension_semantics = [#tpu.dimension_semantics<arbitrary>, #tpu.dimension_semantics<arbitrary>], iteration_bounds = array<i64: 4, 48>, scalar_prefetch = 0 : i64, scratch_operands = 0 : i64, tpu.core_type = #tpu.core_type<tc>, window_params = [{transform_indices = @transform_0, window_bounds = array<i64: 1, 96, 8, 384>}, {transform_indices = @transform_1, window_bounds = array<i64: 3072, 96>}]} {
    %get3A = arith.constant 0 : index
    %get3A_0 = arith.constant 0 : index
    %get3A_1 = arith.constant 0 : index
    %get3A_2 = arith.constant 0 : index
    %get3A_3 = vector.load %arg2[%get3A, %get3A_0, %get3A_1, %get3A_2] : memref<1x96x8x384xf32, #tpu.memory_space<vmem>>, vector<1x96x8x384xf32>
    %get3A_4 = vector.shape_cast %get3A_3 : vector<1x96x8x384xf32> to vector<96x8x384xf32>
    %reshape3A = vector.shape_cast %get3A_4 : vector<96x8x384xf32> to vector<96x3072xf32>
    %convert_element_type3A = arith.truncf %reshape3A : vector<96x3072xf32> to vector<96x3072xbf16>
    %transpose3A = tpu.transpose %convert_element_type3A, [1, 0] : vector<96x3072xbf16> -> vector<3072x96xbf16>
    %swap3A = arith.constant 0 : index
    %swap3A_5 = arith.constant 0 : index
    %swap3A_6 = vector.load %arg3[%swap3A, %swap3A_5] : memref<3072x96xbf16, #tpu.memory_space<vmem>>, vector<3072x96xbf16>
    tpu.vector_store %arg3[%swap3A, %swap3A_5], %transpose3A {strides = array<i32>} : memref<3072x96xbf16, #tpu.memory_space<vmem>>, vector<3072x96xbf16>,
    return
  }
  func.func @transform_0(%arg0: i32, %arg1: i32) -> (i32, i32, i32, i32) {
    %c0_i32 = arith.constant 0 : i32
    %c0_i32_0 = arith.constant 0 : i32
    %c0_i32_1 = arith.constant 0 : i32
    return %arg0, %c0_i32, %arg1, %c0_i32_0 : i32, i32, i32, i32
  }
  func.func @transform_1(%arg0: i32, %arg1: i32) -> (i32, i32) {
    %mul3A = arith.constant 48 : i32
    %mul3A_0 = arith.muli %arg0, %mul3A : i32
    %add3A = arith.addi %mul3A_0, %arg1 : i32
    %c0_i32 = arith.constant 0 : i32
    %c0_i32_1 = arith.constant 0 : i32
    return %add3A, %c0_i32 : i32, i32
  }
}

module attributes {stable_mosaic.version = 14 : i64} {
  func.func @body(%arg0: i32, %arg1: i32, %arg2: memref<1x8x384x128xf32, #tpu.memory_space<vmem>>, %arg3: memref<1x96x8x384xf32, #tpu.memory_space<vmem>>) attributes {dimension_semantics = [#tpu.dimension_semantics<arbitrary>, #tpu.dimension_semantics<arbitrary>], iteration_bounds = array<i64: 4, 48>, scalar_prefetch = 0 : i64, scratch_operands = 0 : i64, tpu.core_type = #tpu.core_type<tc>, window_params = [{transform_indices = @transform_0, window_bounds = array<i64: 1, 8, 384, 128>}, {transform_indices = @transform_1, window_bounds = array<i64: 1, 96, 8, 384>}]} {
    %get3A = arith.constant 0 : index
    %get3A_0 = arith.constant 0 : index
    %get3A_1 = arith.constant 0 : index
    %get3A_2 = arith.constant 0 : index
    %get3A_3 = vector.load %arg2[%get3A, %get3A_0, %get3A_1, %get3A_2] : memref<1x8x384x128xf32, #tpu.memory_space<vmem>>, vector<1x8x384x128xf32>
    %get3A_4 = vector.shape_cast %get3A_3 : vector<1x8x384x128xf32> to vector<8x384x128xf32>
    %reshape3A = vector.shape_cast %get3A_4 : vector<8x384x128xf32> to vector<3072x128xf32>
    %slice3A = vector.extract_strided_slice %reshape3A {offsets = [0, 0], sizes = [3072, 96], strides = [1, 1]} : vector<3072x128xf32> to vector<3072x96xf32>
    %transpose3A = tpu.transpose %slice3A, [1, 0] : vector<3072x96xf32> -> vector<96x3072xf32>
    %reshape3A_5 = vector.shape_cast %transpose3A : vector<96x3072xf32> to vector<96x8x384xf32>
    %swap3A = arith.constant 0 : index
    %swap3A_6 = arith.constant 0 : index
    %swap3A_7 = arith.constant 0 : index
    %swap3A_8 = arith.constant 0 : index
    %swap3A_9 = vector.load %arg3[%swap3A, %swap3A_6, %swap3A_7, %swap3A_8] : memref<1x96x8x384xf32, #tpu.memory_space<vmem>>, vector<1x96x8x384xf32>
    %swap3A_10 = vector.shape_cast %swap3A_9 : vector<1x96x8x384xf32> to vector<96x8x384xf32>
    %swap3A_11 = vector.shape_cast %reshape3A_5 : vector<96x8x384xf32> to vector<1x96x8x384xf32>
    tpu.vector_store %arg3[%swap3A, %swap3A_6, %swap3A_7, %swap3A_8], %swap3A_11 {strides = array<i32>} : memref<1x96x8x384xf32, #tpu.memory_space<vmem>>, vector<1x96x8x384xf32>,
    return
  }
  func.func @transform_0(%arg0: i32, %arg1: i32) -> (i32, i32, i32, i32) {
    %c0_i32 = arith.constant 0 : i32
    %c0_i32_0 = arith.constant 0 : i32
    %c0_i32_1 = arith.constant 0 : i32
    return %arg0, %arg1, %c0_i32, %c0_i32_0 : i32, i32, i32, i32
  }
  func.func @transform_1(%arg0: i32, %arg1: i32) -> (i32, i32, i32, i32) {
    %c0_i32 = arith.constant 0 : i32
    %c0_i32_0 = arith.constant 0 : i32
    %c0_i32_1 = arith.constant 0 : i32
    return %arg0, %c0_i32, %arg1, %c0_i32_0 : i32, i32, i32, i32
  }
}

</mosaic_0001>

<sc_bundles>
// kernel: kernel.5.cloned.1.call-start
scs
__scs_entry_jumppad:
0x0: {  	(pc) =	sbr.rel $0x88, $3  }
0x1: {  	(tag) =	ssettag $0x0;
	lr =	simm.s32 $0x1  }
0x2: {  	[smem:$0x3F9F] =	sst lr;
	_ =	strace $0xD0000000  }
0x3: {  	_ = 	snop  }
0x4: {  	_ = 	snop  }
0x5: {  	_ = 	snop  }
0x6: {  	_ = 	snop  }
0x7: {  	_ = 	snop  }
__scs_overlays_trampoline_lowered:
0x8: {  	[smem:$0x3FAE] =	sst s0  }
0x9: {  	[smem:$0x3FAF] =	sst s1  }
0xa: {  	[smem:$0x3FB0] =	sst s2  }
0xb: {  	[smem:$0x3FB1] =	sst s3  }
0xc: {  	[smem:$0x3FB2] =	sst s4  }
0xd: {  	[smem:$0x3FB3] =	sst s5  }
0xe: {  	[smem:$0x3FB4] =	sst s6  }
0xf: {  	[smem:$0x3FB5] =	sst s7  }
0x10: {  	[smem:$0x3FB6] =	sst s8  }
0x11: {  	[smem:$0x3FB7] =	sst s9;
	s0 =	simm.s32 @!p0 $0x0  }
0x12: {  	s1 =	sld [smem:$0x3F9D];
	s0 =	simm.s32 @p0 $0x1  }
0x13: {  	[smem:$0x3FB8] =	sst s0;
	s0 =	simm.s32 @!p1 $0x0  }
0x14: {  	s2 =	sld [smem:$0x3F9C];
	s0 =	simm.s32 @p1 $0x1  }
0x15: {  	[smem:$0x3FB9] =	sst s0;
	s0 =	simm.s32 @!p2 $0x0  }
0x16: {  	s3 =	sld [smem:$0x3FDB];
	s0 =	simm.s32 @p2 $0x1  }
0x17: {  	s4 =	simm.s32 $0x1BF5;
	[smem:$0x3FBB] =	sst s0  }
0x18: {  	s0 =	sld [smem:$0x3F9E];
	_ =	swait.ge [sflag:s4], $0x0  }
0x19: {  	s7 =	sld [smem:$0x3F9F]  }
0x1a: {  	s8 =	sadd.s32 $0xFFFFE003, lr  }
0x1b: {  	s9 =	sadd.s32 $0xFFFFFEF7, lr;
	s5 =	simm.s32 $0xFFFFFFFF;
	p2 =	slt.u32 s8, $0xFFFFF086  }
0x1c: {  	p1 =	slt.u32 s9, $0xF7A;
	s5 =	simm.s32 @!p2 $0x0  }
0x1d: {  	s5 =	simm.s32 @p1 $0x1;
	p0 =	seq.s32 s7, s2  }
0x1e: {  	s7 =	smul.u32 @!p0 $0xF7A, s2;
	p2 =	seq.s32 @!p0 s5, $0x0  }
0x1f: {  	s9 =	smul.u32 $0xF7A, s1;
	s8 =	simm.s32 @!p0 $0x1BF5;
	p2 =	por !p2, p0  }
0x20: {  	[sflag:s8] =	ssyncset.s32 @!p0 $0xFFFFF086;
	s6 =	sadd.s32 @!p0 s3, s7;
	s7 =	simm.s32 @!p0 $0x108  }
0x21: {  	s3 =	sadd.s32 s3, s9;
	s6 =	sadd.s32 @!p0 $0x88, s6;
	s7 =	simm.s32 @p2 $0x1082  }
0x22: {  	[simem:s7], [sflag:s8] =	dma.local @!p0 [hbm:s6], $0xF7A  }
0x23: {  	s9 =	sor.u32 $0xD0000000, s2;
	s6 =	simm.s32 $0x108;
	_ =	swait.ge @!p0 [sflag:s8], $0x0  }
0x24: {  	s3 =	sadd.s32 $0x88, s3;
	s6 =	simm.s32 @!p1 $0x1082;
	[sflag:s4] =	ssyncset.s32 $0xFFFFF086  }
0x25: {  	[simem:s6], [sflag:s4] =	dma.local [hbm:s3], $0xF7A  }
0x26: {  	[smem:$0x3F9F] =	sst s1;
	(tag) =	ssettag s2;
	_ =	strace s9  }
0x27: {  	s1 =	sld [smem:$0x3FAF]  }
0x28: {  	s2 =	sld [smem:$0x3FB0]  }
0x29: {  	s4 =	sld [smem:$0x3FB2]  }
0x2a: {  	p0 =	seq.s32 s5, $0x0;
	s5 =	sld [smem:$0x3FB3]  }
0x2b: {  	s6 =	sld [smem:$0x3FB4]  }
0x2c: {  	s7 =	sld [smem:$0x3FB5]  }
0x2d: {  	s3 =	simm.s32 $0x108;
	s8 =	sld [smem:$0x3FB6]  }
0x2e: {  	s3 =	simm.s32 @!p0 $0x1082;
	s9 =	sld [smem:$0x3FB7]  }
0x2f: {  	lr =	sadd.s32 s0, s3;
	s0 =	sld [smem:$0x3FAE]  }
0x30: {  	s3 =	sld [smem:$0x3FB1]  }
0x31: {  	[smem:$0x3FBA] =	sst s10  }
0x32: {  	s10 =	sld [smem:$0x3FB8];
	_ =	sdelay $0x3  }
0x33: {  	p0 =	seq.s32 s10, $0x1;
	s10 =	sld [smem:$0x3FBA];
	_ =	sdelay $0x3  }
0x34: {  	[smem:$0x3FBA] =	sst s10  }
0x35: {  	s10 =	sld [smem:$0x3FB9];
	_ =	sdelay $0x3  }
0x36: {  	p1 =	seq.s32 s10, $0x1;
	s10 =	sld [smem:$0x3FBA];
	_ =	sdelay $0x3  }
0x37: {  	[smem:$0x3FBA] =	sst s10  }
0x38: {  	s10 =	sld [smem:$0x3FBB]  }
0x39: {  	_ = 	snop;
	(pc) =	sbr.ind lr, $3  }
0x3a: {  	_ = 	snop  }
0x3b: {  	_ = 	snop  }
0x3c: {  	p2 =	seq.s32 s10, $0x1;
	s10 =	sld [smem:$0x3FBA]  }
0x3d: {  	_ =	shalt  }
0x3e: {  	_ =	shalt  }
0x3f: {  	_ =	shalt  }
0x40: {  	_ =	shalt  }
0x41: {  	_ =	shalt  }
0x42: {  	_ =	shalt  }
0x43: {  	_ =	shalt  }
0x44: {  	_ =	shalt  }
0x45: {  	_ =	shalt  }
0x46: {  	_ =	shalt  }
0x47: {  	_ =	shalt  }
0x48: {  	_ =	shalt  }
0x49: {  	_ =	shalt  }
0x4a: {  	_ =	shalt  }
0x4b: {  	_ =	shalt  }
0x4c: {  	_ =	shalt  }
0x4d: {  	_ =	shalt  }
0x4e: {  	_ =	shalt  }
0x4f: {  	_ =	shalt  }
0x50: {  	_ =	shalt  }
0x51: {  	_ =	shalt  }
0x52: {  	_ =	shalt  }
0x53: {  	_ =	shalt  }
0x54: {  	_ =	shalt  }
0x55: {  	_ =	shalt  }
0x56: {  	_ =	shalt  }
0x57: {  	_ =	shalt  }
0x58: {  	_ =	shalt  }
0x59: {  	_ =	shalt  }
0x5a: {  	_ =	shalt  }
0x5b: {  	_ =	shalt  }
0x5c: {  	_ =	shalt  }
0x5d: {  	_ =	shalt  }
0x5e: {  	_ =	shalt  }
0x5f: {  	_ =	shalt  }
0x60: {  	_ =	shalt  }
0x61: {  	_ =	shalt  }
0x62: {  	_ =	shalt  }
0x63: {  	_ =	shalt  }
0x64: {  	_ =	shalt  }
0x65: {  	_ =	shalt  }
0x66: {  	_ =	shalt  }
0x67: {  	_ =	shalt  }
0x68: {  	_ =	shalt  }
0x69: {  	_ =	shalt  }
0x6a: {  	_ =	shalt  }
0x6b: {  	_ =	shalt  }
0x6c: {  	_ =	shalt  }
0x6d: {  	_ =	shalt  }
0x6e: {  	_ =	shalt  }
0x6f: {  	_ =	shalt  }
0x70: {  	_ =	shalt  }
0x71: {  	_ =	shalt  }
0x72: {  	_ =	shalt  }
0x73: {  	_ =	shalt  }
0x74: {  	_ =	shalt  }
0x75: {  	_ =	shalt  }
0x76: {  	_ =	shalt  }
0x77: {  	_ =	shalt  }
0x78: {  	_ =	shalt  }
0x79: {  	_ =	shalt  }
0x7a: {  	_ =	shalt  }
0x7b: {  	_ =	shalt  }
0x7c: {  	_ =	shalt  }
0x7d: {  	_ =	shalt  }
0x7e: {  	_ =	shalt  }
0x7f: {  	_ =	shalt  }
0x80: {  	_ =	shalt  }
0x81: {  	_ =	shalt  }
0x82: {  	_ =	shalt  }
0x83: {  	_ =	shalt  }
0x84: {  	_ =	shalt  }
0x85: {  	_ =	shalt  }
0x86: {  	_ =	shalt  }
0x87: {  	_ =	shalt  }
.Lfunc_end0:
.L_simem_size_0:
called_computation.1_lowered:
.L_overlay_start_0:
0x88: {  	s2 =	sld [smem:$0x3FD9]  }
0x89: {  	s3 =	sld [smem:$0x3FFE];
	_ =	sdelay $0x1  }
0x8a: {  	s1 =	srdreg.scid  }
0x8b: {  	s0 =	sand.u32 $0x1, s1  }
0x8c: {  	s16 =	sshll.u32 s0, $0xA;
	s2 =	sadd.s32 s3, s2  }
0x8d: {  	s2 =	sadd.s32 s2, s16  }
0x8e: {  	[smem:$0x3FC6] =	sst s2  }
0x8f: {  	_ = 	snop  }
0x90: {  	(tm) =	ssettm $0x1  }
0x91: {  	s17 =	sld [smem:$0x3FFB];
	_ =	sdelay $0x3  }
0x92: {  	_ =	strace s17  }
0x93: {  	s2 =	sld [smem:$0x3FFC];
	_ =	sdelay $0x3  }
0x94: {  	_ =	strace s2  }
0x95: {  	s2 =	sld [smem:$0x3FFD];
	_ =	sdelay $0x3  }
0x96: {  	_ =	strace s2  }
0x97: {  	_ =	strace $0x8FFFFFFF  }
0x98: {  	s18 =	sld [smem:$0x3FDB];
	_ =	sdelay $0x1  }
0x99: {  	s19 =	simm.s32 $_scs_section_size  }
0x9a: {  	s4 =	simm.s32 $_size__tile_overlayer_lowered;
	s5 =	simm.s32 $_tile_overlayer_lowered  }
0x9b: {  	s22 =	simm.s32 $0x1BFF;
	s21 =	sshll.u32 s5, $0x1;
	s2 =	sadd.s32 s19, s18  }
0x9c: {  	s6 =	simm.s32 $0x0;
	s20 =	sshll.u32 s4, $0x1;
	s4 =	sadd.s32 s21, s2  }
0x9d: {  	[timem:s6], [sflag:s22] =	dma.local [hbm:s4], s20  }
0x9e: {  	_ =	swait.ge [sflag:s22], s20  }
0x9f: {  	s3 =	ssub.s32 $0x0, s20;
	[sflag:s22] =	ssyncset.done $0x0  }
0xa0: {  	[sflag:s22] =	ssyncadd.s32 s3;
	_ =	sdelay $0x1  }
0xa1: {  	s23 =	simm.s32 $0x1B8B  }
0xa2: {  	_ =	swait.ge [sflag:s23], $0x1  }
0xa3: {  	[sflag:s23] =	ssyncset.done $0x0  }
0xa4: {  	s25 =	simm.s32 $0x1B8E;
	s24 =	sld [smem:$0x3FFE];
	[sflag:s23] =	ssyncadd.s32 $0xFFFFFFFF  }
0xa5: {  	s26 =	simm.s32 $execute0_lowered;
	[smem:$0x3FD2] =	sst s25  }
0xa6: {  	s4 =	sshll.u32 s26, $0x1;
	_ =	strace $0x80000049;
	[dreg:$0x1] =	wrdreg $0xFFFFFFFF  }
0xa7: {  	s28 =	simm.s32 $_size_execute0_lowered;
	s2 =	sadd.s32 s2, s4;
	[dreg:$0x0] =	wrdreg $0x0  }
0xa8: {  	s4 =	sshll.u32 s28, $0x1;
	[dreg:$0x2] =	wrdreg s2  }
0xa9: {  	[dreg:$0x3] =	wrdreg s4  }
0xaa: {  	[dreg:$0x4] =	wrdreg $0xC0  }
0xab: {  	_ =	task [dreg:s6], $0x5FFFF  }
0xac: {  	[dreg:$0x1] =	wrdreg $0xFFFFFFFF  }
0xad: {  	[dreg:$0x0] =	wrdreg $0x60  }
0xae: {  	[dreg:$0x2] =	wrdreg s24  }
0xaf: {  	[dreg:$0x3] =	wrdreg $0x9  }
0xb0: {  	_ =	task.clear_ibuf [dreg:s6], $0x4FFFF;
	_ =	strace $0x90000049  }
0xb1: {  	s29 =	simm.s32 $0x9;
	_ =	strace $0x8000004B  }
0xb2: {  	_ =	swait.ge [sflag:s29], $0x1  }
0xb3: {  	[sflag:s29] =	ssyncadd.s32 $0xFFFFFFFF  }
0xb4: {  	_ =	strace $0x9000004B  }
0xb5: {  	_ =	sfence  }
0xb6: {  	s30 =	sld [smem:$0x0];
	_ =	sdelay $0x2  }
0xb7: {  	s31 =	sshll.u32 s1, $0xD;
	s1 =	sshrl.u32 s1, $0x2  }
0xb8: {  	s3 =	sand.u32 $0x4000, s31;
	s1 =	sadd.s32 s1, s30  }
0xb9: {  	s0 =	sor.u32 s3, s0;
	s1 =	sshll.u32 s1, $0x11  }
0xba: {  	s0 =	sor.u32 s1, s0  }
0xbb: {  	s0 =	sadd.s32 $0x8F2B, s0  }
0xbc: {  	[sflag:s0] =	ssyncadd.remote.s32 $0x1  }
0xbd: {  	_ =	sfence.sel $0xFFFF  }
0xbe: {  	[dreg:$0x0] =	wrdreg $0xFFFFFFFF;
	(pc) =	sbr.abs _section_cstart, $3  }
0xbf: {  	[dreg:$0x1] =	wrdreg $0xFFFFFFFF  }
0xc0: {  	_ =	task.clear_ibuf [dreg:s6], $0x2FFFF;
	_ =	strace $0x9FFFFFFF  }
0xc1: {  	(tm) =	ssettm $0x7FFFFFFF  }
tec
execute0_lowered:
.L_overlay_start_1:
0x0: {  	(tag) =	ssettag $0x1  }
0x1: {  	s0 =	rddreg [dreg:$0x0]  }
0x2: {  	s26 =	simm.s32 $0x0;
	s1 =	srdreg.scid;
	s5 =	stileid.u32  }
0x3: {  	s9 =	simm.s32 $0x580;
	s13 =	simm.s32 $0x600;
	s28 =	simm.s32 $0x700  }
0x4: {  	s29 =	simm.s32 $0x780;
	s30 =	simm.s32 $0x800;
	s31 =	simm.s32 $0x880  }
0x5: {  	[smem:$0x7FF] =	sst s26;
	s3 =	sadd.s32 $0xC00, s0;
	s1 =	sand.u32 $0x1, s1  }
0x6: {  	s2 =	sshll.u32 s5, $0x1;
	s6 =	sadd.s32 $0x360C00, s0;
	s7 =	sadd.s32 $0x372E00, s0  }
0x7: {  	s0 =	sadd.s32 $0x385000, s0;
	s21 =	sshrl.u32 s5, $0x2;
	_ =	strace $0x8000004A  }
0x8: {  	s4 =	ssub.s32 $0x2, s1;
	[dreg:$0x5] =	wrdreg s0;
	s22 =	smul.u32 $0x24000, s21  }
0x9: {  	s1 =	sor.u32 s1, s2;
	[dreg:$0x2] =	wrdreg s6;
	s24 =	smul.u32 $0x1200000, s21  }
0xa: {  	[dreg:$0x3] =	wrdreg s7;
	s8 =	smul.u32 $0x4800, s1;
	s1 =	sand.u32 $0x7, s1  }
0xb: {  	s19 =	sshrl.u32 s4, $0x1;
	s1 =	smul.u32 $0x4800, s1;
	[dreg:$0x9] =	wrdreg s24  }
0xc: {  	s20 =	ssub.s32 s4, s19;
	s24 =	simm.s32 $0x680;
	[dreg:$0x4] =	wrdreg s8  }
0xd: {  	s23 =	sshrl.u32 s8, $0x3;
	s25 =	sor.u32 $0x100, s8;
	[dreg:$0x8] =	wrdreg s1  }
0xe: {  	s0 =	smax.u32 s20, $0x1;
	s8 =	simm.s32 $0x500;
	[dreg:$0xa] =	wrdreg s25  }
0xf: {  	v1 =	vlaneseq.u32;
	s6 =	sadd.s32 s6, s23;
	s5 =	sadd.s32 s7, s23;
	[dreg:$0xb] =	wrdreg s0  }
0x10: {  	v1 =	vmul.u32 $0x2, v1;
	s1 =	simm.s32 $0x1;
	s25 =	simm.s32 $0xC900;
	[dreg:$0x6] =	wrdreg s6  }
0x11: {  	v0 =	vmov s22;
	s0 =	simm.s32 $0x10900;
	[dreg:$0x7] =	wrdreg s5;
	s5 =	simm.s32 $0x0  }
.LBB2_1:
0x12: {  	[dreg:$0xc] =	wrdreg s5  }
0x13: {  	s2 =	rddreg [dreg:$0x6];
	s4 =	simm.s32 $0x5  }
0x14: {  	[tilespmem:s26], [sflag:$0x5] =	stream.linear.gather [hbm4b:s2+s26], $0x80, $0x38;
	[tilespmem:$0x14900] =	vst v63  }
0x15: {  	_ =	swait.ge [sflag:s4], $0x80  }
0x16: {  	[sflag:s4] =	ssyncset.done $0x0  }
0x17: {  	s15 =	simm.s32 $0x80;
	s14 =	rddreg [dreg:$0x7];
	[sflag:s4] =	ssyncadd.s32 $0xFFFFFF80  }
0x18: {  	[tilespmem:s15], [sflag:$0x5] =	stream.linear.gather [hbm4b:s14+s26], $0x80, $0x38;
	[tilespmem:$0x14900] =	vst v63  }
0x19: {  	_ =	swait.ge [sflag:s4], $0x80  }
0x1a: {  	[sflag:s4] =	ssyncset.done $0x0  }
0x1b: {  	[sflag:s4] =	ssyncadd.s32 $0xFFFFFF80  }
0x1c: {  	v2 =	vld [tilespmem:$0x0]  }
0x1d: {  	v3 =	vld [tilespmem:$0x80]  }
0x1e: {  	v8 =	vld [tilespmem:$0x90];
	_ =	sdelay $0x3  }
0x1f: {  	v2 =	vadd.f32 $1.000000000e+00, v2  }
0x20: {  	v3 =	vadd.f32 $1.000000000e+00, v3;
	v8 =	vadd.f32 $1.000000000e+00, v8  }
0x21: {  	v2 =	vmul.f32 $3.840000000e+02, v2  }
0x22: {  	v3 =	vmul.f32 $3.840000000e+02, v3;
	v58 =	vmul.f32 $3.840000000e+02, v8  }
0x23: {  	v2 =	vadd.f32 $-1.000000000e+00, v2  }
0x24: {  	v3 =	vadd.f32 $-1.000000000e+00, v3;
	v60 =	vadd.f32 $-1.000000000e+00, v58  }
0x25: {  	v2 =	vmul.f32 $5.000000000e-01, v2  }
0x26: {  	v3 =	vmul.f32 $5.000000000e-01, v3;
	v63 =	vmul.f32 $5.000000000e-01, v60  }
0x27: {  	v4 =	vtrunc.f32 v2  }
0x28: {  	v5 =	vtrunc.f32 v3;
	v23 =	vtrunc.f32 v63  }
0x29: {  	v4 =	vcvt.f32.s32 v4;
	v5 =	vcvt.f32.s32 v5  }
0x2a: {  	v14 =	vcvt.f32.s32 v23  }
0x2b: {  	v4 =	vcvt.s32.f32 v4;
	v5 =	vcvt.s32.f32 v5  }
0x2c: {  	v54 =	vld [tilespmem:$0x10];
	v14 =	vcvt.s32.f32 v14  }
0x2d: {  	v6 =	vadd.f32 $-1.000000000e+00, v4;
	v7 =	vadd.f32 $-1.000000000e+00, v5  }
0x2e: {  	vm0 =	vlt.f32 v2, v4;
	vm1 =	vlt.f32 v3, v5;
	v17 =	vadd.f32 $-1.000000000e+00, v14  }
0x2f: {  	vm7 =	vlt.f32 v63, v14;
	v4 =	vsel vm0, v6, v4;
	v5 =	vsel vm1, v7, v5  }
0x30: {  	v14 =	vsel vm7, v17, v14;
	v2 =	vsub.f32 v2, v4;
	v4 =	vtrunc.f32 v4  }
0x31: {  	v6 =	vadd.f32 $1.000000000e+00, v54;
	v7 =	vtrunc.f32 v5;
	v28 =	vtrunc.f32 v14  }
0x32: {  	v3 =	vsub.f32 v3, v5;
	v4 =	vcvt.f32.s32 v4;
	v7 =	vcvt.f32.s32 v7  }
0x33: {  	v57 =	vmul.f32 $3.840000000e+02, v6;
	v29 =	vcvt.f32.s32 v28  }
0x34: {  	v55 =	vsub.f32 $1.000000000e+00, v2;
	v56 =	vsub.f32 $1.000000000e+00, v3;
	v9 =	vadd.s32 $0x1, v4  }
0x35: {  	v48 =	vld [tilespmem:$0xB0];
	v10 =	vadd.s32 $0x1, v7;
	vm10 =	vlt.u32 v4, $0x180;
	vm12 =	vlt.u32 v7, $0x180  }
0x36: {  	vm14 =	vgt.s32 v4, $0x0;
	v59 =	vadd.f32 $-1.000000000e+00, v57;
	vm15 =	vgt.s32 v7, $0x0  }
0x37: {  	v31 =	vadd.s32 $0x1, v29;
	v11 =	vnsel vm10, $0x0, v55;
	vm11 =	vlt.u32 v9, $0x180  }
0x38: {  	vm13 =	vlt.u32 v10, $0x180;
	v61 =	vnsel vm15, $0x0, v7;
	vm4 =	vgt.s32 v10, $0x0  }
0x39: {  	vm5 =	vgt.s32 v9, $0x0;
	vm10 =	vlt.u32 v29, $0x180;
	vm15 =	vgt.s32 v31, $0x0  }
0x3a: {  	v55 =	vadd.f32 $1.000000000e+00, v48;
	v12 =	vnsel vm11, $0x0, v2;
	v2 =	vnsel vm12, $0x0, v56  }
0x3b: {  	v13 =	vnsel vm13, $0x0, v3;
	v3 =	vnsel vm14, $0x0, v4;
	v4 =	vmul.f32 $5.000000000e-01, v59  }
0x3c: {  	v62 =	vnsel vm4, $0x0, v10;
	v20 =	vmin.u32 v61, $0x17F;
	v9 =	vnsel vm5, $0x0, v9  }
0x3d: {  	v10 =	vsub.f32 v63, v14;
	vm11 =	vlt.u32 v31, $0x180;
	vm13 =	vgt.s32 v29, $0x0  }
0x3e: {  	v39 =	vnsel vm15, $0x0, v31;
	v3 =	vmin.u32 v3, $0x17F;
	v21 =	vmin.u32 v62, $0x17F  }
0x3f: {  	v5 =	vmul.u32 $0x180, v20;
	v22 =	vtrunc.f32 v4;
	v6 =	vmul.u32 $0x180, v21  }
0x40: {  	v9 =	vmin.u32 v9, $0x17F;
	v34 =	vsub.f32 $1.000000000e+00, v10;
	v7 =	vcvt.f32.s32 v22  }
0x41: {  	v24 =	vld [tilespmem:$0x20];
	v20 =	vnsel vm11, $0x0, v10;
	v5 =	vadd.s32 v0, v5;
	v6 =	vadd.s32 v0, v6  }
0x42: {  	v27 =	vld [tilespmem:$0xA0];
	v8 =	vadd.s32 v3, v5;
	v17 =	vnsel vm10, $0x0, v34;
	v15 =	vcvt.s32.f32 v7  }
0x43: {  	v7 =	vadd.s32 v9, v5;
	v5 =	vadd.s32 v3, v6;
	v3 =	vmul.f32 v2, v11  }
0x44: {  	v2 =	vmul.f32 v12, v2;
	v9 =	vadd.s32 v9, v6;
	v16 =	vadd.f32 $-1.000000000e+00, v15  }
0x45: {  	v6 =	vmul.f32 v13, v11;
	v11 =	vnsel vm13, $0x0, v29;
	vm6 =	vlt.f32 v4, v15  }
0x46: {  	v11 =	vmin.u32 v11, $0x17F;
	v15 =	vsel vm6, v16, v15;
	v16 =	vadd.f32 $1.000000000e+00, v24  }
0x47: {  	v25 =	vsub.f32 v4, v15;
	v26 =	vtrunc.f32 v15;
	v15 =	vadd.f32 $1.000000000e+00, v27  }
0x48: {  	v11 =	vmul.u32 $0x180, v11;
	v4 =	vmul.f32 v13, v12;
	v16 =	vmul.f32 $3.840000000e+02, v16  }
0x49: {  	v12 =	vmin.u32 v39, $0x17F;
	v18 =	vcvt.f32.s32 v26;
	v15 =	vmul.f32 $3.840000000e+02, v15  }
0x4a: {  	v11 =	vadd.s32 v0, v11;
	v41 =	vmul.u32 $0x180, v12;
	v35 =	vadd.f32 $-1.000000000e+00, v16  }
0x4b: {  	v19 =	vsub.f32 $1.000000000e+00, v25;
	vm8 =	vlt.u32 v18, $0x180;
	v15 =	vadd.f32 $-1.000000000e+00, v15  }
0x4c: {  	v30 =	vadd.s32 $0x1, v18;
	vm12 =	vgt.s32 v18, $0x0;
	v37 =	vmul.f32 $5.000000000e-01, v35  }
0x4d: {  	v32 =	vnsel vm8, $0x0, v19;
	vm9 =	vlt.u32 v30, $0x180;
	v21 =	vmul.f32 $5.000000000e-01, v15  }
0x4e: {  	v36 =	vnsel vm12, $0x0, v18;
	vm14 =	vgt.s32 v30, $0x0;
	v40 =	vtrunc.f32 v37  }
0x4f: {  	v33 =	vnsel vm9, $0x0, v25;
	v15 =	vtrunc.f32 v21;
	v13 =	vcvt.f32.s32 v40  }
0x50: {  	v38 =	vnsel vm14, $0x0, v30;
	v22 =	vmin.u32 v36, $0x17F;
	v15 =	vcvt.f32.s32 v15  }
0x51: {  	v25 =	vadd.s32 v0, v41;
	v14 =	vmul.f32 v20, v32;
	v42 =	vcvt.s32.f32 v13  }
0x52: {  	v45 =	vld [tilespmem:$0x30];
	v23 =	vmin.u32 v38, $0x17F;
	v16 =	vadd.s32 v22, v11;
	v24 =	vcvt.s32.f32 v15  }
0x53: {  	v10 =	vmul.f32 v33, v17;
	v13 =	vadd.s32 v22, v25;
	v43 =	vadd.f32 $-1.000000000e+00, v42  }
0x54: {  	v15 =	vadd.s32 v23, v11;
	vm4 =	vlt.f32 v37, v42;
	v26 =	vadd.f32 $-1.000000000e+00, v24  }
0x55: {  	v11 =	vmul.f32 v17, v32;
	vm5 =	vlt.f32 v21, v24;
	v12 =	vsel vm4, v43, v42  }
0x56: {  	v17 =	vadd.s32 v23, v25;
	v44 =	vsel vm5, v26, v24;
	v46 =	vtrunc.f32 v12  }
0x57: {  	v18 =	vsub.f32 v37, v12;
	v12 =	vmul.f32 v20, v33;
	v24 =	vadd.f32 $1.000000000e+00, v45  }
0x58: {  	v47 =	vtrunc.f32 v44;
	v23 =	vcvt.f32.s32 v46;
	v49 =	vsub.f32 v21, v44  }
0x59: {  	v43 =	vld [tilespmem:$0xC0];
	v25 =	vcvt.f32.s32 v47;
	v52 =	vsub.f32 $1.000000000e+00, v18;
	v54 =	vmul.f32 $3.840000000e+02, v24  }
0x5a: {  	v24 =	vmul.f32 $3.840000000e+02, v55;
	v50 =	vadd.s32 $0x1, v23;
	vm6 =	vlt.u32 v23, $0x180  }
0x5b: {  	v53 =	vsub.f32 $1.000000000e+00, v49;
	vm10 =	vgt.s32 v23, $0x0;
	v51 =	vadd.s32 $0x1, v25  }
0x5c: {  	vm7 =	vlt.u32 v50, $0x180;
	v27 =	vnsel vm6, $0x0, v52;
	vm8 =	vlt.u32 v25, $0x180  }
0x5d: {  	v23 =	vnsel vm10, $0x0, v23;
	v22 =	vadd.f32 $-1.000000000e+00, v54;
	vm11 =	vgt.s32 v25, $0x0  }
0x5e: {  	v60 =	vadd.f32 $-1.000000000e+00, v24;
	vm12 =	vgt.s32 v50, $0x0;
	v46 =	vadd.f32 $1.000000000e+00, v43  }
0x5f: {  	v28 =	vnsel vm7, $0x0, v18;
	v18 =	vnsel vm8, $0x0, v53;
	vm9 =	vlt.u32 v51, $0x180  }
0x60: {  	v57 =	vmin.u32 v23, $0x17F;
	v58 =	vnsel vm11, $0x0, v25;
	vm13 =	vgt.s32 v51, $0x0  }
0x61: {  	v20 =	vnsel vm12, $0x0, v50;
	v59 =	vmul.f32 $5.000000000e-01, v22;
	v23 =	vmin.u32 v58, $0x17F  }
0x62: {  	v21 =	vnsel vm13, $0x0, v51;
	v29 =	vmul.f32 $5.000000000e-01, v60;
	v31 =	vmin.u32 v20, $0x17F  }
0x63: {  	v39 =	vld [tilespmem:$0x40];
	v20 =	vmul.f32 v18, v27;
	v21 =	vmin.u32 v21, $0x17F;
	v23 =	vmul.u32 $0x180, v23  }
0x64: {  	v61 =	vtrunc.f32 v59;
	v21 =	vmul.u32 $0x180, v21;
	v62 =	vtrunc.f32 v29  }
0x65: {  	v56 =	vnsel vm9, $0x0, v49;
	v22 =	vcvt.f32.s32 v61;
	v63 =	vcvt.f32.s32 v62  }
0x66: {  	v19 =	vmul.f32 v28, v18;
	v23 =	vadd.s32 v0, v23;
	v21 =	vadd.s32 v0, v21  }
0x67: {  	v30 =	vcvt.s32.f32 v22;
	v33 =	vcvt.s32.f32 v63;
	v22 =	vadd.s32 v57, v21  }
0x68: {  	v25 =	vadd.s32 v31, v21;
	v21 =	vmul.f32 v56, v28;
	v28 =	vadd.f32 $1.000000000e+00, v39  }
0x69: {  	v48 =	vld [tilespmem:$0x50];
	v18 =	vmul.f32 v56, v27;
	v24 =	vadd.s32 v57, v23;
	v32 =	vadd.f32 $-1.000000000e+00, v30  }
0x6a: {  	v36 =	vadd.f32 $-1.000000000e+00, v33;
	v45 =	vmul.f32 $3.840000000e+02, v28;
	v28 =	vmul.f32 $3.840000000e+02, v46  }
0x6b: {  	v23 =	vadd.s32 v31, v23;
	vm14 =	vlt.f32 v59, v30;
	vm15 =	vlt.f32 v29, v33  }
0x6c: {  	v30 =	vsel vm14, v32, v30;
	v32 =	vsel vm15, v36, v33;
	v49 =	vadd.f32 $-1.000000000e+00, v28  }
0x6d: {  	v37 =	vtrunc.f32 v30;
	v30 =	vsub.f32 v59, v30;
	v29 =	vsub.f32 v29, v32  }
0x6e: {  	v38 =	vtrunc.f32 v32;
	v32 =	vadd.f32 $1.000000000e+00, v48;
	v27 =	vcvt.f32.s32 v37  }
0x6f: {  	v26 =	vcvt.f32.s32 v38;
	v41 =	vsub.f32 $1.000000000e+00, v30;
	v44 =	vsub.f32 $1.000000000e+00, v29  }
0x70: {  	v52 =	vmul.f32 $3.840000000e+02, v32;
	v40 =	vadd.s32 $0x1, v27;
	vm4 =	vlt.u32 v27, $0x180  }
0x71: {  	v42 =	vadd.s32 $0x1, v26;
	vm6 =	vlt.u32 v26, $0x180;
	vm7 =	vgt.s32 v27, $0x0  }
0x72: {  	vm10 =	vgt.s32 v26, $0x0;
	vm5 =	vlt.u32 v40, $0x180;
	v34 =	vnsel vm4, $0x0, v41  }
0x73: {  	v27 =	vnsel vm7, $0x0, v27;
	vm8 =	vlt.u32 v42, $0x180;
	v33 =	vnsel vm6, $0x0, v44  }
0x74: {  	v38 =	vld [tilespmem:$0xD0];
	vm9 =	vgt.s32 v40, $0x0;
	v26 =	vnsel vm10, $0x0, v26;
	vm11 =	vgt.s32 v42, $0x0  }
0x75: {  	v41 =	vmul.f32 $5.000000000e-01, v49;
	v55 =	vadd.f32 $-1.000000000e+00, v52;
	v35 =	vnsel vm5, $0x0, v30  }
0x76: {  	v29 =	vnsel vm8, $0x0, v29;
	v36 =	vmin.u32 v27, $0x17F;
	v26 =	vmin.u32 v26, $0x17F  }
0x77: {  	v47 =	vnsel vm11, $0x0, v42;
	v27 =	vadd.f32 $-1.000000000e+00, v45;
	v31 =	vnsel vm9, $0x0, v40  }
0x78: {  	v30 =	vmin.u32 v47, $0x17F;
	v26 =	vmul.u32 $0x180, v26;
	v39 =	vmin.u32 v31, $0x17F  }
0x79: {  	v42 =	vtrunc.f32 v41;
	v38 =	vadd.f32 $1.000000000e+00, v38;
	v28 =	vmul.f32 v29, v34  }
0x7a: {  	v29 =	vmul.f32 v29, v35;
	v30 =	vmul.u32 $0x180, v30;
	v37 =	vmul.f32 $5.000000000e-01, v27  }
0x7b: {  	v48 =	vld [tilespmem:$0xE0];
	v27 =	vmul.f32 v33, v34;
	v51 =	vcvt.f32.s32 v42;
	v26 =	vadd.s32 v0, v26  }
0x7c: {  	v53 =	vmul.f32 $3.840000000e+02, v38;
	v50 =	vadd.s32 v0, v30;
	v31 =	vadd.s32 v36, v26  }
0x7d: {  	v40 =	vtrunc.f32 v37;
	v30 =	vadd.s32 v39, v26;
	v26 =	vmul.f32 v35, v33  }
0x7e: {  	v40 =	vcvt.f32.s32 v40;
	v33 =	vadd.s32 v36, v50;
	v36 =	vcvt.s32.f32 v51  }
0x7f: {  	v32 =	vadd.s32 v39, v50;
	v34 =	vadd.f32 $-1.000000000e+00, v53;
	v39 =	vmul.f32 $5.000000000e-01, v55  }
0x80: {  	v51 =	vadd.f32 $1.000000000e+00, v48;
	v40 =	vcvt.s32.f32 v40;
	v57 =	vadd.f32 $-1.000000000e+00, v36  }
0x81: {  	vm13 =	vlt.f32 v41, v36;
	v34 =	vmul.f32 $5.000000000e-01, v34;
	v59 =	vtrunc.f32 v39  }
0x82: {  	v60 =	vcvt.f32.s32 v59;
	v54 =	vadd.f32 $-1.000000000e+00, v40;
	vm12 =	vlt.f32 v37, v40  }
0x83: {  	v36 =	vsel vm13, v57, v36;
	v61 =	vtrunc.f32 v34;
	v57 =	vmul.f32 $3.840000000e+02, v51  }
0x84: {  	v41 =	vsub.f32 v41, v36;
	v36 =	vtrunc.f32 v36;
	v56 =	vsel vm12, v54, v40  }
0x85: {  	v36 =	vcvt.f32.s32 v36;
	v40 =	vtrunc.f32 v56  }
0x86: {  	v35 =	vsub.f32 v37, v56;
	v37 =	vcvt.s32.f32 v60;
	v47 =	vsub.f32 $1.000000000e+00, v41  }
0x87: {  	v58 =	vcvt.f32.s32 v40;
	v40 =	vcvt.f32.s32 v61;
	v44 =	vadd.s32 $0x1, v36  }
0x88: {  	vm6 =	vlt.u32 v36, $0x180;
	vm10 =	vgt.s32 v36, $0x0;
	v62 =	vsub.f32 $1.000000000e+00, v35  }
0x89: {  	v45 =	vadd.f32 $-1.000000000e+00, v37;
	vm4 =	vlt.f32 v39, v37;
	v47 =	vnsel vm6, $0x0, v47  }
0x8a: {  	v63 =	vld [tilespmem:$0x60];
	vm7 =	vlt.u32 v44, $0x180;
	vm11 =	vgt.s32 v44, $0x0;
	v36 =	vnsel vm10, $0x0, v36  }
0x8b: {  	v43 =	vadd.s32 $0x1, v58;
	vm14 =	vlt.u32 v58, $0x180;
	v40 =	vcvt.s32.f32 v40  }
0x8c: {  	vm8 =	vgt.s32 v58, $0x0;
	v41 =	vnsel vm7, $0x0, v41;
	v44 =	vnsel vm11, $0x0, v44  }
0x8d: {  	v49 =	vmin.u32 v36, $0x17F;
	v42 =	vnsel vm14, $0x0, v62;
	vm15 =	vlt.u32 v43, $0x180  }
0x8e: {  	v37 =	vsel vm4, v45, v37;
	v38 =	vnsel vm8, $0x0, v58;
	vm9 =	vgt.s32 v43, $0x0  }
0x8f: {  	v45 =	vadd.f32 $1.000000000e+00, v63;
	v50 =	vmin.u32 v44, $0x17F;
	v52 =	vmul.u32 $0x180, v49  }
0x90: {  	[tilespmem:$0x100] =	vst v8;
	v46 =	vadd.f32 $-1.000000000e+00, v40;
	vm5 =	vlt.f32 v34, v40;
	v35 =	vnsel vm15, $0x0, v35  }
0x91: {  	[tilespmem:$0x180] =	vst v7;
	v43 =	vnsel vm9, $0x0, v43;
	v53 =	vmul.u32 $0x180, v50;
	v55 =	vmin.u32 v38, $0x17F  }
0x92: {  	[tilespmem:$0x200] =	vst v5;
	v36 =	vmul.f32 v47, v42;
	v59 =	vtrunc.f32 v37;
	v61 =	vsub.f32 v39, v37  }
0x93: {  	[tilespmem:$0x280] =	vst v9;
	v54 =	vmul.f32 $3.840000000e+02, v45;
	v56 =	vmin.u32 v43, $0x17F;
	v7 =	vadd.s32 v0, v52  }
0x94: {  	[tilespmem:$0x600] =	vst v6;
	v43 =	vadd.f32 $-1.000000000e+00, v57;
	v6 =	vcvt.f32.s32 v59;
	v57 =	vmul.f32 v41, v35  }
0x95: {  	[tilespmem:$0x500] =	vst v3;
	v40 =	vsel vm5, v46, v40;
	v8 =	vadd.s32 v0, v53;
	v3 =	vadd.s32 v55, v7  }
0x96: {  	[tilespmem:$0x580] =	vst v2;
	v2 =	vadd.s32 v56, v7;
	v7 =	vmul.f32 v35, v47;
	v46 =	vsub.f32 $1.000000000e+00, v61  }
0x97: {  	[tilespmem:$0x680] =	vst v4;
	v58 =	vadd.f32 $-1.000000000e+00, v54;
	v5 =	vadd.s32 v55, v8;
	v43 =	vmul.f32 $5.000000000e-01, v43  }
0x98: {  	[tilespmem:$0x110] =	vst v16;
	v4 =	vadd.s32 v56, v8;
	v63 =	vsub.f32 v34, v40;
	v44 =	vtrunc.f32 v40  }
0x99: {  	[tilespmem:$0x610] =	vst v14;
	v47 =	vadd.s32 $0x1, v6;
	vm12 =	vlt.u32 v6, $0x180;
	v56 =	vmul.f32 v41, v42  }
0x9a: {  	[tilespmem:$0x590] =	vst v10;
	vm6 =	vgt.s32 v6, $0x0;
	v45 =	vcvt.f32.s32 v44;
	v48 =	vnsel vm12, $0x0, v46  }
0x9b: {  	[tilespmem:$0x210] =	vst v13;
	vm13 =	vlt.u32 v47, $0x180;
	vm7 =	vgt.s32 v47, $0x0;
	v6 =	vnsel vm6, $0x0, v6  }
0x9c: {  	[tilespmem:$0x190] =	vst v15;
	v53 =	vld [tilespmem:$0x70];
	v9 =	vmul.f32 $5.000000000e-01, v58;
	v62 =	vtrunc.f32 v43;
	v50 =	vnsel vm13, $0x0, v61  }
0x9d: {  	[tilespmem:$0x290] =	vst v17;
	v52 =	vsub.f32 $1.000000000e+00, v63;
	v17 =	vnsel vm7, $0x0, v47;
	v6 =	vmin.u32 v6, $0x17F  }
0x9e: {  	[tilespmem:$0x510] =	vst v11;
	v55 =	vld [tilespmem:$0xF0];
	v37 =	vcvt.f32.s32 v62;
	v54 =	vadd.s32 $0x1, v45;
	vm4 =	vlt.u32 v45, $0x180  }
0x9f: {  	[tilespmem:$0x690] =	vst v12;
	vm8 =	vgt.s32 v45, $0x0;
	v17 =	vmin.u32 v17, $0x17F;
	v60 =	vtrunc.f32 v9  }
0xa0: {  	[tilespmem:$0x520] =	vst v20;
	v14 =	vnsel vm4, $0x0, v52;
	vm5 =	vlt.u32 v54, $0x180;
	vm9 =	vgt.s32 v54, $0x0  }
0xa1: {  	[tilespmem:$0x5A0] =	vst v19;
	v58 =	vadd.f32 $1.000000000e+00, v53;
	v13 =	vnsel vm8, $0x0, v45;
	v8 =	vcvt.f32.s32 v60  }
0xa2: {  	[tilespmem:$0x620] =	vst v18;
	v37 =	vcvt.s32.f32 v37;
	v15 =	vnsel vm5, $0x0, v63;
	v12 =	vnsel vm9, $0x0, v54  }
0xa3: {  	[tilespmem:$0x120] =	vst v24;
	v59 =	vadd.f32 $1.000000000e+00, v55;
	v13 =	vmin.u32 v13, $0x17F;
	v62 =	vmul.f32 v14, v48  }
0xa4: {  	[tilespmem:$0x1A0] =	vst v23;
	v14 =	vmul.f32 v50, v14;
	v60 =	vmul.f32 $3.840000000e+02, v58;
	v12 =	vmin.u32 v12, $0x17F  }
0xa5: {  	[tilespmem:$0x220] =	vst v22;
	v13 =	vmul.u32 $0x180, v13;
	v11 =	vmul.f32 v15, v48;
	v10 =	vmul.f32 v15, v50  }
0xa6: {  	[tilespmem:$0x2A0] =	vst v25;
	v8 =	vcvt.s32.f32 v8;
	v51 =	vadd.f32 $-1.000000000e+00, v37;
	vm15 =	vlt.f32 v43, v37  }
0xa7: {  	[tilespmem:$0x6A0] =	vst v21;
	v61 =	vmul.f32 $3.840000000e+02, v59;
	v12 =	vmul.u32 $0x180, v12;
	v19 =	vadd.f32 $-1.000000000e+00, v60  }
0xa8: {  	[tilespmem:$0x630] =	vst v28;
	v13 =	vadd.s32 v0, v13;
	v49 =	vadd.f32 $-1.000000000e+00, v8;
	vm14 =	vlt.f32 v9, v8  }
0xa9: {  	[tilespmem:$0x6B0] =	vst v29;
	v16 =	vsel vm15, v51, v37;
	v18 =	vadd.f32 $-1.000000000e+00, v61;
	v12 =	vadd.s32 v0, v12  }
0xaa: {  	[tilespmem:$0x530] =	vst v27;
	v63 =	vadd.s32 v6, v13;
	v13 =	vadd.s32 v17, v13;
	v19 =	vmul.f32 $5.000000000e-01, v19  }
0xab: {  	[tilespmem:$0x230] =	vst v33;
	v6 =	vadd.s32 v6, v12;
	v33 =	vsub.f32 v43, v16;
	v16 =	vtrunc.f32 v16  }
0xac: {  	[tilespmem:$0x140] =	vst v3;
	v8 =	vsel vm14, v49, v8;
	v18 =	vmul.f32 $5.000000000e-01, v18;
	v3 =	vcvt.f32.s32 v16  }
0xad: {  	[tilespmem:$0x130] =	vst v31;
	v12 =	vadd.s32 v17, v12;
	v25 =	vtrunc.f32 v19;
	v31 =	vtrunc.f32 v8  }
0xae: {  	[tilespmem:$0x1B0] =	vst v30;
	v8 =	vsub.f32 v9, v8;
	v39 =	vsub.f32 $1.000000000e+00, v33;
	v15 =	vcvt.f32.s32 v25  }
0xaf: {  	[tilespmem:$0x2B0] =	vst v32;
	v30 =	vtrunc.f32 v18;
	v32 =	vcvt.f32.s32 v31;
	vm14 =	vlt.u32 v3, $0x180  }
0xb0: {  	[tilespmem:$0x5B0] =	vst v26;
	v40 =	vadd.s32 $0x1, v3;
	vm15 =	vgt.s32 v3, $0x0;
	v23 =	vcvt.f32.s32 v30  }
0xb1: {  	[tilespmem:$0x2C0] =	vst v4;
	v38 =	vsub.f32 $1.000000000e+00, v8;
	v4 =	vnsel vm14, $0x0, v39;
	vm4 =	vlt.u32 v40, $0x180  }
0xb2: {  	[tilespmem:$0x540] =	vst v36;
	v3 =	vnsel vm15, $0x0, v3;
	vm5 =	vgt.s32 v40, $0x0;
	v15 =	vcvt.s32.f32 v15  }
0xb3: {  	[tilespmem:$0x1C0] =	vst v2;
	v34 =	vadd.s32 $0x1, v32;
	vm10 =	vlt.u32 v32, $0x180;
	v17 =	vnsel vm4, $0x0, v33  }
0xb4: {  	[tilespmem:$0x5C0] =	vst v7;
	v7 =	vnsel vm5, $0x0, v40;
	v3 =	vmin.u32 v3, $0x17F;
	vm6 =	vgt.s32 v32, $0x0  }
0xb5: {  	[tilespmem:$0x6C0] =	vst v57;
	v23 =	vcvt.s32.f32 v23;
	vm13 =	vlt.u32 v34, $0x180;
	v7 =	vmin.u32 v7, $0x17F  }
0xb6: {  	[tilespmem:$0x240] =	vst v5;
	v3 =	vmul.u32 $0x180, v3;
	v9 =	vnsel vm6, $0x0, v32;
	vm7 =	vgt.s32 v34, $0x0  }
0xb7: {  	[tilespmem:$0x640] =	vst v56;
	v35 =	vadd.f32 $-1.000000000e+00, v15;
	vm11 =	vlt.f32 v19, v15;
	v8 =	vnsel vm13, $0x0, v8  }
0xb8: {  	[tilespmem:$0x550] =	vst v62;
	v7 =	vmul.u32 $0x180, v7;
	v41 =	vnsel vm7, $0x0, v34;
	v9 =	vmin.u32 v9, $0x17F  }
0xb9: {  	[tilespmem:$0x5D0] =	vst v14;
	v2 =	vadd.f32 $-1.000000000e+00, v23;
	vm12 =	vlt.f32 v18, v23;
	v3 =	vadd.s32 v0, v3  }
0xba: {  	[tilespmem:$0x250] =	vst v6;
	v6 =	vmin.u32 v41, $0x17F;
	v48 =	vmul.f32 v17, v8;
	v37 =	vsel vm11, v35, v15  }
0xbb: {  	[tilespmem:$0x650] =	vst v11;
	v15 =	vnsel vm10, $0x0, v38;
	v7 =	vadd.s32 v0, v7;
	v42 =	vadd.s32 v9, v3  }
0xbc: {  	[tilespmem:$0x6D0] =	vst v10;
	v3 =	vadd.s32 v6, v3;
	v2 =	vsel vm12, v2, v23;
	v43 =	vmul.f32 v4, v15  }
0xbd: {  	[tilespmem:$0x150] =	vst v63;
	v4 =	vmul.f32 v8, v4;
	v9 =	vadd.s32 v9, v7;
	v45 =	vtrunc.f32 v37  }
0xbe: {  	[tilespmem:$0x1D0] =	vst v13;
	v44 =	vmul.f32 v17, v15;
	v5 =	vsub.f32 v19, v37;
	v46 =	vcvt.f32.s32 v45  }
0xbf: {  	[tilespmem:$0x2D0] =	vst v12;
	v6 =	vadd.s32 v6, v7;
	v47 =	vtrunc.f32 v2;
	v2 =	vsub.f32 v18, v2  }
0xc0: {  	[tilespmem:$0x160] =	vst v42;
	v49 =	vcvt.f32.s32 v47;
	v51 =	vsub.f32 $1.000000000e+00, v5;
	v50 =	vadd.s32 $0x1, v46  }
0xc1: {  	[tilespmem:$0x1E0] =	vst v3;
	vm8 =	vlt.u32 v46, $0x180;
	vm10 =	vgt.s32 v46, $0x0;
	v59 =	vsub.f32 $1.000000000e+00, v2  }
0xc2: {  	[tilespmem:$0x6E0] =	vst v48;
	v3 =	vadd.s32 $0x1, v49;
	vm9 =	vgt.s32 v49, $0x0;
	v52 =	vnsel vm8, $0x0, v51  }
0xc3: {  	[tilespmem:$0x260] =	vst v9;
	v54 =	vnsel vm10, $0x0, v46;
	vm12 =	vlt.u32 v50, $0x180;
	vm13 =	vgt.s32 v50, $0x0  }
0xc4: {  	[tilespmem:$0x2E0] =	vst v6;
	vm14 =	vlt.u32 v49, $0x180;
	v53 =	vnsel vm9, $0x0, v49;
	vm11 =	vgt.s32 v3, $0x0  }
0xc5: {  	[tilespmem:$0x560] =	vst v43;
	v5 =	vnsel vm12, $0x0, v5;
	v7 =	vnsel vm14, $0x0, v59;
	vm15 =	vlt.u32 v3, $0x180  }
0xc6: {  	[tilespmem:$0x5E0] =	vst v4;
	v55 =	vmin.u32 v53, $0x17F;
	v62 =	vmul.f32 v7, v52;
	v2 =	vnsel vm15, $0x0, v2  }
0xc7: {  	[tilespmem:$0x660] =	vst v44;
	v56 =	vnsel vm11, $0x0, v3;
	v11 =	vmul.u32 $0x180, v55;
	v63 =	vmul.f32 v2, v52  }
0xc8: {  	v57 =	vmin.u32 v54, $0x17F;
	v58 =	vmin.u32 v56, $0x17F;
	v2 =	vmul.f32 v2, v5;
	[tilespmem:$0x570] =	vst v62  }
0xc9: {  	v10 =	vnsel vm13, $0x0, v50;
	v6 =	vmul.u32 $0x180, v58;
	v11 =	vadd.s32 v0, v11;
	[tilespmem:$0x670] =	vst v63  }
0xca: {  	v10 =	vmin.u32 v10, $0x17F;
	[tilespmem:$0x6F0] =	vst v2;
	v60 =	vadd.s32 v57, v11  }
0xcb: {  	v6 =	vadd.s32 v0, v6;
	v61 =	vadd.s32 v10, v11;
	[tilespmem:$0x170] =	vst v60  }
0xcc: {  	[tilespmem:$0x1F0] =	vst v61;
	v3 =	vadd.s32 v10, v6  }
0xcd: {  	v4 =	vadd.s32 v57, v6;
	[tilespmem:$0x2F0] =	vst v3;
	v3 =	vmul.f32 v5, v7  }
0xce: {  	[tilespmem:$0x270] =	vst v4  }
0xcf: {  	s16 =	simm.s32 $0x100;
	s17 =	simm.s32 $0x900;
	[tilespmem:$0x5F0] =	vst v3  }
0xd0: {  	[tilespmem:s17], [sflag:$0x1] =	stream.indirect.gather [hbm4b:s3+s15], $0x30, s16, s15, $0xb8;
	[tilespmem:$0x14900] =	vst v63  }
0xd1: {  	s18 =	simm.s32 $0x180;
	s19 =	simm.s32 $0x2100  }
0xd2: {  	[tilespmem:s19], [sflag:$0x1] =	stream.indirect.gather [hbm4b:s3+s15], $0x30, s18, s15, $0xb8;
	[tilespmem:$0x14900] =	vst v63  }
0xd3: {  	s20 =	simm.s32 $0x200;
	s21 =	simm.s32 $0x3900  }
0xd4: {  	[tilespmem:s21], [sflag:$0x1] =	stream.indirect.gather [hbm4b:s3+s15], $0x30, s20, s15, $0xb8;
	[tilespmem:$0x14900] =	vst v63  }
0xd5: {  	s22 =	simm.s32 $0x280;
	s23 =	simm.s32 $0x5100;
	s16 =	simm.s32 $0x0  }
0xd6: {  	[tilespmem:s23], [sflag:$0x1] =	stream.indirect.gather [hbm4b:s3+s15], $0x30, s22, s15, $0xb8;
	[tilespmem:$0x14900] =	vst v63  }
.LBB2_2:
0xd7: {  	s18 =	sshll.u32 s16, $0x8  }
0xd8: {  	s2 =	rddreg [dreg:$0x4];
	s4 =	sor.u32 $0x80, s18  }
0xd9: {  	s2 =	sadd.s32 s2, s4  }
0xda: {  	s20 =	rddreg [dreg:$0x2];
	s2 =	sshrl.u32 s2, $0x3  }
0xdb: {  	s5 =	simm.s32 $0x5;
	[dreg:$0xd] =	wrdreg s4;
	s4 =	sadd.s32 s20, s2  }
0xdc: {  	[tilespmem:s26], [sflag:$0x5] =	stream.linear.gather [hbm4b:s4+s26], $0x80, $0x38;
	[tilespmem:$0x14900] =	vst v63  }
0xdd: {  	_ =	swait.ge [sflag:s5], $0x80  }
0xde: {  	[sflag:s5] =	ssyncset.done $0x0;
	s21 =	rddreg [dreg:$0x3]  }
0xdf: {  	s22 =	simm.s32 $0x80;
	[sflag:s5] =	ssyncadd.s32 $0xFFFFFF80;
	s2 =	sadd.s32 s21, s2  }
0xe0: {  	[tilespmem:s22], [sflag:$0x5] =	stream.linear.gather [hbm4b:s2+s26], $0x80, $0x38;
	[tilespmem:$0x14900] =	vst v63  }
0xe1: {  	_ =	swait.ge [sflag:s5], $0x80  }
0xe2: {  	[sflag:s5] =	ssyncset.done $0x0  }
0xe3: {  	[sflag:s5] =	ssyncadd.s32 $0xFFFFFF80  }
0xe4: {  	v2 =	vld [tilespmem:$0x0]  }
0xe5: {  	v3 =	vld [tilespmem:$0x80];
	_ =	sdelay $0x3  }
0xe6: {  	v2 =	vadd.f32 $1.000000000e+00, v2  }
0xe7: {  	v3 =	vadd.f32 $1.000000000e+00, v3  }
0xe8: {  	v2 =	vmul.f32 $3.840000000e+02, v2  }
0xe9: {  	v3 =	vmul.f32 $3.840000000e+02, v3  }
0xea: {  	v2 =	vadd.f32 $-1.000000000e+00, v2  }
0xeb: {  	v3 =	vadd.f32 $-1.000000000e+00, v3  }
0xec: {  	v2 =	vmul.f32 $5.000000000e-01, v2  }
0xed: {  	v3 =	vmul.f32 $5.000000000e-01, v3  }
0xee: {  	v4 =	vtrunc.f32 v2  }
0xef: {  	v5 =	vtrunc.f32 v3;
	v4 =	vcvt.f32.s32 v4  }
0xf0: {  	v8 =	vld [tilespmem:$0x90];
	v5 =	vcvt.f32.s32 v5  }
0xf1: {  	v4 =	vcvt.s32.f32 v4  }
0xf2: {  	v5 =	vcvt.s32.f32 v5  }
0xf3: {  	v27 =	vld [tilespmem:$0xB0];
	v6 =	vadd.f32 $-1.000000000e+00, v4  }
0xf4: {  	v7 =	vadd.f32 $-1.000000000e+00, v5;
	vm0 =	vlt.f32 v2, v4  }
0xf5: {  	v8 =	vadd.f32 $1.000000000e+00, v8;
	vm1 =	vlt.f32 v3, v5;
	v4 =	vsel vm0, v6, v4;
	v6 =	vld [tilespmem:$0x10]  }
0xf6: {  	v5 =	vsel vm1, v7, v5;
	v2 =	vsub.f32 v2, v4;
	v4 =	vtrunc.f32 v4  }
0xf7: {  	v7 =	vtrunc.f32 v5;
	v3 =	vsub.f32 v3, v5;
	v4 =	vcvt.f32.s32 v4  }
0xf8: {  	v27 =	vadd.f32 $1.000000000e+00, v27;
	v8 =	vmul.f32 $3.840000000e+02, v8;
	v7 =	vcvt.f32.s32 v7  }
0xf9: {  	v5 =	vsub.f32 $1.000000000e+00, v2;
	v11 =	vsub.f32 $1.000000000e+00, v3;
	v9 =	vadd.s32 $0x1, v4  }
0xfa: {  	v10 =	vadd.s32 $0x1, v7;
	vm10 =	vlt.u32 v4, $0x180;
	v6 =	vadd.f32 $1.000000000e+00, v6  }
0xfb: {  	vm12 =	vlt.u32 v7, $0x180;
	vm14 =	vgt.s32 v4, $0x0;
	vm15 =	vgt.s32 v7, $0x0  }
0xfc: {  	v5 =	vnsel vm10, $0x0, v5;
	vm11 =	vlt.u32 v9, $0x180;
	v6 =	vmul.f32 $3.840000000e+02, v6  }
0xfd: {  	vm13 =	vlt.u32 v10, $0x180;
	v12 =	vnsel vm11, $0x0, v2;
	v2 =	vnsel vm12, $0x0, v11  }
0xfe: {  	v11 =	vnsel vm13, $0x0, v3;
	v3 =	vnsel vm14, $0x0, v4;
	v4 =	vadd.f32 $-1.000000000e+00, v6  }
0xff: {  	v7 =	vnsel vm15, $0x0, v7;
	vm5 =	vgt.s32 v9, $0x0;
	v6 =	vadd.f32 $-1.000000000e+00, v8  }
0x100: {  	vm4 =	vgt.s32 v10, $0x0;
	v9 =	vnsel vm5, $0x0, v9;
	v4 =	vmul.f32 $5.000000000e-01, v4  }
0x101: {  	v8 =	vnsel vm4, $0x0, v10;
	v10 =	vmul.f32 $5.000000000e-01, v6;
	v6 =	vmin.u32 v7, $0x17F  }
0x102: {  	v7 =	vmin.u32 v8, $0x17F;
	v6 =	vmul.u32 $0x180, v6;
	v8 =	vtrunc.f32 v4  }
0x103: {  	v7 =	vmul.u32 $0x180, v7;
	v13 =	vtrunc.f32 v10;
	v8 =	vcvt.f32.s32 v8  }
0x104: {  	v3 =	vmin.u32 v3, $0x17F;
	v9 =	vmin.u32 v9, $0x17F;
	v13 =	vcvt.f32.s32 v13  }
0x105: {  	v6 =	vadd.s32 v0, v6;
	v15 =	vadd.s32 v0, v7;
	v14 =	vcvt.s32.f32 v8  }
0x106: {  	v7 =	vadd.s32 v9, v6;
	v8 =	vadd.s32 v3, v6;
	v13 =	vcvt.s32.f32 v13  }
0x107: {  	v6 =	vadd.s32 v3, v15;
	v3 =	vmul.f32 v2, v5;
	v16 =	vadd.f32 $-1.000000000e+00, v14  }
0x108: {  	v2 =	vmul.f32 v12, v2;
	vm6 =	vlt.f32 v4, v14;
	v17 =	vadd.f32 $-1.000000000e+00, v13  }
0x109: {  	v5 =	vmul.f32 v11, v5;
	vm7 =	vlt.f32 v10, v13;
	v14 =	vsel vm6, v16, v14  }
0x10a: {  	v16 =	vld [tilespmem:$0x20];
	v13 =	vsel vm7, v17, v13;
	v17 =	vsub.f32 v4, v14;
	v4 =	vtrunc.f32 v14  }
0x10b: {  	v9 =	vadd.s32 v9, v15;
	v14 =	vld [tilespmem:$0xA0];
	v15 =	vcvt.f32.s32 v4;
	v4 =	vtrunc.f32 v13  }
0x10c: {  	v10 =	vsub.f32 v10, v13;
	v18 =	vcvt.f32.s32 v4;
	v19 =	vsub.f32 $1.000000000e+00, v17  }
0x10d: {  	v4 =	vmul.f32 v11, v12;
	vm8 =	vlt.u32 v15, $0x180;
	v11 =	vadd.s32 $0x1, v15  }
0x10e: {  	vm12 =	vgt.s32 v15, $0x0;
	v12 =	vadd.s32 $0x1, v18;
	v13 =	vnsel vm8, $0x0, v19  }
0x10f: {  	vm9 =	vlt.u32 v11, $0x180;
	v16 =	vadd.f32 $1.000000000e+00, v16;
	vm10 =	vlt.u32 v18, $0x180  }
0x110: {  	v19 =	vsub.f32 $1.000000000e+00, v10;
	vm13 =	vgt.s32 v18, $0x0;
	v14 =	vadd.f32 $1.000000000e+00, v14  }
0x111: {  	v15 =	vnsel vm12, $0x0, v15;
	vm14 =	vgt.s32 v11, $0x0;
	v16 =	vmul.f32 $3.840000000e+02, v16  }
0x112: {  	v17 =	vnsel vm9, $0x0, v17;
	vm11 =	vlt.u32 v12, $0x180;
	v14 =	vmul.f32 $3.840000000e+02, v14  }
0x113: {  	vm15 =	vgt.s32 v12, $0x0;
	v20 =	vnsel vm11, $0x0, v10;
	v10 =	vadd.f32 $-1.000000000e+00, v16  }
0x114: {  	v22 =	vmin.u32 v15, $0x17F;
	v12 =	vnsel vm15, $0x0, v12;
	v14 =	vadd.f32 $-1.000000000e+00, v14  }
0x115: {  	v12 =	vmin.u32 v12, $0x17F;
	v16 =	vnsel vm13, $0x0, v18;
	v18 =	vmul.f32 $5.000000000e-01, v10  }
0x116: {  	v10 =	vnsel vm14, $0x0, v11;
	v11 =	vmin.u32 v16, $0x17F;
	v21 =	vmul.f32 $5.000000000e-01, v14  }
0x117: {  	v11 =	vmul.u32 $0x180, v11;
	v23 =	vmin.u32 v10, $0x17F;
	v14 =	vtrunc.f32 v18  }
0x118: {  	v10 =	vmul.u32 $0x180, v12;
	v16 =	vtrunc.f32 v21;
	v14 =	vcvt.f32.s32 v14  }
0x119: {  	v19 =	vnsel vm10, $0x0, v19;
	v11 =	vadd.s32 v0, v11;
	v16 =	vcvt.f32.s32 v16  }
0x11a: {  	v25 =	vadd.s32 v0, v10;
	v10 =	vmul.f32 v17, v19;
	v24 =	vcvt.s32.f32 v14  }
0x11b: {  	v17 =	vmul.f32 v20, v17;
	v15 =	vadd.s32 v22, v11;
	v16 =	vcvt.s32.f32 v16  }
0x11c: {  	v12 =	vadd.s32 v22, v25;
	v14 =	vadd.s32 v23, v11;
	v22 =	vadd.f32 $-1.000000000e+00, v24  }
0x11d: {  	v11 =	vmul.f32 v19, v13;
	vm4 =	vlt.f32 v18, v24;
	v26 =	vadd.f32 $-1.000000000e+00, v16  }
0x11e: {  	v13 =	vmul.f32 v20, v13;
	vm5 =	vlt.f32 v21, v16;
	v19 =	vsel vm4, v22, v24;
	v24 =	vld [tilespmem:$0x30]  }
0x11f: {  	v22 =	vsel vm5, v26, v16;
	v18 =	vsub.f32 v18, v19;
	v19 =	vtrunc.f32 v19  }
0x120: {  	v16 =	vadd.s32 v23, v25;
	v26 =	vtrunc.f32 v22;
	v19 =	vcvt.f32.s32 v19  }
0x121: {  	v21 =	vsub.f32 v21, v22;
	v23 =	vcvt.f32.s32 v26;
	v22 =	vsub.f32 $1.000000000e+00, v18  }
0x122: {  	v25 =	vadd.s32 $0x1, v19;
	vm6 =	vlt.u32 v19, $0x180;
	vm10 =	vgt.s32 v19, $0x0  }
0x123: {  	v28 =	vnsel vm6, $0x0, v22;
	v22 =	vsub.f32 $1.000000000e+00, v21;
	v24 =	vadd.f32 $1.000000000e+00, v24  }
0x124: {  	v26 =	vadd.s32 $0x1, v23;
	vm7 =	vlt.u32 v25, $0x180;
	vm8 =	vlt.u32 v23, $0x180  }
0x125: {  	v29 =	vnsel vm7, $0x0, v18;
	v18 =	vnsel vm8, $0x0, v22;
	v22 =	vmul.f32 $3.840000000e+02, v24  }
0x126: {  	v19 =	vnsel vm10, $0x0, v19;
	vm11 =	vgt.s32 v23, $0x0;
	v24 =	vmul.f32 $3.840000000e+02, v27  }
0x127: {  	vm12 =	vgt.s32 v25, $0x0;
	vm9 =	vlt.u32 v26, $0x180;
	v20 =	vadd.f32 $-1.000000000e+00, v22  }
0x128: {  	v23 =	vnsel vm11, $0x0, v23;
	vm13 =	vgt.s32 v26, $0x0;
	v22 =	vadd.f32 $-1.000000000e+00, v24  }
0x129: {  	v19 =	vmin.u32 v19, $0x17F;
	v24 =	vnsel vm13, $0x0, v26;
	v26 =	vmul.f32 $5.000000000e-01, v20  }
0x12a: {  	v27 =	vmul.f32 $5.000000000e-01, v22;
	v22 =	vmin.u32 v23, $0x17F;
	v23 =	vmin.u32 v24, $0x17F  }
0x12b: {  	v20 =	vnsel vm12, $0x0, v25;
	v22 =	vmul.u32 $0x180, v22;
	v23 =	vmul.u32 $0x180, v23  }
0x12c: {  	v30 =	vmin.u32 v20, $0x17F;
	v24 =	vtrunc.f32 v26;
	v25 =	vtrunc.f32 v27  }
0x12d: {  	v24 =	vcvt.f32.s32 v24;
	v25 =	vcvt.f32.s32 v25;
	v20 =	vadd.s32 v0, v22  }
0x12e: {  	v35 =	vld [tilespmem:$0xC0];
	v21 =	vnsel vm9, $0x0, v21;
	v31 =	vadd.s32 v0, v23;
	v23 =	vadd.s32 v30, v20  }
0x12f: {  	v22 =	vadd.s32 v19, v31;
	v32 =	vcvt.s32.f32 v24;
	v25 =	vcvt.s32.f32 v25  }
0x130: {  	v24 =	vadd.s32 v19, v20;
	v20 =	vmul.f32 v18, v28;
	v19 =	vmul.f32 v29, v18  }
0x131: {  	v51 =	vld [tilespmem:$0x40];
	v18 =	vmul.f32 v21, v28;
	v21 =	vmul.f32 v21, v29  }
0x132: {  	v33 =	vadd.f32 $-1.000000000e+00, v32;
	v34 =	vadd.f32 $-1.000000000e+00, v25  }
0x133: {  	v35 =	vadd.f32 $1.000000000e+00, v35;
	vm14 =	vlt.f32 v26, v32;
	vm15 =	vlt.f32 v27, v25;
	[tilespmem:$0x8A0] =	vst v21;
	v21 =	vld [tilespmem:$0x70]  }
0x134: {  	v28 =	vsel vm14, v33, v32;
	v50 =	vsel vm15, v34, v25;
	v25 =	vadd.s32 v30, v31  }
0x135: {  	v26 =	vsub.f32 v26, v28;
	v28 =	vtrunc.f32 v28;
	v34 =	vtrunc.f32 v50  }
0x136: {  	v33 =	vadd.f32 $1.000000000e+00, v51;
	v28 =	vcvt.f32.s32 v28;
	v30 =	vcvt.f32.s32 v34  }
0x137: {  	v54 =	vmul.f32 $3.840000000e+02, v35;
	v27 =	vsub.f32 v27, v50;
	v29 =	vsub.f32 $1.000000000e+00, v26  }
0x138: {  	v21 =	vadd.f32 $1.000000000e+00, v21;
	v31 =	vadd.s32 $0x1, v28;
	v52 =	vadd.s32 $0x1, v30  }
0x139: {  	vm4 =	vlt.u32 v28, $0x180;
	vm6 =	vlt.u32 v30, $0x180;
	vm8 =	vgt.s32 v28, $0x0  }
0x13a: {  	vm9 =	vgt.s32 v30, $0x0;
	v53 =	vnsel vm4, $0x0, v29;
	v29 =	vsub.f32 $1.000000000e+00, v27  }
0x13b: {  	vm5 =	vlt.u32 v31, $0x180;
	vm7 =	vlt.u32 v52, $0x180;
	v30 =	vnsel vm9, $0x0, v30  }
0x13c: {  	v36 =	vnsel vm5, $0x0, v26;
	v26 =	vnsel vm6, $0x0, v29;
	v29 =	vmul.f32 $3.840000000e+02, v33  }
0x13d: {  	vm10 =	vgt.s32 v52, $0x0;
	vm11 =	vgt.s32 v31, $0x0;
	v55 =	vnsel vm7, $0x0, v27  }
0x13e: {  	v27 =	vnsel vm8, $0x0, v28;
	v28 =	vadd.f32 $-1.000000000e+00, v29;
	v29 =	vadd.f32 $-1.000000000e+00, v54  }
0x13f: {  	v21 =	vmul.f32 $3.840000000e+02, v21;
	v32 =	vnsel vm10, $0x0, v52;
	v31 =	vnsel vm11, $0x0, v31  }
0x140: {  	v27 =	vmin.u32 v27, $0x17F;
	v28 =	vmul.f32 $5.000000000e-01, v28;
	v37 =	vmul.f32 $5.000000000e-01, v29  }
0x141: {  	v21 =	vadd.f32 $-1.000000000e+00, v21;
	v29 =	vmin.u32 v30, $0x17F;
	v30 =	vmin.u32 v32, $0x17F  }
0x142: {  	v29 =	vmul.u32 $0x180, v29;
	v56 =	vtrunc.f32 v28;
	v57 =	vtrunc.f32 v37  }
0x143: {  	v30 =	vmul.u32 $0x180, v30;
	v32 =	vcvt.f32.s32 v56;
	v33 =	vcvt.f32.s32 v57  }
0x144: {  	v38 =	vmin.u32 v31, $0x17F;
	v21 =	vmul.f32 $5.000000000e-01, v21;
	v29 =	vadd.s32 v0, v29  }
0x145: {  	v58 =	vld [tilespmem:$0x50];
	v30 =	vadd.s32 v0, v30;
	v39 =	vcvt.s32.f32 v32;
	v33 =	vcvt.s32.f32 v33  }
0x146: {  	v31 =	vadd.s32 v38, v29;
	v32 =	vadd.s32 v27, v29;
	v29 =	vadd.s32 v27, v30  }
0x147: {  	v59 =	vld [tilespmem:$0xD0];
	v27 =	vmul.f32 v26, v53;
	v40 =	vadd.f32 $-1.000000000e+00, v39;
	v41 =	vadd.f32 $-1.000000000e+00, v33  }
0x148: {  	v26 =	vmul.f32 v36, v26;
	vm12 =	vlt.f32 v28, v39;
	vm13 =	vlt.f32 v37, v33  }
0x149: {  	v39 =	vsel vm12, v40, v39;
	v41 =	vsel vm13, v41, v33;
	v33 =	vadd.s32 v38, v30  }
0x14a: {  	v40 =	vadd.f32 $1.000000000e+00, v58;
	v42 =	vsub.f32 v28, v39;
	v28 =	vtrunc.f32 v39  }
0x14b: {  	v30 =	vmul.f32 v55, v53;
	v62 =	vsub.f32 v37, v41;
	v60 =	vcvt.f32.s32 v28  }
0x14c: {  	v39 =	vadd.f32 $1.000000000e+00, v59;
	v28 =	vtrunc.f32 v41;
	v40 =	vmul.f32 $3.840000000e+02, v40  }
0x14d: {  	v61 =	vcvt.f32.s32 v28;
	v43 =	vsub.f32 $1.000000000e+00, v42;
	v28 =	vmul.f32 v55, v36  }
0x14e: {  	v50 =	vsub.f32 $1.000000000e+00, v62;
	v39 =	vmul.f32 $3.840000000e+02, v39;
	vm14 =	vlt.u32 v60, $0x180  }
0x14f: {  	v63 =	vadd.s32 $0x1, v60;
	vm6 =	vgt.s32 v60, $0x0;
	v51 =	vadd.f32 $-1.000000000e+00, v40  }
0x150: {  	v48 =	vadd.s32 $0x1, v61;
	v49 =	vnsel vm14, $0x0, v43;
	vm15 =	vlt.u32 v63, $0x180  }
0x151: {  	vm4 =	vlt.u32 v61, $0x180;
	vm7 =	vgt.s32 v61, $0x0;
	v39 =	vadd.f32 $-1.000000000e+00, v39  }
0x152: {  	v38 =	vnsel vm6, $0x0, v60;
	vm8 =	vgt.s32 v63, $0x0;
	v42 =	vnsel vm15, $0x0, v42  }
0x153: {  	vm5 =	vlt.u32 v48, $0x180;
	v43 =	vnsel vm4, $0x0, v50;
	v34 =	vnsel vm7, $0x0, v61  }
0x154: {  	vm9 =	vgt.s32 v48, $0x0;
	v40 =	vmul.f32 $5.000000000e-01, v51;
	v52 =	vnsel vm8, $0x0, v63  }
0x155: {  	v38 =	vmin.u32 v38, $0x17F;
	v44 =	vnsel vm5, $0x0, v62;
	v39 =	vmul.f32 $5.000000000e-01, v39  }
0x156: {  	[tilespmem:$0x400] =	vst v6;
	v34 =	vmin.u32 v34, $0x17F;
	v53 =	vnsel vm9, $0x0, v48;
	v6 =	vmul.f32 v43, v49  }
0x157: {  	[tilespmem:$0x380] =	vst v7;
	v7 =	vmul.f32 v42, v43;
	v62 =	vld [tilespmem:$0x60];
	v36 =	vmin.u32 v53, $0x17F;
	v45 =	vtrunc.f32 v39  }
0x158: {  	v54 =	vtrunc.f32 v40;
	v34 =	vmul.u32 $0x180, v34;
	v45 =	vcvt.f32.s32 v45  }
0x159: {  	[tilespmem:$0x780] =	vst v2;
	v2 =	vmul.f32 v44, v49;
	v37 =	vcvt.f32.s32 v54;
	v55 =	vmul.u32 $0x180, v36  }
0x15a: {  	[tilespmem:$0x710] =	vst v11;
	v46 =	vmin.u32 v52, $0x17F;
	v11 =	vmul.f32 v44, v42;
	v57 =	vcvt.s32.f32 v45  }
0x15b: {  	v34 =	vadd.s32 v0, v34;
	v56 =	vcvt.s32.f32 v37;
	v58 =	vadd.s32 v0, v55  }
0x15c: {  	[tilespmem:$0x390] =	vst v14;
	v59 =	vadd.s32 v38, v34;
	v14 =	vadd.f32 $1.000000000e+00, v62;
	v47 =	vadd.f32 $-1.000000000e+00, v57  }
0x15d: {  	[tilespmem:$0x480] =	vst v9;
	v34 =	vadd.s32 v46, v34;
	v60 =	vadd.f32 $-1.000000000e+00, v56;
	vm11 =	vlt.f32 v39, v57  }
0x15e: {  	[tilespmem:$0x300] =	vst v8;
	vm10 =	vlt.f32 v40, v56;
	v14 =	vmul.f32 $3.840000000e+02, v14;
	v61 =	vsel vm11, v47, v57;
	v47 =	vld [tilespmem:$0xE0]  }
0x15f: {  	[tilespmem:$0x700] =	vst v3;
	v8 =	vadd.s32 v38, v58;
	v48 =	vadd.s32 v46, v58;
	v9 =	vsel vm10, v60, v56  }
0x160: {  	[tilespmem:$0x790] =	vst v10;
	v3 =	vsub.f32 v40, v9;
	v9 =	vtrunc.f32 v9;
	v10 =	vadd.f32 $-1.000000000e+00, v14  }
0x161: {  	[tilespmem:$0x800] =	vst v5;
	v63 =	vtrunc.f32 v61;
	v9 =	vcvt.f32.s32 v9;
	v5 =	vsub.f32 v39, v61  }
0x162: {  	v38 =	vcvt.f32.s32 v63;
	v49 =	vsub.f32 $1.000000000e+00, v3;
	v10 =	vmul.f32 $5.000000000e-01, v10  }
0x163: {  	[tilespmem:$0x880] =	vst v4;
	v4 =	vadd.s32 $0x1, v9;
	vm12 =	vlt.u32 v9, $0x180;
	v52 =	vadd.f32 $1.000000000e+00, v47  }
0x164: {  	[tilespmem:$0x310] =	vst v15;
	v51 =	vsub.f32 $1.000000000e+00, v5;
	vm4 =	vgt.s32 v9, $0x0;
	v50 =	vadd.s32 $0x1, v38  }
0x165: {  	[tilespmem:$0x490] =	vst v16;
	v15 =	vnsel vm12, $0x0, v49;
	vm13 =	vlt.u32 v4, $0x180;
	v16 =	vmul.f32 $3.840000000e+02, v52  }
0x166: {  	vm14 =	vlt.u32 v38, $0x180;
	v9 =	vnsel vm4, $0x0, v9;
	vm5 =	vgt.s32 v38, $0x0  }
0x167: {  	[tilespmem:$0x890] =	vst v17;
	vm6 =	vgt.s32 v4, $0x0;
	v17 =	vtrunc.f32 v10;
	v14 =	vadd.f32 $-1.000000000e+00, v16  }
0x168: {  	[tilespmem:$0x410] =	vst v12;
	v3 =	vnsel vm13, $0x0, v3;
	v12 =	vnsel vm14, $0x0, v51;
	vm15 =	vlt.u32 v50, $0x180  }
0x169: {  	[tilespmem:$0x810] =	vst v13;
	v13 =	vnsel vm5, $0x0, v38;
	vm7 =	vgt.s32 v50, $0x0;
	v14 =	vmul.f32 $5.000000000e-01, v14  }
0x16a: {  	[tilespmem:$0x3A0] =	vst v23;
	v4 =	vnsel vm6, $0x0, v4;
	v17 =	vcvt.f32.s32 v17;
	v9 =	vmin.u32 v9, $0x17F  }
0x16b: {  	[tilespmem:$0x820] =	vst v18;
	v5 =	vnsel vm15, $0x0, v5;
	v18 =	vmul.f32 v12, v15;
	v23 =	vtrunc.f32 v14  }
0x16c: {  	[tilespmem:$0x420] =	vst v22;
	v13 =	vmin.u32 v13, $0x17F;
	v12 =	vmul.f32 v3, v12;
	v22 =	vcvt.f32.s32 v23  }
0x16d: {  	[tilespmem:$0x320] =	vst v24;
	v13 =	vmul.u32 $0x180, v13;
	v17 =	vcvt.s32.f32 v17;
	v15 =	vmul.f32 v5, v15  }
0x16e: {  	[tilespmem:$0x720] =	vst v20;
	v4 =	vmin.u32 v4, $0x17F;
	v3 =	vmul.f32 v5, v3;
	v20 =	vcvt.s32.f32 v22  }
0x16f: {  	[tilespmem:$0x7A0] =	vst v19;
	v16 =	vnsel vm7, $0x0, v50;
	v13 =	vadd.s32 v0, v13;
	vm8 =	vlt.f32 v10, v17  }
0x170: {  	[tilespmem:$0x4A0] =	vst v25;
	v16 =	vmin.u32 v16, $0x17F;
	v22 =	vadd.f32 $-1.000000000e+00, v17;
	v23 =	vadd.f32 $-1.000000000e+00, v20  }
0x171: {  	[tilespmem:$0x3B0] =	vst v31;
	v19 =	vadd.s32 v9, v13;
	v16 =	vmul.u32 $0x180, v16;
	vm9 =	vlt.f32 v14, v20  }
0x172: {  	[tilespmem:$0x330] =	vst v32;
	v13 =	vadd.s32 v4, v13;
	v17 =	vsel vm8, v22, v17;
	v20 =	vsel vm9, v23, v20;
	v23 =	vld [tilespmem:$0xF0]  }
0x173: {  	[tilespmem:$0x430] =	vst v29;
	v16 =	vadd.s32 v0, v16;
	v10 =	vsub.f32 v10, v17;
	v17 =	vtrunc.f32 v17  }
0x174: {  	[tilespmem:$0x730] =	vst v27;
	v9 =	vadd.s32 v9, v16;
	v4 =	vadd.s32 v4, v16;
	v16 =	vcvt.f32.s32 v17  }
0x175: {  	[tilespmem:$0x7B0] =	vst v26;
	v22 =	vtrunc.f32 v20;
	v5 =	vsub.f32 v14, v20;
	v14 =	vsub.f32 $1.000000000e+00, v10  }
0x176: {  	[tilespmem:$0x4B0] =	vst v33;
	v17 =	vcvt.f32.s32 v22;
	v20 =	vadd.s32 $0x1, v16;
	vm10 =	vlt.u32 v16, $0x180  }
0x177: {  	[tilespmem:$0x830] =	vst v30;
	vm14 =	vgt.s32 v16, $0x0;
	v14 =	vnsel vm10, $0x0, v14;
	v23 =	vadd.f32 $1.000000000e+00, v23  }
0x178: {  	[tilespmem:$0x8B0] =	vst v28;
	v24 =	vsub.f32 $1.000000000e+00, v5;
	vm11 =	vlt.u32 v20, $0x180;
	v16 =	vnsel vm14, $0x0, v16  }
0x179: {  	[tilespmem:$0x740] =	vst v6;
	vm5 =	vgt.s32 v20, $0x0;
	v22 =	vadd.s32 $0x1, v17;
	v23 =	vmul.f32 $3.840000000e+02, v23  }
0x17a: {  	[tilespmem:$0x440] =	vst v8;
	vm12 =	vlt.u32 v17, $0x180;
	v10 =	vnsel vm11, $0x0, v10;
	v8 =	vmin.u32 v16, $0x17F  }
0x17b: {  	[tilespmem:$0x8C0] =	vst v11;
	vm15 =	vgt.s32 v17, $0x0;
	v11 =	vnsel vm5, $0x0, v20;
	v16 =	vadd.f32 $-1.000000000e+00, v23  }
0x17c: {  	[tilespmem:$0x7C0] =	vst v7;
	v24 =	vnsel vm12, $0x0, v24;
	vm13 =	vlt.u32 v22, $0x180;
	v17 =	vnsel vm15, $0x0, v17  }
0x17d: {  	[tilespmem:$0x840] =	vst v2;
	vm4 =	vgt.s32 v22, $0x0;
	v11 =	vmin.u32 v11, $0x17F;
	v16 =	vmul.f32 $5.000000000e-01, v16  }
0x17e: {  	[tilespmem:$0x340] =	vst v59;
	v6 =	vnsel vm4, $0x0, v22;
	v7 =	vmin.u32 v17, $0x17F;
	v17 =	vtrunc.f32 v21  }
0x17f: {  	[tilespmem:$0x3C0] =	vst v34;
	v2 =	vmul.u32 $0x180, v7;
	v7 =	vcvt.f32.s32 v17;
	v17 =	vtrunc.f32 v16  }
0x180: {  	[tilespmem:$0x750] =	vst v18;
	v5 =	vnsel vm13, $0x0, v5;
	v6 =	vmin.u32 v6, $0x17F;
	v17 =	vcvt.f32.s32 v17  }
0x181: {  	[tilespmem:$0x4D0] =	vst v4;
	v4 =	vmul.f32 v24, v14;
	v6 =	vmul.u32 $0x180, v6;
	v7 =	vcvt.s32.f32 v7  }
0x182: {  	[tilespmem:$0x3D0] =	vst v13;
	v18 =	vmul.f32 v10, v24;
	v2 =	vadd.s32 v0, v2;
	v17 =	vcvt.s32.f32 v17  }
0x183: {  	[tilespmem:$0x450] =	vst v9;
	v6 =	vadd.s32 v0, v6;
	v13 =	vadd.s32 v8, v2;
	v9 =	vadd.f32 $-1.000000000e+00, v7  }
0x184: {  	[tilespmem:$0x350] =	vst v19;
	v2 =	vadd.s32 v11, v2;
	vm6 =	vlt.f32 v21, v7;
	v19 =	vadd.f32 $-1.000000000e+00, v17  }
0x185: {  	[tilespmem:$0x4C0] =	vst v48;
	v8 =	vadd.s32 v8, v6;
	v7 =	vsel vm6, v9, v7;
	vm7 =	vlt.f32 v16, v17  }
0x186: {  	[tilespmem:$0x7D0] =	vst v12;
	v9 =	vmul.f32 v5, v14;
	v14 =	vtrunc.f32 v7;
	v12 =	vsel vm7, v19, v17  }
0x187: {  	[tilespmem:$0x850] =	vst v15;
	v7 =	vsub.f32 v21, v7;
	v14 =	vcvt.f32.s32 v14;
	v15 =	vtrunc.f32 v12  }
0x188: {  	[tilespmem:$0x8D0] =	vst v3;
	v3 =	vadd.s32 v11, v6;
	v5 =	vmul.f32 v5, v10;
	v6 =	vcvt.f32.s32 v15  }
0x189: {  	[tilespmem:$0x760] =	vst v4;
	v11 =	vadd.s32 $0x1, v14;
	v10 =	vsub.f32 v16, v12;
	v12 =	vsub.f32 $1.000000000e+00, v7  }
0x18a: {  	[tilespmem:$0x3E0] =	vst v2;
	vm8 =	vlt.u32 v14, $0x180;
	vm10 =	vgt.s32 v14, $0x0;
	vm9 =	vgt.s32 v6, $0x0  }
0x18b: {  	[tilespmem:$0x460] =	vst v8;
	v8 =	vnsel vm8, $0x0, v12;
	v2 =	vadd.s32 $0x1, v6;
	v12 =	vnsel vm9, $0x0, v6  }
0x18c: {  	[tilespmem:$0x4E0] =	vst v3;
	v3 =	vnsel vm10, $0x0, v14;
	vm11 =	vgt.s32 v2, $0x0;
	v12 =	vmin.u32 v12, $0x17F  }
0x18d: {  	[tilespmem:$0x7E0] =	vst v18;
	vm12 =	vlt.u32 v11, $0x180;
	v4 =	vnsel vm11, $0x0, v2;
	v12 =	vmul.u32 $0x180, v12  }
0x18e: {  	[tilespmem:$0x360] =	vst v13;
	vm13 =	vgt.s32 v11, $0x0;
	v3 =	vmin.u32 v3, $0x17F;
	v4 =	vmin.u32 v4, $0x17F  }
0x18f: {  	[tilespmem:$0x860] =	vst v9;
	v9 =	vnsel vm13, $0x0, v11;
	v4 =	vmul.u32 $0x180, v4;
	v11 =	vadd.s32 v0, v12  }
0x190: {  	[tilespmem:$0x8E0] =	vst v5;
	v9 =	vmin.u32 v9, $0x17F;
	v5 =	vsub.f32 $1.000000000e+00, v10;
	v12 =	vadd.s32 v3, v11  }
0x191: {  	vm14 =	vlt.u32 v6, $0x180;
	v4 =	vadd.s32 v0, v4;
	v6 =	vadd.s32 v9, v11;
	[tilespmem:$0x370] =	vst v12  }
0x192: {  	v7 =	vnsel vm12, $0x0, v7;
	v5 =	vnsel vm14, $0x0, v5;
	[tilespmem:$0x3F0] =	vst v6;
	v3 =	vadd.s32 v3, v4  }
0x193: {  	vm15 =	vlt.u32 v2, $0x180;
	v2 =	vadd.s32 v9, v4;
	[tilespmem:$0x470] =	vst v3;
	v3 =	vmul.f32 v5, v8  }
0x194: {  	v4 =	vnsel vm15, $0x0, v10;
	[tilespmem:$0x4F0] =	vst v2;
	v2 =	vmul.f32 v7, v5  }
0x195: {  	[tilespmem:$0x770] =	vst v3;
	v3 =	vmul.f32 v4, v8  }
0x196: {  	[tilespmem:$0x7F0] =	vst v2;
	v2 =	vmul.f32 v4, v7  }
0x197: {  	[tilespmem:$0x870] =	vst v3  }
0x198: {  	s23 =	simm.s32 $0x300;
	s26 =	simm.s32 $0x6900;
	[tilespmem:$0x8F0] =	vst v2  }
0x199: {  	[tilespmem:s26], [sflag:$0x2] =	stream.indirect.gather [hbm4b:s3+s22], $0x30, s23, s22, $0xb8;
	[tilespmem:$0x14900] =	vst v63  }
0x19a: {  	s6 =	simm.s32 $0x380;
	s7 =	simm.s32 $0x8100  }
0x19b: {  	[tilespmem:s7], [sflag:$0x2] =	stream.indirect.gather [hbm4b:s3+s22], $0x30, s6, s22, $0xb8;
	[tilespmem:$0x14900] =	vst v63  }
0x19c: {  	s10 =	simm.s32 $0x400;
	s11 =	simm.s32 $0x9900  }
0x19d: {  	[tilespmem:s11], [sflag:$0x2] =	stream.indirect.gather [hbm4b:s3+s22], $0x30, s10, s22, $0xb8;
	[tilespmem:$0x14900] =	vst v63  }
0x19e: {  	s12 =	simm.s32 $0x480;
	s14 =	simm.s32 $0xB100  }
0x19f: {  	[tilespmem:s14], [sflag:$0x2] =	stream.indirect.gather [hbm4b:s3+s22], $0x30, s12, s22, $0xb8;
	[tilespmem:$0x14900] =	vst v63  }
0x1a0: {  	_ =	swait.ge [sflag:s1], $0x1800  }
0x1a1: {  	[sflag:s1] =	ssyncset.done $0x0  }
0x1a2: {  	[sflag:s1] =	ssyncadd.s32 $0xFFFFE800  }
0x1a3: {  	_ =	swait.ge [sflag:s1], $0x1800  }
0x1a4: {  	[sflag:s1] =	ssyncset.done $0x0  }
0x1a5: {  	[sflag:s1] =	ssyncadd.s32 $0xFFFFE800  }
0x1a6: {  	_ =	swait.ge [sflag:s1], $0x1800  }
0x1a7: {  	[sflag:s1] =	ssyncset.done $0x0  }
0x1a8: {  	[sflag:s1] =	ssyncadd.s32 $0xFFFFE800  }
0x1a9: {  	_ =	swait.ge [sflag:s1], $0x1800  }
0x1aa: {  	p0 =	seq.s32 s16, $0x0;
	[sflag:s1] =	ssyncset.done $0x0  }
0x1ab: {  	s2 =	simm.s32 @!p0 $0x3;
	[sflag:s1] =	ssyncadd.s32 $0xFFFFE800  }
0x1ac: {  	_ =	swait.ge @!p0 [sflag:s2], $0x4000  }
0x1ad: {  	s15 =	simm.s32 $0x0;
	[sflag:s2] =	ssyncset.done @!p0 $0x0  }
0x1ae: {  	s5 =	simm.s32 $0x5130;
	v2 =	vmov s15;
	[sflag:s2] =	ssyncadd.s32 @!p0 $0xFFFFC000  }
0x1af: {  	s17 =	simm.s32 $0x3930;
	v3 =	vld [tilespmem:s5+$0x0]  }
0x1b0: {  	s26 =	simm.s32 $0x2130;
	v4 =	vld [tilespmem:s17+$0x0]  }
0x1b1: {  	v5 =	vld [tilespmem:s26+$0x0]  }
0x1b2: {  	s6 =	simm.s32 $0x1;
	v6 =	vld [tilespmem:s26+$0xFFFFFFD0]  }
0x1b3: {  	v8 =	vmov s6;
	s10 =	simm.s32 $0x930;
	v7 =	vld.idx.msk [tilespmem:v2+s9+$0x0], $0xffff  }
0x1b4: {  	v9 =	vld [tilespmem:s10+$0x0]  }
0x1b5: {  	v10 =	vld [tilespmem:s5+$0xFFFFFFD0]  }
0x1b6: {  	v11 =	vld [tilespmem:s17+$0xFFFFFFD0]  }
0x1b7: {  	v12 =	vld.idx.msk [tilespmem:v2+s8+$0x0], $0xffff  }
0x1b8: {  	v13 =	vld.idx.msk [tilespmem:v8+s13+$0x0], $0xffff  }
0x1b9: {  	v14 =	vld [tilespmem:s10+$0xFFFFFFD0]  }
0x1ba: {  	v15 =	vld.idx.msk [tilespmem:v2+s24+$0x0], $0xffff  }
0x1bb: {  	v16 =	vld.idx.msk [tilespmem:v2+s13+$0x0], $0xffff  }
0x1bc: {  	v17 =	vld.idx.msk [tilespmem:v8+s8+$0x0], $0xffff  }
0x1bd: {  	v18 =	vld.idx.msk [tilespmem:v8+s9+$0x0], $0xffff  }
0x1be: {  	s19 =	simm.s32 $0x5190;
	v19 =	vld.idx.msk [tilespmem:v8+s24+$0x0], $0xffff  }
0x1bf: {  	s21 =	simm.s32 $0x3990;
	v28 =	vld [tilespmem:s19+$0x0]  }
0x1c0: {  	s23 =	simm.s32 $0x990;
	v26 =	vld [tilespmem:s21+$0xFFFFFFD0]  }
0x1c1: {  	v23 =	vshll.u32 v2, $0x7;
	s22 =	simm.s32 $0x51F0;
	v30 =	vld [tilespmem:s23+$0xFFFFFFD0]  }
0x1c2: {  	v20 =	vor.u32 v1, v23;
	s6 =	simm.s32 $0x39F0;
	s11 =	simm.s32 $0x2;
	v45 =	vld [tilespmem:s22+$0x0]  }
0x1c3: {  	v37 =	vld [tilespmem:s6+$0x0];
	v35 =	vpack.i.f32.bf16 v7, v7;
	v22 =	vpack.i.f32.bf16 v12, v12;
	v12 =	vmov s11  }
0x1c4: {  	s7 =	simm.s32 $0x9F0;
	v44 =	vld [tilespmem:s6+$0xFFFFFFD0];
	v7 =	vpack.i.f32.bf16 v15, v15;
	v33 =	vpack.i.f32.bf16 v16, v16;
	v17 =	vpack.i.f32.bf16 v17, v17  }
0x1c5: {  	s12 =	simm.s32 $0x3;
	v46 =	vld [tilespmem:s7+$0xFFFFFFD0];
	v24 =	vpack.i.f32.bf16 v18, v18;
	v2 =	vmul.bf16 v6, v35;
	v14 =	vmul.bf16 v14, v22  }
0x1c6: {  	s20 =	simm.s32 $0x2190;
	v15 =	vld [tilespmem:s21+$0x0];
	v16 =	vmov s12;
	v6 =	vpack.i.f32.bf16 v13, v13;
	v11 =	vmul.bf16 v11, v33  }
0x1c7: {  	v13 =	vld [tilespmem:s20+$0xFFFFFFD0];
	v9 =	vmul.bf16 v9, v17;
	v21 =	vmul.bf16 v5, v24;
	v2 =	vadd.bf16 v2, v14  }
0x1c8: {  	v36 =	vpack.i.f32.bf16 v19, v19;
	v10 =	vmul.bf16 v10, v7;
	v5 =	vor.u32 $0x1, v1;
	v18 =	vld.idx.msk [tilespmem:v12+s9+$0x0], $0xffff  }
0x1c9: {  	v4 =	vmul.bf16 v4, v6;
	v9 =	vadd.bf16 v21, v9;
	v2 =	vadd.bf16 v11, v2;
	v11 =	vld [tilespmem:s19+$0xFFFFFFD0]  }
0x1ca: {  	v3 =	vmul.bf16 v3, v36;
	v21 =	vshll.u32 v8, $0x7;
	v8 =	vor.u32 v5, v23;
	v25 =	vld.idx.msk [tilespmem:v12+s8+$0x0], $0xffff  }
0x1cb: {  	v4 =	vadd.bf16 v4, v9;
	v9 =	vor.u32 v1, v21;
	v27 =	vld.idx.msk [tilespmem:v16+s13+$0x0], $0xffff;
	v2 =	vadd.bf16 v10, v2  }
0x1cc: {  	v54 =	vld.idx.msk [tilespmem:v16+s8+$0x0], $0xffff;
	v10 =	vor.u32 v5, v21  }
0x1cd: {  	v61 =	vld.idx.msk [tilespmem:v16+s9+$0x0], $0xffff;
	v3 =	vadd.bf16 v3, v4;
	v29 =	vunpack.i.l.bf16.f32 v2  }
0x1ce: {  	v4 =	vld.idx.msk [tilespmem:v12+s24+$0x0], $0xffff;
	v2 =	vunpack.i.u.bf16.f32 v2;
	[tilespmem:v20+s25+$0x0] =	vst.idx.msk $0xffff, v29  }
0x1cf: {  	v20 =	vunpack.i.l.bf16.f32 v3;
	v29 =	vld.idx.msk [tilespmem:v12+s13+$0x0], $0xffff;
	[tilespmem:v8+s25+$0x0] =	vst.idx.msk $0xffff, v2  }
0x1d0: {  	v2 =	vunpack.i.u.bf16.f32 v3;
	[tilespmem:v9+s25+$0x0] =	vst.idx.msk $0xffff, v20;
	v20 =	vld.idx.msk [tilespmem:v16+s24+$0x0], $0xffff  }
0x1d1: {  	v31 =	vld [tilespmem:s5+$0xFFFFFFE0];
	[tilespmem:v10+s25+$0x0] =	vst.idx.msk $0xffff, v2  }
0x1d2: {  	v2 =	vld [tilespmem:s10+$0x10]  }
0x1d3: {  	v9 =	vshll.u32 v12, $0x7;
	v3 =	vor.u32 $0x20, v1;
	v12 =	vpack.i.f32.bf16 v25, v25;
	v55 =	vld [tilespmem:s26+$0x10]  }
0x1d4: {  	s14 =	simm.s32 $0x4;
	v16 =	vshll.u32 v16, $0x7;
	v53 =	vld [tilespmem:s10+$0xFFFFFFE0];
	v10 =	vpack.i.f32.bf16 v18, v18;
	v40 =	vor.u32 v1, v9  }
0x1d5: {  	v8 =	vpack.i.f32.bf16 v4, v4;
	v4 =	vmul.bf16 v30, v12;
	v30 =	vmov s14;
	v18 =	vld [tilespmem:s17+$0x10]  }
0x1d6: {  	v56 =	vld [tilespmem:s26+$0xFFFFFFE0];
	v62 =	vor.u32 v3, v21;
	v60 =	vmul.bf16 v11, v8;
	v11 =	vpack.i.f32.bf16 v27, v27  }
0x1d7: {  	s11 =	simm.s32 $0x5;
	v57 =	vmul.bf16 v13, v10;
	v58 =	vld [tilespmem:s5+$0x10];
	v13 =	vpack.i.f32.bf16 v29, v29;
	v29 =	vmul.bf16 v15, v11  }
0x1d8: {  	v19 =	vld [tilespmem:s23+$0x0];
	v27 =	vmov s11;
	v2 =	vmul.bf16 v2, v17;
	v25 =	vmul.bf16 v55, v24  }
0x1d9: {  	v14 =	vld [tilespmem:s20+$0x0];
	v39 =	vadd.bf16 v57, v4;
	v4 =	vor.u32 $0x21, v1;
	v31 =	vmul.bf16 v31, v7  }
0x1da: {  	s12 =	simm.s32 $0x21F0;
	v59 =	vld [tilespmem:s17+$0xFFFFFFE0];
	v15 =	vmul.bf16 v18, v6;
	v18 =	vmul.bf16 v26, v13;
	v2 =	vadd.bf16 v25, v2  }
0x1db: {  	v47 =	vld [tilespmem:s12+$0xFFFFFFD0];
	v49 =	vor.u32 v4, v21;
	v32 =	vmul.bf16 v53, v22;
	v38 =	vmul.bf16 v56, v35  }
0x1dc: {  	v48 =	vld.idx.msk [tilespmem:v30+s9+$0x0], $0xffff;
	v41 =	vmul.bf16 v58, v36;
	v39 =	vadd.bf16 v18, v39;
	v2 =	vadd.bf16 v15, v2  }
0x1dd: {  	v50 =	vld.idx.msk [tilespmem:v30+s8+$0x0], $0xffff;
	v18 =	vpack.i.f32.bf16 v54, v54;
	v15 =	vpack.i.f32.bf16 v20, v20;
	v20 =	vpack.i.f32.bf16 v61, v61  }
0x1de: {  	v43 =	vld.idx.msk [tilespmem:v30+s24+$0x0], $0xffff;
	v19 =	vmul.bf16 v19, v18;
	v14 =	vmul.bf16 v14, v20;
	v2 =	vadd.bf16 v41, v2  }
0x1df: {  	v63 =	vmul.bf16 v59, v33;
	v51 =	vld.idx.msk [tilespmem:v27+s13+$0x0], $0xffff;
	v55 =	vor.u32 v5, v9;
	v32 =	vadd.bf16 v38, v32  }
0x1e0: {  	v52 =	vld.idx.msk [tilespmem:v27+s24+$0x0], $0xffff;
	v14 =	vadd.bf16 v14, v19;
	v19 =	vadd.bf16 v60, v39;
	v54 =	vunpack.i.l.bf16.f32 v2  }
0x1e1: {  	v26 =	vld [tilespmem:s7+$0x0];
	v32 =	vadd.bf16 v63, v32;
	v28 =	vmul.bf16 v28, v15;
	v2 =	vunpack.i.u.bf16.f32 v2;
	[tilespmem:v62+s25+$0x0] =	vst.idx.msk $0xffff, v54  }
0x1e2: {  	v41 =	vld [tilespmem:s22+$0xFFFFFFD0];
	v60 =	vor.u32 v1, v16;
	v14 =	vadd.bf16 v29, v14;
	v58 =	vunpack.i.l.bf16.f32 v19;
	[tilespmem:v49+s25+$0x0] =	vst.idx.msk $0xffff, v2  }
0x1e3: {  	v31 =	vadd.bf16 v31, v32;
	v2 =	vor.u32 v3, v23;
	[tilespmem:v40+s25+$0x0] =	vst.idx.msk $0xffff, v58;
	v40 =	vld.idx.msk [tilespmem:v30+s13+$0x0], $0xffff  }
0x1e4: {  	v62 =	vor.u32 v5, v16;
	v56 =	vld [tilespmem:s10+$0x20];
	v28 =	vadd.bf16 v28, v14  }
0x1e5: {  	v57 =	vor.u32 v4, v23;
	v29 =	vld [tilespmem:s26+$0x20];
	v14 =	vunpack.i.u.bf16.f32 v19;
	v19 =	vunpack.i.l.bf16.f32 v31  }
0x1e6: {  	v59 =	vld [tilespmem:s17+$0x20];
	[tilespmem:v55+s25+$0x0] =	vst.idx.msk $0xffff, v14;
	v14 =	vshll.u32 v30, $0x7;
	v30 =	vunpack.i.u.bf16.f32 v31;
	v31 =	vunpack.i.l.bf16.f32 v28  }
0x1e7: {  	v61 =	vld [tilespmem:s19+$0xFFFFFFE0];
	[tilespmem:v60+s25+$0x0] =	vst.idx.msk $0xffff, v31  }
0x1e8: {  	v63 =	vunpack.i.u.bf16.f32 v28;
	v28 =	vpack.i.f32.bf16 v43, v43;
	v43 =	vld [tilespmem:s5+$0x20];
	[tilespmem:v2+s25+$0x0] =	vst.idx.msk $0xffff, v19  }
0x1e9: {  	v49 =	vld [tilespmem:s23+$0xFFFFFFE0];
	v31 =	vor.u32 v1, v14;
	v42 =	vmul.bf16 v41, v28;
	v19 =	vshll.u32 v27, $0x7;
	[tilespmem:v62+s25+$0x0] =	vst.idx.msk $0xffff, v63  }
0x1ea: {  	v2 =	vor.u32 $0x41, v1;
	[tilespmem:v57+s25+$0x0] =	vst.idx.msk $0xffff, v30;
	v34 =	vmul.bf16 v56, v17;
	v17 =	vpack.i.f32.bf16 v48, v48;
	v57 =	vld [tilespmem:s23+$0x10]  }
0x1eb: {  	v29 =	vmul.bf16 v29, v24;
	v24 =	vor.u32 v2, v23;
	v30 =	vor.u32 v2, v21;
	v58 =	vld [tilespmem:s20+$0x10]  }
0x1ec: {  	v55 =	vmul.bf16 v59, v6;
	v6 =	vor.u32 $0x40, v1;
	v39 =	vld [tilespmem:s10+$0xFFFFFFF0];
	v48 =	vmul.bf16 v47, v17  }
0x1ed: {  	v53 =	vld [tilespmem:s17+$0xFFFFFFF0];
	v54 =	vadd.bf16 v29, v34;
	v34 =	vor.u32 v6, v21;
	v21 =	vpack.i.f32.bf16 v50, v50  }
0x1ee: {  	v56 =	vld [tilespmem:s26+$0xFFFFFFF0];
	s15 =	rddreg [dreg:$0x8];
	v29 =	vor.u32 v6, v23;
	v32 =	vmul.bf16 v61, v8;
	v36 =	vmul.bf16 v43, v36  }
0x1ef: {  	v25 =	vld [tilespmem:s12+$0x0];
	s2 =	sadd.s32 s15, s18;
	v23 =	vpack.i.f32.bf16 v51, v51;
	v49 =	vmul.bf16 v49, v12;
	v59 =	vmul.bf16 v46, v21  }
0x1f0: {  	v47 =	vld.idx.msk [tilespmem:v27+s8+$0x0], $0xffff;
	v43 =	vor.u32 v4, v16;
	s17 =	smulhi.u32 $0x2AAAAAAB, s2;
	v38 =	vmul.bf16 v37, v23;
	v54 =	vadd.bf16 v55, v54  }
0x1f1: {  	v50 =	vld [tilespmem:s21+$0x10];
	v61 =	vadd.bf16 v48, v59;
	v51 =	vmul.bf16 v57, v18;
	v55 =	vmul.bf16 v58, v20  }
0x1f2: {  	s4 =	sshrl.u32 s17, $0x6;
	v60 =	vmul.bf16 v39, v22;
	v22 =	vpack.i.f32.bf16 v40, v40;
	v37 =	vmul.bf16 v53, v33;
	v53 =	vld [tilespmem:s19+$0x10]  }
0x1f3: {  	v33 =	vpack.i.f32.bf16 v52, v52;
	v62 =	vmul.bf16 v56, v35;
	s26 =	smul.u32 $0xFFFFFE80, s4;
	v52 =	vld [tilespmem:s21+$0xFFFFFFE0];
	v63 =	vmul.bf16 v44, v22  }
0x1f4: {  	s11 =	simm.s32 $0x3A50;
	s10 =	simm.s32 $0x9F0;
	s15 =	simm.s32 $0x6;
	v35 =	vor.u32 v3, v9;
	v48 =	vadd.bf16 v36, v54;
	v41 =	vmul.bf16 v45, v33;
	v45 =	vld [tilespmem:s5+$0xFFFFFFF0]  }
0x1f5: {  	s17 =	simm.s32 $0x5250;
	v39 =	vor.u32 v3, v16;
	v44 =	vld [tilespmem:s20+$0xFFFFFFE0];
	s5 =	sadd.s32 s2, s26;
	v46 =	vadd.bf16 v62, v60;
	s2 =	simm.s32 $0x2250;
	v54 =	vadd.bf16 v63, v61  }
.LBB2_3:
0x1f6: {  	s26 =	smov.u32 s15  }
0x1f7: {  	v56 =	vmov s15;
	s14 =	sadd.s32 $0x1, s15;
	v57 =	vor.u32 v5, v14;
	v58 =	vld.idx.msk [tilespmem:v27+s9+$0x0], $0xffff;
	s7 =	sadd.s32 $0x60, s7;
	v59 =	vunpack.i.l.bf16.f32 v48;
	v36 =	vmovc v33;
	s26 =	sadd.s32 $0x2, s15  }
0x1f8: {  	p1 =	slt.u32 s15, $0x7E;
	v48 =	vunpack.i.u.bf16.f32 v48;
	v27 =	vmov s14;
	v33 =	vadd.bf16 v55, v51;
	v40 =	vld [tilespmem:s17+$0x0];
	[tilespmem:v34+s25+$0x0] =	vst.idx.msk $0xffff, v59  }
0x1f9: {  	v37 =	vadd.bf16 v37, v46;
	v34 =	vmul.bf16 v50, v11;
	v45 =	vmul.bf16 v45, v7;
	v7 =	vmovc v8;
	v51 =	vld [tilespmem:s11+$0x0]  }
0x1fa: {  	v42 =	vadd.bf16 v42, v54;
	v8 =	vmov v28;
	v50 =	vmul.bf16 v53, v15;
	v46 =	vld [tilespmem:s2+$0x0];
	[tilespmem:v30+s25+$0x0] =	vst.idx.msk $0xffff, v48  }
0x1fb: {  	v48 =	vshll.u32 v56, $0x7;
	v30 =	vadd.bf16 v34, v33;
	v33 =	vadd.bf16 v45, v37;
	v28 =	vld [tilespmem:s2+$0xFFFFFFD0]  }
0x1fc: {  	v37 =	vunpack.i.l.bf16.f32 v42;
	v45 =	vpack.i.f32.bf16 v47, v47;
	v47 =	vmul.bf16 v52, v13;
	v34 =	vld.idx.msk [tilespmem:v56+s9+$0x0], $0xffff  }
0x1fd: {  	v52 =	vpack.i.f32.bf16 v58, v58;
	v53 =	vmul.bf16 v26, v45;
	v30 =	vadd.bf16 v50, v30;
	v26 =	vld [tilespmem:s7+$0x0]  }
0x1fe: {  	v54 =	vmul.bf16 v25, v52;
	v55 =	vunpack.i.u.bf16.f32 v33;
	v59 =	vunpack.i.l.bf16.f32 v33;
	v50 =	vld [tilespmem:s17+$0xFFFFFFD0]  }
0x1ff: {  	v33 =	vmul.bf16 v44, v10;
	v44 =	vunpack.i.u.bf16.f32 v30;
	v30 =	vunpack.i.l.bf16.f32 v30;
	v58 =	vld [tilespmem:s11+$0xFFFFFFD0];
	[tilespmem:v29+s25+$0x0] =	vst.idx.msk $0xffff, v59;
	v25 =	vmovc v46  }
0x200: {  	v59 =	vshll.u32 v27, $0x7;
	v29 =	vadd.bf16 v54, v53;
	v46 =	vld.idx.msk [tilespmem:v56+s8+$0x0], $0xffff;
	[tilespmem:v24+s25+$0x0] =	vst.idx.msk $0xffff, v55  }
0x201: {  	v24 =	vadd.bf16 v33, v49;
	v33 =	vor.u32 v4, v9;
	v53 =	vld.idx.msk [tilespmem:v27+s13+$0x0], $0xffff;
	[tilespmem:v39+s25+$0x0] =	vst.idx.msk $0xffff, v30  }
0x202: {  	v29 =	vadd.bf16 v38, v29;
	v39 =	vld [tilespmem:s7+$0xFFFFFFD0];
	[tilespmem:v43+s25+$0x0] =	vst.idx.msk $0xffff, v44  }
0x203: {  	v24 =	vadd.bf16 v47, v24;
	v30 =	vld [tilespmem:s23+$0x20]  }
0x204: {  	v29 =	vadd.bf16 v41, v29;
	v38 =	vld [tilespmem:s20+$0x20]  }
0x205: {  	v24 =	vadd.bf16 v32, v24;
	v41 =	vld.idx.msk [tilespmem:v56+s24+$0x0], $0xffff  }
0x206: {  	v32 =	vunpack.i.u.bf16.f32 v42;
	[tilespmem:v31+s25+$0x0] =	vst.idx.msk $0xffff, v37;
	v37 =	vunpack.i.u.bf16.f32 v29;
	v29 =	vunpack.i.l.bf16.f32 v29;
	v31 =	vld [tilespmem:s21+$0x20]  }
0x207: {  	v42 =	vunpack.i.l.bf16.f32 v24;
	v43 =	vld.idx.msk [tilespmem:v56+s13+$0x0], $0xffff;
	[tilespmem:v57+s25+$0x0] =	vst.idx.msk $0xffff, v32;
	v32 =	vor.u32 v1, v19  }
0x208: {  	v47 =	vor.u32 v5, v19;
	v24 =	vunpack.i.u.bf16.f32 v24;
	v44 =	vld [tilespmem:s22+$0xFFFFFFE0];
	[tilespmem:v35+s25+$0x0] =	vst.idx.msk $0xffff, v42;
	v35 =	vmul.bf16 v30, v18  }
0x209: {  	v49 =	vpack.i.f32.bf16 v34, v34;
	v54 =	vld.idx.msk [tilespmem:v27+s24+$0x0], $0xffff;
	[tilespmem:v33+s25+$0x0] =	vst.idx.msk $0xffff, v24;
	v34 =	vmul.bf16 v38, v20  }
0x20a: {  	v30 =	vor.u32 v2, v16;
	v18 =	vmovc v45;
	v33 =	vmul.bf16 v28, v49;
	v24 =	vor.u32 v2, v9;
	v38 =	vld [tilespmem:s23+$0xFFFFFFF0];
	s23 =	smov.u32 s10;
	s10 =	smov.u32 s7  }
0x20b: {  	v20 =	vmovc v52;
	v45 =	vld [tilespmem:s21+$0xFFFFFFF0];
	v35 =	vadd.bf16 v34, v35;
	v55 =	vmul.bf16 v31, v11;
	v11 =	vmov v23;
	s21 =	smov.u32 s6;
	s6 =	smov.u32 s11  }
0x20c: {  	v31 =	vor.u32 v1, v48;
	v34 =	vor.u32 v6, v16;
	v16 =	vmov v19;
	[tilespmem:v32+s25+$0x0] =	vst.idx.msk $0xffff, v29;
	v52 =	vld [tilespmem:s20+$0xFFFFFFF0];
	s20 =	smov.u32 s12;
	s12 =	smov.u32 s2  }
0x20d: {  	v28 =	vpack.i.f32.bf16 v41, v41;
	v29 =	vor.u32 v6, v9;
	[tilespmem:v47+s25+$0x0] =	vst.idx.msk $0xffff, v37;
	v56 =	vld [tilespmem:s19+$0x20]  }
0x20e: {  	v57 =	vpack.i.f32.bf16 v46, v46;
	v42 =	vmul.bf16 v50, v28;
	v9 =	vmovc v14;
	v32 =	vmul.bf16 v44, v8;
	v46 =	vld [tilespmem:s23+$0x10]  }
0x20f: {  	v39 =	vmul.bf16 v39, v57;
	v23 =	vpack.i.f32.bf16 v53, v53;
	v14 =	vmovc v48;
	v53 =	vld [tilespmem:s23+$0xFFFFFFE0];
	v12 =	vmul.bf16 v38, v12  }
0x210: {  	v60 =	vpack.i.f32.bf16 v43, v43;
	v38 =	vmul.bf16 v51, v23;
	v47 =	vld.idx.msk [tilespmem:v27+s8+$0x0], $0xffff;
	v37 =	vmul.bf16 v45, v13  }
0x211: {  	v61 =	vadd.bf16 v33, v39;
	v19 =	vmovc v59;
	v33 =	vpack.i.f32.bf16 v54, v54;
	v62 =	vld [tilespmem:s20+$0x10];
	v13 =	vmul.bf16 v52, v10  }
.Ltmp0:
0x212: {  	v41 =	vmul.bf16 v40, v33;
	v40 =	vadd.bf16 v55, v35;
	v52 =	vmul.bf16 v58, v60;
	v10 =	vmovc v17;
	v44 =	vld [tilespmem:s20+$0xFFFFFFE0];
	(pc) =	sbr.rel @p1 .LBB2_3-.Ltmp0, $4  }
0x213: {  	v35 =	vor.u32 v3, v9;
	v17 =	vmovc v49;
	v56 =	vmul.bf16 v56, v15;
	v51 =	vmul.bf16 v46, v18;
	v50 =	vld [tilespmem:s21+$0x10]  }
0x214: {  	v39 =	vor.u32 v3, v16;
	v46 =	vadd.bf16 v13, v12;
	v12 =	vmovc v21;
	v21 =	vmov v57;
	v45 =	vld [tilespmem:s19+$0xFFFFFFF0];
	s19 =	smov.u32 s22;
	s22 =	smov.u32 s17  }
0x215: {  	s15 =	smov.u32 s26;
	v43 =	vor.u32 v4, v16;
	v49 =	vmul.bf16 v53, v12;
	v48 =	vadd.bf16 v56, v40;
	v53 =	vld [tilespmem:s19+$0x10];
	v13 =	vmovc v22  }
0x216: {  	s11 =	sadd.s32 $0x60, s11;
	s2 =	sadd.s32 $0x60, s2;
	v15 =	vmovc v36;
	v54 =	vadd.bf16 v52, v61;
	s17 =	sadd.s32 $0x60, s17;
	v22 =	vmov v60;
	v52 =	vld [tilespmem:s21+$0xFFFFFFE0];
	v55 =	vmul.bf16 v62, v20  }
0x217: {  	_ =	sdelay $0x3  }
0x218: {  	v27 =	vld.idx.msk [tilespmem:v27+s9+$0x0], $0xffff;
	_ =	sdelay $0x4  }
0x219: {  	v36 =	vpack.i.f32.bf16 v47, v47;
	v27 =	vpack.i.f32.bf16 v27, v27  }
0x21a: {  	v26 =	vmul.bf16 v26, v36;
	v25 =	vmul.bf16 v25, v27;
	_ =	sdelay $0x1  }
0x21b: {  	v25 =	vadd.bf16 v25, v26;
	_ =	sdelay $0x1  }
0x21c: {  	v26 =	vor.u32 v1, v19;
	v25 =	vadd.bf16 v38, v25  }
0x21d: {  	v59 =	vor.u32 v5, v19  }
0x21e: {  	v25 =	vadd.bf16 v41, v25  }
0x21f: {  	v40 =	vor.u32 v5, v14  }
0x220: {  	v63 =	vmul.bf16 v44, v10;
	v60 =	vadd.bf16 v42, v54;
	v61 =	vunpack.i.l.bf16.f32 v25  }
0x221: {  	v62 =	vadd.bf16 v55, v51;
	v50 =	vmul.bf16 v50, v11;
	v25 =	vunpack.i.u.bf16.f32 v25;
	[tilespmem:v26+s25+$0x0] =	vst.idx.msk $0xffff, v61  }
0x222: {  	v26 =	vunpack.i.l.bf16.f32 v60;
	[tilespmem:v59+s25+$0x0] =	vst.idx.msk $0xffff, v25  }
0x223: {  	v42 =	vadd.bf16 v63, v49;
	v51 =	vadd.bf16 v50, v62;
	[tilespmem:v31+s25+$0x0] =	vst.idx.msk $0xffff, v26;
	v26 =	vld [tilespmem:s10+$0x10]  }
0x224: {  	v41 =	vunpack.i.u.bf16.f32 v60;
	v25 =	vmul.bf16 v53, v15;
	v31 =	vmul.bf16 v52, v13;
	v52 =	vld [tilespmem:s12+$0x10]  }
0x225: {  	[tilespmem:v40+s25+$0x0] =	vst.idx.msk $0xffff, v41;
	v53 =	vld [tilespmem:s6+$0x10]  }
0x226: {  	v41 =	vld [tilespmem:s10+$0xFFFFFFE0];
	v25 =	vadd.bf16 v25, v51;
	v31 =	vadd.bf16 v31, v42  }
0x227: {  	v54 =	vor.u32 v4, v9;
	v55 =	vld [tilespmem:s12+$0xFFFFFFE0]  }
0x228: {  	v57 =	vld [tilespmem:s22+$0x10];
	v56 =	vunpack.i.l.bf16.f32 v25;
	v31 =	vadd.bf16 v32, v31  }
0x229: {  	v58 =	vld [tilespmem:s6+$0xFFFFFFE0];
	v25 =	vunpack.i.u.bf16.f32 v25;
	[tilespmem:v39+s25+$0x0] =	vst.idx.msk $0xffff, v56;
	v26 =	vmul.bf16 v26, v36;
	v40 =	vmul.bf16 v52, v27  }
0x22a: {  	v37 =	vadd.bf16 v37, v46;
	[tilespmem:v43+s25+$0x0] =	vst.idx.msk $0xffff, v25;
	v25 =	vunpack.i.l.bf16.f32 v31  }
0x22b: {  	v59 =	vld [tilespmem:s22+$0xFFFFFFE0];
	v31 =	vunpack.i.u.bf16.f32 v31;
	[tilespmem:v35+s25+$0x0] =	vst.idx.msk $0xffff, v25;
	v25 =	vadd.bf16 v40, v26;
	v26 =	vmul.bf16 v53, v23  }
0x22c: {  	v61 =	vld [tilespmem:s23+$0x20];
	v62 =	vmul.bf16 v55, v17;
	[tilespmem:v54+s25+$0x0] =	vst.idx.msk $0xffff, v31;
	v31 =	vmul.bf16 v41, v21  }
0x22d: {  	v49 =	vor.u32 v3, v19;
	v32 =	vmul.bf16 v57, v33;
	v63 =	vld [tilespmem:s20+$0x20];
	v25 =	vadd.bf16 v26, v25  }
0x22e: {  	v50 =	vor.u32 v4, v19;
	v39 =	vmul.bf16 v58, v22;
	v54 =	vld [tilespmem:s19+$0x20];
	v31 =	vadd.bf16 v62, v31  }
0x22f: {  	v7 =	vmul.bf16 v45, v7;
	v60 =	vunpack.i.l.bf16.f32 v48;
	v26 =	vld [tilespmem:s21+$0x20];
	v25 =	vadd.bf16 v32, v25  }
0x230: {  	v43 =	vmul.bf16 v59, v28;
	v53 =	vor.u32 v3, v14;
	v51 =	vld [tilespmem:s23+$0xFFFFFFF0];
	v31 =	vadd.bf16 v39, v31  }
0x231: {  	[tilespmem:v34+s25+$0x0] =	vst.idx.msk $0xffff, v60;
	v56 =	vor.u32 v4, v14;
	v52 =	vld [tilespmem:s21+$0xFFFFFFF0];
	v18 =	vmul.bf16 v61, v18;
	v55 =	vunpack.i.l.bf16.f32 v25  }
0x232: {  	v57 =	vld [tilespmem:s20+$0xFFFFFFF0];
	v20 =	vmul.bf16 v63, v20;
	v25 =	vunpack.i.u.bf16.f32 v25;
	v31 =	vadd.bf16 v43, v31;
	[tilespmem:v49+s25+$0x0] =	vst.idx.msk $0xffff, v55  }
0x233: {  	v7 =	vadd.bf16 v7, v37;
	v58 =	vunpack.i.u.bf16.f32 v48;
	v59 =	vld [tilespmem:s19+$0xFFFFFFF0];
	[tilespmem:v50+s25+$0x0] =	vst.idx.msk $0xffff, v25  }
0x234: {  	[tilespmem:v30+s25+$0x0] =	vst.idx.msk $0xffff, v58;
	v18 =	vadd.bf16 v20, v18;
	v11 =	vmul.bf16 v26, v11;
	v25 =	vunpack.i.l.bf16.f32 v31;
	v20 =	vld [tilespmem:s10+$0x20]  }
0x235: {  	v15 =	vmul.bf16 v54, v15;
	v31 =	vunpack.i.u.bf16.f32 v31;
	v30 =	vld [tilespmem:s12+$0x20];
	[tilespmem:v53+s25+$0x0] =	vst.idx.msk $0xffff, v25  }
0x236: {  	v26 =	vor.u32 v6, v16;
	v25 =	vunpack.i.l.bf16.f32 v7;
	v11 =	vadd.bf16 v11, v18;
	v18 =	vld [tilespmem:s6+$0x20];
	[tilespmem:v56+s25+$0x0] =	vst.idx.msk $0xffff, v31  }
0x237: {  	v12 =	vmul.bf16 v51, v12;
	v10 =	vmul.bf16 v57, v10;
	[tilespmem:v29+s25+$0x0] =	vst.idx.msk $0xffff, v25;
	v25 =	vld [tilespmem:s10+$0xFFFFFFF0]  }
0x238: {  	v8 =	vmul.bf16 v59, v8;
	v16 =	vor.u32 v2, v16;
	v11 =	vadd.bf16 v15, v11;
	v15 =	vld [tilespmem:s12+$0xFFFFFFF0]  }
0x239: {  	v10 =	vadd.bf16 v10, v12;
	v7 =	vunpack.i.u.bf16.f32 v7;
	v29 =	vor.u32 v2, v9;
	v31 =	vld [tilespmem:s6+$0xFFFFFFF0]  }
0x23a: {  	v9 =	vor.u32 v6, v9;
	[tilespmem:v24+s25+$0x0] =	vst.idx.msk $0xffff, v7;
	v7 =	vmul.bf16 v52, v13;
	v13 =	vld [tilespmem:s22+$0x20];
	v12 =	vunpack.i.l.bf16.f32 v11  }
0x23b: {  	[tilespmem:v26+s25+$0x0] =	vst.idx.msk $0xffff, v12;
	v12 =	vmul.bf16 v20, v36;
	v20 =	vmul.bf16 v30, v27  }
0x23c: {  	v11 =	vunpack.i.u.bf16.f32 v11;
	v7 =	vadd.bf16 v7, v10;
	v10 =	vmul.bf16 v18, v23;
	v18 =	vld [tilespmem:s22+$0xFFFFFFF0]  }
0x23d: {  	v12 =	vadd.bf16 v20, v12;
	v20 =	vmul.bf16 v25, v21;
	v15 =	vmul.bf16 v15, v17  }
0x23e: {  	v7 =	vadd.bf16 v8, v7;
	v8 =	vor.u32 v6, v19;
	v17 =	vmul.bf16 v31, v22  }
0x23f: {  	v10 =	vadd.bf16 v10, v12;
	v12 =	vmul.bf16 v13, v33;
	v13 =	vadd.bf16 v15, v20  }
0x240: {  	[tilespmem:v16+s25+$0x0] =	vst.idx.msk $0xffff, v11;
	v16 =	vor.u32 v6, v14;
	v11 =	vunpack.i.l.bf16.f32 v7;
	v15 =	vor.u32 v2, v19  }
0x241: {  	v10 =	vadd.bf16 v12, v10;
	v12 =	vadd.bf16 v17, v13;
	v13 =	vmul.bf16 v18, v28  }
0x242: {  	v7 =	vunpack.i.u.bf16.f32 v7;
	[tilespmem:v9+s25+$0x0] =	vst.idx.msk $0xffff, v11;
	v9 =	vor.u32 v2, v14  }
0x243: {  	[tilespmem:v29+s25+$0x0] =	vst.idx.msk $0xffff, v7;
	v7 =	vunpack.i.l.bf16.f32 v10;
	v11 =	vadd.bf16 v13, v12  }
0x244: {  	s2 =	smul.u32 $0xC000, s4;
	v10 =	vunpack.i.u.bf16.f32 v10;
	[tilespmem:v8+s25+$0x0] =	vst.idx.msk $0xffff, v7  }
0x245: {  	s12 =	rddreg [dreg:$0x9];
	[tilespmem:v15+s25+$0x0] =	vst.idx.msk $0xffff, v10;
	v7 =	vunpack.i.l.bf16.f32 v11  }
0x246: {  	s14 =	sshll.u32 s5, $0x7;
	v8 =	vunpack.i.u.bf16.f32 v11;
	s2 =	sadd.s32 s12, s2;
	[tilespmem:v16+s25+$0x0] =	vst.idx.msk $0xffff, v7  }
0x247: {  	s2 =	sadd.s32 s14, s2;
	[tilespmem:v9+s25+$0x0] =	vst.idx.msk $0xffff, v8  }
0x248: {  	s2 =	sshrl.u32 s2, $0x3;
	s15 =	rddreg [dreg:$0x5]  }
0x249: {  	s26 =	simm.s32 $0x0;
	s17 =	rddreg [dreg:$0xa];
	s2 =	sadd.s32 s15, s2  }
0x24a: {  	[hbm4b:s2+s26] =	stream.linear.scatter [tilespmem:s25], [sflag:$0x3], $0x4000, $0x38;
	[tilespmem:$0x14900] =	vst v63  }
0x24b: {  	s2 =	sadd.s32 s18, s17  }
0x24c: {  	s18 =	rddreg [dreg:$0x2];
	s2 =	sshrl.u32 s2, $0x3  }
0x24d: {  	s19 =	simm.s32 $0x5;
	s4 =	sadd.s32 s18, s2  }
0x24e: {  	[tilespmem:s26], [sflag:$0x5] =	stream.linear.gather [hbm4b:s4+s26], $0x80, $0x38;
	[tilespmem:$0x14900] =	vst v63  }
0x24f: {  	_ =	swait.ge [sflag:s19], $0x80  }
0x250: {  	[sflag:s19] =	ssyncset.done $0x0;
	s20 =	rddreg [dreg:$0x3]  }
0x251: {  	s21 =	simm.s32 $0x80;
	[sflag:s19] =	ssyncadd.s32 $0xFFFFFF80;
	s2 =	sadd.s32 s20, s2  }
0x252: {  	[tilespmem:s21], [sflag:$0x5] =	stream.linear.gather [hbm4b:s2+s26], $0x80, $0x38;
	[tilespmem:$0x14900] =	vst v63  }
0x253: {  	_ =	swait.ge [sflag:s19], $0x80  }
0x254: {  	[sflag:s19] =	ssyncset.done $0x0  }
0x255: {  	[sflag:s19] =	ssyncadd.s32 $0xFFFFFF80  }
0x256: {  	v7 =	vld [tilespmem:$0x0]  }
0x257: {  	v8 =	vld [tilespmem:$0x80];
	_ =	sdelay $0x3  }
0x258: {  	v7 =	vadd.f32 $1.000000000e+00, v7  }
0x259: {  	v8 =	vadd.f32 $1.000000000e+00, v8  }
0x25a: {  	v7 =	vmul.f32 $3.840000000e+02, v7  }
0x25b: {  	v8 =	vmul.f32 $3.840000000e+02, v8  }
0x25c: {  	v7 =	vadd.f32 $-1.000000000e+00, v7  }
0x25d: {  	v8 =	vadd.f32 $-1.000000000e+00, v8  }
0x25e: {  	v13 =	vld [tilespmem:$0x90];
	v7 =	vmul.f32 $5.000000000e-01, v7  }
0x25f: {  	v51 =	vld [tilespmem:$0x40];
	v8 =	vmul.f32 $5.000000000e-01, v8  }
0x260: {  	v52 =	vld [tilespmem:$0xC0];
	v9 =	vtrunc.f32 v7  }
0x261: {  	v10 =	vtrunc.f32 v8;
	v9 =	vcvt.f32.s32 v9  }
0x262: {  	v10 =	vcvt.f32.s32 v10  }
0x263: {  	v9 =	vcvt.s32.f32 v9  }
0x264: {  	v13 =	vadd.f32 $1.000000000e+00, v13;
	v38 =	vadd.f32 $1.000000000e+00, v51;
	v10 =	vcvt.s32.f32 v10  }
0x265: {  	v60 =	vld [tilespmem:$0xB0];
	v40 =	vadd.f32 $1.000000000e+00, v52;
	v11 =	vadd.f32 $-1.000000000e+00, v9  }
0x266: {  	v13 =	vmul.f32 $3.840000000e+02, v13;
	v12 =	vadd.f32 $-1.000000000e+00, v10;
	vm0 =	vlt.f32 v7, v9  }
0x267: {  	v58 =	vmul.f32 $3.840000000e+02, v38;
	vm1 =	vlt.f32 v8, v10;
	v9 =	vsel vm0, v11, v9;
	v11 =	vld [tilespmem:$0x10]  }
0x268: {  	v10 =	vsel vm1, v12, v10;
	v7 =	vsub.f32 v7, v9;
	v9 =	vtrunc.f32 v9  }
0x269: {  	v12 =	vtrunc.f32 v10;
	v8 =	vsub.f32 v8, v10;
	v9 =	vcvt.f32.s32 v9  }
0x26a: {  	v32 =	vadd.f32 $1.000000000e+00, v60;
	v59 =	vmul.f32 $3.840000000e+02, v40;
	v12 =	vcvt.f32.s32 v12  }
0x26b: {  	v10 =	vsub.f32 $1.000000000e+00, v7;
	v16 =	vsub.f32 $1.000000000e+00, v8;
	v14 =	vadd.s32 $0x1, v9  }
0x26c: {  	v15 =	vadd.s32 $0x1, v12;
	vm10 =	vlt.u32 v9, $0x180;
	v11 =	vadd.f32 $1.000000000e+00, v11  }
0x26d: {  	vm12 =	vlt.u32 v12, $0x180;
	vm14 =	vgt.s32 v9, $0x0;
	vm15 =	vgt.s32 v12, $0x0  }
0x26e: {  	v10 =	vnsel vm10, $0x0, v10;
	vm11 =	vlt.u32 v14, $0x180;
	v11 =	vmul.f32 $3.840000000e+02, v11  }
0x26f: {  	vm13 =	vlt.u32 v15, $0x180;
	v17 =	vnsel vm11, $0x0, v7;
	v7 =	vnsel vm12, $0x0, v16  }
0x270: {  	v16 =	vnsel vm13, $0x0, v8;
	v8 =	vnsel vm14, $0x0, v9;
	v9 =	vadd.f32 $-1.000000000e+00, v11  }
0x271: {  	v12 =	vnsel vm15, $0x0, v12;
	vm5 =	vgt.s32 v14, $0x0;
	v11 =	vadd.f32 $-1.000000000e+00, v13  }
0x272: {  	vm4 =	vgt.s32 v15, $0x0;
	v14 =	vnsel vm5, $0x0, v14;
	v9 =	vmul.f32 $5.000000000e-01, v9  }
0x273: {  	v13 =	vnsel vm4, $0x0, v15;
	v15 =	vmul.f32 $5.000000000e-01, v11;
	v11 =	vmin.u32 v12, $0x17F  }
0x274: {  	v12 =	vmin.u32 v13, $0x17F;
	v11 =	vmul.u32 $0x180, v11;
	v13 =	vtrunc.f32 v9  }
0x275: {  	v12 =	vmul.u32 $0x180, v12;
	v18 =	vtrunc.f32 v15;
	v13 =	vcvt.f32.s32 v13  }
0x276: {  	v8 =	vmin.u32 v8, $0x17F;
	v14 =	vmin.u32 v14, $0x17F;
	v18 =	vcvt.f32.s32 v18  }
0x277: {  	v11 =	vadd.s32 v0, v11;
	v20 =	vadd.s32 v0, v12;
	v19 =	vcvt.s32.f32 v13  }
0x278: {  	v12 =	vadd.s32 v14, v11;
	v13 =	vadd.s32 v8, v11;
	v18 =	vcvt.s32.f32 v18  }
0x279: {  	v11 =	vadd.s32 v8, v20;
	v8 =	vmul.f32 v7, v10;
	v21 =	vadd.f32 $-1.000000000e+00, v19  }
0x27a: {  	v7 =	vmul.f32 v17, v7;
	vm6 =	vlt.f32 v9, v19;
	v22 =	vadd.f32 $-1.000000000e+00, v18  }
0x27b: {  	v10 =	vmul.f32 v16, v10;
	vm7 =	vlt.f32 v15, v18;
	v19 =	vsel vm6, v21, v19  }
0x27c: {  	v21 =	vld [tilespmem:$0x20];
	v18 =	vsel vm7, v22, v18;
	v22 =	vsub.f32 v9, v19;
	v9 =	vtrunc.f32 v19  }
0x27d: {  	v14 =	vadd.s32 v14, v20;
	v19 =	vld [tilespmem:$0xA0];
	v20 =	vcvt.f32.s32 v9;
	v9 =	vtrunc.f32 v18  }
0x27e: {  	v15 =	vsub.f32 v15, v18;
	v23 =	vcvt.f32.s32 v9;
	v24 =	vsub.f32 $1.000000000e+00, v22  }
0x27f: {  	v9 =	vmul.f32 v16, v17;
	vm8 =	vlt.u32 v20, $0x180;
	v16 =	vadd.s32 $0x1, v20  }
0x280: {  	vm12 =	vgt.s32 v20, $0x0;
	v17 =	vadd.s32 $0x1, v23;
	v18 =	vnsel vm8, $0x0, v24  }
0x281: {  	vm9 =	vlt.u32 v16, $0x180;
	v21 =	vadd.f32 $1.000000000e+00, v21;
	vm10 =	vlt.u32 v23, $0x180  }
0x282: {  	v24 =	vsub.f32 $1.000000000e+00, v15;
	vm13 =	vgt.s32 v23, $0x0;
	v19 =	vadd.f32 $1.000000000e+00, v19  }
0x283: {  	v20 =	vnsel vm12, $0x0, v20;
	vm14 =	vgt.s32 v16, $0x0;
	v21 =	vmul.f32 $3.840000000e+02, v21  }
0x284: {  	v22 =	vnsel vm9, $0x0, v22;
	vm11 =	vlt.u32 v17, $0x180;
	v19 =	vmul.f32 $3.840000000e+02, v19  }
0x285: {  	vm15 =	vgt.s32 v17, $0x0;
	v25 =	vnsel vm11, $0x0, v15;
	v15 =	vadd.f32 $-1.000000000e+00, v21  }
0x286: {  	v27 =	vmin.u32 v20, $0x17F;
	v17 =	vnsel vm15, $0x0, v17;
	v19 =	vadd.f32 $-1.000000000e+00, v19  }
0x287: {  	v17 =	vmin.u32 v17, $0x17F;
	v21 =	vnsel vm13, $0x0, v23;
	v23 =	vmul.f32 $5.000000000e-01, v15  }
0x288: {  	v15 =	vnsel vm14, $0x0, v16;
	v16 =	vmin.u32 v21, $0x17F;
	v26 =	vmul.f32 $5.000000000e-01, v19  }
0x289: {  	v16 =	vmul.u32 $0x180, v16;
	v28 =	vmin.u32 v15, $0x17F;
	v19 =	vtrunc.f32 v23  }
0x28a: {  	v15 =	vmul.u32 $0x180, v17;
	v21 =	vtrunc.f32 v26;
	v19 =	vcvt.f32.s32 v19  }
0x28b: {  	v24 =	vnsel vm10, $0x0, v24;
	v16 =	vadd.s32 v0, v16;
	v21 =	vcvt.f32.s32 v21  }
0x28c: {  	v30 =	vadd.s32 v0, v15;
	v15 =	vmul.f32 v22, v24;
	v29 =	vcvt.s32.f32 v19  }
0x28d: {  	v22 =	vmul.f32 v25, v22;
	v20 =	vadd.s32 v27, v16;
	v21 =	vcvt.s32.f32 v21  }
0x28e: {  	v17 =	vadd.s32 v27, v30;
	v19 =	vadd.s32 v28, v16;
	v27 =	vadd.f32 $-1.000000000e+00, v29  }
0x28f: {  	v16 =	vmul.f32 v24, v18;
	vm4 =	vlt.f32 v23, v29;
	v31 =	vadd.f32 $-1.000000000e+00, v21  }
0x290: {  	v18 =	vmul.f32 v25, v18;
	vm5 =	vlt.f32 v26, v21;
	v24 =	vsel vm4, v27, v29;
	v29 =	vld [tilespmem:$0x30]  }
0x291: {  	v27 =	vsel vm5, v31, v21;
	v23 =	vsub.f32 v23, v24;
	v24 =	vtrunc.f32 v24  }
0x292: {  	v21 =	vadd.s32 v28, v30;
	v31 =	vtrunc.f32 v27;
	v24 =	vcvt.f32.s32 v24  }
0x293: {  	v26 =	vsub.f32 v26, v27;
	v28 =	vcvt.f32.s32 v31;
	v27 =	vsub.f32 $1.000000000e+00, v23  }
0x294: {  	v30 =	vadd.s32 $0x1, v24;
	vm6 =	vlt.u32 v24, $0x180;
	vm10 =	vgt.s32 v24, $0x0  }
0x295: {  	v61 =	vnsel vm6, $0x0, v27;
	v27 =	vsub.f32 $1.000000000e+00, v26;
	v29 =	vadd.f32 $1.000000000e+00, v29  }
0x296: {  	v31 =	vadd.s32 $0x1, v28;
	vm7 =	vlt.u32 v30, $0x180;
	vm8 =	vlt.u32 v28, $0x180  }
0x297: {  	v62 =	vnsel vm7, $0x0, v23;
	v23 =	vnsel vm8, $0x0, v27;
	v27 =	vmul.f32 $3.840000000e+02, v29  }
0x298: {  	v24 =	vnsel vm10, $0x0, v24;
	vm11 =	vgt.s32 v28, $0x0;
	v29 =	vmul.f32 $3.840000000e+02, v32  }
0x299: {  	vm12 =	vgt.s32 v30, $0x0;
	vm9 =	vlt.u32 v31, $0x180;
	v25 =	vadd.f32 $-1.000000000e+00, v27  }
0x29a: {  	v28 =	vnsel vm11, $0x0, v28;
	vm13 =	vgt.s32 v31, $0x0;
	v27 =	vadd.f32 $-1.000000000e+00, v29  }
0x29b: {  	v24 =	vmin.u32 v24, $0x17F;
	v29 =	vnsel vm13, $0x0, v31;
	v31 =	vmul.f32 $5.000000000e-01, v25  }
0x29c: {  	v63 =	vmul.f32 $5.000000000e-01, v27;
	v27 =	vmin.u32 v28, $0x17F;
	v28 =	vmin.u32 v29, $0x17F  }
0x29d: {  	v25 =	vnsel vm12, $0x0, v30;
	v27 =	vmul.u32 $0x180, v27;
	v28 =	vmul.u32 $0x180, v28  }
0x29e: {  	v44 =	vmin.u32 v25, $0x17F;
	v29 =	vtrunc.f32 v31;
	v30 =	vtrunc.f32 v63  }
0x29f: {  	v29 =	vcvt.f32.s32 v29;
	v30 =	vcvt.f32.s32 v30;
	v25 =	vadd.s32 v0, v27  }
0x2a0: {  	v26 =	vnsel vm9, $0x0, v26;
	v45 =	vadd.s32 v0, v28;
	v28 =	vadd.s32 v44, v25  }
0x2a1: {  	v27 =	vadd.s32 v24, v45;
	v46 =	vcvt.s32.f32 v29;
	v30 =	vcvt.s32.f32 v30  }
0x2a2: {  	v29 =	vadd.s32 v24, v25;
	v25 =	vmul.f32 v23, v61;
	v24 =	vmul.f32 v62, v23  }
0x2a3: {  	v23 =	vmul.f32 v26, v61;
	v26 =	vmul.f32 v26, v62;
	v47 =	vadd.f32 $-1.000000000e+00, v46  }
0x2a4: {  	v61 =	vadd.f32 $-1.000000000e+00, v58;
	v48 =	vadd.f32 $-1.000000000e+00, v30;
	vm14 =	vlt.f32 v31, v46  }
0x2a5: {  	v62 =	vadd.f32 $-1.000000000e+00, v59;
	vm15 =	vlt.f32 v63, v30;
	[tilespmem:$0x6A0] =	vst v26;
	v26 =	vld [tilespmem:$0x70];
	v49 =	vsel vm14, v47, v46  }
0x2a6: {  	v50 =	vsel vm15, v48, v30;
	v31 =	vsub.f32 v31, v49;
	v33 =	vtrunc.f32 v49  }
0x2a7: {  	v39 =	vtrunc.f32 v50;
	v32 =	vsub.f32 v63, v50;
	v63 =	vmul.f32 $5.000000000e-01, v62  }
0x2a8: {  	v30 =	vadd.s32 v44, v45;
	v33 =	vcvt.f32.s32 v33;
	v53 =	vcvt.f32.s32 v39  }
0x2a9: {  	v54 =	vsub.f32 $1.000000000e+00, v31;
	v57 =	vsub.f32 $1.000000000e+00, v32;
	v48 =	vtrunc.f32 v63  }
0x2aa: {  	v26 =	vadd.f32 $1.000000000e+00, v26;
	v55 =	vadd.s32 $0x1, v33;
	v56 =	vadd.s32 $0x1, v53  }
0x2ab: {  	vm4 =	vlt.u32 v33, $0x180;
	vm6 =	vlt.u32 v53, $0x180;
	vm8 =	vgt.s32 v33, $0x0  }
0x2ac: {  	vm9 =	vgt.s32 v53, $0x0;
	v38 =	vcvt.f32.s32 v48;
	v39 =	vnsel vm4, $0x0, v54  }
0x2ad: {  	vm5 =	vlt.u32 v55, $0x180;
	vm7 =	vlt.u32 v56, $0x180;
	v60 =	vnsel vm8, $0x0, v33  }
0x2ae: {  	v35 =	vnsel vm9, $0x0, v53;
	vm10 =	vgt.s32 v56, $0x0;
	v33 =	vmul.f32 $5.000000000e-01, v61  }
0x2af: {  	vm11 =	vgt.s32 v55, $0x0;
	v26 =	vmul.f32 $3.840000000e+02, v26;
	v41 =	vnsel vm5, $0x0, v31  }
0x2b0: {  	v31 =	vnsel vm6, $0x0, v57;
	v40 =	vnsel vm7, $0x0, v32;
	v32 =	vmin.u32 v60, $0x17F  }
0x2b1: {  	v37 =	vnsel vm10, $0x0, v56;
	v45 =	vmin.u32 v35, $0x17F;
	v36 =	vnsel vm11, $0x0, v55  }
0x2b2: {  	v53 =	vld [tilespmem:$0x50];
	v38 =	vcvt.s32.f32 v38;
	v46 =	vmin.u32 v37, $0x17F;
	v47 =	vtrunc.f32 v33  }
0x2b3: {  	v34 =	vmul.u32 $0x180, v45;
	v49 =	vmin.u32 v36, $0x17F;
	v26 =	vadd.f32 $-1.000000000e+00, v26  }
0x2b4: {  	v37 =	vcvt.f32.s32 v47;
	v35 =	vmul.u32 $0x180, v46;
	v52 =	vadd.f32 $-1.000000000e+00, v38  }
0x2b5: {  	vm13 =	vlt.f32 v63, v38;
	v34 =	vadd.s32 v0, v34;
	v26 =	vmul.f32 $5.000000000e-01, v26  }
0x2b6: {  	v50 =	vcvt.s32.f32 v37;
	v35 =	vadd.s32 v0, v35;
	v37 =	vadd.s32 v32, v34  }
0x2b7: {  	v36 =	vadd.s32 v49, v34;
	v46 =	vsel vm13, v52, v38;
	v45 =	vadd.f32 $1.000000000e+00, v53  }
0x2b8: {  	v34 =	vadd.s32 v32, v35;
	v32 =	vmul.f32 v31, v39;
	v31 =	vmul.f32 v41, v31  }
0x2b9: {  	v56 =	vld [tilespmem:$0xD0];
	v38 =	vadd.s32 v49, v35;
	v58 =	vtrunc.f32 v46;
	v61 =	vsub.f32 v63, v46  }
0x2ba: {  	v35 =	vmul.f32 v40, v39;
	v51 =	vadd.f32 $-1.000000000e+00, v50;
	v59 =	vcvt.f32.s32 v58  }
0x2bb: {  	vm12 =	vlt.f32 v33, v50;
	v45 =	vmul.f32 $3.840000000e+02, v45;
	v52 =	vsub.f32 $1.000000000e+00, v61  }
0x2bc: {  	v44 =	vsel vm12, v51, v50;
	v63 =	vadd.s32 $0x1, v59;
	vm4 =	vlt.u32 v59, $0x180  }
0x2bd: {  	vm7 =	vgt.s32 v59, $0x0;
	v53 =	vadd.f32 $-1.000000000e+00, v45;
	v54 =	vsub.f32 v33, v44  }
0x2be: {  	v55 =	vtrunc.f32 v44;
	v33 =	vmul.f32 v40, v41;
	v44 =	vadd.f32 $1.000000000e+00, v56  }
0x2bf: {  	vm5 =	vlt.u32 v63, $0x180;
	v48 =	vnsel vm4, $0x0, v52;
	v39 =	vnsel vm7, $0x0, v59  }
0x2c0: {  	vm9 =	vgt.s32 v63, $0x0;
	v57 =	vcvt.f32.s32 v55;
	v49 =	vnsel vm5, $0x0, v61  }
0x2c1: {  	v45 =	vmul.f32 $5.000000000e-01, v53;
	v39 =	vmin.u32 v39, $0x17F;
	v55 =	vnsel vm9, $0x0, v63  }
0x2c2: {  	v60 =	vsub.f32 $1.000000000e+00, v54;
	v44 =	vmul.f32 $3.840000000e+02, v44;
	v41 =	vmin.u32 v55, $0x17F  }
0x2c3: {  	v39 =	vmul.u32 $0x180, v39;
	vm14 =	vlt.u32 v57, $0x180;
	v62 =	vadd.s32 $0x1, v57  }
0x2c4: {  	vm6 =	vgt.s32 v57, $0x0;
	v56 =	vtrunc.f32 v45;
	v58 =	vmul.u32 $0x180, v41  }
0x2c5: {  	v46 =	vnsel vm14, $0x0, v60;
	vm15 =	vlt.u32 v62, $0x180;
	v42 =	vcvt.f32.s32 v56  }
0x2c6: {  	v44 =	vadd.f32 $-1.000000000e+00, v44;
	v43 =	vnsel vm6, $0x0, v57;
	vm8 =	vgt.s32 v62, $0x0  }
0x2c7: {  	v39 =	vadd.s32 v0, v39;
	v47 =	vnsel vm15, $0x0, v54;
	v59 =	vcvt.s32.f32 v42  }
0x2c8: {  	[tilespmem:$0x180] =	vst v12;
	v54 =	vnsel vm8, $0x0, v62;
	v43 =	vmin.u32 v43, $0x17F;
	v44 =	vmul.f32 $5.000000000e-01, v44  }
0x2c9: {  	[tilespmem:$0x200] =	vst v11;
	v61 =	vadd.s32 v0, v58;
	v11 =	vmul.f32 v48, v46;
	v62 =	vadd.f32 $-1.000000000e+00, v59  }
0x2ca: {  	[tilespmem:$0x580] =	vst v7;
	v7 =	vmul.f32 v49, v46;
	v57 =	vtrunc.f32 v44;
	vm10 =	vlt.f32 v45, v59  }
0x2cb: {  	[tilespmem:$0x280] =	vst v14;
	v51 =	vmin.u32 v54, $0x17F;
	v50 =	vcvt.f32.s32 v57;
	v57 =	vld [tilespmem:$0x60];
	v14 =	vsel vm10, v62, v59  }
0x2cc: {  	[tilespmem:$0x500] =	vst v8;
	v40 =	vadd.s32 v43, v39;
	v8 =	vsub.f32 v45, v14;
	v14 =	vtrunc.f32 v14  }
0x2cd: {  	[tilespmem:$0x100] =	vst v13;
	v13 =	vadd.s32 v43, v61;
	v59 =	vld [tilespmem:$0xE0];
	v60 =	vcvt.s32.f32 v50;
	v14 =	vcvt.f32.s32 v14  }
0x2ce: {  	[tilespmem:$0x510] =	vst v16;
	v12 =	vmul.f32 v47, v48;
	v16 =	vmul.f32 v49, v47;
	v39 =	vadd.s32 v51, v39  }
0x2cf: {  	[tilespmem:$0x680] =	vst v9;
	v63 =	vadd.f32 $-1.000000000e+00, v60;
	vm11 =	vlt.f32 v44, v60;
	v9 =	vadd.s32 $0x1, v14  }
0x2d0: {  	[tilespmem:$0x190] =	vst v19;
	vm12 =	vlt.u32 v14, $0x180;
	v19 =	vadd.f32 $1.000000000e+00, v57;
	vm4 =	vgt.s32 v14, $0x0  }
0x2d1: {  	v56 =	vsel vm11, v63, v60;
	v60 =	vadd.s32 v51, v61;
	v61 =	vsub.f32 $1.000000000e+00, v8  }
0x2d2: {  	vm13 =	vlt.u32 v9, $0x180;
	v46 =	vadd.f32 $1.000000000e+00, v59;
	v14 =	vnsel vm4, $0x0, v14  }
0x2d3: {  	[tilespmem:$0x600] =	vst v10;
	vm6 =	vgt.s32 v9, $0x0;
	v58 =	vtrunc.f32 v56;
	v10 =	vsub.f32 v44, v56  }
0x2d4: {  	[tilespmem:$0x110] =	vst v20;
	v8 =	vnsel vm13, $0x0, v8;
	v19 =	vmul.f32 $3.840000000e+02, v19;
	v9 =	vnsel vm6, $0x0, v9  }
0x2d5: {  	[tilespmem:$0x290] =	vst v21;
	v14 =	vmin.u32 v14, $0x17F;
	v43 =	vcvt.f32.s32 v58;
	v21 =	vmul.f32 $3.840000000e+02, v46  }
0x2d6: {  	[tilespmem:$0x210] =	vst v17;
	v20 =	vnsel vm12, $0x0, v61;
	v9 =	vmin.u32 v9, $0x17F;
	v63 =	vsub.f32 $1.000000000e+00, v10  }
0x2d7: {  	[tilespmem:$0x590] =	vst v15;
	v15 =	vadd.f32 $-1.000000000e+00, v19;
	vm14 =	vlt.u32 v43, $0x180;
	v19 =	vadd.f32 $-1.000000000e+00, v21  }
0x2d8: {  	[tilespmem:$0x690] =	vst v22;
	v62 =	vadd.s32 $0x1, v43;
	vm5 =	vgt.s32 v43, $0x0;
	v17 =	vnsel vm14, $0x0, v63  }
0x2d9: {  	[tilespmem:$0x610] =	vst v18;
	vm15 =	vlt.u32 v62, $0x180;
	v15 =	vmul.f32 $5.000000000e-01, v15;
	v19 =	vmul.f32 $5.000000000e-01, v19  }
0x2da: {  	[tilespmem:$0x1A0] =	vst v28;
	v18 =	vnsel vm5, $0x0, v43;
	vm7 =	vgt.s32 v62, $0x0;
	v10 =	vnsel vm15, $0x0, v10  }
0x2db: {  	[tilespmem:$0x220] =	vst v27;
	v21 =	vnsel vm7, $0x0, v62;
	v22 =	vtrunc.f32 v15;
	v28 =	vtrunc.f32 v19  }
0x2dc: {  	[tilespmem:$0x120] =	vst v29;
	v18 =	vmin.u32 v18, $0x17F;
	v22 =	vcvt.f32.s32 v22;
	v27 =	vcvt.f32.s32 v28  }
0x2dd: {  	[tilespmem:$0x620] =	vst v23;
	v23 =	vmul.f32 v17, v20;
	v21 =	vmin.u32 v21, $0x17F;
	v18 =	vmul.u32 $0x180, v18  }
0x2de: {  	[tilespmem:$0x520] =	vst v25;
	v21 =	vmul.u32 $0x180, v21;
	v22 =	vcvt.s32.f32 v22;
	v25 =	vcvt.s32.f32 v27  }
0x2df: {  	[tilespmem:$0x5A0] =	vst v24;
	v17 =	vmul.f32 v8, v17;
	v20 =	vmul.f32 v10, v20;
	v18 =	vadd.s32 v0, v18  }
0x2e0: {  	[tilespmem:$0x2A0] =	vst v30;
	v21 =	vadd.s32 v0, v21;
	v27 =	vadd.f32 $-1.000000000e+00, v22;
	v28 =	vadd.f32 $-1.000000000e+00, v25  }
0x2e1: {  	[tilespmem:$0x130] =	vst v37;
	v24 =	vadd.s32 v14, v18;
	vm8 =	vlt.f32 v15, v22;
	vm9 =	vlt.f32 v19, v25  }
0x2e2: {  	[tilespmem:$0x1B0] =	vst v36;
	v18 =	vadd.s32 v9, v18;
	v22 =	vsel vm8, v27, v22;
	v25 =	vsel vm9, v28, v25;
	v28 =	vld [tilespmem:$0xF0]  }
0x2e3: {  	[tilespmem:$0x230] =	vst v34;
	v14 =	vadd.s32 v14, v21;
	v15 =	vsub.f32 v15, v22;
	v22 =	vtrunc.f32 v22  }
0x2e4: {  	[tilespmem:$0x2B0] =	vst v38;
	v9 =	vadd.s32 v9, v21;
	v27 =	vtrunc.f32 v25;
	v21 =	vcvt.f32.s32 v22  }
0x2e5: {  	[tilespmem:$0x530] =	vst v32;
	v8 =	vmul.f32 v10, v8;
	v10 =	vsub.f32 v19, v25;
	v22 =	vcvt.f32.s32 v27  }
0x2e6: {  	[tilespmem:$0x5B0] =	vst v31;
	v19 =	vsub.f32 $1.000000000e+00, v15;
	v25 =	vadd.s32 $0x1, v21;
	vm10 =	vlt.u32 v21, $0x180  }
0x2e7: {  	[tilespmem:$0x630] =	vst v35;
	v29 =	vsub.f32 $1.000000000e+00, v10;
	vm14 =	vgt.s32 v21, $0x0;
	v28 =	vadd.f32 $1.000000000e+00, v28  }
0x2e8: {  	[tilespmem:$0x6B0] =	vst v33;
	v27 =	vadd.s32 $0x1, v22;
	v19 =	vnsel vm10, $0x0, v19;
	vm11 =	vlt.u32 v25, $0x180  }
0x2e9: {  	[tilespmem:$0x140] =	vst v40;
	vm12 =	vlt.u32 v22, $0x180;
	v21 =	vnsel vm14, $0x0, v21;
	v28 =	vmul.f32 $3.840000000e+02, v28  }
0x2ea: {  	[tilespmem:$0x240] =	vst v13;
	vm15 =	vgt.s32 v22, $0x0;
	vm5 =	vgt.s32 v25, $0x0;
	v15 =	vnsel vm11, $0x0, v15  }
0x2eb: {  	[tilespmem:$0x540] =	vst v11;
	v29 =	vnsel vm12, $0x0, v29;
	v13 =	vmin.u32 v21, $0x17F;
	v21 =	vadd.f32 $-1.000000000e+00, v28  }
0x2ec: {  	[tilespmem:$0x640] =	vst v7;
	vm13 =	vlt.u32 v27, $0x180;
	v22 =	vnsel vm15, $0x0, v22;
	vm4 =	vgt.s32 v27, $0x0  }
0x2ed: {  	[tilespmem:$0x6C0] =	vst v16;
	v16 =	vnsel vm5, $0x0, v25;
	v10 =	vnsel vm13, $0x0, v10;
	v21 =	vmul.f32 $5.000000000e-01, v21  }
0x2ee: {  	[tilespmem:$0x5C0] =	vst v12;
	v11 =	vnsel vm4, $0x0, v27;
	v12 =	vmin.u32 v22, $0x17F;
	v22 =	vtrunc.f32 v26  }
0x2ef: {  	[tilespmem:$0x1C0] =	vst v39;
	v7 =	vmul.u32 $0x180, v12;
	v12 =	vcvt.f32.s32 v22;
	v22 =	vtrunc.f32 v21  }
0x2f0: {  	[tilespmem:$0x550] =	vst v23;
	v16 =	vmin.u32 v16, $0x17F;
	v11 =	vmin.u32 v11, $0x17F;
	v22 =	vcvt.f32.s32 v22  }
0x2f1: {  	[tilespmem:$0x2D0] =	vst v9;
	v9 =	vmul.f32 v29, v19;
	v11 =	vmul.u32 $0x180, v11;
	v12 =	vcvt.s32.f32 v12  }
0x2f2: {  	[tilespmem:$0x1D0] =	vst v18;
	v23 =	vmul.f32 v15, v29;
	v7 =	vadd.s32 v0, v7;
	v22 =	vcvt.s32.f32 v22  }
0x2f3: {  	[tilespmem:$0x250] =	vst v14;
	v11 =	vadd.s32 v0, v11;
	v18 =	vadd.s32 v13, v7;
	v14 =	vadd.f32 $-1.000000000e+00, v12  }
0x2f4: {  	[tilespmem:$0x150] =	vst v24;
	v7 =	vadd.s32 v16, v7;
	vm6 =	vlt.f32 v26, v12;
	v24 =	vadd.f32 $-1.000000000e+00, v22  }
0x2f5: {  	[tilespmem:$0x2C0] =	vst v60;
	v13 =	vadd.s32 v13, v11;
	v12 =	vsel vm6, v14, v12;
	vm7 =	vlt.f32 v21, v22  }
0x2f6: {  	[tilespmem:$0x5D0] =	vst v17;
	v14 =	vmul.f32 v10, v19;
	v19 =	vtrunc.f32 v12;
	v17 =	vsel vm7, v24, v22  }
0x2f7: {  	[tilespmem:$0x650] =	vst v20;
	v12 =	vsub.f32 v26, v12;
	v19 =	vcvt.f32.s32 v19;
	v20 =	vtrunc.f32 v17  }
0x2f8: {  	[tilespmem:$0x6D0] =	vst v8;
	v8 =	vadd.s32 v16, v11;
	v10 =	vmul.f32 v10, v15;
	v11 =	vcvt.f32.s32 v20  }
0x2f9: {  	[tilespmem:$0x560] =	vst v9;
	v16 =	vadd.s32 $0x1, v19;
	v15 =	vsub.f32 v21, v17;
	v17 =	vsub.f32 $1.000000000e+00, v12  }
0x2fa: {  	[tilespmem:$0x1E0] =	vst v7;
	vm8 =	vlt.u32 v19, $0x180;
	vm10 =	vgt.s32 v19, $0x0;
	vm9 =	vgt.s32 v11, $0x0  }
0x2fb: {  	[tilespmem:$0x260] =	vst v13;
	v13 =	vnsel vm8, $0x0, v17;
	v7 =	vadd.s32 $0x1, v11;
	v17 =	vnsel vm9, $0x0, v11  }
0x2fc: {  	[tilespmem:$0x2E0] =	vst v8;
	v8 =	vnsel vm10, $0x0, v19;
	vm11 =	vgt.s32 v7, $0x0;
	v17 =	vmin.u32 v17, $0x17F  }
0x2fd: {  	[tilespmem:$0x5E0] =	vst v23;
	vm12 =	vlt.u32 v16, $0x180;
	v9 =	vnsel vm11, $0x0, v7;
	v17 =	vmul.u32 $0x180, v17  }
0x2fe: {  	[tilespmem:$0x160] =	vst v18;
	vm13 =	vgt.s32 v16, $0x0;
	v8 =	vmin.u32 v8, $0x17F;
	v9 =	vmin.u32 v9, $0x17F  }
0x2ff: {  	[tilespmem:$0x660] =	vst v14;
	v14 =	vnsel vm13, $0x0, v16;
	v9 =	vmul.u32 $0x180, v9;
	v16 =	vadd.s32 v0, v17  }
0x300: {  	[tilespmem:$0x6E0] =	vst v10;
	v14 =	vmin.u32 v14, $0x17F;
	v10 =	vsub.f32 $1.000000000e+00, v15;
	v17 =	vadd.s32 v8, v16  }
0x301: {  	vm14 =	vlt.u32 v11, $0x180;
	v9 =	vadd.s32 v0, v9;
	v11 =	vadd.s32 v14, v16;
	[tilespmem:$0x170] =	vst v17  }
0x302: {  	v12 =	vnsel vm12, $0x0, v12;
	v10 =	vnsel vm14, $0x0, v10;
	[tilespmem:$0x1F0] =	vst v11;
	v8 =	vadd.s32 v8, v9  }
0x303: {  	vm15 =	vlt.u32 v7, $0x180;
	v7 =	vadd.s32 v14, v9;
	[tilespmem:$0x270] =	vst v8;
	v8 =	vmul.f32 v10, v13  }
0x304: {  	v9 =	vnsel vm15, $0x0, v15;
	[tilespmem:$0x2F0] =	vst v7;
	v7 =	vmul.f32 v12, v10  }
0x305: {  	[tilespmem:$0x570] =	vst v8;
	v8 =	vmul.f32 v9, v13  }
0x306: {  	[tilespmem:$0x5F0] =	vst v7;
	v7 =	vmul.f32 v9, v12  }
0x307: {  	[tilespmem:$0x670] =	vst v8  }
0x308: {  	s23 =	simm.s32 $0x900;
	s22 =	simm.s32 $0x100;
	[tilespmem:$0x6F0] =	vst v7  }
0x309: {  	[tilespmem:s23], [sflag:$0x1] =	stream.indirect.gather [hbm4b:s3+s21], $0x30, s22, s21, $0xb8;
	[tilespmem:$0x14900] =	vst v63  }
0x30a: {  	s7 =	simm.s32 $0x2100;
	s6 =	simm.s32 $0x180  }
0x30b: {  	[tilespmem:s7], [sflag:$0x1] =	stream.indirect.gather [hbm4b:s3+s21], $0x30, s6, s21, $0xb8;
	[tilespmem:$0x14900] =	vst v63  }
0x30c: {  	s11 =	simm.s32 $0x3900;
	s10 =	simm.s32 $0x200  }
0x30d: {  	[tilespmem:s11], [sflag:$0x1] =	stream.indirect.gather [hbm4b:s3+s21], $0x30, s10, s21, $0xb8;
	[tilespmem:$0x14900] =	vst v63  }
0x30e: {  	s12 =	simm.s32 $0x280;
	s14 =	simm.s32 $0x5100;
	s15 =	simm.s32 $0x2  }
0x30f: {  	[tilespmem:s14], [sflag:$0x1] =	stream.indirect.gather [hbm4b:s3+s21], $0x30, s12, s21, $0xb8;
	[tilespmem:$0x14900] =	vst v63  }
0x310: {  	_ =	swait.ge [sflag:s15], $0x1800  }
0x311: {  	[sflag:s15] =	ssyncset.done $0x0  }
0x312: {  	[sflag:s15] =	ssyncadd.s32 $0xFFFFE800  }
0x313: {  	_ =	swait.ge [sflag:s15], $0x1800  }
0x314: {  	[sflag:s15] =	ssyncset.done $0x0  }
0x315: {  	[sflag:s15] =	ssyncadd.s32 $0xFFFFE800  }
0x316: {  	_ =	swait.ge [sflag:s15], $0x1800  }
0x317: {  	[sflag:s15] =	ssyncset.done $0x0  }
0x318: {  	[sflag:s15] =	ssyncadd.s32 $0xFFFFE800  }
0x319: {  	_ =	swait.ge [sflag:s15], $0x1800  }
0x31a: {  	[sflag:s15] =	ssyncset.done $0x0  }
0x31b: {  	s2 =	simm.s32 @!p0 $0x4;
	[sflag:s15] =	ssyncadd.s32 $0xFFFFE800  }
0x31c: {  	_ =	swait.ge @!p0 [sflag:s2], $0x4000  }
0x31d: {  	[sflag:s2] =	ssyncset.done @!p0 $0x0  }
0x31e: {  	s17 =	simm.s32 $0x6930;
	[sflag:s2] =	ssyncadd.s32 @!p0 $0xFFFFC000  }
0x31f: {  	s22 =	simm.s32 $0x0;
	s23 =	simm.s32 $0xB130;
	v8 =	vld [tilespmem:s17+$0x0]  }
0x320: {  	s4 =	simm.s32 $0x9930;
	v7 =	vmov s22;
	v9 =	vld [tilespmem:s23+$0xFFFFFFD0]  }
0x321: {  	s7 =	simm.s32 $0x1;
	v10 =	vld [tilespmem:s4+$0xFFFFFFD0]  }
0x322: {  	v11 =	vmov s7;
	v14 =	vld [tilespmem:s23+$0x0]  }
0x323: {  	s7 =	simm.s32 $0x8130;
	v15 =	vld [tilespmem:s4+$0x0]  }
0x324: {  	v16 =	vld [tilespmem:s7+$0x0]  }
0x325: {  	v12 =	vld.idx.msk [tilespmem:v7+s30+$0x0], $0xffff  }
0x326: {  	v17 =	vld [tilespmem:s7+$0xFFFFFFD0]  }
0x327: {  	v13 =	vld.idx.msk [tilespmem:v11+s29+$0x0], $0xffff  }
0x328: {  	v18 =	vld.idx.msk [tilespmem:v11+s30+$0x0], $0xffff  }
0x329: {  	v19 =	vld.idx.msk [tilespmem:v7+s31+$0x0], $0xffff  }
0x32a: {  	v20 =	vld.idx.msk [tilespmem:v11+s28+$0x0], $0xffff  }
0x32b: {  	v21 =	vld.idx.msk [tilespmem:v7+s29+$0x0], $0xffff  }
0x32c: {  	v22 =	vld.idx.msk [tilespmem:v7+s28+$0x0], $0xffff  }
0x32d: {  	v23 =	vld [tilespmem:s17+$0xFFFFFFD0]  }
0x32e: {  	s18 =	simm.s32 $0xB190;
	v25 =	vshll.u32 v11, $0x7;
	v11 =	vld.idx.msk [tilespmem:v11+s31+$0x0], $0xffff  }
0x32f: {  	v24 =	vld [tilespmem:s18+$0xFFFFFFD0]  }
0x330: {  	s21 =	simm.s32 $0x8190;
	v27 =	vld [tilespmem:s18+$0x0]  }
0x331: {  	s19 =	simm.s32 $0x6990;
	s14 =	simm.s32 $0x4;
	v28 =	vld [tilespmem:s21+$0xFFFFFFD0]  }
0x332: {  	s22 =	simm.s32 $0xB1F0;
	v46 =	vmov s14;
	v56 =	vld [tilespmem:s19+$0xFFFFFFD0]  }
0x333: {  	s5 =	simm.s32 $0x99F0;
	v47 =	vld [tilespmem:s22+$0xFFFFFFD0]  }
0x334: {  	v36 =	vld [tilespmem:s5+$0xFFFFFFD0]  }
0x335: {  	s11 =	simm.s32 $0x2;
	v48 =	vld [tilespmem:s22+$0x0];
	v34 =	vpack.i.f32.bf16 v12, v12;
	v26 =	vpack.i.f32.bf16 v20, v20;
	v12 =	vpack.i.f32.bf16 v13, v13  }
0x336: {  	v45 =	vld [tilespmem:s5+$0x0];
	v13 =	vpack.i.f32.bf16 v18, v18;
	v18 =	vmov s11;
	v33 =	vpack.i.f32.bf16 v21, v21  }
0x337: {  	v61 =	vld.idx.msk [tilespmem:v46+s30+$0x0], $0xffff;
	v37 =	vpack.i.f32.bf16 v22, v22;
	v8 =	vmul.bf16 v8, v26;
	v16 =	vmul.bf16 v16, v12  }
0x338: {  	s20 =	simm.s32 $0x9990;
	v20 =	vld [tilespmem:s19+$0x0];
	v40 =	vpack.i.f32.bf16 v19, v19;
	v32 =	vpack.i.f32.bf16 v11, v11;
	v17 =	vmul.bf16 v17, v33  }
0x339: {  	s12 =	simm.s32 $0x3;
	v21 =	vld [tilespmem:s20+$0xFFFFFFD0];
	v22 =	vmul.bf16 v23, v37;
	v15 =	vmul.bf16 v15, v13;
	v8 =	vadd.bf16 v16, v8  }
0x33a: {  	v19 =	vld [tilespmem:s20+$0x0];
	v23 =	vmov s12;
	v10 =	vmul.bf16 v10, v34;
	v14 =	vmul.bf16 v14, v32  }
0x33b: {  	v11 =	vadd.bf16 v17, v22;
	v17 =	vld [tilespmem:s21+$0x0];
	v8 =	vadd.bf16 v15, v8;
	v15 =	vor.u32 v1, v25  }
0x33c: {  	v29 =	vor.u32 v5, v25;
	v16 =	vld.idx.msk [tilespmem:v18+s30+$0x0], $0xffff  }
0x33d: {  	v9 =	vmul.bf16 v9, v40;
	v10 =	vadd.bf16 v10, v11;
	v31 =	vld.idx.msk [tilespmem:v18+s31+$0x0], $0xffff;
	v8 =	vadd.bf16 v14, v8  }
0x33e: {  	v7 =	vshll.u32 v7, $0x7;
	v51 =	vld.idx.msk [tilespmem:v18+s29+$0x0], $0xffff  }
0x33f: {  	s11 =	simm.s32 $0x5;
	v22 =	vor.u32 v1, v7;
	v30 =	vld.idx.msk [tilespmem:v23+s30+$0x0], $0xffff;
	v9 =	vadd.bf16 v9, v10;
	v10 =	vunpack.i.l.bf16.f32 v8  }
0x340: {  	v42 =	vmov s11;
	v11 =	vor.u32 v5, v7;
	v14 =	vld.idx.msk [tilespmem:v23+s29+$0x0], $0xffff;
	v8 =	vunpack.i.u.bf16.f32 v8;
	[tilespmem:v15+s0+$0x0] =	vst.idx.msk $0xffff, v10  }
0x341: {  	v15 =	vld.idx.msk [tilespmem:v23+s28+$0x0], $0xffff;
	[tilespmem:v29+s0+$0x0] =	vst.idx.msk $0xffff, v8  }
0x342: {  	v52 =	vld [tilespmem:s17+$0x10]  }
0x343: {  	v60 =	vor.u32 v3, v25;
	v50 =	vunpack.i.l.bf16.f32 v9;
	v53 =	vld [tilespmem:s7+$0x10]  }
0x344: {  	v49 =	vor.u32 v3, v7;
	v55 =	vld.idx.msk [tilespmem:v18+s28+$0x0], $0xffff;
	v9 =	vunpack.i.u.bf16.f32 v9;
	[tilespmem:v22+s0+$0x0] =	vst.idx.msk $0xffff, v50  }
0x345: {  	v44 =	vld.idx.msk [tilespmem:v42+s31+$0x0], $0xffff;
	v10 =	vshll.u32 v18, $0x7;
	[tilespmem:v11+s0+$0x0] =	vst.idx.msk $0xffff, v9;
	v11 =	vpack.i.f32.bf16 v16, v16  }
0x346: {  	s12 =	simm.s32 $0x81F0;
	v22 =	vld.idx.msk [tilespmem:v23+s31+$0x0], $0xffff;
	v9 =	vpack.i.f32.bf16 v31, v31;
	v8 =	vshll.u32 v23, $0x7;
	v16 =	vpack.i.f32.bf16 v15, v15  }
0x347: {  	v50 =	vld [tilespmem:s12+$0x0];
	v23 =	vmul.bf16 v21, v11;
	v15 =	vpack.i.f32.bf16 v14, v14;
	v20 =	vmul.bf16 v20, v16  }
0x348: {  	v29 =	vld [tilespmem:s17+$0xFFFFFFE0];
	v14 =	vpack.i.f32.bf16 v30, v30;
	v18 =	vmul.bf16 v52, v26;
	v21 =	vmul.bf16 v53, v12  }
0x349: {  	v54 =	vld [tilespmem:s4+$0x10];
	v59 =	vmul.bf16 v17, v15;
	v19 =	vmul.bf16 v19, v14;
	v17 =	vpack.i.f32.bf16 v51, v51  }
0x34a: {  	v43 =	vld [tilespmem:s7+$0xFFFFFFE0];
	v28 =	vmul.bf16 v28, v17;
	v58 =	vadd.bf16 v21, v18;
	v18 =	vpack.i.f32.bf16 v55, v55  }
0x34b: {  	v31 =	vld [tilespmem:s23+$0x10];
	v20 =	vadd.bf16 v59, v20;
	v21 =	vpack.i.f32.bf16 v22, v22;
	v41 =	vmul.bf16 v56, v18  }
0x34c: {  	v62 =	vor.u32 v1, v10;
	v24 =	vmul.bf16 v24, v9;
	v35 =	vld [tilespmem:s23+$0xFFFFFFE0];
	v22 =	vmul.bf16 v27, v21  }
0x34d: {  	s6 =	simm.s32 $0x69F0;
	v57 =	vld [tilespmem:s4+$0xFFFFFFE0];
	v19 =	vadd.bf16 v19, v20;
	v20 =	vor.u32 v1, v8;
	v28 =	vadd.bf16 v28, v41  }
0x34e: {  	v63 =	vor.u32 v5, v8;
	v30 =	vld [tilespmem:s6+$0x0];
	v38 =	vmul.bf16 v54, v13;
	v29 =	vmul.bf16 v29, v37  }
0x34f: {  	v54 =	vld.idx.msk [tilespmem:v46+s29+$0x0], $0xffff;
	v19 =	vadd.bf16 v22, v19;
	v22 =	vmul.bf16 v43, v33;
	v23 =	vadd.bf16 v23, v28  }
0x350: {  	v55 =	vld [tilespmem:s12+$0xFFFFFFD0];
	v27 =	vor.u32 v5, v10;
	v38 =	vadd.bf16 v38, v58;
	v28 =	vmul.bf16 v31, v32  }
0x351: {  	v43 =	vld.idx.msk [tilespmem:v42+s30+$0x0], $0xffff;
	v22 =	vadd.bf16 v22, v29;
	v29 =	vunpack.i.l.bf16.f32 v19;
	v23 =	vadd.bf16 v24, v23  }
0x352: {  	v31 =	vld.idx.msk [tilespmem:v42+s29+$0x0], $0xffff;
	v19 =	vunpack.i.u.bf16.f32 v19;
	[tilespmem:v20+s0+$0x0] =	vst.idx.msk $0xffff, v29;
	v24 =	vmul.bf16 v57, v34  }
0x353: {  	v29 =	vld.idx.msk [tilespmem:v42+s28+$0x0], $0xffff;
	[tilespmem:v63+s0+$0x0] =	vst.idx.msk $0xffff, v19;
	v58 =	vunpack.i.l.bf16.f32 v23;
	v20 =	vunpack.i.u.bf16.f32 v23;
	v23 =	vor.u32 v4, v25  }
0x354: {  	v35 =	vmul.bf16 v35, v40;
	v28 =	vadd.bf16 v28, v38;
	v59 =	vld [tilespmem:s20+$0x10];
	v22 =	vadd.bf16 v24, v22  }
0x355: {  	v57 =	vld.idx.msk [tilespmem:v46+s31+$0x0], $0xffff;
	v24 =	vor.u32 v4, v7;
	[tilespmem:v62+s0+$0x0] =	vst.idx.msk $0xffff, v58  }
0x356: {  	v19 =	vunpack.i.l.bf16.f32 v28;
	[tilespmem:v27+s0+$0x0] =	vst.idx.msk $0xffff, v20;
	v20 =	vadd.bf16 v35, v22;
	v27 =	vld [tilespmem:s19+$0x10]  }
0x357: {  	[tilespmem:v60+s0+$0x0] =	vst.idx.msk $0xffff, v19;
	v22 =	vunpack.i.u.bf16.f32 v28;
	v28 =	vld [tilespmem:s21+$0x10]  }
0x358: {  	v52 =	vld [tilespmem:s19+$0xFFFFFFE0];
	v35 =	vunpack.i.l.bf16.f32 v20;
	[tilespmem:v23+s0+$0x0] =	vst.idx.msk $0xffff, v22  }
0x359: {  	v39 =	vmul.bf16 v59, v14;
	v23 =	vunpack.i.u.bf16.f32 v20;
	[tilespmem:v49+s0+$0x0] =	vst.idx.msk $0xffff, v35;
	v20 =	vshll.u32 v46, $0x7;
	v46 =	vld.idx.msk [tilespmem:v46+s28+$0x0], $0xffff  }
0x35a: {  	v19 =	vshll.u32 v42, $0x7;
	v22 =	vpack.i.f32.bf16 v61, v61;
	v60 =	vld [tilespmem:s17+$0x20];
	[tilespmem:v24+s0+$0x0] =	vst.idx.msk $0xffff, v23;
	v23 =	vpack.i.f32.bf16 v57, v57  }
0x35b: {  	v38 =	vmul.bf16 v36, v22;
	v61 =	vld [tilespmem:s23+$0x20];
	v24 =	vor.u32 v2, v25;
	v36 =	vmul.bf16 v47, v23  }
0x35c: {  	v62 =	vmul.bf16 v27, v16;
	v49 =	vld [tilespmem:s23+$0xFFFFFFF0];
	v63 =	vmul.bf16 v28, v15;
	v27 =	vor.u32 v6, v7  }
0x35d: {  	v53 =	vld [tilespmem:s7+$0xFFFFFFF0];
	v28 =	vor.u32 v6, v25;
	v25 =	vpack.i.f32.bf16 v29, v29;
	v29 =	vpack.i.f32.bf16 v31, v31  }
0x35e: {  	v56 =	vld [tilespmem:s4+$0xFFFFFFF0];
	s15 =	rddreg [dreg:$0x8];
	v31 =	vor.u32 v3, v10;
	v57 =	vmul.bf16 v30, v25;
	v50 =	vmul.bf16 v50, v29  }
0x35f: {  	v58 =	vld [tilespmem:s17+$0xFFFFFFF0];
	s17 =	rddreg [dreg:$0xd];
	v47 =	vor.u32 v5, v20;
	v30 =	vpack.i.f32.bf16 v43, v43;
	v43 =	vmul.bf16 v52, v18  }
0x360: {  	v59 =	vld [tilespmem:s6+$0xFFFFFFD0];
	s2 =	sadd.s32 s15, s17;
	v41 =	vadd.bf16 v63, v62;
	v45 =	vmul.bf16 v45, v30;
	v57 =	vadd.bf16 v50, v57  }
0x361: {  	s10 =	smulhi.u32 $0x2AAAAAAB, s2;
	v42 =	vpack.i.f32.bf16 v46, v46;
	v35 =	vmul.bf16 v60, v26;
	v32 =	vmul.bf16 v61, v32;
	v60 =	vld [tilespmem:s18+$0x10]  }
0x362: {  	v26 =	vpack.i.f32.bf16 v44, v44;
	v44 =	vld [tilespmem:s7+$0x20];
	v53 =	vmul.bf16 v53, v33;
	v33 =	vmul.bf16 v49, v40  }
0x363: {  	v52 =	vld [tilespmem:s18+$0xFFFFFFE0];
	s17 =	sshrl.u32 s10, $0x6;
	v51 =	vmul.bf16 v48, v26;
	v34 =	vmul.bf16 v56, v34;
	v40 =	vor.u32 v3, v8  }
0x364: {  	v50 =	vld [tilespmem:s4+$0x20];
	s23 =	smul.u32 $0xFFFFFE80, s17;
	v58 =	vmul.bf16 v58, v37;
	v37 =	vpack.i.f32.bf16 v54, v54;
	v49 =	vor.u32 v1, v20  }
0x365: {  	s11 =	simm.s32 $0x6A50;
	s15 =	simm.s32 $0x6;
	s10 =	simm.s32 $0x8250;
	v48 =	vor.u32 v5, v19;
	v54 =	vld [tilespmem:s21+$0xFFFFFFE0];
	v57 =	vadd.bf16 v45, v57;
	v56 =	vmul.bf16 v55, v37  }
0x366: {  	s7 =	simm.s32 $0x99F0;
	v55 =	vld [tilespmem:s20+$0xFFFFFFE0];
	s4 =	sadd.s32 s2, s23;
	v46 =	vadd.bf16 v53, v58;
	v58 =	vmul.bf16 v59, v42;
	s23 =	simm.s32 $0xB250;
	v53 =	vmul.bf16 v60, v21  }
.LBB2_5:
0x367: {  	v45 =	vmov s15;
	v60 =	vor.u32 v1, v19;
	v61 =	vmul.bf16 v44, v12;
	v12 =	vmovc v15;
	s2 =	smov.u32 s15  }
0x368: {  	s14 =	sadd.s32 $0x1, s15;
	v59 =	vld [tilespmem:s11+$0x0];
	s5 =	sadd.s32 $0x60, s5;
	v15 =	vmovc v29;
	v44 =	vmovc v17;
	v17 =	vmov v37;
	v37 =	vmov v18;
	v18 =	vmov v42;
	s2 =	sadd.s32 $0x2, s15  }
0x369: {  	p0 =	slt.u32 s15, $0x7E;
	v42 =	vmov s14;
	v56 =	vadd.bf16 v56, v58;
	v50 =	vmul.bf16 v50, v13;
	v13 =	vmovc v14;
	v14 =	vmovc v30;
	v29 =	vld [tilespmem:s23+$0xFFFFFFD0]  }
0x36a: {  	v51 =	vadd.bf16 v51, v57;
	v54 =	vmul.bf16 v54, v44;
	v35 =	vadd.bf16 v61, v35;
	v30 =	vld [tilespmem:s5+$0xFFFFFFD0]  }
0x36b: {  	v58 =	vshll.u32 v42, $0x7;
	v38 =	vadd.bf16 v38, v56;
	v52 =	vmul.bf16 v52, v9;
	v57 =	vld [tilespmem:s23+$0x0]  }
0x36c: {  	v39 =	vadd.bf16 v39, v41;
	v43 =	vadd.bf16 v54, v43;
	v54 =	vmul.bf16 v55, v11;
	v56 =	vld [tilespmem:s5+$0x0]  }
0x36d: {  	v34 =	vadd.bf16 v34, v46;
	v41 =	vshll.u32 v45, $0x7;
	v36 =	vadd.bf16 v36, v38;
	v55 =	vld [tilespmem:s10+$0x0]  }
0x36e: {  	v39 =	vadd.bf16 v53, v39;
	v61 =	vunpack.i.l.bf16.f32 v51;
	v35 =	vadd.bf16 v50, v35;
	v38 =	vld.idx.msk [tilespmem:v45+s30+$0x0], $0xffff  }
0x36f: {  	v51 =	vunpack.i.u.bf16.f32 v51;
	v43 =	vadd.bf16 v54, v43;
	v50 =	vunpack.i.l.bf16.f32 v36;
	v46 =	vld [tilespmem:s10+$0xFFFFFFD0];
	[tilespmem:v60+s0+$0x0] =	vst.idx.msk $0xffff, v61  }
0x370: {  	v32 =	vadd.bf16 v32, v35;
	v36 =	vunpack.i.u.bf16.f32 v36;
	v53 =	vld.idx.msk [tilespmem:v42+s29+$0x0], $0xffff;
	[tilespmem:v49+s0+$0x0] =	vst.idx.msk $0xffff, v50;
	v49 =	vunpack.i.l.bf16.f32 v39  }
0x371: {  	v33 =	vadd.bf16 v33, v34;
	v35 =	vadd.bf16 v52, v43;
	v50 =	vld.idx.msk [tilespmem:v42+s30+$0x0], $0xffff;
	[tilespmem:v47+s0+$0x0] =	vst.idx.msk $0xffff, v36  }
0x372: {  	v43 =	vunpack.i.l.bf16.f32 v32;
	v36 =	vor.u32 v2, v7;
	v7 =	vmov v10;
	v34 =	vld.idx.msk [tilespmem:v45+s31+$0x0], $0xffff;
	[tilespmem:v48+s0+$0x0] =	vst.idx.msk $0xffff, v51  }
0x373: {  	v39 =	vunpack.i.u.bf16.f32 v39;
	v47 =	vunpack.i.l.bf16.f32 v35;
	v10 =	vmovc v20;
	v51 =	vunpack.i.l.bf16.f32 v33;
	v48 =	vld.idx.msk [tilespmem:v45+s29+$0x0], $0xffff;
	[tilespmem:v28+s0+$0x0] =	vst.idx.msk $0xffff, v43  }
0x374: {  	v33 =	vunpack.i.u.bf16.f32 v33;
	v28 =	vunpack.i.u.bf16.f32 v35;
	v35 =	vor.u32 v4, v8;
	v43 =	vld.idx.msk [tilespmem:v42+s28+$0x0], $0xffff;
	[tilespmem:v40+s0+$0x0] =	vst.idx.msk $0xffff, v49  }
0x375: {  	v20 =	vmov v41;
	v40 =	vld.idx.msk [tilespmem:v42+s31+$0x0], $0xffff;
	v42 =	vor.u32 v4, v7;
	[tilespmem:v27+s0+$0x0] =	vst.idx.msk $0xffff, v51;
	v27 =	vunpack.i.u.bf16.f32 v32  }
0x376: {  	v32 =	vld [tilespmem:s6+$0xFFFFFFE0];
	[tilespmem:v31+s0+$0x0] =	vst.idx.msk $0xffff, v47  }
0x377: {  	v31 =	vld [tilespmem:s6+$0x10];
	[tilespmem:v36+s0+$0x0] =	vst.idx.msk $0xffff, v33  }
0x378: {  	v33 =	vld [tilespmem:s12+$0x10];
	[tilespmem:v24+s0+$0x0] =	vst.idx.msk $0xffff, v27  }
0x379: {  	v49 =	vpack.i.f32.bf16 v38, v38;
	v41 =	vld [tilespmem:s7+$0x10];
	[tilespmem:v35+s0+$0x0] =	vst.idx.msk $0xffff, v39  }
0x37a: {  	[tilespmem:v42+s0+$0x0] =	vst.idx.msk $0xffff, v28;
	v35 =	vld [tilespmem:s19+$0x20]  }
0x37b: {  	v38 =	vmul.bf16 v30, v49;
	v42 =	vpack.i.f32.bf16 v34, v34;
	v34 =	vld [tilespmem:s18+$0x20]  }
0x37c: {  	v24 =	vor.u32 v2, v8;
	v36 =	vmul.bf16 v29, v42;
	v30 =	vmul.bf16 v31, v25;
	v47 =	vld [tilespmem:s18+$0xFFFFFFF0];
	s18 =	smov.u32 s22;
	s22 =	smov.u32 s23  }
0x37d: {  	v27 =	vor.u32 v6, v7;
	v28 =	vor.u32 v6, v8;
	v8 =	vmovc v19;
	v31 =	vmul.bf16 v33, v15;
	v33 =	vld [tilespmem:s21+$0xFFFFFFF0]  }
0x37e: {  	v51 =	vpack.i.f32.bf16 v43, v43;
	v19 =	vmovc v58;
	v29 =	vpack.i.f32.bf16 v53, v53;
	v39 =	vmul.bf16 v41, v14;
	v52 =	vld [tilespmem:s20+$0xFFFFFFF0]  }
0x37f: {  	v53 =	vmul.bf16 v59, v51;
	v41 =	vadd.bf16 v31, v30;
	v54 =	vld [tilespmem:s19+$0xFFFFFFF0];
	v35 =	vmul.bf16 v35, v16;
	v16 =	vmovc v25;
	s19 =	smov.u32 s6;
	s6 =	smov.u32 s11  }
0x380: {  	v43 =	vmul.bf16 v32, v18;
	v30 =	vpack.i.f32.bf16 v50, v50;
	v50 =	vmul.bf16 v55, v29;
	v45 =	vld.idx.msk [tilespmem:v45+s28+$0x0], $0xffff  }
0x381: {  	v31 =	vor.u32 v3, v10;
	v25 =	vmovc v51;
	v59 =	vmul.bf16 v56, v30;
	v32 =	vmul.bf16 v34, v21;
	v55 =	vld [tilespmem:s11+$0xFFFFFFD0]  }
0x382: {  	v60 =	vpack.i.f32.bf16 v40, v40;
	v61 =	vld [tilespmem:s18+$0x10];
	v21 =	vmul.bf16 v33, v44;
	v33 =	vmul.bf16 v47, v9;
	v9 =	vmovc v23  }
.Ltmp1:
0x383: {  	v51 =	vmul.bf16 v57, v60;
	v53 =	vadd.bf16 v50, v53;
	v34 =	vmul.bf16 v52, v11;
	v44 =	vld [tilespmem:s21+$0x20];
	v11 =	vmovc v22;
	s21 =	smov.u32 s12;
	s12 =	smov.u32 s10;
	(pc) =	sbr.rel @p0 .LBB2_5-.Ltmp1, $4  }
0x384: {  	v40 =	vor.u32 v3, v8;
	v47 =	vor.u32 v5, v20;
	v22 =	vmovc v49;
	v57 =	vmul.bf16 v54, v37;
	v50 =	vld [tilespmem:s20+$0x20];
	s20 =	smov.u32 s7;
	s7 =	smov.u32 s5  }
0x385: {  	v23 =	vmovc v42;
	v49 =	vor.u32 v1, v20;
	v37 =	vpack.i.f32.bf16 v48, v48;
	v48 =	vor.u32 v5, v19;
	v54 =	vld [tilespmem:s21+$0xFFFFFFE0]  }
0x386: {  	s15 =	smov.u32 s2;
	v42 =	vpack.i.f32.bf16 v45, v45;
	v56 =	vmul.bf16 v46, v37;
	v52 =	vld [tilespmem:s18+$0xFFFFFFE0];
	v46 =	vadd.bf16 v21, v57;
	v21 =	vmovc v26  }
0x387: {  	s23 =	sadd.s32 $0x60, s23;
	s11 =	sadd.s32 $0x60, s11;
	s10 =	sadd.s32 $0x60, s10;
	v58 =	vmul.bf16 v55, v42;
	v57 =	vadd.bf16 v59, v53;
	v26 =	vmovc v60;
	v55 =	vld [tilespmem:s20+$0xFFFFFFE0];
	v53 =	vmul.bf16 v61, v21  }
0x388: {  	v45 =	vor.u32 v1, v19;
	_ =	sdelay $0x1  }
0x389: {  	v5 =	vadd.bf16 v56, v58;
	v57 =	vadd.bf16 v51, v57;
	_ =	sdelay $0x1  }
0x38a: {  	v5 =	vadd.bf16 v38, v5;
	v58 =	vunpack.i.l.bf16.f32 v57  }
0x38b: {  	v38 =	vunpack.i.u.bf16.f32 v57;
	[tilespmem:v45+s0+$0x0] =	vst.idx.msk $0xffff, v58  }
0x38c: {  	v60 =	vmul.bf16 v54, v17;
	v5 =	vadd.bf16 v36, v5;
	[tilespmem:v48+s0+$0x0] =	vst.idx.msk $0xffff, v38  }
0x38d: {  	v39 =	vadd.bf16 v39, v41;
	v62 =	vld [tilespmem:s6+$0x10]  }
0x38e: {  	v61 =	vmul.bf16 v55, v11;
	v36 =	vadd.bf16 v60, v43;
	v59 =	vunpack.i.l.bf16.f32 v5;
	v63 =	vld [tilespmem:s12+$0x10]  }
0x38f: {  	v39 =	vadd.bf16 v53, v39;
	v55 =	vor.u32 v4, v8;
	v5 =	vunpack.i.u.bf16.f32 v5;
	v48 =	vld [tilespmem:s7+$0x10];
	[tilespmem:v49+s0+$0x0] =	vst.idx.msk $0xffff, v59  }
0x390: {  	v52 =	vmul.bf16 v52, v9;
	v36 =	vadd.bf16 v61, v36;
	v58 =	vld [tilespmem:s22+$0x10];
	[tilespmem:v47+s0+$0x0] =	vst.idx.msk $0xffff, v5  }
0x391: {  	v5 =	vld [tilespmem:s6+$0xFFFFFFE0]  }
0x392: {  	v56 =	vor.u32 v4, v10;
	v57 =	vunpack.i.l.bf16.f32 v39;
	v36 =	vadd.bf16 v52, v36;
	v54 =	vld [tilespmem:s12+$0xFFFFFFE0]  }
0x393: {  	v12 =	vmul.bf16 v44, v12;
	v39 =	vunpack.i.u.bf16.f32 v39;
	[tilespmem:v40+s0+$0x0] =	vst.idx.msk $0xffff, v57;
	v49 =	vld [tilespmem:s7+$0xFFFFFFE0]  }
0x394: {  	[tilespmem:v55+s0+$0x0] =	vst.idx.msk $0xffff, v39;
	v59 =	vunpack.i.l.bf16.f32 v36;
	v60 =	vmul.bf16 v62, v25;
	v41 =	vmul.bf16 v63, v29  }
0x395: {  	v13 =	vmul.bf16 v50, v13;
	v12 =	vadd.bf16 v12, v35;
	v36 =	vunpack.i.u.bf16.f32 v36;
	[tilespmem:v31+s0+$0x0] =	vst.idx.msk $0xffff, v59  }
0x396: {  	v61 =	vld [tilespmem:s22+$0xFFFFFFE0];
	v63 =	vmul.bf16 v48, v30;
	v50 =	vmul.bf16 v58, v26;
	v44 =	vadd.bf16 v41, v60  }
0x397: {  	v55 =	vld [tilespmem:s21+$0x20];
	[tilespmem:v56+s0+$0x0] =	vst.idx.msk $0xffff, v36;
	v5 =	vmul.bf16 v5, v42;
	v62 =	vmul.bf16 v54, v37  }
0x398: {  	v48 =	vld [tilespmem:s19+$0x20];
	v47 =	vmul.bf16 v49, v22;
	v49 =	vor.u32 v3, v19;
	v38 =	vadd.bf16 v63, v44  }
0x399: {  	v34 =	vadd.bf16 v34, v46;
	v52 =	vld [tilespmem:s21+$0xFFFFFFF0];
	v54 =	vor.u32 v4, v19;
	v5 =	vadd.bf16 v62, v5  }
0x39a: {  	v7 =	vor.u32 v2, v7;
	v12 =	vadd.bf16 v13, v12;
	v57 =	vld [tilespmem:s19+$0xFFFFFFF0];
	v53 =	vadd.bf16 v50, v38  }
0x39b: {  	v3 =	vor.u32 v3, v20;
	v43 =	vmul.bf16 v61, v23;
	v61 =	vld [tilespmem:s18+$0xFFFFFFF0];
	v5 =	vadd.bf16 v47, v5  }
0x39c: {  	v46 =	vor.u32 v6, v8;
	v56 =	vor.u32 v4, v20;
	v44 =	vld [tilespmem:s20+$0x20];
	v58 =	vunpack.i.l.bf16.f32 v53  }
0x39d: {  	v12 =	vadd.bf16 v32, v12;
	v60 =	vld [tilespmem:s20+$0xFFFFFFF0];
	v35 =	vunpack.i.u.bf16.f32 v53;
	v5 =	vadd.bf16 v43, v5;
	[tilespmem:v49+s0+$0x0] =	vst.idx.msk $0xffff, v58  }
0x39e: {  	v51 =	vld [tilespmem:s18+$0x20];
	v15 =	vmul.bf16 v55, v15;
	v16 =	vmul.bf16 v48, v16;
	[tilespmem:v54+s0+$0x0] =	vst.idx.msk $0xffff, v35  }
0x39f: {  	v50 =	vor.u32 v6, v10;
	v13 =	vmul.bf16 v57, v18;
	v59 =	vunpack.i.l.bf16.f32 v5;
	v62 =	vld [tilespmem:s6+$0x20]  }
0x3a0: {  	v40 =	vadd.bf16 v15, v16;
	v47 =	vmul.bf16 v61, v9;
	v5 =	vunpack.i.u.bf16.f32 v5;
	v41 =	vld [tilespmem:s12+$0x20];
	[tilespmem:v3+s0+$0x0] =	vst.idx.msk $0xffff, v59  }
0x3a1: {  	v63 =	vunpack.i.l.bf16.f32 v12;
	v38 =	vmul.bf16 v44, v14;
	v45 =	vld [tilespmem:s7+$0x20];
	v3 =	vadd.bf16 v33, v34;
	[tilespmem:v56+s0+$0x0] =	vst.idx.msk $0xffff, v5  }
0x3a2: {  	v53 =	vor.u32 v2, v10;
	v43 =	vmul.bf16 v60, v11;
	v34 =	vmul.bf16 v52, v17;
	v35 =	vld [tilespmem:s12+$0xFFFFFFF0]  }
0x3a3: {  	[tilespmem:v28+s0+$0x0] =	vst.idx.msk $0xffff, v63;
	v49 =	vor.u32 v2, v8;
	v58 =	vor.u32 v6, v19;
	v36 =	vunpack.i.l.bf16.f32 v3;
	v44 =	vld [tilespmem:s6+$0xFFFFFFF0]  }
0x3a4: {  	v59 =	vor.u32 v6, v20;
	v3 =	vunpack.i.u.bf16.f32 v3;
	v13 =	vadd.bf16 v34, v13;
	v48 =	vld [tilespmem:s7+$0xFFFFFFF0];
	[tilespmem:v27+s0+$0x0] =	vst.idx.msk $0xffff, v36  }
0x3a5: {  	v12 =	vunpack.i.u.bf16.f32 v12;
	v5 =	vadd.bf16 v38, v40;
	[tilespmem:v7+s0+$0x0] =	vst.idx.msk $0xffff, v3;
	v3 =	vmul.bf16 v51, v21;
	v51 =	vld [tilespmem:s22+$0x20]  }
0x3a6: {  	v52 =	vld [tilespmem:s22+$0xFFFFFFF0];
	v11 =	vadd.bf16 v43, v13;
	v4 =	vmul.bf16 v62, v25;
	v15 =	vmul.bf16 v41, v29  }
0x3a7: {  	v7 =	vmul.bf16 v45, v30;
	v62 =	vor.u32 v2, v20;
	v3 =	vadd.bf16 v3, v5  }
0x3a8: {  	v4 =	vadd.bf16 v15, v4;
	v18 =	vmul.bf16 v35, v37;
	v16 =	vmul.bf16 v44, v42  }
0x3a9: {  	[tilespmem:v24+s0+$0x0] =	vst.idx.msk $0xffff, v12;
	v9 =	vadd.bf16 v47, v11;
	v56 =	vmul.bf16 v48, v22;
	v54 =	vunpack.i.l.bf16.f32 v3  }
0x3aa: {  	v4 =	vadd.bf16 v7, v4;
	v57 =	vadd.bf16 v18, v16;
	v5 =	vmul.bf16 v51, v26  }
0x3ab: {  	v2 =	vor.u32 v2, v19;
	v60 =	vmul.bf16 v52, v23;
	v55 =	vunpack.i.l.bf16.f32 v9;
	[tilespmem:v46+s0+$0x0] =	vst.idx.msk $0xffff, v54  }
0x3ac: {  	v9 =	vunpack.i.u.bf16.f32 v9;
	[tilespmem:v50+s0+$0x0] =	vst.idx.msk $0xffff, v55;
	v61 =	vadd.bf16 v56, v57;
	v4 =	vadd.bf16 v5, v4  }
0x3ad: {  	v3 =	vunpack.i.u.bf16.f32 v3;
	[tilespmem:v53+s0+$0x0] =	vst.idx.msk $0xffff, v9  }
0x3ae: {  	[tilespmem:v49+s0+$0x0] =	vst.idx.msk $0xffff, v3;
	v7 =	vadd.bf16 v60, v61;
	v3 =	vunpack.i.l.bf16.f32 v4  }
0x3af: {  	s2 =	smul.u32 $0xC000, s17;
	s16 =	sadd.s32 $0x1, s16;
	v4 =	vunpack.i.u.bf16.f32 v4;
	[tilespmem:v58+s0+$0x0] =	vst.idx.msk $0xffff, v3  }
0x3b0: {  	p0 =	sne.s32 s16, $0x48;
	v63 =	vunpack.i.l.bf16.f32 v7;
	s5 =	rddreg [dreg:$0x9];
	[tilespmem:v2+s0+$0x0] =	vst.idx.msk $0xffff, v4  }
.Ltmp2:
0x3b1: {  	s4 =	sshll.u32 s4, $0x7;
	v3 =	vunpack.i.u.bf16.f32 v7;
	s2 =	sadd.s32 s5, s2;
	[tilespmem:v59+s0+$0x0] =	vst.idx.msk $0xffff, v63;
	(pc) =	sbr.rel @p0 .LBB2_2-.Ltmp2, $4  }
0x3b2: {  	s2 =	sadd.s32 s4, s2;
	[tilespmem:v62+s0+$0x0] =	vst.idx.msk $0xffff, v3  }
0x3b3: {  	s2 =	sshrl.u32 s2, $0x3;
	s23 =	rddreg [dreg:$0x5]  }
0x3b4: {  	s2 =	sadd.s32 s23, s2  }
0x3b5: {  	[hbm4b:s2+s26] =	stream.linear.scatter [tilespmem:s0], [sflag:$0x4], $0x4000, $0x38;
	[tilespmem:$0x14900] =	vst v63  }
0x3b6: {  	_ =	swait.ge [sflag:s1], $0x1800  }
0x3b7: {  	[sflag:s1] =	ssyncset.done $0x0  }
0x3b8: {  	[sflag:s1] =	ssyncadd.s32 $0xFFFFE800  }
0x3b9: {  	_ =	swait.ge [sflag:s1], $0x1800  }
0x3ba: {  	[sflag:s1] =	ssyncset.done $0x0  }
0x3bb: {  	[sflag:s1] =	ssyncadd.s32 $0xFFFFE800  }
0x3bc: {  	_ =	swait.ge [sflag:s1], $0x1800  }
0x3bd: {  	[sflag:s1] =	ssyncset.done $0x0  }
0x3be: {  	[sflag:s1] =	ssyncadd.s32 $0xFFFFE800  }
0x3bf: {  	_ =	swait.ge [sflag:s1], $0x1800  }
0x3c0: {  	[sflag:s1] =	ssyncset.done $0x0  }
0x3c1: {  	s2 =	simm.s32 $0x3;
	[sflag:s1] =	ssyncadd.s32 $0xFFFFE800  }
0x3c2: {  	_ =	swait.ge [sflag:s2], $0x4000  }
0x3c3: {  	[sflag:s2] =	ssyncset.done $0x0  }
0x3c4: {  	s4 =	simm.s32 $0x4;
	[sflag:s2] =	ssyncadd.s32 $0xFFFFC000  }
0x3c5: {  	_ =	swait.ge [sflag:s4], $0x4000  }
0x3c6: {  	s5 =	rddreg [dreg:$0xc]  }
0x3c7: {  	s23 =	rddreg [dreg:$0xb];
	s5 =	sadd.s32 $0x1, s5  }
0x3c8: {  	p0 =	sne.s32 s5, s23  }
.Ltmp3:
0x3c9: {  	_ = 	snop;
	(pc) =	sbr.rel @p0 .LBB2_1-.Ltmp3, $3  }
0x3ca: {  	_ =	sdelay $0x1  }
0x3cb: {  	[sflag:s4] =	ssyncset.done $0x0  }
0x3cc: {  	[sflag:s4] =	ssyncadd.s32 $0xFFFFC000  }
0x3cd: {  	_ =	sfence.sel $0x180000  }
0x3ce: {  	[bflag:$0x0] =	sbarrier.arrive $0xFFFF  }
0x3cf: {  	_ =	strace $0x9000004A  }
0x3d0: {  	s0 =	stileid.u32;
	[bflag:$0x2] =	sbarrier.arrive $0xFFFF  }
0x3d1: {  	p0 =	sne.s32 s0, $0x0;
	s0 =	rddreg [dreg:$0x1]  }
0x3d2: {  	s0 =	sadd.s32 @!p0 $0x100000, s0  }
0x3d3: {  	[sflag:s0] =	ssyncadd.tile.s32 @!p0 $0x1;
	_ =	shalt  }
.Lfunc_end2:
_tile_overlayer_lowered:
.L_overlay_start_2:
0x3d4: {  	(tag) =	ssettag $0x2  }
0x3d5: {  	s0 =	rddreg [dreg:$0x0];
	s2 =	stileid.u32  }
0x3d6: {  	s1 =	rddreg [dreg:$0x1];
	p0 =	sne.s32 s2, $0x0  }
0x3d7: {  	s3 =	rddreg [dreg:$0x2];
	[bflag:$0x3] =	sbarrier.arrive $0xFFFF;
	s2 =	simm.s32 @!p0 $0x1C05  }
0x3d8: {  	[timem:s3], [sflag:s2] =	dma.local @!p0 [hbm:s0], s1  }
0x3d9: {  	s0 =	simm.s32 @!p0 $0x5  }
0x3da: {  	_ =	swait.ge @!p0 [sflag:s0], s1  }
0x3db: {  	s1 =	ssub.s32 @!p0 $0x0, s1;
	[sflag:s0] =	ssyncset.done @!p0 $0x0  }
0x3dc: {  	[sflag:s0] =	ssyncadd.s32 @!p0 s1  }
0x3dd: {  	[bflag:$0x3] =	sbarrier.arrive $0xFFFF  }
0x3de: {  	_ =	shalt  }

// kernel: sparse-core-data-format-call.cloned.1.call-start
scs
called_computation_lowered:
.L_overlay_start_0:
0x0: {  	s2 =	sld [smem:$0x3FD9]  }
0x1: {  	s3 =	sld [smem:$0x3FFE];
	_ =	sdelay $0x1  }
0x2: {  	s1 =	srdreg.scid  }
0x3: {  	s0 =	sand.u32 $0x1, s1  }
0x4: {  	s18 =	sshll.u32 s0, $0xA;
	s2 =	sadd.s32 s3, s2  }
0x5: {  	s2 =	sadd.s32 s2, s18  }
0x6: {  	[smem:$0x3FC6] =	sst s2  }
0x7: {  	_ = 	snop  }
0x8: {  	s2 =	sld [smem:$0x3FD0];
	(tm) =	ssettm $0x1  }
0x9: {  	s19 =	sld [smem:$0x3FFB];
	_ =	sdelay $0x3  }
0xa: {  	_ =	strace s19  }
0xb: {  	s3 =	sld [smem:$0x3FFC];
	_ =	sdelay $0x3  }
0xc: {  	_ =	strace s3  }
0xd: {  	s3 =	sld [smem:$0x3FFD];
	_ =	sdelay $0x3  }
0xe: {  	_ =	strace s3  }
0xf: {  	_ =	strace $0x8FFFFFFF  }
0x10: {  	s20 =	sld [smem:$0x3FDB];
	_ =	sdelay $0x1  }
0x11: {  	s4 =	simm.s32 $_scs_section_size  }
0x12: {  	s5 =	simm.s32 $_size__tile_overlayer_lowered;
	s6 =	simm.s32 $_tile_overlayer_lowered  }
0x13: {  	s23 =	simm.s32 $0x1BFF;
	s22 =	sshll.u32 s6, $0x1;
	s3 =	sadd.s32 s4, s20  }
0x14: {  	s7 =	simm.s32 $0x0;
	s21 =	sshll.u32 s5, $0x1;
	s5 =	sadd.s32 s22, s3  }
0x15: {  	[timem:s7], [sflag:s23] =	dma.local [hbm:s5], s21  }
0x16: {  	_ =	swait.ge [sflag:s23], s21  }
0x17: {  	s4 =	ssub.s32 $0x0, s21;
	[sflag:s23] =	ssyncset.done $0x0  }
0x18: {  	[sflag:s23] =	ssyncadd.s32 s4;
	_ =	sdelay $0x1  }
0x19: {  	s24 =	simm.s32 $0x1B8B  }
0x1a: {  	_ =	swait.ge [sflag:s24], $0x1  }
0x1b: {  	[sflag:s24] =	ssyncset.done $0x0  }
0x1c: {  	s26 =	simm.s32 $0x1B8E;
	s25 =	sld [smem:$0x3FFE];
	[sflag:s24] =	ssyncadd.s32 $0xFFFFFFFF  }
0x1d: {  	s27 =	simm.s32 $execute0_lowered;
	[smem:$0x3FD2] =	sst s26  }
0x1e: {  	s5 =	sshll.u32 s27, $0x1;
	_ =	strace $0x80000046;
	[dreg:$0x1] =	wrdreg $0xFFFFFFFF  }
0x1f: {  	s28 =	simm.s32 $_size_execute0_lowered;
	s3 =	sadd.s32 s3, s5;
	[dreg:$0x0] =	wrdreg $0x0  }
0x20: {  	s5 =	sshll.u32 s28, $0x1;
	[dreg:$0x2] =	wrdreg s3  }
0x21: {  	[dreg:$0x3] =	wrdreg s5  }
0x22: {  	[dreg:$0x4] =	wrdreg $0xC0  }
0x23: {  	_ =	task [dreg:s7], $0x5FFFF  }
0x24: {  	[dreg:$0x1] =	wrdreg $0xFFFFFFFF  }
0x25: {  	[dreg:$0x0] =	wrdreg $0x60  }
0x26: {  	[dreg:$0x2] =	wrdreg s2  }
0x27: {  	[dreg:$0x3] =	wrdreg s25  }
0x28: {  	[dreg:$0x4] =	wrdreg $0x9  }
0x29: {  	_ =	task.clear_ibuf [dreg:s7], $0x5FFFF;
	_ =	strace $0x90000046  }
0x2a: {  	s29 =	simm.s32 $0x9;
	_ =	strace $0x80000048  }
0x2b: {  	_ =	swait.ge [sflag:s29], $0x1  }
0x2c: {  	[sflag:s29] =	ssyncadd.s32 $0xFFFFFFFF  }
0x2d: {  	_ =	strace $0x90000048  }
0x2e: {  	_ =	sfence  }
0x2f: {  	s30 =	sld [smem:$0x0];
	_ =	sdelay $0x2  }
0x30: {  	s31 =	sshll.u32 s1, $0xD;
	s1 =	sshrl.u32 s1, $0x2  }
0x31: {  	s3 =	sand.u32 $0x4000, s31;
	s1 =	sadd.s32 s1, s30  }
0x32: {  	s0 =	sor.u32 s3, s0;
	s1 =	sshll.u32 s1, $0x11  }
0x33: {  	s0 =	sor.u32 s1, s0  }
0x34: {  	s0 =	sadd.s32 $0x8F2B, s0  }
0x35: {  	[sflag:s0] =	ssyncadd.remote.s32 $0x1  }
0x36: {  	_ =	sfence.sel $0xFFFF  }
0x37: {  	[dreg:$0x0] =	wrdreg $0xFFFFFFFF;
	(pc) =	sbr.abs _section_cstart, $3  }
0x38: {  	[dreg:$0x1] =	wrdreg $0xFFFFFFFF  }
0x39: {  	_ =	task.clear_ibuf [dreg:s7], $0x2FFFF;
	_ =	strace $0x9FFFFFFF  }
0x3a: {  	(tm) =	ssettm $0x7FFFFFFF  }
0x3b: {  	_ =	shalt  }
tec
execute0_lowered:
.L_overlay_start_1:
0x0: {  	(tag) =	ssettag $0x1  }
0x1: {  	s0 =	srdreg.scid  }
0x2: {  	s1 =	sshll.u32 s0, $0x4  }
0x3: {  	s2 =	rddreg [dreg:$0x0];
	s0 =	stileid.u32;
	s1 =	sand.u32 $0x10, s1  }
0x4: {  	s4 =	rddreg [dreg:$0x1];
	s7 =	simm.s32 $0x1;
	s1 =	sor.u32 s0, s1  }
0x5: {  	s8 =	simm.s32 $0x2;
	s9 =	simm.s32 $0x0;
	s3 =	sshll.u32 s1, $0x4  }
0x6: {  	s12 =	simm.s32 $0x0;
	s11 =	simm.s32 $0x0;
	s6 =	ssub.s32 $0x6C00, s3  }
.Ltmp0:
0x7: {  	s4 =	sadd.s32 $0xC00, s4;
	s5 =	sand.u32 $0x1F0, s6;
	(pc) =	sbr.rel .LBB1_1-.Ltmp0, $4  }
0x8: {  	s1 =	rddreg [dreg:$0x2];
	_ =	strace $0x80000047;
	p0 =	sne.s32 s5, $0x0  }
0x9: {  	s6 =	sshrl.u32 s6, $0x9;
	s5 =	simm.s32 $0x1;
	s7 =	simm.s32 @!p0 $0x0  }
0xa: {  	s10 =	smov.u32 s3;
	[sflag:s5] =	ssyncpa.u1 $0x0;
	s6 =	sadd.s32 s7, s6  }
0xb: {  	[sflag:s8] =	ssyncpa.u1 $0x0;
	s8 =	simm.s32 $0x0;
	s7 =	sadd.s32 $0x1, s6  }
.LBB1_7:
0xc: {  	s14 =	sadd.s32 $0x200, s10  }
0xd: {  	p1 =	sgt.s32 s14, $0x6BFF  }
0xe: {  	s14 =	smov.u32 @p1 s3;
	p1 =	sne.s32 s11, s7  }
.Ltmp1:
0xf: {  	p0 =	slt.u32 s11, $0x2;
	(pc) =	sbr.rel @!p1 .LBB1_8-.Ltmp1, $4  }
0x10: {  	s13 =	simm.s32 @!p0 $0x2  }
0x11: {  	s15 =	sadd.s32 $0x1, s11;
	_ =	swait.ge @!p0 [sflag:s13], $0x4000  }
0x12: {  	s12 =	smov.u32 s10;
	s9 =	sadd.s32 $0x8000, s9;
	[sflag:s13] =	ssyncset.done @!p0 $0x0  }
0x13: {  	s11 =	smov.u32 s15;
	s10 =	smov.u32 s14;
	[sflag:s13] =	ssyncadd.s32 @!p0 $0xFFFFC000  }
.LBB1_1:
0x14: {  	p0 =	sge.u32 s11, s6  }
0x15: {  	s13 =	sxor.u32 @!p0 $0xFFFFFFFF, s11  }
0x16: {  	s31 =	sadd.s32 $0xFFFFFFFF, s11;
	s14 =	sshll.u32 @!p0 s10, $0x7;
	s13 =	sshll.u32 @!p0 s13, $0xE  }
0x17: {  	s15 =	simm.s32 @!p0 $0x0;
	s14 =	sadd.s32 @!p0 s2, s14;
	s13 =	sand.u32 @!p0 $0x4000, s13  }
0x18: {  	[tilespmem:s13], [sflag:$0x1] =	stream.linear.gather @!p0 [hbm4b:s14+s15], $0x4000, $0x38;
	[tilespmem:$0x10000] =	vst v63  }
0x19: {  	p0 =	sge.u32 s31, s6  }
.Ltmp2:
0x1a: {  	_ = 	snop;
	(pc) =	sbr.rel @p0 .LBB1_7-.Ltmp2, $1  }
0x1b: {  	_ =	sdelay $0x3  }
0x1c: {  	s13 =	sshrl.u32 s9, $0x1;
	_ =	swait.ge [sflag:s5], $0x4000  }
0x1d: {  	s15 =	sshll.u32 s11, $0xE;
	s16 =	simm.s32 $0x0;
	s14 =	sand.u32 $0x4000, s13  }
0x1e: {  	[sflag:s5] =	ssyncset.done $0x0;
	s15 =	sand.u32 $0x4000, s15;
	s13 =	sor.u32 $0x200, s14  }
0x1f: {  	s14 =	sor.u32 $0x8080, s14;
	[sflag:s5] =	ssyncadd.s32 $0xFFFFC000;
	s15 =	sor.u32 $0x8000, s15  }
.LBB1_3:
0x20: {  	v0 =	vld [tilespmem:s13+$0xFFFFFE70]  }
0x21: {  	v1 =	vld [tilespmem:s13+$0x70]  }
0x22: {  	v2 =	vld [tilespmem:s13+$0x0]  }
0x23: {  	v3 =	vld [tilespmem:s13+$0xFFFFFE10]  }
0x24: {  	v4 =	vld [tilespmem:s13+$0x10]  }
0x25: {  	v5 =	vld [tilespmem:s13+$0xFFFFFE20]  }
0x26: {  	v7 =	vld [tilespmem:s13+$0x20]  }
0x27: {  	v11 =	vld [tilespmem:s13+$0x30];
	v6 =	vunpack.i.l.s16.s32 v0;
	v8 =	vunpack.i.u.s16.s32 v0;
	v9 =	vunpack.i.u.s16.s32 v1  }
0x28: {  	v10 =	vunpack.i.l.s16.s32 v1;
	v0 =	vunpack.i.u.s16.s32 v2;
	v1 =	vunpack.i.l.s16.s32 v2;
	v2 =	vld [tilespmem:s13+$0xFFFFFE30]  }
0x29: {  	v8 =	vpack.i.b32.b16 v9, v8;
	v9 =	vunpack.i.u.s16.s32 v3;
	v3 =	vunpack.i.l.s16.s32 v3  }
0x2a: {  	v12 =	vld [tilespmem:s13+$0xFFFFFE40];
	v6 =	vpack.i.b32.b16 v10, v6;
	[tilespmem:s14+$0x70] =	vst v8;
	v8 =	vunpack.i.u.s16.s32 v4;
	v4 =	vunpack.i.l.s16.s32 v4  }
0x2b: {  	v13 =	vld [tilespmem:s13+$0x40];
	v10 =	vunpack.i.u.s16.s32 v5;
	v5 =	vunpack.i.l.s16.s32 v5;
	[tilespmem:s14+$0xFFFFFFF0] =	vst v6;
	v3 =	vpack.i.b32.b16 v4, v3  }
0x2c: {  	v6 =	vunpack.i.l.s16.s32 v7;
	v4 =	vld [tilespmem:s13+$0xFFFFFE50];
	[tilespmem:s14+$0xFFFFFF90] =	vst v3;
	v3 =	vpack.i.b32.b16 v8, v9;
	v8 =	vunpack.i.u.s16.s32 v7  }
0x2d: {  	v7 =	vunpack.i.l.s16.s32 v11;
	[tilespmem:s14+$0x10] =	vst v3;
	v3 =	vpack.i.b32.b16 v6, v5;
	v9 =	vunpack.i.u.s16.s32 v2;
	v6 =	vld [tilespmem:s13+$0x50]  }
0x2e: {  	v5 =	vunpack.i.l.s16.s32 v2;
	v2 =	vld [tilespmem:s13+$0xFFFFFE60];
	[tilespmem:s14+$0xFFFFFFA0] =	vst v3;
	v3 =	vpack.i.b32.b16 v8, v10;
	v10 =	vunpack.i.u.s16.s32 v11  }
0x2f: {  	s19 =	simm.s32 $0x0;
	v11 =	vpack.i.b32.b16 v7, v5;
	v7 =	vunpack.i.u.s16.s32 v12;
	v8 =	vunpack.i.l.s16.s32 v12;
	[tilespmem:s14+$0x20] =	vst v3;
	v3 =	vld [tilespmem:s13+$0x60]  }
0x30: {  	s20 =	sadd.s32 $0x80, s13;
	s18 =	smov.u32 s14;
	s17 =	smov.u32 s14;
	v5 =	vld [tilespmem:s13+$0xFFFFFE00];
	[tilespmem:s14+$0xFFFFFFB0] =	vst v11;
	v10 =	vpack.i.b32.b16 v10, v9;
	v9 =	vunpack.i.u.s16.s32 v13;
	v11 =	vunpack.i.l.s16.s32 v13  }
.LBB1_4:
0x31: {  	v12 =	vld [tilespmem:s20+$0xFFFFFE70];
	[tilespmem:s18+$0x30] =	vst v10;
	v8 =	vpack.i.b32.b16 v11, v8;
	v10 =	vunpack.i.u.s16.s32 v4;
	v4 =	vunpack.i.l.s16.s32 v4  }
0x32: {  	s19 =	sadd.s32 $0x2, s19;
	v7 =	vpack.i.b32.b16 v9, v7;
	v11 =	vld [tilespmem:s20+$0x70];
	[tilespmem:s18+$0xFFFFFFC0] =	vst v8;
	v8 =	vunpack.i.u.s16.s32 v6;
	v6 =	vunpack.i.l.s16.s32 v6  }
0x33: {  	p0 =	slt.u32 s19, $0x6;
	v9 =	vld [tilespmem:s20+$0x0];
	[tilespmem:s18+$0x40] =	vst v7;
	v4 =	vpack.i.b32.b16 v6, v4;
	v6 =	vunpack.i.u.s16.s32 v2;
	v2 =	vunpack.i.l.s16.s32 v2  }
0x34: {  	v7 =	vld [tilespmem:s20+$0xFFFFFE10];
	[tilespmem:s18+$0xFFFFFFD0] =	vst v4;
	v4 =	vpack.i.b32.b16 v8, v10;
	v8 =	vunpack.i.u.s16.s32 v3;
	v3 =	vunpack.i.l.s16.s32 v3  }
0x35: {  	v10 =	vld [tilespmem:s20+$0x10];
	v13 =	vunpack.i.u.s16.s32 v5;
	v5 =	vunpack.i.l.s16.s32 v5;
	[tilespmem:s18+$0x50] =	vst v4;
	v2 =	vpack.i.b32.b16 v3, v2  }
0x36: {  	v3 =	vld [tilespmem:s20+$0xFFFFFE20];
	v4 =	vunpack.i.l.s16.s32 v12;
	v1 =	vpack.i.b32.b16 v1, v5;
	v5 =	vpack.i.b32.b16 v0, v13;
	[tilespmem:s18+$0xFFFFFFE0] =	vst v2  }
0x37: {  	v12 =	vunpack.i.u.s16.s32 v12;
	v2 =	vld [tilespmem:s20+$0x20];
	v13 =	vunpack.i.u.s16.s32 v11;
	v11 =	vunpack.i.l.s16.s32 v11;
	[tilespmem:s18+$0xFFFFFF80] =	vst v1  }
0x38: {  	s18 =	sadd.s32 $0x100, s18;
	v0 =	vunpack.i.u.s16.s32 v9;
	v1 =	vunpack.i.l.s16.s32 v9;
	v9 =	vld [tilespmem:s20+$0xFFFFFE30];
	v12 =	vpack.i.b32.b16 v13, v12;
	[tilespmem:s17+$0x0] =	vst v5  }
0x39: {  	v6 =	vpack.i.b32.b16 v8, v6;
	v5 =	vunpack.i.u.s16.s32 v7;
	v7 =	vunpack.i.l.s16.s32 v7;
	v13 =	vld [tilespmem:s20+$0x30];
	[tilespmem:s18+$0x70] =	vst v12  }
0x3a: {  	v4 =	vpack.i.b32.b16 v11, v4;
	v8 =	vunpack.i.u.s16.s32 v10;
	v10 =	vunpack.i.l.s16.s32 v10;
	v12 =	vld [tilespmem:s20+$0xFFFFFE40];
	[tilespmem:s17+$0x60] =	vst v6;
	s17 =	smov.u32 s18  }
0x3b: {  	v6 =	vpack.i.b32.b16 v10, v7;
	v7 =	vunpack.i.u.s16.s32 v3;
	v3 =	vunpack.i.l.s16.s32 v3;
	v11 =	vld [tilespmem:s20+$0x40];
	[tilespmem:s18+$0xFFFFFFF0] =	vst v4  }
.Ltmp3:
0x3c: {  	v5 =	vpack.i.b32.b16 v8, v5;
	[tilespmem:s18+$0xFFFFFF90] =	vst v6;
	v8 =	vunpack.i.u.s16.s32 v2;
	v2 =	vunpack.i.l.s16.s32 v2;
	v4 =	vld [tilespmem:s20+$0xFFFFFE50];
	(pc) =	sbr.rel @p0 .LBB1_4-.Ltmp3, $4  }
0x3d: {  	[tilespmem:s18+$0x10] =	vst v5;
	v2 =	vpack.i.b32.b16 v2, v3;
	v10 =	vunpack.i.u.s16.s32 v9;
	v3 =	vunpack.i.l.s16.s32 v9;
	v6 =	vld [tilespmem:s20+$0x50]  }
0x3e: {  	v5 =	vpack.i.b32.b16 v8, v7;
	[tilespmem:s18+$0xFFFFFFA0] =	vst v2;
	v9 =	vunpack.i.u.s16.s32 v13;
	v7 =	vunpack.i.l.s16.s32 v13;
	v2 =	vld [tilespmem:s20+$0xFFFFFE60]  }
0x3f: {  	[tilespmem:s18+$0x20] =	vst v5;
	v13 =	vpack.i.b32.b16 v7, v3;
	v7 =	vunpack.i.u.s16.s32 v12;
	v8 =	vunpack.i.l.s16.s32 v12;
	v3 =	vld [tilespmem:s20+$0x60]  }
0x40: {  	v10 =	vpack.i.b32.b16 v9, v10;
	v5 =	vld [tilespmem:s20+$0xFFFFFE00];
	[tilespmem:s18+$0xFFFFFFB0] =	vst v13;
	v9 =	vunpack.i.u.s16.s32 v11;
	v11 =	vunpack.i.l.s16.s32 v11;
	s20 =	sadd.s32 $0x80, s20  }
0x41: {  	[tilespmem:s18+$0x30] =	vst v10;
	v8 =	vpack.i.b32.b16 v11, v8  }
0x42: {  	v51 =	vunpack.i.l.s16.s32 v4;
	v7 =	vpack.i.b32.b16 v9, v7;
	[tilespmem:s18+$0xFFFFFFC0] =	vst v8;
	v52 =	vunpack.i.l.s16.s32 v6  }
0x43: {  	v53 =	vunpack.i.u.s16.s32 v4;
	s16 =	sadd.s32 $0x1, s16;
	v54 =	vunpack.i.u.s16.s32 v6;
	[tilespmem:s18+$0x40] =	vst v7;
	v55 =	vpack.i.b32.b16 v52, v51  }
0x44: {  	p0 =	sne.s32 s16, $0x10;
	v56 =	vunpack.i.l.s16.s32 v2;
	v4 =	vpack.i.b32.b16 v54, v53;
	[tilespmem:s18+$0xFFFFFFD0] =	vst v55;
	v57 =	vunpack.i.l.s16.s32 v3  }
.Ltmp4:
0x45: {  	[tilespmem:s18+$0x50] =	vst v4;
	v58 =	vunpack.i.l.s16.s32 v5;
	v59 =	vpack.i.b32.b16 v57, v56;
	(pc) =	sbr.rel @p0 .LBB1_3-.Ltmp4, $4  }
0x46: {  	v61 =	vunpack.i.u.s16.s32 v2;
	v62 =	vunpack.i.u.s16.s32 v3;
	v1 =	vpack.i.b32.b16 v1, v58;
	[tilespmem:s18+$0xFFFFFFE0] =	vst v59  }
0x47: {  	v60 =	vunpack.i.u.s16.s32 v5;
	v63 =	vpack.i.b32.b16 v62, v61;
	[tilespmem:s18+$0xFFFFFF80] =	vst v1  }
0x48: {  	v0 =	vpack.i.b32.b16 v0, v60;
	[tilespmem:s17+$0x60] =	vst v63  }
0x49: {  	s13 =	sadd.s32 $0x400, s13;
	s14 =	sadd.s32 $0x400, s14;
	[tilespmem:s17+$0x0] =	vst v0  }
.Ltmp5:
0x4a: {  	(pc) =	sbr.rel .LBB1_7-.Ltmp5, $4  }
0x4b: {  	_ = 	snop  }
0x4c: {  	s12 =	sshll.u32 s12, $0x7  }
0x4d: {  	s12 =	sadd.s32 s4, s12  }
0x4e: {  	[hbm4b:s12+s8] =	stream.linear.scatter [tilespmem:s15], [sflag:$0x2], $0x4000, $0x38;
	[tilespmem:$0x10000] =	vst v63  }
.LBB1_8:
0x4f: {  	_ =	sfence.sel $0x180000  }
0x50: {  	s2 =	simm.s32 $0x1;
	[bflag:$0x0] =	sbarrier.arrive $0xFFFF  }
0x51: {  	s31 =	simm.s32 $0x2;
	[sflag:s2] =	ssyncpa.u1 $0x1  }
0x52: {  	[sflag:s31] =	ssyncpa.u1 $0x1  }
0x53: {  	p0 =	sne.s32 s0, $0x0;
	_ =	strace $0x90000047  }
0x54: {  	s0 =	sadd.s32 @!p0 $0x100000, s1;
	[bflag:$0x2] =	sbarrier.arrive $0xFFFF  }
0x55: {  	[sflag:s0] =	ssyncadd.tile.s32 @!p0 $0x1;
	_ =	shalt  }
.Lfunc_end1:
_tile_overlayer_lowered:
.L_overlay_start_2:
0x56: {  	(tag) =	ssettag $0x2  }
0x57: {  	s0 =	rddreg [dreg:$0x0];
	s2 =	stileid.u32  }
0x58: {  	s1 =	rddreg [dreg:$0x1];
	p0 =	sne.s32 s2, $0x0  }
0x59: {  	s3 =	rddreg [dreg:$0x2];
	[bflag:$0x3] =	sbarrier.arrive $0xFFFF;
	s2 =	simm.s32 @!p0 $0x1C01  }
0x5a: {  	[timem:s3], [sflag:s2] =	dma.local @!p0 [hbm:s0], s1  }
0x5b: {  	s0 =	simm.s32 @!p0 $0x1  }
0x5c: {  	_ =	swait.ge @!p0 [sflag:s0], s1  }
0x5d: {  	s1 =	ssub.s32 @!p0 $0x0, s1;
	[sflag:s0] =	ssyncset.done @!p0 $0x0  }
0x5e: {  	[sflag:s0] =	ssyncadd.s32 @!p0 s1  }
0x5f: {  	[bflag:$0x3] =	sbarrier.arrive $0xFFFF  }
0x60: {  	_ =	shalt  }

</sc_bundles>
